<compile_context>
chip_gen: v7x
topology: tpu7x:2x2x1
jax: 0.10.2.dev20260603
libtpu: 0.0.44.dev20260713+nightly
codegen_flags: <defaults>
</compile_context>

<pallas_src>
import functools

import jax
import jax.numpy as jnp
from jax import lax
from jax.experimental import pallas as pl
from jax.experimental.pallas import tpu as pltpu
from jax.experimental.pallas import tpu_sc as plsc

I32 = jnp.int32
F32 = jnp.float32

T2 = 2048
CH = 128
NW = 32
STRIP = 16384
BIG = 1 << 30


def _ceil_to(a, b):
    return (a + b - 1) // b * b


def _sc_gather(features, gidx2, M1):
    N, C = features.shape
    bw = M1 // NW
    mesh = plsc.VectorSubcoreMesh(core_axis_name="c", subcore_axis_name="s")

    @functools.partial(
        pl.kernel, mesh=mesh,
        out_type=jax.ShapeDtypeStruct((M1, C), F32),
        compiler_params=pltpu.CompilerParams(use_tc_tiling_on_sc=False,
                                             needs_layout_passes=False),
        scratch_types=[
            pltpu.VMEM((CH,), I32),
            pltpu.VMEM((CH, C), F32),
            pltpu.SemaphoreType.DMA,
        ])
    def k(feat_hbm, gidx_hbm, out_hbm, idx_v, rows_v, sem):
        wid = lax.axis_index("s") * 2 + lax.axis_index("c")
        base0 = wid * bw

        def body(j, carry):
            b = base0 + j * CH
            pltpu.sync_copy(gidx_hbm.at[pl.ds(b, CH)], idx_v)
            pltpu.async_copy(feat_hbm.at[idx_v], rows_v, sem).wait()
            pltpu.sync_copy(rows_v, out_hbm.at[pl.ds(b, CH)])
            return carry

        lax.fori_loop(0, bw // CH, body, 0)

    return k(features, gidx2)


def _sc_scatter(msg, sidx2, NPAD, NSTR):
    M1, C = msg.shape
    bw = M1 // NW
    nch = bw // CH
    ACC = STRIP + 16
    ZR = ACC // 16
    WR = STRIP // 16
    mesh = plsc.VectorSubcoreMesh(core_axis_name="c", subcore_axis_name="s")

    @functools.partial(
        pl.kernel, mesh=mesh,
        out_type=jax.ShapeDtypeStruct((2 * NPAD, C), F32),
        compiler_params=pltpu.CompilerParams(use_tc_tiling_on_sc=False,
                                             needs_layout_passes=False),
        scratch_types=[
            pltpu.VMEM((bw,), I32),
            pltpu.VMEM((CH,), I32),
            pltpu.VMEM((CH, C), F32),
            pltpu.VMEM((ZR, C), F32),
            pltpu.VMEM_SHARED((ACC, C), F32),
            pltpu.SemaphoreType.DMA,
        ])
    def k(msg_hbm, sidx_hbm, out_hbm, sidxall_v, lidx_v, msg_v, zrow_v,
          acc_sh, sem):
        cidx = lax.axis_index("c")
        tid = lax.axis_index("s")
        wid = tid * 2 + cidx
        base0 = wid * bw
        pltpu.sync_copy(sidx_hbm.at[pl.ds(base0, bw)], sidxall_v)

        zero16 = jnp.zeros((16,), F32)

        def zbody(i, carry):
            zrow_v[i, pl.ds(0, 16)] = zero16
            zrow_v[i, pl.ds(16, 16)] = zero16
            return carry

        lax.fori_loop(0, ZR, zbody, 0)

        for s in range(NSTR):
            sbase = s * STRIP
            pltpu.sync_copy(zrow_v, acc_sh.at[pl.ds(tid * ZR, ZR)])
            plsc.subcore_barrier()

            lo_v = jnp.full((16,), sbase, I32)
            hi_v = jnp.full((16,), sbase + STRIP, I32)
            dum_v = jnp.full((16,), STRIP, I32) + lax.broadcast(tid, (16,))

            def cbody(j, carry):
                cb = j * CH
                nv = jnp.zeros((16,), I32)
                for g in range(8):
                    sv = sidxall_v[pl.ds(cb + g * 16, 16)]
                    in_strip = (sv >= lo_v) & (sv < hi_v)
                    li = jnp.where(in_strip, sv - lo_v, dum_v)
                    lidx_v[pl.ds(g * 16, 16)] = li
                    nv = nv + jnp.where(in_strip, jnp.full((16,), 1, I32),
                                        jnp.full((16,), 0, I32))
                any_n = jnp.sum(nv)

                @pl.when(any_n > 0)
                def _():
                    pltpu.sync_copy(msg_hbm.at[pl.ds(base0 + cb, CH)], msg_v)
                    pltpu.sync_copy(msg_v, acc_sh.at[lidx_v], add=True)

                return carry

            lax.fori_loop(0, nch, cbody, 0)
            plsc.subcore_barrier()
            pltpu.sync_copy(
                acc_sh.at[pl.ds(tid * WR, WR)],
                out_hbm.at[pl.ds(cidx * NPAD + sbase + tid * WR, WR)])
            plsc.subcore_barrier()

    return k(msg, sidx2)


def kernel(features, W, gamma, beta, gather_idx, scatter_idx, kernel_ptr):
    N, C = features.shape
    K = W.shape[0]
    M = gather_idx.shape[0]
    M1 = _ceil_to(M + K * T2, NW * CH * 2)
    M1 = _ceil_to(M1, T2)
    nt2 = M1 // T2
    NSTR = -(-N // STRIP)
    NPAD = NSTR * STRIP

    ptr = kernel_ptr.astype(I32)
    counts = ptr[1:] - ptr[:-1]
    padc = _ceil_to(counts, T2)
    pstart = jnp.concatenate(
        [jnp.zeros((1,), I32), jnp.cumsum(padc).astype(I32)])
    shift = pstart[:-1] - ptr[:-1]
    entry = jnp.arange(M, dtype=I32)
    kid = (jnp.searchsorted(ptr, entry, side='right') - 1).astype(I32)
    q = entry + shift[kid]
    gidx2 = jnp.zeros((M1,), I32).at[q].set(gather_idx.astype(I32))
    sidx2 = jnp.full((M1,), BIG, I32).at[q].set(scatter_idx.astype(I32))
    tile_k = (jnp.searchsorted(
        pstart, jnp.arange(nt2, dtype=I32) * T2, side='right') - 1).astype(I32)
    tile_k = jnp.clip(tile_k, 0, K - 1)

    gathered = _sc_gather(features, gidx2, M1)

    def gemm_body(tk_ref, x_ref, w_ref, o_ref):
        o_ref[...] = jnp.dot(x_ref[...], w_ref[0],
                             preferred_element_type=F32)

    gs = pltpu.PrefetchScalarGridSpec(
        num_scalar_prefetch=1, grid=(nt2,),
        in_specs=[pl.BlockSpec((T2, C), lambda i, tk: (i, 0)),
                  pl.BlockSpec((1, C, C), lambda i, tk: (tk[i], 0, 0))],
        out_specs=pl.BlockSpec((T2, C), lambda i, tk: (i, 0)))
    msg = pl.pallas_call(
        gemm_body, grid_spec=gs,
        out_shape=jax.ShapeDtypeStruct((M1, C), F32))(tile_k, gathered, W)

    out2 = _sc_scatter(msg, sidx2, NPAD, NSTR)
    out2 = out2.reshape(2, NPAD, C)

    nblk = NPAD // T2

    def stats_body(a_ref, b_ref, o_ref):
        @pl.when(pl.program_id(0) == 0)
        def _():
            o_ref[...] = jnp.zeros_like(o_ref)
        x = a_ref[0] + b_ref[0]
        o_ref[0, :] += jnp.sum(x, axis=0)
        o_ref[1, :] += jnp.sum(x * x, axis=0)

    sums = pl.pallas_call(
        stats_body, grid=(nblk,),
        in_specs=[pl.BlockSpec((1, T2, C), lambda i: (0, i, 0)),
                  pl.BlockSpec((1, T2, C), lambda i: (1, i, 0))],
        out_specs=pl.BlockSpec((8, C), lambda i: (0, 0)),
        out_shape=jax.ShapeDtypeStruct((8, C), F32))(out2, out2)

    mean = sums[0] / N
    var = sums[1] / N - mean * mean
    scale = gamma * lax.rsqrt(var + 1e-5)
    shift_bn = beta - mean * scale

    nblk2 = -(-N // T2)

    def norm_body(a_ref, b_ref, s_ref, t_ref, o_ref):
        x = a_ref[0] + b_ref[0]
        o_ref[...] = jnp.maximum(x * s_ref[0:1, :] + t_ref[0:1, :], 0.0)

    y = pl.pallas_call(
        norm_body, grid=(nblk2,),
        in_specs=[pl.BlockSpec((1, T2, C), lambda i: (0, i, 0)),
                  pl.BlockSpec((1, T2, C), lambda i: (1, i, 0)),
                  pl.BlockSpec((1, C), lambda i: (0, 0)),
                  pl.BlockSpec((1, C), lambda i: (0, 0))],
        out_specs=pl.BlockSpec((T2, C), lambda i: (i, 0)),
        out_shape=jax.ShapeDtypeStruct((N, C), F32))(
            out2, out2, scale.reshape(1, C), shift_bn.reshape(1, C))
    return y

# --- scband reference (transcript-rebuilt; emitter-appended) ---
"""Pipeline reference for scband-sparse-conv-block-56392920596826 (READ-ONLY COPY).

The authoritative reference and input builder live on the scoring server;
editing this copy changes nothing except your own understanding.
"""

import jax, jax.numpy as jnp
import numpy as np
from itertools import product

G = 128      # spatial grid size per axis
B = 2        # batch size
N = 150000   # active voxels
CIN = 32
COUT = 32
K = 27       # 3x3x3 kernel volume


def _build_structure():
    # Build submanifold-conv rulebook: for each kernel offset, pairs (input voxel -> output voxel).
    rng = np.random.RandomState(0)
    raw = rng.randint(0, B * G * G * G, size=400000).astype(np.int64)
    keys = np.unique(raw)[:N]  # sorted unique linearized (b,z,y,x) keys
    assert keys.shape[0] == N
    b = keys // (G * G * G)
    rem = keys % (G * G * G)
    z = rem // (G * G)
    rem2 = rem % (G * G)
    y = rem2 // G
    x = rem2 % G
    idx_all = np.arange(N, dtype=np.int64)
    gathers, scatters, counts = [], [], []
    for k, (dz, dy, dx) in enumerate(product((-1, 0, 1), repeat=3)):
        nz, ny, nx = z + dz, y + dy, x + dx
        valid = (nz >= 0) & (nz < G) & (ny >= 0) & (ny < G) & (nx >= 0) & (nx < G)
        nk = ((b[valid] * G + nz[valid]) * G + ny[valid]) * G + nx[valid]
        pos = np.searchsorted(keys, nk)
        pos_c = np.clip(pos, 0, N - 1)
        found = keys[pos_c] == nk
        gathers.append(pos_c[found].astype(np.int32))
        scatters.append(idx_all[valid][found].astype(np.int32))
        counts.append(int(found.sum()))
    gather_idx = np.concatenate(gathers)
    scatter_idx = np.concatenate(scatters)
    kernel_ptr = np.concatenate([[0], np.cumsum(counts)]).astype(np.int32)
    return gather_idx, scatter_idx, kernel_ptr


def setup_inputs(seed: int = 0):
    key = jax.random.key(seed)
    k1, k2 = jax.random.split(key, 2)
    features = jax.random.normal(k1, (N, CIN), dtype=jnp.float32)
    W = jax.random.normal(k2, (K, CIN, COUT), dtype=jnp.float32) * 0.05
    gamma = jnp.ones((COUT,), dtype=jnp.float32)
    beta = jnp.zeros((COUT,), dtype=jnp.float32)
    g, s, ptr = _build_structure()
    return {
        'features': features,
        'W': W,
        'gamma': gamma,
        'beta': beta,
        'gather_idx': jnp.asarray(g),
        'scatter_idx': jnp.asarray(s),
        'kernel_ptr': jnp.asarray(ptr),
    }


def reference(features, W, gamma, beta, gather_idx, scatter_idx, kernel_ptr):
    # SubMConv3d: per kernel offset, gather input features, GEMM with W[k], scatter-add to output voxels.
    M = gather_idx.shape[0]
    entry = jnp.arange(M, dtype=kernel_ptr.dtype)
    kid = jnp.searchsorted(kernel_ptr, entry, side='right') - 1
    gathered = features[gather_idx]
    out = jnp.zeros((features.shape[0], W.shape[-1]), dtype=features.dtype)
    for k in range(W.shape[0]):
        msg = gathered @ W[k]
        msg = jnp.where((kid == k)[:, None], msg, jnp.zeros((), dtype=features.dtype))
        out = out.at[scatter_idx].add(msg)
    # BatchNorm1d (training-mode batch statistics, biased variance, eps=1e-5)
    mean = out.mean(axis=0)
    var = out.var(axis=0)
    y = (out - mean) / jnp.sqrt(var + 1e-5) * gamma + beta
    # ReLU
    return jnp.maximum(y, 0.0)

if __name__ == "__main__":
    import jax
    _d = setup_inputs()
    print(jax.jit(kernel)(*tuple(_d.values())))

</pallas_src>

<mosaic_0001>
#map = affine_map<(d0, d1) -> (0, 0)>
#map1 = affine_map<(d0, d1) -> (0)>
module attributes {stable_mosaic.version = 14 : i64} {
  func.func @k(%arg0: i32, %arg1: i32, %arg2: memref<150000x32xf32, #tpu.memory_space<hbm>>, %arg3: memref<557056xi32, #tpu.memory_space<hbm>>, %arg4: memref<557056x32xf32, #tpu.memory_space<hbm>>, %arg5: memref<128xi32, #tpu.memory_space<vmem>>, %arg6: memref<128x32xf32, #tpu.memory_space<vmem>>, %arg7: memref<!tpu.dma_semaphore, #tpu.memory_space<semaphore_mem>>) attributes {dimension_semantics = [#tpu.dimension_semantics<core_parallel>, #tpu.dimension_semantics<subcore_parallel>], iteration_bounds = array<i64: 2, 16>, scalar_prefetch = 0 : i64, scratch_operands = 3 : i64, tpu.core_type = #tpu.core_type<sc_vector_subcore>, window_params = [{transform_indices = #map}, {transform_indices = #map1}, {transform_indices = #map}]} {
    %mul3A = arith.constant 2 : i32
    %mul3A_0 = arith.muli %arg1, %mul3A : i32
    %add3A = arith.addi %mul3A_0, %arg0 : i32
    %mul3A_1 = arith.constant 17408 : i32
    %mul3A_2 = arith.muli %add3A, %mul3A_1 : i32
    %scan3A = arith.constant 0 : i32
    %scan3A_3 = arith.constant 0 : i32
    %scan3A_4 = arith.constant 136 : i32
    %scan3A_5 = arith.addi %scan3A_3, %scan3A_4 : i32
    %scan3A_6 = arith.constant 1 : i32
    scf.for %scan3A_8 = %scan3A_3 to %scan3A_5 step %scan3A_6  : i32 {
      %mul3A_9 = arith.constant 128 : i32
      %mul3A_10 = arith.muli %scan3A_8, %mul3A_9 : i32
      %add3A_11 = arith.addi %mul3A_2, %mul3A_10 : i32
      "tpu.region"() ({
        %run_scoped3A = tpu.sem_alloc : memref<!tpu.dma_semaphore, #tpu.memory_space<semaphore_mem>>
        %dma_start3A_16 = tpu.memref_slice %arg3[%add3A_11] : memref<557056xi32, #tpu.memory_space<hbm>> -> memref<128xi32, #tpu.memory_space<hbm>>
        %dma_start3A_17 = tpu.memref_slice %arg3[%add3A_11] : memref<557056xi32, #tpu.memory_space<hbm>> -> memref<128xi32, #tpu.memory_space<hbm>>
        tpu.enqueue_dma source(%dma_start3A_17 : memref<128xi32, #tpu.memory_space<hbm>>) target(%arg5 : memref<128xi32, #tpu.memory_space<vmem>>) target_semaphore(%run_scoped3A : memref<!tpu.dma_semaphore, #tpu.memory_space<semaphore_mem>>)
        %dma_wait3A_18 = tpu.memref_slice %arg3[%add3A_11] : memref<557056xi32, #tpu.memory_space<hbm>> -> memref<128xi32, #tpu.memory_space<hbm>>
        %dma_wait3A_19 = tpu.memref_slice %arg3[%add3A_11] : memref<557056xi32, #tpu.memory_space<hbm>> -> memref<128xi32, #tpu.memory_space<hbm>>
        tpu.wait_dma2 semaphore(%run_scoped3A : memref<!tpu.dma_semaphore, #tpu.memory_space<semaphore_mem>>) src(%dma_wait3A_19 : memref<128xi32, #tpu.memory_space<hbm>>) dst(%arg5 : memref<128xi32, #tpu.memory_space<vmem>>)
        tpu.yield
      }) : () -> ()
      %dma_start3A = arith.constant 0 : i32
      %dma_start3A_12 = arith.constant 0 : i32
      %dma_start3A_13 = tpu.memref_slice %arg2[%dma_start3A, %dma_start3A_12] : memref<150000x32xf32, #tpu.memory_space<hbm>> -> memref<150000x32xf32, #tpu.memory_space<hbm>>
      tpu.enqueue_indirect_dma source(%dma_start3A_13 : memref<150000x32xf32, #tpu.memory_space<hbm>>) target(%arg6 : memref<128x32xf32, #tpu.memory_space<vmem>>) offsets(%arg5 : memref<128xi32, #tpu.memory_space<vmem>>) semaphore(%arg7 : memref<!tpu.dma_semaphore, #tpu.memory_space<semaphore_mem>>)
      %dma_wait3A = arith.constant 0 : i32
      %dma_wait3A_14 = arith.constant 0 : i32
      %dma_wait3A_15 = tpu.memref_slice %arg2[%dma_wait3A, %dma_wait3A_14] : memref<150000x32xf32, #tpu.memory_space<hbm>> -> memref<150000x32xf32, #tpu.memory_space<hbm>>
      tpu.wait_indirect_dma semaphore(%arg7 : memref<!tpu.dma_semaphore, #tpu.memory_space<semaphore_mem>>) src(%dma_wait3A_15 : memref<150000x32xf32, #tpu.memory_space<hbm>>) dst(%arg6 : memref<128x32xf32, #tpu.memory_space<vmem>>)
      "tpu.region"() ({
        %run_scoped3A = tpu.sem_alloc : memref<!tpu.dma_semaphore, #tpu.memory_space<semaphore_mem>>
        %dma_start3A_16 = arith.constant 0 : i32
        %dma_start3A_17 = tpu.memref_slice %arg4[%add3A_11, %dma_start3A_16] : memref<557056x32xf32, #tpu.memory_space<hbm>> -> memref<128x32xf32, #tpu.memory_space<hbm>>
        %dma_start3A_18 = arith.constant 0 : i32
        %dma_start3A_19 = tpu.memref_slice %arg4[%add3A_11, %dma_start3A_18] : memref<557056x32xf32, #tpu.memory_space<hbm>> -> memref<128x32xf32, #tpu.memory_space<hbm>>
        tpu.enqueue_dma source(%arg6 : memref<128x32xf32, #tpu.memory_space<vmem>>) target(%dma_start3A_19 : memref<128x32xf32, #tpu.memory_space<hbm>>) target_semaphore(%run_scoped3A : memref<!tpu.dma_semaphore, #tpu.memory_space<semaphore_mem>>)
        %dma_wait3A_20 = arith.constant 0 : i32
        %dma_wait3A_21 = tpu.memref_slice %arg4[%add3A_11, %dma_wait3A_20] : memref<557056x32xf32, #tpu.memory_space<hbm>> -> memref<128x32xf32, #tpu.memory_space<hbm>>
        %dma_wait3A_22 = arith.constant 0 : i32
        %dma_wait3A_23 = tpu.memref_slice %arg4[%add3A_11, %dma_wait3A_22] : memref<557056x32xf32, #tpu.memory_space<hbm>> -> memref<128x32xf32, #tpu.memory_space<hbm>>
        tpu.wait_dma2 semaphore(%run_scoped3A : memref<!tpu.dma_semaphore, #tpu.memory_space<semaphore_mem>>) src(%arg6 : memref<128x32xf32, #tpu.memory_space<vmem>>) dst(%dma_wait3A_23 : memref<128x32xf32, #tpu.memory_space<hbm>>)
        tpu.yield
      }) : () -> ()
    }
    %scan3A_7 = arith.constant 136 : i32
    return
  }
}

#map = affine_map<(d0, d1) -> (0, 0)>
#map1 = affine_map<(d0, d1) -> (0)>
module attributes {stable_mosaic.version = 14 : i64} {
  func.func @k(%arg0: i32, %arg1: i32, %arg2: memref<557056x32xf32, #tpu.memory_space<hbm>>, %arg3: memref<557056xi32, #tpu.memory_space<hbm>>, %arg4: memref<327680x32xf32, #tpu.memory_space<hbm>>, %arg5: memref<17408xi32, #tpu.memory_space<vmem>>, %arg6: memref<128xi32, #tpu.memory_space<vmem>>, %arg7: memref<128x32xf32, #tpu.memory_space<vmem>>, %arg8: memref<1025x32xf32, #tpu.memory_space<vmem>>, %arg9: memref<16400x32xf32, #tpu.memory_space<vmem_shared>>, %arg10: memref<!tpu.dma_semaphore, #tpu.memory_space<semaphore_mem>>) attributes {dimension_semantics = [#tpu.dimension_semantics<core_parallel>, #tpu.dimension_semantics<subcore_parallel>], iteration_bounds = array<i64: 2, 16>, scalar_prefetch = 0 : i64, scratch_operands = 6 : i64, tpu.core_type = #tpu.core_type<sc_vector_subcore>, window_params = [{transform_indices = #map}, {transform_indices = #map1}, {transform_indices = #map}]} {
    %mul3A = arith.constant 2 : i32
    %mul3A_0 = arith.muli %arg1, %mul3A : i32
    %add3A = arith.addi %mul3A_0, %arg0 : i32
    %mul3A_1 = arith.constant 17408 : i32
    %mul3A_2 = arith.muli %add3A, %mul3A_1 : i32
    "tpu.region"() ({
      %run_scoped3A = tpu.sem_alloc : memref<!tpu.dma_semaphore, #tpu.memory_space<semaphore_mem>>
      %dma_start3A = tpu.memref_slice %arg3[%mul3A_2] : memref<557056xi32, #tpu.memory_space<hbm>> -> memref<17408xi32, #tpu.memory_space<hbm>>
      %dma_start3A_288 = tpu.memref_slice %arg3[%mul3A_2] : memref<557056xi32, #tpu.memory_space<hbm>> -> memref<17408xi32, #tpu.memory_space<hbm>>
      tpu.enqueue_dma source(%dma_start3A_288 : memref<17408xi32, #tpu.memory_space<hbm>>) target(%arg5 : memref<17408xi32, #tpu.memory_space<vmem>>) target_semaphore(%run_scoped3A : memref<!tpu.dma_semaphore, #tpu.memory_space<semaphore_mem>>)
      %dma_wait3A = tpu.memref_slice %arg3[%mul3A_2] : memref<557056xi32, #tpu.memory_space<hbm>> -> memref<17408xi32, #tpu.memory_space<hbm>>
      %dma_wait3A_289 = tpu.memref_slice %arg3[%mul3A_2] : memref<557056xi32, #tpu.memory_space<hbm>> -> memref<17408xi32, #tpu.memory_space<hbm>>
      tpu.wait_dma2 semaphore(%run_scoped3A : memref<!tpu.dma_semaphore, #tpu.memory_space<semaphore_mem>>) src(%dma_wait3A_289 : memref<17408xi32, #tpu.memory_space<hbm>>) dst(%arg5 : memref<17408xi32, #tpu.memory_space<vmem>>)
      tpu.yield
    }) : () -> ()
    %broadcast_in_dim3A = arith.constant 0.000000e+00 : f32
    %broadcast_in_dim3A_3 = vector.broadcast %broadcast_in_dim3A : f32 to vector<16xf32>
    %scan3A = arith.constant 0 : i32
    %scan3A_4 = arith.constant 0 : i32
    %scan3A_5 = arith.constant 1025 : i32
    %scan3A_6 = arith.addi %scan3A_4, %scan3A_5 : i32
    %scan3A_7 = arith.constant 1 : i32
    scf.for %scan3A_288 = %scan3A_4 to %scan3A_6 step %scan3A_7  : i32 {
      %swap3A = arith.index_cast %scan3A_288 : i32 to index
      %swap3A_289 = arith.constant 0 : index
      %swap3A_290 = tpu.vector_load %arg8[%swap3A, %swap3A_289] {strides = array<i32>} : memref<1025x32xf32, #tpu.memory_space<vmem>>, vector<16xf32>,
      tpu.vector_store %arg8[%swap3A, %swap3A_289], %broadcast_in_dim3A_3 {strides = array<i32>} : memref<1025x32xf32, #tpu.memory_space<vmem>>, vector<16xf32>,
      %swap3A_291 = arith.index_cast %scan3A_288 : i32 to index
      %swap3A_292 = arith.constant 16 : index
      %swap3A_293 = tpu.vector_load %arg8[%swap3A_291, %swap3A_292] {strides = array<i32>} : memref<1025x32xf32, #tpu.memory_space<vmem>>, vector<16xf32>,
      tpu.vector_store %arg8[%swap3A_291, %swap3A_292], %broadcast_in_dim3A_3 {strides = array<i32>} : memref<1025x32xf32, #tpu.memory_space<vmem>>, vector<16xf32>,
    }
    %scan3A_8 = arith.constant 1025 : i32
    %mul3A_9 = arith.constant 1025 : i32
    %mul3A_10 = arith.muli %arg1, %mul3A_9 : i32
    "tpu.region"() ({
      %run_scoped3A = tpu.sem_alloc : memref<!tpu.dma_semaphore, #tpu.memory_space<semaphore_mem>>
      %dma_start3A = arith.constant 0 : i32
      %dma_start3A_288 = tpu.memref_slice %arg9[%mul3A_10, %dma_start3A] : memref<16400x32xf32, #tpu.memory_space<vmem_shared>> -> memref<1025x32xf32, #tpu.memory_space<vmem_shared>>
      %dma_start3A_289 = arith.constant 0 : i32
      %dma_start3A_290 = tpu.memref_slice %arg9[%mul3A_10, %dma_start3A_289] : memref<16400x32xf32, #tpu.memory_space<vmem_shared>> -> memref<1025x32xf32, #tpu.memory_space<vmem_shared>>
      tpu.enqueue_dma source(%arg8 : memref<1025x32xf32, #tpu.memory_space<vmem>>) target(%dma_start3A_290 : memref<1025x32xf32, #tpu.memory_space<vmem_shared>>) target_semaphore(%run_scoped3A : memref<!tpu.dma_semaphore, #tpu.memory_space<semaphore_mem>>)
      %dma_wait3A = arith.constant 0 : i32
      %dma_wait3A_291 = tpu.memref_slice %arg9[%mul3A_10, %dma_wait3A] : memref<16400x32xf32, #tpu.memory_space<vmem_shared>> -> memref<1025x32xf32, #tpu.memory_space<vmem_shared>>
      %dma_wait3A_292 = arith.constant 0 : i32
      %dma_wait3A_293 = tpu.memref_slice %arg9[%mul3A_10, %dma_wait3A_292] : memref<16400x32xf32, #tpu.memory_space<vmem_shared>> -> memref<1025x32xf32, #tpu.memory_space<vmem_shared>>
      tpu.wait_dma2 semaphore(%run_scoped3A : memref<!tpu.dma_semaphore, #tpu.memory_space<semaphore_mem>>) src(%arg8 : memref<1025x32xf32, #tpu.memory_space<vmem>>) dst(%dma_wait3A_293 : memref<1025x32xf32, #tpu.memory_space<vmem_shared>>)
      tpu.yield
    }) : () -> ()
    %barrier3A = arith.constant 0 : index
    tpu.barrier barrier_id(%barrier3A)
    %broadcast_in_dim3A_11 = arith.constant 0 : i32
    %broadcast_in_dim3A_12 = vector.broadcast %broadcast_in_dim3A_11 : i32 to vector<16xi32>
    %broadcast_in_dim3A_13 = arith.constant 16384 : i32
    %broadcast_in_dim3A_14 = vector.broadcast %broadcast_in_dim3A_13 : i32 to vector<16xi32>
    %broadcast_in_dim3A_15 = arith.constant 16384 : i32
    %broadcast_in_dim3A_16 = vector.broadcast %broadcast_in_dim3A_15 : i32 to vector<16xi32>
    %broadcast_in_dim3A_17 = vector.broadcast %arg1 : i32 to vector<16xi32>
    %add3A_18 = arith.addi %broadcast_in_dim3A_16, %broadcast_in_dim3A_17 : vector<16xi32>
    %scan3A_19 = arith.constant 0 : i32
    %scan3A_20 = arith.constant 0 : i32
    %scan3A_21 = arith.constant 136 : i32
    %scan3A_22 = arith.addi %scan3A_20, %scan3A_21 : i32
    %scan3A_23 = arith.constant 1 : i32
    scf.for %scan3A_288 = %scan3A_20 to %scan3A_22 step %scan3A_23  : i32 {
      %mul3A_289 = arith.constant 128 : i32
      %mul3A_290 = arith.muli %scan3A_288, %mul3A_289 : i32
      %broadcast_in_dim3A_291 = arith.constant 0 : i32
      %broadcast_in_dim3A_292 = vector.broadcast %broadcast_in_dim3A_291 : i32 to vector<16xi32>
      %add3A_293 = arith.constant 0 : i32
      %add3A_294 = arith.addi %mul3A_290, %add3A_293 : i32
      %get3A = arith.index_cast %add3A_294 : i32 to index
      %get3A_295 = tpu.vector_load %arg5[%get3A] {strides = array<i32>} : memref<17408xi32, #tpu.memory_space<vmem>>, vector<16xi32>,
      %ge3A = arith.cmpi sge, %get3A_295, %broadcast_in_dim3A_12 : vector<16xi32>
      %lt3A = arith.cmpi slt, %get3A_295, %broadcast_in_dim3A_14 : vector<16xi32>
      %and3A = arith.andi %ge3A, %lt3A : vector<16xi1>
      %sub3A = arith.subi %get3A_295, %broadcast_in_dim3A_12 : vector<16xi32>
      %select_n3A = arith.select %and3A, %sub3A, %add3A_18 : vector<16xi1>, vector<16xi32>
      %swap3A = arith.constant 0 : index
      %swap3A_296 = tpu.vector_load %arg6[%swap3A] {strides = array<i32>} : memref<128xi32, #tpu.memory_space<vmem>>, vector<16xi32>,
      tpu.vector_store %arg6[%swap3A], %select_n3A {strides = array<i32>} : memref<128xi32, #tpu.memory_space<vmem>>, vector<16xi32>,
      %broadcast_in_dim3A_297 = arith.constant 1 : i32
      %broadcast_in_dim3A_298 = vector.broadcast %broadcast_in_dim3A_297 : i32 to vector<16xi32>
      %broadcast_in_dim3A_299 = arith.constant 0 : i32
      %broadcast_in_dim3A_300 = vector.broadcast %broadcast_in_dim3A_299 : i32 to vector<16xi32>
      %select_n3A_301 = arith.select %and3A, %broadcast_in_dim3A_298, %broadcast_in_dim3A_300 : vector<16xi1>, vector<16xi32>
      %add3A_302 = arith.addi %broadcast_in_dim3A_292, %select_n3A_301 : vector<16xi32>
      %add3A_303 = arith.constant 16 : i32
      %add3A_304 = arith.addi %mul3A_290, %add3A_303 : i32
      %get3A_305 = arith.index_cast %add3A_304 : i32 to index
      %get3A_306 = tpu.vector_load %arg5[%get3A_305] {strides = array<i32>} : memref<17408xi32, #tpu.memory_space<vmem>>, vector<16xi32>,
      %ge3A_307 = arith.cmpi sge, %get3A_306, %broadcast_in_dim3A_12 : vector<16xi32>
      %lt3A_308 = arith.cmpi slt, %get3A_306, %broadcast_in_dim3A_14 : vector<16xi32>
      %and3A_309 = arith.andi %ge3A_307, %lt3A_308 : vector<16xi1>
      %sub3A_310 = arith.subi %get3A_306, %broadcast_in_dim3A_12 : vector<16xi32>
      %select_n3A_311 = arith.select %and3A_309, %sub3A_310, %add3A_18 : vector<16xi1>, vector<16xi32>
      %swap3A_312 = arith.constant 16 : index
      %swap3A_313 = tpu.vector_load %arg6[%swap3A_312] {strides = array<i32>} : memref<128xi32, #tpu.memory_space<vmem>>, vector<16xi32>,
      tpu.vector_store %arg6[%swap3A_312], %select_n3A_311 {strides = array<i32>} : memref<128xi32, #tpu.memory_space<vmem>>, vector<16xi32>,
      %broadcast_in_dim3A_314 = arith.constant 1 : i32
      %broadcast_in_dim3A_315 = vector.broadcast %broadcast_in_dim3A_314 : i32 to vector<16xi32>
      %broadcast_in_dim3A_316 = arith.constant 0 : i32
      %broadcast_in_dim3A_317 = vector.broadcast %broadcast_in_dim3A_316 : i32 to vector<16xi32>
      %select_n3A_318 = arith.select %and3A_309, %broadcast_in_dim3A_315, %broadcast_in_dim3A_317 : vector<16xi1>, vector<16xi32>
      %add3A_319 = arith.addi %add3A_302, %select_n3A_318 : vector<16xi32>
      %add3A_320 = arith.constant 32 : i32
      %add3A_321 = arith.addi %mul3A_290, %add3A_320 : i32
      %get3A_322 = arith.index_cast %add3A_321 : i32 to index
      %get3A_323 = tpu.vector_load %arg5[%get3A_322] {strides = array<i32>} : memref<17408xi32, #tpu.memory_space<vmem>>, vector<16xi32>,
      %ge3A_324 = arith.cmpi sge, %get3A_323, %broadcast_in_dim3A_12 : vector<16xi32>
      %lt3A_325 = arith.cmpi slt, %get3A_323, %broadcast_in_dim3A_14 : vector<16xi32>
      %and3A_326 = arith.andi %ge3A_324, %lt3A_325 : vector<16xi1>
      %sub3A_327 = arith.subi %get3A_323, %broadcast_in_dim3A_12 : vector<16xi32>
      %select_n3A_328 = arith.select %and3A_326, %sub3A_327, %add3A_18 : vector<16xi1>, vector<16xi32>
      %swap3A_329 = arith.constant 32 : index
      %swap3A_330 = tpu.vector_load %arg6[%swap3A_329] {strides = array<i32>} : memref<128xi32, #tpu.memory_space<vmem>>, vector<16xi32>,
      tpu.vector_store %arg6[%swap3A_329], %select_n3A_328 {strides = array<i32>} : memref<128xi32, #tpu.memory_space<vmem>>, vector<16xi32>,
      %broadcast_in_dim3A_331 = arith.constant 1 : i32
      %broadcast_in_dim3A_332 = vector.broadcast %broadcast_in_dim3A_331 : i32 to vector<16xi32>
      %broadcast_in_dim3A_333 = arith.constant 0 : i32
      %broadcast_in_dim3A_334 = vector.broadcast %broadcast_in_dim3A_333 : i32 to vector<16xi32>
      %select_n3A_335 = arith.select %and3A_326, %broadcast_in_dim3A_332, %broadcast_in_dim3A_334 : vector<16xi1>, vector<16xi32>
      %add3A_336 = arith.addi %add3A_319, %select_n3A_335 : vector<16xi32>
      %add3A_337 = arith.constant 48 : i32
      %add3A_338 = arith.addi %mul3A_290, %add3A_337 : i32
      %get3A_339 = arith.index_cast %add3A_338 : i32 to index
      %get3A_340 = tpu.vector_load %arg5[%get3A_339] {strides = array<i32>} : memref<17408xi32, #tpu.memory_space<vmem>>, vector<16xi32>,
      %ge3A_341 = arith.cmpi sge, %get3A_340, %broadcast_in_dim3A_12 : vector<16xi32>
      %lt3A_342 = arith.cmpi slt, %get3A_340, %broadcast_in_dim3A_14 : vector<16xi32>
      %and3A_343 = arith.andi %ge3A_341, %lt3A_342 : vector<16xi1>
      %sub3A_344 = arith.subi %get3A_340, %broadcast_in_dim3A_12 : vector<16xi32>
      %select_n3A_345 = arith.select %and3A_343, %sub3A_344, %add3A_18 : vector<16xi1>, vector<16xi32>
      %swap3A_346 = arith.constant 48 : index
      %swap3A_347 = tpu.vector_load %arg6[%swap3A_346] {strides = array<i32>} : memref<128xi32, #tpu.memory_space<vmem>>, vector<16xi32>,
      tpu.vector_store %arg6[%swap3A_346], %select_n3A_345 {strides = array<i32>} : memref<128xi32, #tpu.memory_space<vmem>>, vector<16xi32>,
      %broadcast_in_dim3A_348 = arith.constant 1 : i32
      %broadcast_in_dim3A_349 = vector.broadcast %broadcast_in_dim3A_348 : i32 to vector<16xi32>
      %broadcast_in_dim3A_350 = arith.constant 0 : i32
      %broadcast_in_dim3A_351 = vector.broadcast %broadcast_in_dim3A_350 : i32 to vector<16xi32>
      %select_n3A_352 = arith.select %and3A_343, %broadcast_in_dim3A_349, %broadcast_in_dim3A_351 : vector<16xi1>, vector<16xi32>
      %add3A_353 = arith.addi %add3A_336, %select_n3A_352 : vector<16xi32>
      %add3A_354 = arith.constant 64 : i32
      %add3A_355 = arith.addi %mul3A_290, %add3A_354 : i32
      %get3A_356 = arith.index_cast %add3A_355 : i32 to index
      %get3A_357 = tpu.vector_load %arg5[%get3A_356] {strides = array<i32>} : memref<17408xi32, #tpu.memory_space<vmem>>, vector<16xi32>,
      %ge3A_358 = arith.cmpi sge, %get3A_357, %broadcast_in_dim3A_12 : vector<16xi32>
      %lt3A_359 = arith.cmpi slt, %get3A_357, %broadcast_in_dim3A_14 : vector<16xi32>
      %and3A_360 = arith.andi %ge3A_358, %lt3A_359 : vector<16xi1>
      %sub3A_361 = arith.subi %get3A_357, %broadcast_in_dim3A_12 : vector<16xi32>
      %select_n3A_362 = arith.select %and3A_360, %sub3A_361, %add3A_18 : vector<16xi1>, vector<16xi32>
      %swap3A_363 = arith.constant 64 : index
      %swap3A_364 = tpu.vector_load %arg6[%swap3A_363] {strides = array<i32>} : memref<128xi32, #tpu.memory_space<vmem>>, vector<16xi32>,
      tpu.vector_store %arg6[%swap3A_363], %select_n3A_362 {strides = array<i32>} : memref<128xi32, #tpu.memory_space<vmem>>, vector<16xi32>,
      %broadcast_in_dim3A_365 = arith.constant 1 : i32
      %broadcast_in_dim3A_366 = vector.broadcast %broadcast_in_dim3A_365 : i32 to vector<16xi32>
      %broadcast_in_dim3A_367 = arith.constant 0 : i32
      %broadcast_in_dim3A_368 = vector.broadcast %broadcast_in_dim3A_367 : i32 to vector<16xi32>
      %select_n3A_369 = arith.select %and3A_360, %broadcast_in_dim3A_366, %broadcast_in_dim3A_368 : vector<16xi1>, vector<16xi32>
      %add3A_370 = arith.addi %add3A_353, %select_n3A_369 : vector<16xi32>
      %add3A_371 = arith.constant 80 : i32
      %add3A_372 = arith.addi %mul3A_290, %add3A_371 : i32
      %get3A_373 = arith.index_cast %add3A_372 : i32 to index
      %get3A_374 = tpu.vector_load %arg5[%get3A_373] {strides = array<i32>} : memref<17408xi32, #tpu.memory_space<vmem>>, vector<16xi32>,
      %ge3A_375 = arith.cmpi sge, %get3A_374, %broadcast_in_dim3A_12 : vector<16xi32>
      %lt3A_376 = arith.cmpi slt, %get3A_374, %broadcast_in_dim3A_14 : vector<16xi32>
      %and3A_377 = arith.andi %ge3A_375, %lt3A_376 : vector<16xi1>
      %sub3A_378 = arith.subi %get3A_374, %broadcast_in_dim3A_12 : vector<16xi32>
      %select_n3A_379 = arith.select %and3A_377, %sub3A_378, %add3A_18 : vector<16xi1>, vector<16xi32>
      %swap3A_380 = arith.constant 80 : index
      %swap3A_381 = tpu.vector_load %arg6[%swap3A_380] {strides = array<i32>} : memref<128xi32, #tpu.memory_space<vmem>>, vector<16xi32>,
      tpu.vector_store %arg6[%swap3A_380], %select_n3A_379 {strides = array<i32>} : memref<128xi32, #tpu.memory_space<vmem>>, vector<16xi32>,
      %broadcast_in_dim3A_382 = arith.constant 1 : i32
      %broadcast_in_dim3A_383 = vector.broadcast %broadcast_in_dim3A_382 : i32 to vector<16xi32>
      %broadcast_in_dim3A_384 = arith.constant 0 : i32
      %broadcast_in_dim3A_385 = vector.broadcast %broadcast_in_dim3A_384 : i32 to vector<16xi32>
      %select_n3A_386 = arith.select %and3A_377, %broadcast_in_dim3A_383, %broadcast_in_dim3A_385 : vector<16xi1>, vector<16xi32>
      %add3A_387 = arith.addi %add3A_370, %select_n3A_386 : vector<16xi32>
      %add3A_388 = arith.constant 96 : i32
      %add3A_389 = arith.addi %mul3A_290, %add3A_388 : i32
      %get3A_390 = arith.index_cast %add3A_389 : i32 to index
      %get3A_391 = tpu.vector_load %arg5[%get3A_390] {strides = array<i32>} : memref<17408xi32, #tpu.memory_space<vmem>>, vector<16xi32>,
      %ge3A_392 = arith.cmpi sge, %get3A_391, %broadcast_in_dim3A_12 : vector<16xi32>
      %lt3A_393 = arith.cmpi slt, %get3A_391, %broadcast_in_dim3A_14 : vector<16xi32>
      %and3A_394 = arith.andi %ge3A_392, %lt3A_393 : vector<16xi1>
      %sub3A_395 = arith.subi %get3A_391, %broadcast_in_dim3A_12 : vector<16xi32>
      %select_n3A_396 = arith.select %and3A_394, %sub3A_395, %add3A_18 : vector<16xi1>, vector<16xi32>
      %swap3A_397 = arith.constant 96 : index
      %swap3A_398 = tpu.vector_load %arg6[%swap3A_397] {strides = array<i32>} : memref<128xi32, #tpu.memory_space<vmem>>, vector<16xi32>,
      tpu.vector_store %arg6[%swap3A_397], %select_n3A_396 {strides = array<i32>} : memref<128xi32, #tpu.memory_space<vmem>>, vector<16xi32>,
      %broadcast_in_dim3A_399 = arith.constant 1 : i32
      %broadcast_in_dim3A_400 = vector.broadcast %broadcast_in_dim3A_399 : i32 to vector<16xi32>
      %broadcast_in_dim3A_401 = arith.constant 0 : i32
      %broadcast_in_dim3A_402 = vector.broadcast %broadcast_in_dim3A_401 : i32 to vector<16xi32>
      %select_n3A_403 = arith.select %and3A_394, %broadcast_in_dim3A_400, %broadcast_in_dim3A_402 : vector<16xi1>, vector<16xi32>
      %add3A_404 = arith.addi %add3A_387, %select_n3A_403 : vector<16xi32>
      %add3A_405 = arith.constant 112 : i32
      %add3A_406 = arith.addi %mul3A_290, %add3A_405 : i32
      %get3A_407 = arith.index_cast %add3A_406 : i32 to index
      %get3A_408 = tpu.vector_load %arg5[%get3A_407] {strides = array<i32>} : memref<17408xi32, #tpu.memory_space<vmem>>, vector<16xi32>,
      %ge3A_409 = arith.cmpi sge, %get3A_408, %broadcast_in_dim3A_12 : vector<16xi32>
      %lt3A_410 = arith.cmpi slt, %get3A_408, %broadcast_in_dim3A_14 : vector<16xi32>
      %and3A_411 = arith.andi %ge3A_409, %lt3A_410 : vector<16xi1>
      %sub3A_412 = arith.subi %get3A_408, %broadcast_in_dim3A_12 : vector<16xi32>
      %select_n3A_413 = arith.select %and3A_411, %sub3A_412, %add3A_18 : vector<16xi1>, vector<16xi32>
      %swap3A_414 = arith.constant 112 : index
      %swap3A_415 = tpu.vector_load %arg6[%swap3A_414] {strides = array<i32>} : memref<128xi32, #tpu.memory_space<vmem>>, vector<16xi32>,
      tpu.vector_store %arg6[%swap3A_414], %select_n3A_413 {strides = array<i32>} : memref<128xi32, #tpu.memory_space<vmem>>, vector<16xi32>,
      %broadcast_in_dim3A_416 = arith.constant 1 : i32
      %broadcast_in_dim3A_417 = vector.broadcast %broadcast_in_dim3A_416 : i32 to vector<16xi32>
      %broadcast_in_dim3A_418 = arith.constant 0 : i32
      %broadcast_in_dim3A_419 = vector.broadcast %broadcast_in_dim3A_418 : i32 to vector<16xi32>
      %select_n3A_420 = arith.select %and3A_411, %broadcast_in_dim3A_417, %broadcast_in_dim3A_419 : vector<16xi1>, vector<16xi32>
      %add3A_421 = arith.addi %add3A_404, %select_n3A_420 : vector<16xi32>
      %reduce_sum3A = arith.constant true
      %reduce_sum3A_422 = vector.broadcast %reduce_sum3A : i1 to vector<16xi1>
      %reduce_sum3A_423 = tpu.scan <sum>, %add3A_421 masked %reduce_sum3A_422 : vector<16xi32>, vector<16xi1> -> vector<16xi32>
      %reduce_sum3A_424 = vector.extract %reduce_sum3A_423[15] : i32 from vector<16xi32>
      %gt3A = arith.constant 0 : i32
      %gt3A_425 = arith.cmpi sgt, %reduce_sum3A_424, %gt3A : i32
      %convert_element_type3A = arith.extui %gt3A_425 : i1 to i32
      %cond3A = arith.constant 0 : i32
      %cond3A_426 = arith.cmpi ne, %convert_element_type3A, %cond3A : i32
      scf.if %cond3A_426 {
        %add3A_427 = arith.addi %mul3A_2, %mul3A_290 : i32
        "tpu.region"() ({
          %run_scoped3A = tpu.sem_alloc : memref<!tpu.dma_semaphore, #tpu.memory_space<semaphore_mem>>
          %dma_start3A = arith.constant 0 : i32
          %dma_start3A_428 = tpu.memref_slice %arg2[%add3A_427, %dma_start3A] : memref<557056x32xf32, #tpu.memory_space<hbm>> -> memref<128x32xf32, #tpu.memory_space<hbm>>
          %dma_start3A_429 = arith.constant 0 : i32
          %dma_start3A_430 = tpu.memref_slice %arg2[%add3A_427, %dma_start3A_429] : memref<557056x32xf32, #tpu.memory_space<hbm>> -> memref<128x32xf32, #tpu.memory_space<hbm>>
          tpu.enqueue_dma source(%dma_start3A_430 : memref<128x32xf32, #tpu.memory_space<hbm>>) target(%arg7 : memref<128x32xf32, #tpu.memory_space<vmem>>) target_semaphore(%run_scoped3A : memref<!tpu.dma_semaphore, #tpu.memory_space<semaphore_mem>>)
          %dma_wait3A = arith.constant 0 : i32
          %dma_wait3A_431 = tpu.memref_slice %arg2[%add3A_427, %dma_wait3A] : memref<557056x32xf32, #tpu.memory_space<hbm>> -> memref<128x32xf32, #tpu.memory_space<hbm>>
          %dma_wait3A_432 = arith.constant 0 : i32
          %dma_wait3A_433 = tpu.memref_slice %arg2[%add3A_427, %dma_wait3A_432] : memref<557056x32xf32, #tpu.memory_space<hbm>> -> memref<128x32xf32, #tpu.memory_space<hbm>>
          tpu.wait_dma2 semaphore(%run_scoped3A : memref<!tpu.dma_semaphore, #tpu.memory_space<semaphore_mem>>) src(%dma_wait3A_433 : memref<128x32xf32, #tpu.memory_space<hbm>>) dst(%arg7 : memref<128x32xf32, #tpu.memory_space<vmem>>)
          tpu.yield
        }) : () -> ()
        "tpu.region"() ({
          %run_scoped3A = tpu.sem_alloc : memref<!tpu.dma_semaphore, #tpu.memory_space<semaphore_mem>>
          %dma_start3A = arith.constant 0 : i32
          %dma_start3A_428 = arith.constant 0 : i32
          %dma_start3A_429 = tpu.memref_slice %arg9[%dma_start3A, %dma_start3A_428] : memref<16400x32xf32, #tpu.memory_space<vmem_shared>> -> memref<16400x32xf32, #tpu.memory_space<vmem_shared>>
          tpu.enqueue_indirect_dma source(%arg7 : memref<128x32xf32, #tpu.memory_space<vmem>>) target(%dma_start3A_429 : memref<16400x32xf32, #tpu.memory_space<vmem_shared>>) offsets(%arg6 : memref<128xi32, #tpu.memory_space<vmem>>) semaphore(%run_scoped3A : memref<!tpu.dma_semaphore, #tpu.memory_space<semaphore_mem>>) {add = true}
          %dma_wait3A = arith.constant 0 : i32
          %dma_wait3A_430 = arith.constant 0 : i32
          %dma_wait3A_431 = tpu.memref_slice %arg9[%dma_wait3A, %dma_wait3A_430] : memref<16400x32xf32, #tpu.memory_space<vmem_shared>> -> memref<16400x32xf32, #tpu.memory_space<vmem_shared>>
          tpu.wait_indirect_dma semaphore(%run_scoped3A : memref<!tpu.dma_semaphore, #tpu.memory_space<semaphore_mem>>) src(%arg7 : memref<128x32xf32, #tpu.memory_space<vmem>>) dst(%dma_wait3A_431 : memref<16400x32xf32, #tpu.memory_space<vmem_shared>>)
          tpu.yield
        }) : () -> ()
      } else {
      }
    }
    %scan3A_24 = arith.constant 136 : i32
    %barrier3A_25 = arith.constant 0 : index
    tpu.barrier barrier_id(%barrier3A_25)
    %mul3A_26 = arith.constant 1024 : i32
    %mul3A_27 = arith.muli %arg1, %mul3A_26 : i32
    %mul3A_28 = arith.constant 163840 : i32
    %mul3A_29 = arith.muli %arg0, %mul3A_28 : i32
    %add3A_30 = arith.constant 0 : i32
    %add3A_31 = arith.addi %mul3A_29, %add3A_30 : i32
    %mul3A_32 = arith.constant 1024 : i32
    %mul3A_33 = arith.muli %arg1, %mul3A_32 : i32
    %add3A_34 = arith.addi %add3A_31, %mul3A_33 : i32
    "tpu.region"() ({
      %run_scoped3A = tpu.sem_alloc : memref<!tpu.dma_semaphore, #tpu.memory_space<semaphore_mem>>
      %dma_start3A = arith.constant 0 : i32
      %dma_start3A_288 = tpu.memref_slice %arg4[%add3A_34, %dma_start3A] : memref<327680x32xf32, #tpu.memory_space<hbm>> -> memref<1024x32xf32, #tpu.memory_space<hbm>>
      %dma_start3A_289 = arith.constant 0 : i32
      %dma_start3A_290 = tpu.memref_slice %arg9[%mul3A_27, %dma_start3A_289] : memref<16400x32xf32, #tpu.memory_space<vmem_shared>> -> memref<1024x32xf32, #tpu.memory_space<vmem_shared>>
      tpu.enqueue_dma source(%dma_start3A_290 : memref<1024x32xf32, #tpu.memory_space<vmem_shared>>) target(%dma_start3A_288 : memref<1024x32xf32, #tpu.memory_space<hbm>>) target_semaphore(%run_scoped3A : memref<!tpu.dma_semaphore, #tpu.memory_space<semaphore_mem>>)
      %dma_wait3A = arith.constant 0 : i32
      %dma_wait3A_291 = tpu.memref_slice %arg4[%add3A_34, %dma_wait3A] : memref<327680x32xf32, #tpu.memory_space<hbm>> -> memref<1024x32xf32, #tpu.memory_space<hbm>>
      %dma_wait3A_292 = arith.constant 0 : i32
      %dma_wait3A_293 = tpu.memref_slice %arg9[%mul3A_27, %dma_wait3A_292] : memref<16400x32xf32, #tpu.memory_space<vmem_shared>> -> memref<1024x32xf32, #tpu.memory_space<vmem_shared>>
      tpu.wait_dma2 semaphore(%run_scoped3A : memref<!tpu.dma_semaphore, #tpu.memory_space<semaphore_mem>>) src(%dma_wait3A_293 : memref<1024x32xf32, #tpu.memory_space<vmem_shared>>) dst(%dma_wait3A_291 : memref<1024x32xf32, #tpu.memory_space<hbm>>)
      tpu.yield
    }) : () -> ()
    %barrier3A_35 = arith.constant 0 : index
    tpu.barrier barrier_id(%barrier3A_35)
    %mul3A_36 = arith.constant 1025 : i32
    %mul3A_37 = arith.muli %arg1, %mul3A_36 : i32
    "tpu.region"() ({
      %run_scoped3A = tpu.sem_alloc : memref<!tpu.dma_semaphore, #tpu.memory_space<semaphore_mem>>
      %dma_start3A = arith.constant 0 : i32
      %dma_start3A_288 = tpu.memref_slice %arg9[%mul3A_37, %dma_start3A] : memref<16400x32xf32, #tpu.memory_space<vmem_shared>> -> memref<1025x32xf32, #tpu.memory_space<vmem_shared>>
      %dma_start3A_289 = arith.constant 0 : i32
      %dma_start3A_290 = tpu.memref_slice %arg9[%mul3A_37, %dma_start3A_289] : memref<16400x32xf32, #tpu.memory_space<vmem_shared>> -> memref<1025x32xf32, #tpu.memory_space<vmem_shared>>
      tpu.enqueue_dma source(%arg8 : memref<1025x32xf32, #tpu.memory_space<vmem>>) target(%dma_start3A_290 : memref<1025x32xf32, #tpu.memory_space<vmem_shared>>) target_semaphore(%run_scoped3A : memref<!tpu.dma_semaphore, #tpu.memory_space<semaphore_mem>>)
      %dma_wait3A = arith.constant 0 : i32
      %dma_wait3A_291 = tpu.memref_slice %arg9[%mul3A_37, %dma_wait3A] : memref<16400x32xf32, #tpu.memory_space<vmem_shared>> -> memref<1025x32xf32, #tpu.memory_space<vmem_shared>>
      %dma_wait3A_292 = arith.constant 0 : i32
      %dma_wait3A_293 = tpu.memref_slice %arg9[%mul3A_37, %dma_wait3A_292] : memref<16400x32xf32, #tpu.memory_space<vmem_shared>> -> memref<1025x32xf32, #tpu.memory_space<vmem_shared>>
      tpu.wait_dma2 semaphore(%run_scoped3A : memref<!tpu.dma_semaphore, #tpu.memory_space<semaphore_mem>>) src(%arg8 : memref<1025x32xf32, #tpu.memory_space<vmem>>) dst(%dma_wait3A_293 : memref<1025x32xf32, #tpu.memory_space<vmem_shared>>)
      tpu.yield
    }) : () -> ()
    %barrier3A_38 = arith.constant 0 : index
    tpu.barrier barrier_id(%barrier3A_38)
    %broadcast_in_dim3A_39 = arith.constant 16384 : i32
    %broadcast_in_dim3A_40 = vector.broadcast %broadcast_in_dim3A_39 : i32 to vector<16xi32>
    %broadcast_in_dim3A_41 = arith.constant 32768 : i32
    %broadcast_in_dim3A_42 = vector.broadcast %broadcast_in_dim3A_41 : i32 to vector<16xi32>
    %broadcast_in_dim3A_43 = arith.constant 16384 : i32
    %broadcast_in_dim3A_44 = vector.broadcast %broadcast_in_dim3A_43 : i32 to vector<16xi32>
    %broadcast_in_dim3A_45 = vector.broadcast %arg1 : i32 to vector<16xi32>
    %add3A_46 = arith.addi %broadcast_in_dim3A_44, %broadcast_in_dim3A_45 : vector<16xi32>
    %scan3A_47 = arith.constant 0 : i32
    %scan3A_48 = arith.constant 0 : i32
    %scan3A_49 = arith.constant 136 : i32
    %scan3A_50 = arith.addi %scan3A_48, %scan3A_49 : i32
    %scan3A_51 = arith.constant 1 : i32
    scf.for %scan3A_288 = %scan3A_48 to %scan3A_50 step %scan3A_51  : i32 {
      %mul3A_289 = arith.constant 128 : i32
      %mul3A_290 = arith.muli %scan3A_288, %mul3A_289 : i32
      %broadcast_in_dim3A_291 = arith.constant 0 : i32
      %broadcast_in_dim3A_292 = vector.broadcast %broadcast_in_dim3A_291 : i32 to vector<16xi32>
      %add3A_293 = arith.constant 0 : i32
      %add3A_294 = arith.addi %mul3A_290, %add3A_293 : i32
      %get3A = arith.index_cast %add3A_294 : i32 to index
      %get3A_295 = tpu.vector_load %arg5[%get3A] {strides = array<i32>} : memref<17408xi32, #tpu.memory_space<vmem>>, vector<16xi32>,
      %ge3A = arith.cmpi sge, %get3A_295, %broadcast_in_dim3A_40 : vector<16xi32>
      %lt3A = arith.cmpi slt, %get3A_295, %broadcast_in_dim3A_42 : vector<16xi32>
      %and3A = arith.andi %ge3A, %lt3A : vector<16xi1>
      %sub3A = arith.subi %get3A_295, %broadcast_in_dim3A_40 : vector<16xi32>
      %select_n3A = arith.select %and3A, %sub3A, %add3A_46 : vector<16xi1>, vector<16xi32>
      %swap3A = arith.constant 0 : index
      %swap3A_296 = tpu.vector_load %arg6[%swap3A] {strides = array<i32>} : memref<128xi32, #tpu.memory_space<vmem>>, vector<16xi32>,
      tpu.vector_store %arg6[%swap3A], %select_n3A {strides = array<i32>} : memref<128xi32, #tpu.memory_space<vmem>>, vector<16xi32>,
      %broadcast_in_dim3A_297 = arith.constant 1 : i32
      %broadcast_in_dim3A_298 = vector.broadcast %broadcast_in_dim3A_297 : i32 to vector<16xi32>
      %broadcast_in_dim3A_299 = arith.constant 0 : i32
      %broadcast_in_dim3A_300 = vector.broadcast %broadcast_in_dim3A_299 : i32 to vector<16xi32>
      %select_n3A_301 = arith.select %and3A, %broadcast_in_dim3A_298, %broadcast_in_dim3A_300 : vector<16xi1>, vector<16xi32>
      %add3A_302 = arith.addi %broadcast_in_dim3A_292, %select_n3A_301 : vector<16xi32>
      %add3A_303 = arith.constant 16 : i32
      %add3A_304 = arith.addi %mul3A_290, %add3A_303 : i32
      %get3A_305 = arith.index_cast %add3A_304 : i32 to index
      %get3A_306 = tpu.vector_load %arg5[%get3A_305] {strides = array<i32>} : memref<17408xi32, #tpu.memory_space<vmem>>, vector<16xi32>,
      %ge3A_307 = arith.cmpi sge, %get3A_306, %broadcast_in_dim3A_40 : vector<16xi32>
      %lt3A_308 = arith.cmpi slt, %get3A_306, %broadcast_in_dim3A_42 : vector<16xi32>
      %and3A_309 = arith.andi %ge3A_307, %lt3A_308 : vector<16xi1>
      %sub3A_310 = arith.subi %get3A_306, %broadcast_in_dim3A_40 : vector<16xi32>
      %select_n3A_311 = arith.select %and3A_309, %sub3A_310, %add3A_46 : vector<16xi1>, vector<16xi32>
      %swap3A_312 = arith.constant 16 : index
      %swap3A_313 = tpu.vector_load %arg6[%swap3A_312] {strides = array<i32>} : memref<128xi32, #tpu.memory_space<vmem>>, vector<16xi32>,
      tpu.vector_store %arg6[%swap3A_312], %select_n3A_311 {strides = array<i32>} : memref<128xi32, #tpu.memory_space<vmem>>, vector<16xi32>,
      %broadcast_in_dim3A_314 = arith.constant 1 : i32
      %broadcast_in_dim3A_315 = vector.broadcast %broadcast_in_dim3A_314 : i32 to vector<16xi32>
      %broadcast_in_dim3A_316 = arith.constant 0 : i32
      %broadcast_in_dim3A_317 = vector.broadcast %broadcast_in_dim3A_316 : i32 to vector<16xi32>
      %select_n3A_318 = arith.select %and3A_309, %broadcast_in_dim3A_315, %broadcast_in_dim3A_317 : vector<16xi1>, vector<16xi32>
      %add3A_319 = arith.addi %add3A_302, %select_n3A_318 : vector<16xi32>
      %add3A_320 = arith.constant 32 : i32
      %add3A_321 = arith.addi %mul3A_290, %add3A_320 : i32
      %get3A_322 = arith.index_cast %add3A_321 : i32 to index
      %get3A_323 = tpu.vector_load %arg5[%get3A_322] {strides = array<i32>} : memref<17408xi32, #tpu.memory_space<vmem>>, vector<16xi32>,
      %ge3A_324 = arith.cmpi sge, %get3A_323, %broadcast_in_dim3A_40 : vector<16xi32>
      %lt3A_325 = arith.cmpi slt, %get3A_323, %broadcast_in_dim3A_42 : vector<16xi32>
      %and3A_326 = arith.andi %ge3A_324, %lt3A_325 : vector<16xi1>
      %sub3A_327 = arith.subi %get3A_323, %broadcast_in_dim3A_40 : vector<16xi32>
      %select_n3A_328 = arith.select %and3A_326, %sub3A_327, %add3A_46 : vector<16xi1>, vector<16xi32>
      %swap3A_329 = arith.constant 32 : index
      %swap3A_330 = tpu.vector_load %arg6[%swap3A_329] {strides = array<i32>} : memref<128xi32, #tpu.memory_space<vmem>>, vector<16xi32>,
      tpu.vector_store %arg6[%swap3A_329], %select_n3A_328 {strides = array<i32>} : memref<128xi32, #tpu.memory_space<vmem>>, vector<16xi32>,
      %broadcast_in_dim3A_331 = arith.constant 1 : i32
      %broadcast_in_dim3A_332 = vector.broadcast %broadcast_in_dim3A_331 : i32 to vector<16xi32>
      %broadcast_in_dim3A_333 = arith.constant 0 : i32
      %broadcast_in_dim3A_334 = vector.broadcast %broadcast_in_dim3A_333 : i32 to vector<16xi32>
      %select_n3A_335 = arith.select %and3A_326, %broadcast_in_dim3A_332, %broadcast_in_dim3A_334 : vector<16xi1>, vector<16xi32>
      %add3A_336 = arith.addi %add3A_319, %select_n3A_335 : vector<16xi32>
      %add3A_337 = arith.constant 48 : i32
      %add3A_338 = arith.addi %mul3A_290, %add3A_337 : i32
      %get3A_339 = arith.index_cast %add3A_338 : i32 to index
      %get3A_340 = tpu.vector_load %arg5[%get3A_339] {strides = array<i32>} : memref<17408xi32, #tpu.memory_space<vmem>>, vector<16xi32>,
      %ge3A_341 = arith.cmpi sge, %get3A_340, %broadcast_in_dim3A_40 : vector<16xi32>
      %lt3A_342 = arith.cmpi slt, %get3A_340, %broadcast_in_dim3A_42 : vector<16xi32>
      %and3A_343 = arith.andi %ge3A_341, %lt3A_342 : vector<16xi1>
      %sub3A_344 = arith.subi %get3A_340, %broadcast_in_dim3A_40 : vector<16xi32>
      %select_n3A_345 = arith.select %and3A_343, %sub3A_344, %add3A_46 : vector<16xi1>, vector<16xi32>
      %swap3A_346 = arith.constant 48 : index
      %swap3A_347 = tpu.vector_load %arg6[%swap3A_346] {strides = array<i32>} : memref<128xi32, #tpu.memory_space<vmem>>, vector<16xi32>,
      tpu.vector_store %arg6[%swap3A_346], %select_n3A_345 {strides = array<i32>} : memref<128xi32, #tpu.memory_space<vmem>>, vector<16xi32>,
      %broadcast_in_dim3A_348 = arith.constant 1 : i32
      %broadcast_in_dim3A_349 = vector.broadcast %broadcast_in_dim3A_348 : i32 to vector<16xi32>
      %broadcast_in_dim3A_350 = arith.constant 0 : i32
      %broadcast_in_dim3A_351 = vector.broadcast %broadcast_in_dim3A_350 : i32 to vector<16xi32>
      %select_n3A_352 = arith.select %and3A_343, %broadcast_in_dim3A_349, %broadcast_in_dim3A_351 : vector<16xi1>, vector<16xi32>
      %add3A_353 = arith.addi %add3A_336, %select_n3A_352 : vector<16xi32>
      %add3A_354 = arith.constant 64 : i32
      %add3A_355 = arith.addi %mul3A_290, %add3A_354 : i32
      %get3A_356 = arith.index_cast %add3A_355 : i32 to index
      %get3A_357 = tpu.vector_load %arg5[%get3A_356] {strides = array<i32>} : memref<17408xi32, #tpu.memory_space<vmem>>, vector<16xi32>,
      %ge3A_358 = arith.cmpi sge, %get3A_357, %broadcast_in_dim3A_40 : vector<16xi32>
      %lt3A_359 = arith.cmpi slt, %get3A_357, %broadcast_in_dim3A_42 : vector<16xi32>
      %and3A_360 = arith.andi %ge3A_358, %lt3A_359 : vector<16xi1>
      %sub3A_361 = arith.subi %get3A_357, %broadcast_in_dim3A_40 : vector<16xi32>
      %select_n3A_362 = arith.select %and3A_360, %sub3A_361, %add3A_46 : vector<16xi1>, vector<16xi32>
      %swap3A_363 = arith.constant 64 : index
      %swap3A_364 = tpu.vector_load %arg6[%swap3A_363] {strides = array<i32>} : memref<128xi32, #tpu.memory_space<vmem>>, vector<16xi32>,
      tpu.vector_store %arg6[%swap3A_363], %select_n3A_362 {strides = array<i32>} : memref<128xi32, #tpu.memory_space<vmem>>, vector<16xi32>,
      %broadcast_in_dim3A_365 = arith.constant 1 : i32
      %broadcast_in_dim3A_366 = vector.broadcast %broadcast_in_dim3A_365 : i32 to vector<16xi32>
      %broadcast_in_dim3A_367 = arith.constant 0 : i32
      %broadcast_in_dim3A_368 = vector.broadcast %broadcast_in_dim3A_367 : i32 to vector<16xi32>
      %select_n3A_369 = arith.select %and3A_360, %broadcast_in_dim3A_366, %broadcast_in_dim3A_368 : vector<16xi1>, vector<16xi32>
      %add3A_370 = arith.addi %add3A_353, %select_n3A_369 : vector<16xi32>
      %add3A_371 = arith.constant 80 : i32
      %add3A_372 = arith.addi %mul3A_290, %add3A_371 : i32
      %get3A_373 = arith.index_cast %add3A_372 : i32 to index
      %get3A_374 = tpu.vector_load %arg5[%get3A_373] {strides = array<i32>} : memref<17408xi32, #tpu.memory_space<vmem>>, vector<16xi32>,
      %ge3A_375 = arith.cmpi sge, %get3A_374, %broadcast_in_dim3A_40 : vector<16xi32>
      %lt3A_376 = arith.cmpi slt, %get3A_374, %broadcast_in_dim3A_42 : vector<16xi32>
      %and3A_377 = arith.andi %ge3A_375, %lt3A_376 : vector<16xi1>
      %sub3A_378 = arith.subi %get3A_374, %broadcast_in_dim3A_40 : vector<16xi32>
      %select_n3A_379 = arith.select %and3A_377, %sub3A_378, %add3A_46 : vector<16xi1>, vector<16xi32>
      %swap3A_380 = arith.constant 80 : index
      %swap3A_381 = tpu.vector_load %arg6[%swap3A_380] {strides = array<i32>} : memref<128xi32, #tpu.memory_space<vmem>>, vector<16xi32>,
      tpu.vector_store %arg6[%swap3A_380], %select_n3A_379 {strides = array<i32>} : memref<128xi32, #tpu.memory_space<vmem>>, vector<16xi32>,
      %broadcast_in_dim3A_382 = arith.constant 1 : i32
      %broadcast_in_dim3A_383 = vector.broadcast %broadcast_in_dim3A_382 : i32 to vector<16xi32>
      %broadcast_in_dim3A_384 = arith.constant 0 : i32
      %broadcast_in_dim3A_385 = vector.broadcast %broadcast_in_dim3A_384 : i32 to vector<16xi32>
      %select_n3A_386 = arith.select %and3A_377, %broadcast_in_dim3A_383, %broadcast_in_dim3A_385 : vector<16xi1>, vector<16xi32>
      %add3A_387 = arith.addi %add3A_370, %select_n3A_386 : vector<16xi32>
      %add3A_388 = arith.constant 96 : i32
      %add3A_389 = arith.addi %mul3A_290, %add3A_388 : i32
      %get3A_390 = arith.index_cast %add3A_389 : i32 to index
      %get3A_391 = tpu.vector_load %arg5[%get3A_390] {strides = array<i32>} : memref<17408xi32, #tpu.memory_space<vmem>>, vector<16xi32>,
      %ge3A_392 = arith.cmpi sge, %get3A_391, %broadcast_in_dim3A_40 : vector<16xi32>
      %lt3A_393 = arith.cmpi slt, %get3A_391, %broadcast_in_dim3A_42 : vector<16xi32>
      %and3A_394 = arith.andi %ge3A_392, %lt3A_393 : vector<16xi1>
      %sub3A_395 = arith.subi %get3A_391, %broadcast_in_dim3A_40 : vector<16xi32>
      %select_n3A_396 = arith.select %and3A_394, %sub3A_395, %add3A_46 : vector<16xi1>, vector<16xi32>
      %swap3A_397 = arith.constant 96 : index
      %swap3A_398 = tpu.vector_load %arg6[%swap3A_397] {strides = array<i32>} : memref<128xi32, #tpu.memory_space<vmem>>, vector<16xi32>,
      tpu.vector_store %arg6[%swap3A_397], %select_n3A_396 {strides = array<i32>} : memref<128xi32, #tpu.memory_space<vmem>>, vector<16xi32>,
      %broadcast_in_dim3A_399 = arith.constant 1 : i32
      %broadcast_in_dim3A_400 = vector.broadcast %broadcast_in_dim3A_399 : i32 to vector<16xi32>
      %broadcast_in_dim3A_401 = arith.constant 0 : i32
      %broadcast_in_dim3A_402 = vector.broadcast %broadcast_in_dim3A_401 : i32 to vector<16xi32>
      %select_n3A_403 = arith.select %and3A_394, %broadcast_in_dim3A_400, %broadcast_in_dim3A_402 : vector<16xi1>, vector<16xi32>
      %add3A_404 = arith.addi %add3A_387, %select_n3A_403 : vector<16xi32>
      %add3A_405 = arith.constant 112 : i32
      %add3A_406 = arith.addi %mul3A_290, %add3A_405 : i32
      %get3A_407 = arith.index_cast %add3A_406 : i32 to index
      %get3A_408 = tpu.vector_load %arg5[%get3A_407] {strides = array<i32>} : memref<17408xi32, #tpu.memory_space<vmem>>, vector<16xi32>,
      %ge3A_409 = arith.cmpi sge, %get3A_408, %broadcast_in_dim3A_40 : vector<16xi32>
      %lt3A_410 = arith.cmpi slt, %get3A_408, %broadcast_in_dim3A_42 : vector<16xi32>
      %and3A_411 = arith.andi %ge3A_409, %lt3A_410 : vector<16xi1>
      %sub3A_412 = arith.subi %get3A_408, %broadcast_in_dim3A_40 : vector<16xi32>
      %select_n3A_413 = arith.select %and3A_411, %sub3A_412, %add3A_46 : vector<16xi1>, vector<16xi32>
      %swap3A_414 = arith.constant 112 : index
      %swap3A_415 = tpu.vector_load %arg6[%swap3A_414] {strides = array<i32>} : memref<128xi32, #tpu.memory_space<vmem>>, vector<16xi32>,
      tpu.vector_store %arg6[%swap3A_414], %select_n3A_413 {strides = array<i32>} : memref<128xi32, #tpu.memory_space<vmem>>, vector<16xi32>,
      %broadcast_in_dim3A_416 = arith.constant 1 : i32
      %broadcast_in_dim3A_417 = vector.broadcast %broadcast_in_dim3A_416 : i32 to vector<16xi32>
      %broadcast_in_dim3A_418 = arith.constant 0 : i32
      %broadcast_in_dim3A_419 = vector.broadcast %broadcast_in_dim3A_418 : i32 to vector<16xi32>
      %select_n3A_420 = arith.select %and3A_411, %broadcast_in_dim3A_417, %broadcast_in_dim3A_419 : vector<16xi1>, vector<16xi32>
      %add3A_421 = arith.addi %add3A_404, %select_n3A_420 : vector<16xi32>
      %reduce_sum3A = arith.constant true
      %reduce_sum3A_422 = vector.broadcast %reduce_sum3A : i1 to vector<16xi1>
      %reduce_sum3A_423 = tpu.scan <sum>, %add3A_421 masked %reduce_sum3A_422 : vector<16xi32>, vector<16xi1> -> vector<16xi32>
      %reduce_sum3A_424 = vector.extract %reduce_sum3A_423[15] : i32 from vector<16xi32>
      %gt3A = arith.constant 0 : i32
      %gt3A_425 = arith.cmpi sgt, %reduce_sum3A_424, %gt3A : i32
      %convert_element_type3A = arith.extui %gt3A_425 : i1 to i32
      %cond3A = arith.constant 0 : i32
      %cond3A_426 = arith.cmpi ne, %convert_element_type3A, %cond3A : i32
      scf.if %cond3A_426 {
        %add3A_427 = arith.addi %mul3A_2, %mul3A_290 : i32
        "tpu.region"() ({
          %run_scoped3A = tpu.sem_alloc : memref<!tpu.dma_semaphore, #tpu.memory_space<semaphore_mem>>
          %dma_start3A = arith.constant 0 : i32
          %dma_start3A_428 = tpu.memref_slice %arg2[%add3A_427, %dma_start3A] : memref<557056x32xf32, #tpu.memory_space<hbm>> -> memref<128x32xf32, #tpu.memory_space<hbm>>
          %dma_start3A_429 = arith.constant 0 : i32
          %dma_start3A_430 = tpu.memref_slice %arg2[%add3A_427, %dma_start3A_429] : memref<557056x32xf32, #tpu.memory_space<hbm>> -> memref<128x32xf32, #tpu.memory_space<hbm>>
          tpu.enqueue_dma source(%dma_start3A_430 : memref<128x32xf32, #tpu.memory_space<hbm>>) target(%arg7 : memref<128x32xf32, #tpu.memory_space<vmem>>) target_semaphore(%run_scoped3A : memref<!tpu.dma_semaphore, #tpu.memory_space<semaphore_mem>>)
          %dma_wait3A = arith.constant 0 : i32
          %dma_wait3A_431 = tpu.memref_slice %arg2[%add3A_427, %dma_wait3A] : memref<557056x32xf32, #tpu.memory_space<hbm>> -> memref<128x32xf32, #tpu.memory_space<hbm>>
          %dma_wait3A_432 = arith.constant 0 : i32
          %dma_wait3A_433 = tpu.memref_slice %arg2[%add3A_427, %dma_wait3A_432] : memref<557056x32xf32, #tpu.memory_space<hbm>> -> memref<128x32xf32, #tpu.memory_space<hbm>>
          tpu.wait_dma2 semaphore(%run_scoped3A : memref<!tpu.dma_semaphore, #tpu.memory_space<semaphore_mem>>) src(%dma_wait3A_433 : memref<128x32xf32, #tpu.memory_space<hbm>>) dst(%arg7 : memref<128x32xf32, #tpu.memory_space<vmem>>)
          tpu.yield
        }) : () -> ()
        "tpu.region"() ({
          %run_scoped3A = tpu.sem_alloc : memref<!tpu.dma_semaphore, #tpu.memory_space<semaphore_mem>>
          %dma_start3A = arith.constant 0 : i32
          %dma_start3A_428 = arith.constant 0 : i32
          %dma_start3A_429 = tpu.memref_slice %arg9[%dma_start3A, %dma_start3A_428] : memref<16400x32xf32, #tpu.memory_space<vmem_shared>> -> memref<16400x32xf32, #tpu.memory_space<vmem_shared>>
          tpu.enqueue_indirect_dma source(%arg7 : memref<128x32xf32, #tpu.memory_space<vmem>>) target(%dma_start3A_429 : memref<16400x32xf32, #tpu.memory_space<vmem_shared>>) offsets(%arg6 : memref<128xi32, #tpu.memory_space<vmem>>) semaphore(%run_scoped3A : memref<!tpu.dma_semaphore, #tpu.memory_space<semaphore_mem>>) {add = true}
          %dma_wait3A = arith.constant 0 : i32
          %dma_wait3A_430 = arith.constant 0 : i32
          %dma_wait3A_431 = tpu.memref_slice %arg9[%dma_wait3A, %dma_wait3A_430] : memref<16400x32xf32, #tpu.memory_space<vmem_shared>> -> memref<16400x32xf32, #tpu.memory_space<vmem_shared>>
          tpu.wait_indirect_dma semaphore(%run_scoped3A : memref<!tpu.dma_semaphore, #tpu.memory_space<semaphore_mem>>) src(%arg7 : memref<128x32xf32, #tpu.memory_space<vmem>>) dst(%dma_wait3A_431 : memref<16400x32xf32, #tpu.memory_space<vmem_shared>>)
          tpu.yield
        }) : () -> ()
      } else {
      }
    }
    %scan3A_52 = arith.constant 136 : i32
    %barrier3A_53 = arith.constant 0 : index
    tpu.barrier barrier_id(%barrier3A_53)
    %mul3A_54 = arith.constant 1024 : i32
    %mul3A_55 = arith.muli %arg1, %mul3A_54 : i32
    %mul3A_56 = arith.constant 163840 : i32
    %mul3A_57 = arith.muli %arg0, %mul3A_56 : i32
    %add3A_58 = arith.constant 16384 : i32
    %add3A_59 = arith.addi %mul3A_57, %add3A_58 : i32
    %mul3A_60 = arith.constant 1024 : i32
    %mul3A_61 = arith.muli %arg1, %mul3A_60 : i32
    %add3A_62 = arith.addi %add3A_59, %mul3A_61 : i32
    "tpu.region"() ({
      %run_scoped3A = tpu.sem_alloc : memref<!tpu.dma_semaphore, #tpu.memory_space<semaphore_mem>>
      %dma_start3A = arith.constant 0 : i32
      %dma_start3A_288 = tpu.memref_slice %arg4[%add3A_62, %dma_start3A] : memref<327680x32xf32, #tpu.memory_space<hbm>> -> memref<1024x32xf32, #tpu.memory_space<hbm>>
      %dma_start3A_289 = arith.constant 0 : i32
      %dma_start3A_290 = tpu.memref_slice %arg9[%mul3A_55, %dma_start3A_289] : memref<16400x32xf32, #tpu.memory_space<vmem_shared>> -> memref<1024x32xf32, #tpu.memory_space<vmem_shared>>
      tpu.enqueue_dma source(%dma_start3A_290 : memref<1024x32xf32, #tpu.memory_space<vmem_shared>>) target(%dma_start3A_288 : memref<1024x32xf32, #tpu.memory_space<hbm>>) target_semaphore(%run_scoped3A : memref<!tpu.dma_semaphore, #tpu.memory_space<semaphore_mem>>)
      %dma_wait3A = arith.constant 0 : i32
      %dma_wait3A_291 = tpu.memref_slice %arg4[%add3A_62, %dma_wait3A] : memref<327680x32xf32, #tpu.memory_space<hbm>> -> memref<1024x32xf32, #tpu.memory_space<hbm>>
      %dma_wait3A_292 = arith.constant 0 : i32
      %dma_wait3A_293 = tpu.memref_slice %arg9[%mul3A_55, %dma_wait3A_292] : memref<16400x32xf32, #tpu.memory_space<vmem_shared>> -> memref<1024x32xf32, #tpu.memory_space<vmem_shared>>
      tpu.wait_dma2 semaphore(%run_scoped3A : memref<!tpu.dma_semaphore, #tpu.memory_space<semaphore_mem>>) src(%dma_wait3A_293 : memref<1024x32xf32, #tpu.memory_space<vmem_shared>>) dst(%dma_wait3A_291 : memref<1024x32xf32, #tpu.memory_space<hbm>>)
      tpu.yield
    }) : () -> ()
    %barrier3A_63 = arith.constant 0 : index
    tpu.barrier barrier_id(%barrier3A_63)
    %mul3A_64 = arith.constant 1025 : i32
    %mul3A_65 = arith.muli %arg1, %mul3A_64 : i32
    "tpu.region"() ({
      %run_scoped3A = tpu.sem_alloc : memref<!tpu.dma_semaphore, #tpu.memory_space<semaphore_mem>>
      %dma_start3A = arith.constant 0 : i32
      %dma_start3A_288 = tpu.memref_slice %arg9[%mul3A_65, %dma_start3A] : memref<16400x32xf32, #tpu.memory_space<vmem_shared>> -> memref<1025x32xf32, #tpu.memory_space<vmem_shared>>
      %dma_start3A_289 = arith.constant 0 : i32
      %dma_start3A_290 = tpu.memref_slice %arg9[%mul3A_65, %dma_start3A_289] : memref<16400x32xf32, #tpu.memory_space<vmem_shared>> -> memref<1025x32xf32, #tpu.memory_space<vmem_shared>>
      tpu.enqueue_dma source(%arg8 : memref<1025x32xf32, #tpu.memory_space<vmem>>) target(%dma_start3A_290 : memref<1025x32xf32, #tpu.memory_space<vmem_shared>>) target_semaphore(%run_scoped3A : memref<!tpu.dma_semaphore, #tpu.memory_space<semaphore_mem>>)
      %dma_wait3A = arith.constant 0 : i32
      %dma_wait3A_291 = tpu.memref_slice %arg9[%mul3A_65, %dma_wait3A] : memref<16400x32xf32, #tpu.memory_space<vmem_shared>> -> memref<1025x32xf32, #tpu.memory_space<vmem_shared>>
      %dma_wait3A_292 = arith.constant 0 : i32
      %dma_wait3A_293 = tpu.memref_slice %arg9[%mul3A_65, %dma_wait3A_292] : memref<16400x32xf32, #tpu.memory_space<vmem_shared>> -> memref<1025x32xf32, #tpu.memory_space<vmem_shared>>
      tpu.wait_dma2 semaphore(%run_scoped3A : memref<!tpu.dma_semaphore, #tpu.memory_space<semaphore_mem>>) src(%arg8 : memref<1025x32xf32, #tpu.memory_space<vmem>>) dst(%dma_wait3A_293 : memref<1025x32xf32, #tpu.memory_space<vmem_shared>>)
      tpu.yield
    }) : () -> ()
    %barrier3A_66 = arith.constant 0 : index
    tpu.barrier barrier_id(%barrier3A_66)
    %broadcast_in_dim3A_67 = arith.constant 32768 : i32
    %broadcast_in_dim3A_68 = vector.broadcast %broadcast_in_dim3A_67 : i32 to vector<16xi32>
    %broadcast_in_dim3A_69 = arith.constant 49152 : i32
    %broadcast_in_dim3A_70 = vector.broadcast %broadcast_in_dim3A_69 : i32 to vector<16xi32>
    %broadcast_in_dim3A_71 = arith.constant 16384 : i32
    %broadcast_in_dim3A_72 = vector.broadcast %broadcast_in_dim3A_71 : i32 to vector<16xi32>
    %broadcast_in_dim3A_73 = vector.broadcast %arg1 : i32 to vector<16xi32>
    %add3A_74 = arith.addi %broadcast_in_dim3A_72, %broadcast_in_dim3A_73 : vector<16xi32>
    %scan3A_75 = arith.constant 0 : i32
    %scan3A_76 = arith.constant 0 : i32
    %scan3A_77 = arith.constant 136 : i32
    %scan3A_78 = arith.addi %scan3A_76, %scan3A_77 : i32
    %scan3A_79 = arith.constant 1 : i32
    scf.for %scan3A_288 = %scan3A_76 to %scan3A_78 step %scan3A_79  : i32 {
      %mul3A_289 = arith.constant 128 : i32
      %mul3A_290 = arith.muli %scan3A_288, %mul3A_289 : i32
      %broadcast_in_dim3A_291 = arith.constant 0 : i32
      %broadcast_in_dim3A_292 = vector.broadcast %broadcast_in_dim3A_291 : i32 to vector<16xi32>
      %add3A_293 = arith.constant 0 : i32
      %add3A_294 = arith.addi %mul3A_290, %add3A_293 : i32
      %get3A = arith.index_cast %add3A_294 : i32 to index
      %get3A_295 = tpu.vector_load %arg5[%get3A] {strides = array<i32>} : memref<17408xi32, #tpu.memory_space<vmem>>, vector<16xi32>,
      %ge3A = arith.cmpi sge, %get3A_295, %broadcast_in_dim3A_68 : vector<16xi32>
      %lt3A = arith.cmpi slt, %get3A_295, %broadcast_in_dim3A_70 : vector<16xi32>
      %and3A = arith.andi %ge3A, %lt3A : vector<16xi1>
      %sub3A = arith.subi %get3A_295, %broadcast_in_dim3A_68 : vector<16xi32>
      %select_n3A = arith.select %and3A, %sub3A, %add3A_74 : vector<16xi1>, vector<16xi32>
      %swap3A = arith.constant 0 : index
      %swap3A_296 = tpu.vector_load %arg6[%swap3A] {strides = array<i32>} : memref<128xi32, #tpu.memory_space<vmem>>, vector<16xi32>,
      tpu.vector_store %arg6[%swap3A], %select_n3A {strides = array<i32>} : memref<128xi32, #tpu.memory_space<vmem>>, vector<16xi32>,
      %broadcast_in_dim3A_297 = arith.constant 1 : i32
      %broadcast_in_dim3A_298 = vector.broadcast %broadcast_in_dim3A_297 : i32 to vector<16xi32>
      %broadcast_in_dim3A_299 = arith.constant 0 : i32
      %broadcast_in_dim3A_300 = vector.broadcast %broadcast_in_dim3A_299 : i32 to vector<16xi32>
      %select_n3A_301 = arith.select %and3A, %broadcast_in_dim3A_298, %broadcast_in_dim3A_300 : vector<16xi1>, vector<16xi32>
      %add3A_302 = arith.addi %broadcast_in_dim3A_292, %select_n3A_301 : vector<16xi32>
      %add3A_303 = arith.constant 16 : i32
      %add3A_304 = arith.addi %mul3A_290, %add3A_303 : i32
      %get3A_305 = arith.index_cast %add3A_304 : i32 to index
      %get3A_306 = tpu.vector_load %arg5[%get3A_305] {strides = array<i32>} : memref<17408xi32, #tpu.memory_space<vmem>>, vector<16xi32>,
      %ge3A_307 = arith.cmpi sge, %get3A_306, %broadcast_in_dim3A_68 : vector<16xi32>
      %lt3A_308 = arith.cmpi slt, %get3A_306, %broadcast_in_dim3A_70 : vector<16xi32>
      %and3A_309 = arith.andi %ge3A_307, %lt3A_308 : vector<16xi1>
      %sub3A_310 = arith.subi %get3A_306, %broadcast_in_dim3A_68 : vector<16xi32>
      %select_n3A_311 = arith.select %and3A_309, %sub3A_310, %add3A_74 : vector<16xi1>, vector<16xi32>
      %swap3A_312 = arith.constant 16 : index
      %swap3A_313 = tpu.vector_load %arg6[%swap3A_312] {strides = array<i32>} : memref<128xi32, #tpu.memory_space<vmem>>, vector<16xi32>,
      tpu.vector_store %arg6[%swap3A_312], %select_n3A_311 {strides = array<i32>} : memref<128xi32, #tpu.memory_space<vmem>>, vector<16xi32>,
      %broadcast_in_dim3A_314 = arith.constant 1 : i32
      %broadcast_in_dim3A_315 = vector.broadcast %broadcast_in_dim3A_314 : i32 to vector<16xi32>
      %broadcast_in_dim3A_316 = arith.constant 0 : i32
      %broadcast_in_dim3A_317 = vector.broadcast %broadcast_in_dim3A_316 : i32 to vector<16xi32>
      %select_n3A_318 = arith.select %and3A_309, %broadcast_in_dim3A_315, %broadcast_in_dim3A_317 : vector<16xi1>, vector<16xi32>
      %add3A_319 = arith.addi %add3A_302, %select_n3A_318 : vector<16xi32>
      %add3A_320 = arith.constant 32 : i32
      %add3A_321 = arith.addi %mul3A_290, %add3A_320 : i32
      %get3A_322 = arith.index_cast %add3A_321 : i32 to index
      %get3A_323 = tpu.vector_load %arg5[%get3A_322] {strides = array<i32>} : memref<17408xi32, #tpu.memory_space<vmem>>, vector<16xi32>,
      %ge3A_324 = arith.cmpi sge, %get3A_323, %broadcast_in_dim3A_68 : vector<16xi32>
      %lt3A_325 = arith.cmpi slt, %get3A_323, %broadcast_in_dim3A_70 : vector<16xi32>
      %and3A_326 = arith.andi %ge3A_324, %lt3A_325 : vector<16xi1>
      %sub3A_327 = arith.subi %get3A_323, %broadcast_in_dim3A_68 : vector<16xi32>
      %select_n3A_328 = arith.select %and3A_326, %sub3A_327, %add3A_74 : vector<16xi1>, vector<16xi32>
      %swap3A_329 = arith.constant 32 : index
      %swap3A_330 = tpu.vector_load %arg6[%swap3A_329] {strides = array<i32>} : memref<128xi32, #tpu.memory_space<vmem>>, vector<16xi32>,
      tpu.vector_store %arg6[%swap3A_329], %select_n3A_328 {strides = array<i32>} : memref<128xi32, #tpu.memory_space<vmem>>, vector<16xi32>,
      %broadcast_in_dim3A_331 = arith.constant 1 : i32
      %broadcast_in_dim3A_332 = vector.broadcast %broadcast_in_dim3A_331 : i32 to vector<16xi32>
      %broadcast_in_dim3A_333 = arith.constant 0 : i32
      %broadcast_in_dim3A_334 = vector.broadcast %broadcast_in_dim3A_333 : i32 to vector<16xi32>
      %select_n3A_335 = arith.select %and3A_326, %broadcast_in_dim3A_332, %broadcast_in_dim3A_334 : vector<16xi1>, vector<16xi32>
      %add3A_336 = arith.addi %add3A_319, %select_n3A_335 : vector<16xi32>
      %add3A_337 = arith.constant 48 : i32
      %add3A_338 = arith.addi %mul3A_290, %add3A_337 : i32
      %get3A_339 = arith.index_cast %add3A_338 : i32 to index
      %get3A_340 = tpu.vector_load %arg5[%get3A_339] {strides = array<i32>} : memref<17408xi32, #tpu.memory_space<vmem>>, vector<16xi32>,
      %ge3A_341 = arith.cmpi sge, %get3A_340, %broadcast_in_dim3A_68 : vector<16xi32>
      %lt3A_342 = arith.cmpi slt, %get3A_340, %broadcast_in_dim3A_70 : vector<16xi32>
      %and3A_343 = arith.andi %ge3A_341, %lt3A_342 : vector<16xi1>
      %sub3A_344 = arith.subi %get3A_340, %broadcast_in_dim3A_68 : vector<16xi32>
      %select_n3A_345 = arith.select %and3A_343, %sub3A_344, %add3A_74 : vector<16xi1>, vector<16xi32>
      %swap3A_346 = arith.constant 48 : index
      %swap3A_347 = tpu.vector_load %arg6[%swap3A_346] {strides = array<i32>} : memref<128xi32, #tpu.memory_space<vmem>>, vector<16xi32>,
      tpu.vector_store %arg6[%swap3A_346], %select_n3A_345 {strides = array<i32>} : memref<128xi32, #tpu.memory_space<vmem>>, vector<16xi32>,
      %broadcast_in_dim3A_348 = arith.constant 1 : i32
      %broadcast_in_dim3A_349 = vector.broadcast %broadcast_in_dim3A_348 : i32 to vector<16xi32>
      %broadcast_in_dim3A_350 = arith.constant 0 : i32
      %broadcast_in_dim3A_351 = vector.broadcast %broadcast_in_dim3A_350 : i32 to vector<16xi32>
      %select_n3A_352 = arith.select %and3A_343, %broadcast_in_dim3A_349, %broadcast_in_dim3A_351 : vector<16xi1>, vector<16xi32>
      %add3A_353 = arith.addi %add3A_336, %select_n3A_352 : vector<16xi32>
      %add3A_354 = arith.constant 64 : i32
      %add3A_355 = arith.addi %mul3A_290, %add3A_354 : i32
      %get3A_356 = arith.index_cast %add3A_355 : i32 to index
      %get3A_357 = tpu.vector_load %arg5[%get3A_356] {strides = array<i32>} : memref<17408xi32, #tpu.memory_space<vmem>>, vector<16xi32>,
      %ge3A_358 = arith.cmpi sge, %get3A_357, %broadcast_in_dim3A_68 : vector<16xi32>
      %lt3A_359 = arith.cmpi slt, %get3A_357, %broadcast_in_dim3A_70 : vector<16xi32>
      %and3A_360 = arith.andi %ge3A_358, %lt3A_359 : vector<16xi1>
      %sub3A_361 = arith.subi %get3A_357, %broadcast_in_dim3A_68 : vector<16xi32>
      %select_n3A_362 = arith.select %and3A_360, %sub3A_361, %add3A_74 : vector<16xi1>, vector<16xi32>
      %swap3A_363 = arith.constant 64 : index
      %swap3A_364 = tpu.vector_load %arg6[%swap3A_363] {strides = array<i32>} : memref<128xi32, #tpu.memory_space<vmem>>, vector<16xi32>,
      tpu.vector_store %arg6[%swap3A_363], %select_n3A_362 {strides = array<i32>} : memref<128xi32, #tpu.memory_space<vmem>>, vector<16xi32>,
      %broadcast_in_dim3A_365 = arith.constant 1 : i32
      %broadcast_in_dim3A_366 = vector.broadcast %broadcast_in_dim3A_365 : i32 to vector<16xi32>
      %broadcast_in_dim3A_367 = arith.constant 0 : i32
      %broadcast_in_dim3A_368 = vector.broadcast %broadcast_in_dim3A_367 : i32 to vector<16xi32>
      %select_n3A_369 = arith.select %and3A_360, %broadcast_in_dim3A_366, %broadcast_in_dim3A_368 : vector<16xi1>, vector<16xi32>
      %add3A_370 = arith.addi %add3A_353, %select_n3A_369 : vector<16xi32>
      %add3A_371 = arith.constant 80 : i32
      %add3A_372 = arith.addi %mul3A_290, %add3A_371 : i32
      %get3A_373 = arith.index_cast %add3A_372 : i32 to index
      %get3A_374 = tpu.vector_load %arg5[%get3A_373] {strides = array<i32>} : memref<17408xi32, #tpu.memory_space<vmem>>, vector<16xi32>,
      %ge3A_375 = arith.cmpi sge, %get3A_374, %broadcast_in_dim3A_68 : vector<16xi32>
      %lt3A_376 = arith.cmpi slt, %get3A_374, %broadcast_in_dim3A_70 : vector<16xi32>
      %and3A_377 = arith.andi %ge3A_375, %lt3A_376 : vector<16xi1>
      %sub3A_378 = arith.subi %get3A_374, %broadcast_in_dim3A_68 : vector<16xi32>
      %select_n3A_379 = arith.select %and3A_377, %sub3A_378, %add3A_74 : vector<16xi1>, vector<16xi32>
      %swap3A_380 = arith.constant 80 : index
      %swap3A_381 = tpu.vector_load %arg6[%swap3A_380] {strides = array<i32>} : memref<128xi32, #tpu.memory_space<vmem>>, vector<16xi32>,
      tpu.vector_store %arg6[%swap3A_380], %select_n3A_379 {strides = array<i32>} : memref<128xi32, #tpu.memory_space<vmem>>, vector<16xi32>,
      %broadcast_in_dim3A_382 = arith.constant 1 : i32
      %broadcast_in_dim3A_383 = vector.broadcast %broadcast_in_dim3A_382 : i32 to vector<16xi32>
      %broadcast_in_dim3A_384 = arith.constant 0 : i32
      %broadcast_in_dim3A_385 = vector.broadcast %broadcast_in_dim3A_384 : i32 to vector<16xi32>
      %select_n3A_386 = arith.select %and3A_377, %broadcast_in_dim3A_383, %broadcast_in_dim3A_385 : vector<16xi1>, vector<16xi32>
      %add3A_387 = arith.addi %add3A_370, %select_n3A_386 : vector<16xi32>
      %add3A_388 = arith.constant 96 : i32
      %add3A_389 = arith.addi %mul3A_290, %add3A_388 : i32
      %get3A_390 = arith.index_cast %add3A_389 : i32 to index
      %get3A_391 = tpu.vector_load %arg5[%get3A_390] {strides = array<i32>} : memref<17408xi32, #tpu.memory_space<vmem>>, vector<16xi32>,
      %ge3A_392 = arith.cmpi sge, %get3A_391, %broadcast_in_dim3A_68 : vector<16xi32>
      %lt3A_393 = arith.cmpi slt, %get3A_391, %broadcast_in_dim3A_70 : vector<16xi32>
      %and3A_394 = arith.andi %ge3A_392, %lt3A_393 : vector<16xi1>
      %sub3A_395 = arith.subi %get3A_391, %broadcast_in_dim3A_68 : vector<16xi32>
      %select_n3A_396 = arith.select %and3A_394, %sub3A_395, %add3A_74 : vector<16xi1>, vector<16xi32>
      %swap3A_397 = arith.constant 96 : index
      %swap3A_398 = tpu.vector_load %arg6[%swap3A_397] {strides = array<i32>} : memref<128xi32, #tpu.memory_space<vmem>>, vector<16xi32>,
      tpu.vector_store %arg6[%swap3A_397], %select_n3A_396 {strides = array<i32>} : memref<128xi32, #tpu.memory_space<vmem>>, vector<16xi32>,
      %broadcast_in_dim3A_399 = arith.constant 1 : i32
      %broadcast_in_dim3A_400 = vector.broadcast %broadcast_in_dim3A_399 : i32 to vector<16xi32>
      %broadcast_in_dim3A_401 = arith.constant 0 : i32
      %broadcast_in_dim3A_402 = vector.broadcast %broadcast_in_dim3A_401 : i32 to vector<16xi32>
      %select_n3A_403 = arith.select %and3A_394, %broadcast_in_dim3A_400, %broadcast_in_dim3A_402 : vector<16xi1>, vector<16xi32>
      %add3A_404 = arith.addi %add3A_387, %select_n3A_403 : vector<16xi32>
      %add3A_405 = arith.constant 112 : i32
      %add3A_406 = arith.addi %mul3A_290, %add3A_405 : i32
      %get3A_407 = arith.index_cast %add3A_406 : i32 to index
      %get3A_408 = tpu.vector_load %arg5[%get3A_407] {strides = array<i32>} : memref<17408xi32, #tpu.memory_space<vmem>>, vector<16xi32>,
      %ge3A_409 = arith.cmpi sge, %get3A_408, %broadcast_in_dim3A_68 : vector<16xi32>
      %lt3A_410 = arith.cmpi slt, %get3A_408, %broadcast_in_dim3A_70 : vector<16xi32>
      %and3A_411 = arith.andi %ge3A_409, %lt3A_410 : vector<16xi1>
      %sub3A_412 = arith.subi %get3A_408, %broadcast_in_dim3A_68 : vector<16xi32>
      %select_n3A_413 = arith.select %and3A_411, %sub3A_412, %add3A_74 : vector<16xi1>, vector<16xi32>
      %swap3A_414 = arith.constant 112 : index
      %swap3A_415 = tpu.vector_load %arg6[%swap3A_414] {strides = array<i32>} : memref<128xi32, #tpu.memory_space<vmem>>, vector<16xi32>,
      tpu.vector_store %arg6[%swap3A_414], %select_n3A_413 {strides = array<i32>} : memref<128xi32, #tpu.memory_space<vmem>>, vector<16xi32>,
      %broadcast_in_dim3A_416 = arith.constant 1 : i32
      %broadcast_in_dim3A_417 = vector.broadcast %broadcast_in_dim3A_416 : i32 to vector<16xi32>
      %broadcast_in_dim3A_418 = arith.constant 0 : i32
      %broadcast_in_dim3A_419 = vector.broadcast %broadcast_in_dim3A_418 : i32 to vector<16xi32>
      %select_n3A_420 = arith.select %and3A_411, %broadcast_in_dim3A_417, %broadcast_in_dim3A_419 : vector<16xi1>, vector<16xi32>
      %add3A_421 = arith.addi %add3A_404, %select_n3A_420 : vector<16xi32>
      %reduce_sum3A = arith.constant true
      %reduce_sum3A_422 = vector.broadcast %reduce_sum3A : i1 to vector<16xi1>
      %reduce_sum3A_423 = tpu.scan <sum>, %add3A_421 masked %reduce_sum3A_422 : vector<16xi32>, vector<16xi1> -> vector<16xi32>
      %reduce_sum3A_424 = vector.extract %reduce_sum3A_423[15] : i32 from vector<16xi32>
      %gt3A = arith.constant 0 : i32
      %gt3A_425 = arith.cmpi sgt, %reduce_sum3A_424, %gt3A : i32
      %convert_element_type3A = arith.extui %gt3A_425 : i1 to i32
      %cond3A = arith.constant 0 : i32
      %cond3A_426 = arith.cmpi ne, %convert_element_type3A, %cond3A : i32
      scf.if %cond3A_426 {
        %add3A_427 = arith.addi %mul3A_2, %mul3A_290 : i32
        "tpu.region"() ({
          %run_scoped3A = tpu.sem_alloc : memref<!tpu.dma_semaphore, #tpu.memory_space<semaphore_mem>>
          %dma_start3A = arith.constant 0 : i32
          %dma_start3A_428 = tpu.memref_slice %arg2[%add3A_427, %dma_start3A] : memref<557056x32xf32, #tpu.memory_space<hbm>> -> memref<128x32xf32, #tpu.memory_space<hbm>>
          %dma_start3A_429 = arith.constant 0 : i32
          %dma_start3A_430 = tpu.memref_slice %arg2[%add3A_427, %dma_start3A_429] : memref<557056x32xf32, #tpu.memory_space<hbm>> -> memref<128x32xf32, #tpu.memory_space<hbm>>
          tpu.enqueue_dma source(%dma_start3A_430 : memref<128x32xf32, #tpu.memory_space<hbm>>) target(%arg7 : memref<128x32xf32, #tpu.memory_space<vmem>>) target_semaphore(%run_scoped3A : memref<!tpu.dma_semaphore, #tpu.memory_space<semaphore_mem>>)
          %dma_wait3A = arith.constant 0 : i32
          %dma_wait3A_431 = tpu.memref_slice %arg2[%add3A_427, %dma_wait3A] : memref<557056x32xf32, #tpu.memory_space<hbm>> -> memref<128x32xf32, #tpu.memory_space<hbm>>
          %dma_wait3A_432 = arith.constant 0 : i32
          %dma_wait3A_433 = tpu.memref_slice %arg2[%add3A_427, %dma_wait3A_432] : memref<557056x32xf32, #tpu.memory_space<hbm>> -> memref<128x32xf32, #tpu.memory_space<hbm>>
          tpu.wait_dma2 semaphore(%run_scoped3A : memref<!tpu.dma_semaphore, #tpu.memory_space<semaphore_mem>>) src(%dma_wait3A_433 : memref<128x32xf32, #tpu.memory_space<hbm>>) dst(%arg7 : memref<128x32xf32, #tpu.memory_space<vmem>>)
          tpu.yield
        }) : () -> ()
        "tpu.region"() ({
          %run_scoped3A = tpu.sem_alloc : memref<!tpu.dma_semaphore, #tpu.memory_space<semaphore_mem>>
          %dma_start3A = arith.constant 0 : i32
          %dma_start3A_428 = arith.constant 0 : i32
          %dma_start3A_429 = tpu.memref_slice %arg9[%dma_start3A, %dma_start3A_428] : memref<16400x32xf32, #tpu.memory_space<vmem_shared>> -> memref<16400x32xf32, #tpu.memory_space<vmem_shared>>
          tpu.enqueue_indirect_dma source(%arg7 : memref<128x32xf32, #tpu.memory_space<vmem>>) target(%dma_start3A_429 : memref<16400x32xf32, #tpu.memory_space<vmem_shared>>) offsets(%arg6 : memref<128xi32, #tpu.memory_space<vmem>>) semaphore(%run_scoped3A : memref<!tpu.dma_semaphore, #tpu.memory_space<semaphore_mem>>) {add = true}
          %dma_wait3A = arith.constant 0 : i32
          %dma_wait3A_430 = arith.constant 0 : i32
          %dma_wait3A_431 = tpu.memref_slice %arg9[%dma_wait3A, %dma_wait3A_430] : memref<16400x32xf32, #tpu.memory_space<vmem_shared>> -> memref<16400x32xf32, #tpu.memory_space<vmem_shared>>
          tpu.wait_indirect_dma semaphore(%run_scoped3A : memref<!tpu.dma_semaphore, #tpu.memory_space<semaphore_mem>>) src(%arg7 : memref<128x32xf32, #tpu.memory_space<vmem>>) dst(%dma_wait3A_431 : memref<16400x32xf32, #tpu.memory_space<vmem_shared>>)
          tpu.yield
        }) : () -> ()
      } else {
      }
    }
    %scan3A_80 = arith.constant 136 : i32
    %barrier3A_81 = arith.constant 0 : index
    tpu.barrier barrier_id(%barrier3A_81)
    %mul3A_82 = arith.constant 1024 : i32
    %mul3A_83 = arith.muli %arg1, %mul3A_82 : i32
    %mul3A_84 = arith.constant 163840 : i32
    %mul3A_85 = arith.muli %arg0, %mul3A_84 : i32
    %add3A_86 = arith.constant 32768 : i32
    %add3A_87 = arith.addi %mul3A_85, %add3A_86 : i32
    %mul3A_88 = arith.constant 1024 : i32
    %mul3A_89 = arith.muli %arg1, %mul3A_88 : i32
    %add3A_90 = arith.addi %add3A_87, %mul3A_89 : i32
    "tpu.region"() ({
      %run_scoped3A = tpu.sem_alloc : memref<!tpu.dma_semaphore, #tpu.memory_space<semaphore_mem>>
      %dma_start3A = arith.constant 0 : i32
      %dma_start3A_288 = tpu.memref_slice %arg4[%add3A_90, %dma_start3A] : memref<327680x32xf32, #tpu.memory_space<hbm>> -> memref<1024x32xf32, #tpu.memory_space<hbm>>
      %dma_start3A_289 = arith.constant 0 : i32
      %dma_start3A_290 = tpu.memref_slice %arg9[%mul3A_83, %dma_start3A_289] : memref<16400x32xf32, #tpu.memory_space<vmem_shared>> -> memref<1024x32xf32, #tpu.memory_space<vmem_shared>>
      tpu.enqueue_dma source(%dma_start3A_290 : memref<1024x32xf32, #tpu.memory_space<vmem_shared>>) target(%dma_start3A_288 : memref<1024x32xf32, #tpu.memory_space<hbm>>) target_semaphore(%run_scoped3A : memref<!tpu.dma_semaphore, #tpu.memory_space<semaphore_mem>>)
      %dma_wait3A = arith.constant 0 : i32
      %dma_wait3A_291 = tpu.memref_slice %arg4[%add3A_90, %dma_wait3A] : memref<327680x32xf32, #tpu.memory_space<hbm>> -> memref<1024x32xf32, #tpu.memory_space<hbm>>
      %dma_wait3A_292 = arith.constant 0 : i32
      %dma_wait3A_293 = tpu.memref_slice %arg9[%mul3A_83, %dma_wait3A_292] : memref<16400x32xf32, #tpu.memory_space<vmem_shared>> -> memref<1024x32xf32, #tpu.memory_space<vmem_shared>>
      tpu.wait_dma2 semaphore(%run_scoped3A : memref<!tpu.dma_semaphore, #tpu.memory_space<semaphore_mem>>) src(%dma_wait3A_293 : memref<1024x32xf32, #tpu.memory_space<vmem_shared>>) dst(%dma_wait3A_291 : memref<1024x32xf32, #tpu.memory_space<hbm>>)
      tpu.yield
    }) : () -> ()
    %barrier3A_91 = arith.constant 0 : index
    tpu.barrier barrier_id(%barrier3A_91)
    %mul3A_92 = arith.constant 1025 : i32
    %mul3A_93 = arith.muli %arg1, %mul3A_92 : i32
    "tpu.region"() ({
      %run_scoped3A = tpu.sem_alloc : memref<!tpu.dma_semaphore, #tpu.memory_space<semaphore_mem>>
      %dma_start3A = arith.constant 0 : i32
      %dma_start3A_288 = tpu.memref_slice %arg9[%mul3A_93, %dma_start3A] : memref<16400x32xf32, #tpu.memory_space<vmem_shared>> -> memref<1025x32xf32, #tpu.memory_space<vmem_shared>>
      %dma_start3A_289 = arith.constant 0 : i32
      %dma_start3A_290 = tpu.memref_slice %arg9[%mul3A_93, %dma_start3A_289] : memref<16400x32xf32, #tpu.memory_space<vmem_shared>> -> memref<1025x32xf32, #tpu.memory_space<vmem_shared>>
      tpu.enqueue_dma source(%arg8 : memref<1025x32xf32, #tpu.memory_space<vmem>>) target(%dma_start3A_290 : memref<1025x32xf32, #tpu.memory_space<vmem_shared>>) target_semaphore(%run_scoped3A : memref<!tpu.dma_semaphore, #tpu.memory_space<semaphore_mem>>)
      %dma_wait3A = arith.constant 0 : i32
      %dma_wait3A_291 = tpu.memref_slice %arg9[%mul3A_93, %dma_wait3A] : memref<16400x32xf32, #tpu.memory_space<vmem_shared>> -> memref<1025x32xf32, #tpu.memory_space<vmem_shared>>
      %dma_wait3A_292 = arith.constant 0 : i32
      %dma_wait3A_293 = tpu.memref_slice %arg9[%mul3A_93, %dma_wait3A_292] : memref<16400x32xf32, #tpu.memory_space<vmem_shared>> -> memref<1025x32xf32, #tpu.memory_space<vmem_shared>>
      tpu.wait_dma2 semaphore(%run_scoped3A : memref<!tpu.dma_semaphore, #tpu.memory_space<semaphore_mem>>) src(%arg8 : memref<1025x32xf32, #tpu.memory_space<vmem>>) dst(%dma_wait3A_293 : memref<1025x32xf32, #tpu.memory_space<vmem_shared>>)
      tpu.yield
    }) : () -> ()
    %barrier3A_94 = arith.constant 0 : index
    tpu.barrier barrier_id(%barrier3A_94)
    %broadcast_in_dim3A_95 = arith.constant 49152 : i32
    %broadcast_in_dim3A_96 = vector.broadcast %broadcast_in_dim3A_95 : i32 to vector<16xi32>
    %broadcast_in_dim3A_97 = arith.constant 65536 : i32
    %broadcast_in_dim3A_98 = vector.broadcast %broadcast_in_dim3A_97 : i32 to vector<16xi32>
    %broadcast_in_dim3A_99 = arith.constant 16384 : i32
    %broadcast_in_dim3A_100 = vector.broadcast %broadcast_in_dim3A_99 : i32 to vector<16xi32>
    %broadcast_in_dim3A_101 = vector.broadcast %arg1 : i32 to vector<16xi32>
    %add3A_102 = arith.addi %broadcast_in_dim3A_100, %broadcast_in_dim3A_101 : vector<16xi32>
    %scan3A_103 = arith.constant 0 : i32
    %scan3A_104 = arith.constant 0 : i32
    %scan3A_105 = arith.constant 136 : i32
    %scan3A_106 = arith.addi %scan3A_104, %scan3A_105 : i32
    %scan3A_107 = arith.constant 1 : i32
    scf.for %scan3A_288 = %scan3A_104 to %scan3A_106 step %scan3A_107  : i32 {
      %mul3A_289 = arith.constant 128 : i32
      %mul3A_290 = arith.muli %scan3A_288, %mul3A_289 : i32
      %broadcast_in_dim3A_291 = arith.constant 0 : i32
      %broadcast_in_dim3A_292 = vector.broadcast %broadcast_in_dim3A_291 : i32 to vector<16xi32>
      %add3A_293 = arith.constant 0 : i32
      %add3A_294 = arith.addi %mul3A_290, %add3A_293 : i32
      %get3A = arith.index_cast %add3A_294 : i32 to index
      %get3A_295 = tpu.vector_load %arg5[%get3A] {strides = array<i32>} : memref<17408xi32, #tpu.memory_space<vmem>>, vector<16xi32>,
      %ge3A = arith.cmpi sge, %get3A_295, %broadcast_in_dim3A_96 : vector<16xi32>
      %lt3A = arith.cmpi slt, %get3A_295, %broadcast_in_dim3A_98 : vector<16xi32>
      %and3A = arith.andi %ge3A, %lt3A : vector<16xi1>
      %sub3A = arith.subi %get3A_295, %broadcast_in_dim3A_96 : vector<16xi32>
      %select_n3A = arith.select %and3A, %sub3A, %add3A_102 : vector<16xi1>, vector<16xi32>
      %swap3A = arith.constant 0 : index
      %swap3A_296 = tpu.vector_load %arg6[%swap3A] {strides = array<i32>} : memref<128xi32, #tpu.memory_space<vmem>>, vector<16xi32>,
      tpu.vector_store %arg6[%swap3A], %select_n3A {strides = array<i32>} : memref<128xi32, #tpu.memory_space<vmem>>, vector<16xi32>,
      %broadcast_in_dim3A_297 = arith.constant 1 : i32
      %broadcast_in_dim3A_298 = vector.broadcast %broadcast_in_dim3A_297 : i32 to vector<16xi32>
      %broadcast_in_dim3A_299 = arith.constant 0 : i32
      %broadcast_in_dim3A_300 = vector.broadcast %broadcast_in_dim3A_299 : i32 to vector<16xi32>
      %select_n3A_301 = arith.select %and3A, %broadcast_in_dim3A_298, %broadcast_in_dim3A_300 : vector<16xi1>, vector<16xi32>
      %add3A_302 = arith.addi %broadcast_in_dim3A_292, %select_n3A_301 : vector<16xi32>
      %add3A_303 = arith.constant 16 : i32
      %add3A_304 = arith.addi %mul3A_290, %add3A_303 : i32
      %get3A_305 = arith.index_cast %add3A_304 : i32 to index
      %get3A_306 = tpu.vector_load %arg5[%get3A_305] {strides = array<i32>} : memref<17408xi32, #tpu.memory_space<vmem>>, vector<16xi32>,
      %ge3A_307 = arith.cmpi sge, %get3A_306, %broadcast_in_dim3A_96 : vector<16xi32>
      %lt3A_308 = arith.cmpi slt, %get3A_306, %broadcast_in_dim3A_98 : vector<16xi32>
      %and3A_309 = arith.andi %ge3A_307, %lt3A_308 : vector<16xi1>
      %sub3A_310 = arith.subi %get3A_306, %broadcast_in_dim3A_96 : vector<16xi32>
      %select_n3A_311 = arith.select %and3A_309, %sub3A_310, %add3A_102 : vector<16xi1>, vector<16xi32>
      %swap3A_312 = arith.constant 16 : index
      %swap3A_313 = tpu.vector_load %arg6[%swap3A_312] {strides = array<i32>} : memref<128xi32, #tpu.memory_space<vmem>>, vector<16xi32>,
      tpu.vector_store %arg6[%swap3A_312], %select_n3A_311 {strides = array<i32>} : memref<128xi32, #tpu.memory_space<vmem>>, vector<16xi32>,
      %broadcast_in_dim3A_314 = arith.constant 1 : i32
      %broadcast_in_dim3A_315 = vector.broadcast %broadcast_in_dim3A_314 : i32 to vector<16xi32>
      %broadcast_in_dim3A_316 = arith.constant 0 : i32
      %broadcast_in_dim3A_317 = vector.broadcast %broadcast_in_dim3A_316 : i32 to vector<16xi32>
      %select_n3A_318 = arith.select %and3A_309, %broadcast_in_dim3A_315, %broadcast_in_dim3A_317 : vector<16xi1>, vector<16xi32>
      %add3A_319 = arith.addi %add3A_302, %select_n3A_318 : vector<16xi32>
      %add3A_320 = arith.constant 32 : i32
      %add3A_321 = arith.addi %mul3A_290, %add3A_320 : i32
      %get3A_322 = arith.index_cast %add3A_321 : i32 to index
      %get3A_323 = tpu.vector_load %arg5[%get3A_322] {strides = array<i32>} : memref<17408xi32, #tpu.memory_space<vmem>>, vector<16xi32>,
      %ge3A_324 = arith.cmpi sge, %get3A_323, %broadcast_in_dim3A_96 : vector<16xi32>
      %lt3A_325 = arith.cmpi slt, %get3A_323, %broadcast_in_dim3A_98 : vector<16xi32>
      %and3A_326 = arith.andi %ge3A_324, %lt3A_325 : vector<16xi1>
      %sub3A_327 = arith.subi %get3A_323, %broadcast_in_dim3A_96 : vector<16xi32>
      %select_n3A_328 = arith.select %and3A_326, %sub3A_327, %add3A_102 : vector<16xi1>, vector<16xi32>
      %swap3A_329 = arith.constant 32 : index
      %swap3A_330 = tpu.vector_load %arg6[%swap3A_329] {strides = array<i32>} : memref<128xi32, #tpu.memory_space<vmem>>, vector<16xi32>,
      tpu.vector_store %arg6[%swap3A_329], %select_n3A_328 {strides = array<i32>} : memref<128xi32, #tpu.memory_space<vmem>>, vector<16xi32>,
      %broadcast_in_dim3A_331 = arith.constant 1 : i32
      %broadcast_in_dim3A_332 = vector.broadcast %broadcast_in_dim3A_331 : i32 to vector<16xi32>
      %broadcast_in_dim3A_333 = arith.constant 0 : i32
      %broadcast_in_dim3A_334 = vector.broadcast %broadcast_in_dim3A_333 : i32 to vector<16xi32>
      %select_n3A_335 = arith.select %and3A_326, %broadcast_in_dim3A_332, %broadcast_in_dim3A_334 : vector<16xi1>, vector<16xi32>
      %add3A_336 = arith.addi %add3A_319, %select_n3A_335 : vector<16xi32>
      %add3A_337 = arith.constant 48 : i32
      %add3A_338 = arith.addi %mul3A_290, %add3A_337 : i32
      %get3A_339 = arith.index_cast %add3A_338 : i32 to index
      %get3A_340 = tpu.vector_load %arg5[%get3A_339] {strides = array<i32>} : memref<17408xi32, #tpu.memory_space<vmem>>, vector<16xi32>,
      %ge3A_341 = arith.cmpi sge, %get3A_340, %broadcast_in_dim3A_96 : vector<16xi32>
      %lt3A_342 = arith.cmpi slt, %get3A_340, %broadcast_in_dim3A_98 : vector<16xi32>
      %and3A_343 = arith.andi %ge3A_341, %lt3A_342 : vector<16xi1>
      %sub3A_344 = arith.subi %get3A_340, %broadcast_in_dim3A_96 : vector<16xi32>
      %select_n3A_345 = arith.select %and3A_343, %sub3A_344, %add3A_102 : vector<16xi1>, vector<16xi32>
      %swap3A_346 = arith.constant 48 : index
      %swap3A_347 = tpu.vector_load %arg6[%swap3A_346] {strides = array<i32>} : memref<128xi32, #tpu.memory_space<vmem>>, vector<16xi32>,
      tpu.vector_store %arg6[%swap3A_346], %select_n3A_345 {strides = array<i32>} : memref<128xi32, #tpu.memory_space<vmem>>, vector<16xi32>,
      %broadcast_in_dim3A_348 = arith.constant 1 : i32
      %broadcast_in_dim3A_349 = vector.broadcast %broadcast_in_dim3A_348 : i32 to vector<16xi32>
      %broadcast_in_dim3A_350 = arith.constant 0 : i32
      %broadcast_in_dim3A_351 = vector.broadcast %broadcast_in_dim3A_350 : i32 to vector<16xi32>
      %select_n3A_352 = arith.select %and3A_343, %broadcast_in_dim3A_349, %broadcast_in_dim3A_351 : vector<16xi1>, vector<16xi32>
      %add3A_353 = arith.addi %add3A_336, %select_n3A_352 : vector<16xi32>
      %add3A_354 = arith.constant 64 : i32
      %add3A_355 = arith.addi %mul3A_290, %add3A_354 : i32
      %get3A_356 = arith.index_cast %add3A_355 : i32 to index
      %get3A_357 = tpu.vector_load %arg5[%get3A_356] {strides = array<i32>} : memref<17408xi32, #tpu.memory_space<vmem>>, vector<16xi32>,
      %ge3A_358 = arith.cmpi sge, %get3A_357, %broadcast_in_dim3A_96 : vector<16xi32>
      %lt3A_359 = arith.cmpi slt, %get3A_357, %broadcast_in_dim3A_98 : vector<16xi32>
      %and3A_360 = arith.andi %ge3A_358, %lt3A_359 : vector<16xi1>
      %sub3A_361 = arith.subi %get3A_357, %broadcast_in_dim3A_96 : vector<16xi32>
      %select_n3A_362 = arith.select %and3A_360, %sub3A_361, %add3A_102 : vector<16xi1>, vector<16xi32>
      %swap3A_363 = arith.constant 64 : index
      %swap3A_364 = tpu.vector_load %arg6[%swap3A_363] {strides = array<i32>} : memref<128xi32, #tpu.memory_space<vmem>>, vector<16xi32>,
      tpu.vector_store %arg6[%swap3A_363], %select_n3A_362 {strides = array<i32>} : memref<128xi32, #tpu.memory_space<vmem>>, vector<16xi32>,
      %broadcast_in_dim3A_365 = arith.constant 1 : i32
      %broadcast_in_dim3A_366 = vector.broadcast %broadcast_in_dim3A_365 : i32 to vector<16xi32>
      %broadcast_in_dim3A_367 = arith.constant 0 : i32
      %broadcast_in_dim3A_368 = vector.broadcast %broadcast_in_dim3A_367 : i32 to vector<16xi32>
      %select_n3A_369 = arith.select %and3A_360, %broadcast_in_dim3A_366, %broadcast_in_dim3A_368 : vector<16xi1>, vector<16xi32>
      %add3A_370 = arith.addi %add3A_353, %select_n3A_369 : vector<16xi32>
      %add3A_371 = arith.constant 80 : i32
      %add3A_372 = arith.addi %mul3A_290, %add3A_371 : i32
      %get3A_373 = arith.index_cast %add3A_372 : i32 to index
      %get3A_374 = tpu.vector_load %arg5[%get3A_373] {strides = array<i32>} : memref<17408xi32, #tpu.memory_space<vmem>>, vector<16xi32>,
      %ge3A_375 = arith.cmpi sge, %get3A_374, %broadcast_in_dim3A_96 : vector<16xi32>
      %lt3A_376 = arith.cmpi slt, %get3A_374, %broadcast_in_dim3A_98 : vector<16xi32>
      %and3A_377 = arith.andi %ge3A_375, %lt3A_376 : vector<16xi1>
      %sub3A_378 = arith.subi %get3A_374, %broadcast_in_dim3A_96 : vector<16xi32>
      %select_n3A_379 = arith.select %and3A_377, %sub3A_378, %add3A_102 : vector<16xi1>, vector<16xi32>
      %swap3A_380 = arith.constant 80 : index
      %swap3A_381 = tpu.vector_load %arg6[%swap3A_380] {strides = array<i32>} : memref<128xi32, #tpu.memory_space<vmem>>, vector<16xi32>,
      tpu.vector_store %arg6[%swap3A_380], %select_n3A_379 {strides = array<i32>} : memref<128xi32, #tpu.memory_space<vmem>>, vector<16xi32>,
      %broadcast_in_dim3A_382 = arith.constant 1 : i32
      %broadcast_in_dim3A_383 = vector.broadcast %broadcast_in_dim3A_382 : i32 to vector<16xi32>
      %broadcast_in_dim3A_384 = arith.constant 0 : i32
      %broadcast_in_dim3A_385 = vector.broadcast %broadcast_in_dim3A_384 : i32 to vector<16xi32>
      %select_n3A_386 = arith.select %and3A_377, %broadcast_in_dim3A_383, %broadcast_in_dim3A_385 : vector<16xi1>, vector<16xi32>
      %add3A_387 = arith.addi %add3A_370, %select_n3A_386 : vector<16xi32>
      %add3A_388 = arith.constant 96 : i32
      %add3A_389 = arith.addi %mul3A_290, %add3A_388 : i32
      %get3A_390 = arith.index_cast %add3A_389 : i32 to index
      %get3A_391 = tpu.vector_load %arg5[%get3A_390] {strides = array<i32>} : memref<17408xi32, #tpu.memory_space<vmem>>, vector<16xi32>,
      %ge3A_392 = arith.cmpi sge, %get3A_391, %broadcast_in_dim3A_96 : vector<16xi32>
      %lt3A_393 = arith.cmpi slt, %get3A_391, %broadcast_in_dim3A_98 : vector<16xi32>
      %and3A_394 = arith.andi %ge3A_392, %lt3A_393 : vector<16xi1>
      %sub3A_395 = arith.subi %get3A_391, %broadcast_in_dim3A_96 : vector<16xi32>
      %select_n3A_396 = arith.select %and3A_394, %sub3A_395, %add3A_102 : vector<16xi1>, vector<16xi32>
      %swap3A_397 = arith.constant 96 : index
      %swap3A_398 = tpu.vector_load %arg6[%swap3A_397] {strides = array<i32>} : memref<128xi32, #tpu.memory_space<vmem>>, vector<16xi32>,
      tpu.vector_store %arg6[%swap3A_397], %select_n3A_396 {strides = array<i32>} : memref<128xi32, #tpu.memory_space<vmem>>, vector<16xi32>,
      %broadcast_in_dim3A_399 = arith.constant 1 : i32
      %broadcast_in_dim3A_400 = vector.broadcast %broadcast_in_dim3A_399 : i32 to vector<16xi32>
      %broadcast_in_dim3A_401 = arith.constant 0 : i32
      %broadcast_in_dim3A_402 = vector.broadcast %broadcast_in_dim3A_401 : i32 to vector<16xi32>
      %select_n3A_403 = arith.select %and3A_394, %broadcast_in_dim3A_400, %broadcast_in_dim3A_402 : vector<16xi1>, vector<16xi32>
      %add3A_404 = arith.addi %add3A_387, %select_n3A_403 : vector<16xi32>
      %add3A_405 = arith.constant 112 : i32
      %add3A_406 = arith.addi %mul3A_290, %add3A_405 : i32
      %get3A_407 = arith.index_cast %add3A_406 : i32 to index
      %get3A_408 = tpu.vector_load %arg5[%get3A_407] {strides = array<i32>} : memref<17408xi32, #tpu.memory_space<vmem>>, vector<16xi32>,
      %ge3A_409 = arith.cmpi sge, %get3A_408, %broadcast_in_dim3A_96 : vector<16xi32>
      %lt3A_410 = arith.cmpi slt, %get3A_408, %broadcast_in_dim3A_98 : vector<16xi32>
      %and3A_411 = arith.andi %ge3A_409, %lt3A_410 : vector<16xi1>
      %sub3A_412 = arith.subi %get3A_408, %broadcast_in_dim3A_96 : vector<16xi32>
      %select_n3A_413 = arith.select %and3A_411, %sub3A_412, %add3A_102 : vector<16xi1>, vector<16xi32>
      %swap3A_414 = arith.constant 112 : index
      %swap3A_415 = tpu.vector_load %arg6[%swap3A_414] {strides = array<i32>} : memref<128xi32, #tpu.memory_space<vmem>>, vector<16xi32>,
      tpu.vector_store %arg6[%swap3A_414], %select_n3A_413 {strides = array<i32>} : memref<128xi32, #tpu.memory_space<vmem>>, vector<16xi32>,
      %broadcast_in_dim3A_416 = arith.constant 1 : i32
      %broadcast_in_dim3A_417 = vector.broadcast %broadcast_in_dim3A_416 : i32 to vector<16xi32>
      %broadcast_in_dim3A_418 = arith.constant 0 : i32
      %broadcast_in_dim3A_419 = vector.broadcast %broadcast_in_dim3A_418 : i32 to vector<16xi32>
      %select_n3A_420 = arith.select %and3A_411, %broadcast_in_dim3A_417, %broadcast_in_dim3A_419 : vector<16xi1>, vector<16xi32>
      %add3A_421 = arith.addi %add3A_404, %select_n3A_420 : vector<16xi32>
      %reduce_sum3A = arith.constant true
      %reduce_sum3A_422 = vector.broadcast %reduce_sum3A : i1 to vector<16xi1>
      %reduce_sum3A_423 = tpu.scan <sum>, %add3A_421 masked %reduce_sum3A_422 : vector<16xi32>, vector<16xi1> -> vector<16xi32>
      %reduce_sum3A_424 = vector.extract %reduce_sum3A_423[15] : i32 from vector<16xi32>
      %gt3A = arith.constant 0 : i32
      %gt3A_425 = arith.cmpi sgt, %reduce_sum3A_424, %gt3A : i32
      %convert_element_type3A = arith.extui %gt3A_425 : i1 to i32
      %cond3A = arith.constant 0 : i32
      %cond3A_426 = arith.cmpi ne, %convert_element_type3A, %cond3A : i32
      scf.if %cond3A_426 {
        %add3A_427 = arith.addi %mul3A_2, %mul3A_290 : i32
        "tpu.region"() ({
          %run_scoped3A = tpu.sem_alloc : memref<!tpu.dma_semaphore, #tpu.memory_space<semaphore_mem>>
          %dma_start3A = arith.constant 0 : i32
          %dma_start3A_428 = tpu.memref_slice %arg2[%add3A_427, %dma_start3A] : memref<557056x32xf32, #tpu.memory_space<hbm>> -> memref<128x32xf32, #tpu.memory_space<hbm>>
          %dma_start3A_429 = arith.constant 0 : i32
          %dma_start3A_430 = tpu.memref_slice %arg2[%add3A_427, %dma_start3A_429] : memref<557056x32xf32, #tpu.memory_space<hbm>> -> memref<128x32xf32, #tpu.memory_space<hbm>>
          tpu.enqueue_dma source(%dma_start3A_430 : memref<128x32xf32, #tpu.memory_space<hbm>>) target(%arg7 : memref<128x32xf32, #tpu.memory_space<vmem>>) target_semaphore(%run_scoped3A : memref<!tpu.dma_semaphore, #tpu.memory_space<semaphore_mem>>)
          %dma_wait3A = arith.constant 0 : i32
          %dma_wait3A_431 = tpu.memref_slice %arg2[%add3A_427, %dma_wait3A] : memref<557056x32xf32, #tpu.memory_space<hbm>> -> memref<128x32xf32, #tpu.memory_space<hbm>>
          %dma_wait3A_432 = arith.constant 0 : i32
          %dma_wait3A_433 = tpu.memref_slice %arg2[%add3A_427, %dma_wait3A_432] : memref<557056x32xf32, #tpu.memory_space<hbm>> -> memref<128x32xf32, #tpu.memory_space<hbm>>
          tpu.wait_dma2 semaphore(%run_scoped3A : memref<!tpu.dma_semaphore, #tpu.memory_space<semaphore_mem>>) src(%dma_wait3A_433 : memref<128x32xf32, #tpu.memory_space<hbm>>) dst(%arg7 : memref<128x32xf32, #tpu.memory_space<vmem>>)
          tpu.yield
        }) : () -> ()
        "tpu.region"() ({
          %run_scoped3A = tpu.sem_alloc : memref<!tpu.dma_semaphore, #tpu.memory_space<semaphore_mem>>
          %dma_start3A = arith.constant 0 : i32
          %dma_start3A_428 = arith.constant 0 : i32
          %dma_start3A_429 = tpu.memref_slice %arg9[%dma_start3A, %dma_start3A_428] : memref<16400x32xf32, #tpu.memory_space<vmem_shared>> -> memref<16400x32xf32, #tpu.memory_space<vmem_shared>>
          tpu.enqueue_indirect_dma source(%arg7 : memref<128x32xf32, #tpu.memory_space<vmem>>) target(%dma_start3A_429 : memref<16400x32xf32, #tpu.memory_space<vmem_shared>>) offsets(%arg6 : memref<128xi32, #tpu.memory_space<vmem>>) semaphore(%run_scoped3A : memref<!tpu.dma_semaphore, #tpu.memory_space<semaphore_mem>>) {add = true}
          %dma_wait3A = arith.constant 0 : i32
          %dma_wait3A_430 = arith.constant 0 : i32
          %dma_wait3A_431 = tpu.memref_slice %arg9[%dma_wait3A, %dma_wait3A_430] : memref<16400x32xf32, #tpu.memory_space<vmem_shared>> -> memref<16400x32xf32, #tpu.memory_space<vmem_shared>>
          tpu.wait_indirect_dma semaphore(%run_scoped3A : memref<!tpu.dma_semaphore, #tpu.memory_space<semaphore_mem>>) src(%arg7 : memref<128x32xf32, #tpu.memory_space<vmem>>) dst(%dma_wait3A_431 : memref<16400x32xf32, #tpu.memory_space<vmem_shared>>)
          tpu.yield
        }) : () -> ()
      } else {
      }
    }
    %scan3A_108 = arith.constant 136 : i32
    %barrier3A_109 = arith.constant 0 : index
    tpu.barrier barrier_id(%barrier3A_109)
    %mul3A_110 = arith.constant 1024 : i32
    %mul3A_111 = arith.muli %arg1, %mul3A_110 : i32
    %mul3A_112 = arith.constant 163840 : i32
    %mul3A_113 = arith.muli %arg0, %mul3A_112 : i32
    %add3A_114 = arith.constant 49152 : i32
    %add3A_115 = arith.addi %mul3A_113, %add3A_114 : i32
    %mul3A_116 = arith.constant 1024 : i32
    %mul3A_117 = arith.muli %arg1, %mul3A_116 : i32
    %add3A_118 = arith.addi %add3A_115, %mul3A_117 : i32
    "tpu.region"() ({
      %run_scoped3A = tpu.sem_alloc : memref<!tpu.dma_semaphore, #tpu.memory_space<semaphore_mem>>
      %dma_start3A = arith.constant 0 : i32
      %dma_start3A_288 = tpu.memref_slice %arg4[%add3A_118, %dma_start3A] : memref<327680x32xf32, #tpu.memory_space<hbm>> -> memref<1024x32xf32, #tpu.memory_space<hbm>>
      %dma_start3A_289 = arith.constant 0 : i32
      %dma_start3A_290 = tpu.memref_slice %arg9[%mul3A_111, %dma_start3A_289] : memref<16400x32xf32, #tpu.memory_space<vmem_shared>> -> memref<1024x32xf32, #tpu.memory_space<vmem_shared>>
      tpu.enqueue_dma source(%dma_start3A_290 : memref<1024x32xf32, #tpu.memory_space<vmem_shared>>) target(%dma_start3A_288 : memref<1024x32xf32, #tpu.memory_space<hbm>>) target_semaphore(%run_scoped3A : memref<!tpu.dma_semaphore, #tpu.memory_space<semaphore_mem>>)
      %dma_wait3A = arith.constant 0 : i32
      %dma_wait3A_291 = tpu.memref_slice %arg4[%add3A_118, %dma_wait3A] : memref<327680x32xf32, #tpu.memory_space<hbm>> -> memref<1024x32xf32, #tpu.memory_space<hbm>>
      %dma_wait3A_292 = arith.constant 0 : i32
      %dma_wait3A_293 = tpu.memref_slice %arg9[%mul3A_111, %dma_wait3A_292] : memref<16400x32xf32, #tpu.memory_space<vmem_shared>> -> memref<1024x32xf32, #tpu.memory_space<vmem_shared>>
      tpu.wait_dma2 semaphore(%run_scoped3A : memref<!tpu.dma_semaphore, #tpu.memory_space<semaphore_mem>>) src(%dma_wait3A_293 : memref<1024x32xf32, #tpu.memory_space<vmem_shared>>) dst(%dma_wait3A_291 : memref<1024x32xf32, #tpu.memory_space<hbm>>)
      tpu.yield
    }) : () -> ()
    %barrier3A_119 = arith.constant 0 : index
    tpu.barrier barrier_id(%barrier3A_119)
    %mul3A_120 = arith.constant 1025 : i32
    %mul3A_121 = arith.muli %arg1, %mul3A_120 : i32
    "tpu.region"() ({
      %run_scoped3A = tpu.sem_alloc : memref<!tpu.dma_semaphore, #tpu.memory_space<semaphore_mem>>
      %dma_start3A = arith.constant 0 : i32
      %dma_start3A_288 = tpu.memref_slice %arg9[%mul3A_121, %dma_start3A] : memref<16400x32xf32, #tpu.memory_space<vmem_shared>> -> memref<1025x32xf32, #tpu.memory_space<vmem_shared>>
      %dma_start3A_289 = arith.constant 0 : i32
      %dma_start3A_290 = tpu.memref_slice %arg9[%mul3A_121, %dma_start3A_289] : memref<16400x32xf32, #tpu.memory_space<vmem_shared>> -> memref<1025x32xf32, #tpu.memory_space<vmem_shared>>
      tpu.enqueue_dma source(%arg8 : memref<1025x32xf32, #tpu.memory_space<vmem>>) target(%dma_start3A_290 : memref<1025x32xf32, #tpu.memory_space<vmem_shared>>) target_semaphore(%run_scoped3A : memref<!tpu.dma_semaphore, #tpu.memory_space<semaphore_mem>>)
      %dma_wait3A = arith.constant 0 : i32
      %dma_wait3A_291 = tpu.memref_slice %arg9[%mul3A_121, %dma_wait3A] : memref<16400x32xf32, #tpu.memory_space<vmem_shared>> -> memref<1025x32xf32, #tpu.memory_space<vmem_shared>>
      %dma_wait3A_292 = arith.constant 0 : i32
      %dma_wait3A_293 = tpu.memref_slice %arg9[%mul3A_121, %dma_wait3A_292] : memref<16400x32xf32, #tpu.memory_space<vmem_shared>> -> memref<1025x32xf32, #tpu.memory_space<vmem_shared>>
      tpu.wait_dma2 semaphore(%run_scoped3A : memref<!tpu.dma_semaphore, #tpu.memory_space<semaphore_mem>>) src(%arg8 : memref<1025x32xf32, #tpu.memory_space<vmem>>) dst(%dma_wait3A_293 : memref<1025x32xf32, #tpu.memory_space<vmem_shared>>)
      tpu.yield
    }) : () -> ()
    %barrier3A_122 = arith.constant 0 : index
    tpu.barrier barrier_id(%barrier3A_122)
    %broadcast_in_dim3A_123 = arith.constant 65536 : i32
    %broadcast_in_dim3A_124 = vector.broadcast %broadcast_in_dim3A_123 : i32 to vector<16xi32>
    %broadcast_in_dim3A_125 = arith.constant 81920 : i32
    %broadcast_in_dim3A_126 = vector.broadcast %broadcast_in_dim3A_125 : i32 to vector<16xi32>
    %broadcast_in_dim3A_127 = arith.constant 16384 : i32
    %broadcast_in_dim3A_128 = vector.broadcast %broadcast_in_dim3A_127 : i32 to vector<16xi32>
    %broadcast_in_dim3A_129 = vector.broadcast %arg1 : i32 to vector<16xi32>
    %add3A_130 = arith.addi %broadcast_in_dim3A_128, %broadcast_in_dim3A_129 : vector<16xi32>
    %scan3A_131 = arith.constant 0 : i32
    %scan3A_132 = arith.constant 0 : i32
    %scan3A_133 = arith.constant 136 : i32
    %scan3A_134 = arith.addi %scan3A_132, %scan3A_133 : i32
    %scan3A_135 = arith.constant 1 : i32
    scf.for %scan3A_288 = %scan3A_132 to %scan3A_134 step %scan3A_135  : i32 {
      %mul3A_289 = arith.constant 128 : i32
      %mul3A_290 = arith.muli %scan3A_288, %mul3A_289 : i32
      %broadcast_in_dim3A_291 = arith.constant 0 : i32
      %broadcast_in_dim3A_292 = vector.broadcast %broadcast_in_dim3A_291 : i32 to vector<16xi32>
      %add3A_293 = arith.constant 0 : i32
      %add3A_294 = arith.addi %mul3A_290, %add3A_293 : i32
      %get3A = arith.index_cast %add3A_294 : i32 to index
      %get3A_295 = tpu.vector_load %arg5[%get3A] {strides = array<i32>} : memref<17408xi32, #tpu.memory_space<vmem>>, vector<16xi32>,
      %ge3A = arith.cmpi sge, %get3A_295, %broadcast_in_dim3A_124 : vector<16xi32>
      %lt3A = arith.cmpi slt, %get3A_295, %broadcast_in_dim3A_126 : vector<16xi32>
      %and3A = arith.andi %ge3A, %lt3A : vector<16xi1>
      %sub3A = arith.subi %get3A_295, %broadcast_in_dim3A_124 : vector<16xi32>
      %select_n3A = arith.select %and3A, %sub3A, %add3A_130 : vector<16xi1>, vector<16xi32>
      %swap3A = arith.constant 0 : index
      %swap3A_296 = tpu.vector_load %arg6[%swap3A] {strides = array<i32>} : memref<128xi32, #tpu.memory_space<vmem>>, vector<16xi32>,
      tpu.vector_store %arg6[%swap3A], %select_n3A {strides = array<i32>} : memref<128xi32, #tpu.memory_space<vmem>>, vector<16xi32>,
      %broadcast_in_dim3A_297 = arith.constant 1 : i32
      %broadcast_in_dim3A_298 = vector.broadcast %broadcast_in_dim3A_297 : i32 to vector<16xi32>
      %broadcast_in_dim3A_299 = arith.constant 0 : i32
      %broadcast_in_dim3A_300 = vector.broadcast %broadcast_in_dim3A_299 : i32 to vector<16xi32>
      %select_n3A_301 = arith.select %and3A, %broadcast_in_dim3A_298, %broadcast_in_dim3A_300 : vector<16xi1>, vector<16xi32>
      %add3A_302 = arith.addi %broadcast_in_dim3A_292, %select_n3A_301 : vector<16xi32>
      %add3A_303 = arith.constant 16 : i32
      %add3A_304 = arith.addi %mul3A_290, %add3A_303 : i32
      %get3A_305 = arith.index_cast %add3A_304 : i32 to index
      %get3A_306 = tpu.vector_load %arg5[%get3A_305] {strides = array<i32>} : memref<17408xi32, #tpu.memory_space<vmem>>, vector<16xi32>,
      %ge3A_307 = arith.cmpi sge, %get3A_306, %broadcast_in_dim3A_124 : vector<16xi32>
      %lt3A_308 = arith.cmpi slt, %get3A_306, %broadcast_in_dim3A_126 : vector<16xi32>
      %and3A_309 = arith.andi %ge3A_307, %lt3A_308 : vector<16xi1>
      %sub3A_310 = arith.subi %get3A_306, %broadcast_in_dim3A_124 : vector<16xi32>
      %select_n3A_311 = arith.select %and3A_309, %sub3A_310, %add3A_130 : vector<16xi1>, vector<16xi32>
      %swap3A_312 = arith.constant 16 : index
      %swap3A_313 = tpu.vector_load %arg6[%swap3A_312] {strides = array<i32>} : memref<128xi32, #tpu.memory_space<vmem>>, vector<16xi32>,
      tpu.vector_store %arg6[%swap3A_312], %select_n3A_311 {strides = array<i32>} : memref<128xi32, #tpu.memory_space<vmem>>, vector<16xi32>,
      %broadcast_in_dim3A_314 = arith.constant 1 : i32
      %broadcast_in_dim3A_315 = vector.broadcast %broadcast_in_dim3A_314 : i32 to vector<16xi32>
      %broadcast_in_dim3A_316 = arith.constant 0 : i32
      %broadcast_in_dim3A_317 = vector.broadcast %broadcast_in_dim3A_316 : i32 to vector<16xi32>
      %select_n3A_318 = arith.select %and3A_309, %broadcast_in_dim3A_315, %broadcast_in_dim3A_317 : vector<16xi1>, vector<16xi32>
      %add3A_319 = arith.addi %add3A_302, %select_n3A_318 : vector<16xi32>
      %add3A_320 = arith.constant 32 : i32
      %add3A_321 = arith.addi %mul3A_290, %add3A_320 : i32
      %get3A_322 = arith.index_cast %add3A_321 : i32 to index
      %get3A_323 = tpu.vector_load %arg5[%get3A_322] {strides = array<i32>} : memref<17408xi32, #tpu.memory_space<vmem>>, vector<16xi32>,
      %ge3A_324 = arith.cmpi sge, %get3A_323, %broadcast_in_dim3A_124 : vector<16xi32>
      %lt3A_325 = arith.cmpi slt, %get3A_323, %broadcast_in_dim3A_126 : vector<16xi32>
      %and3A_326 = arith.andi %ge3A_324, %lt3A_325 : vector<16xi1>
      %sub3A_327 = arith.subi %get3A_323, %broadcast_in_dim3A_124 : vector<16xi32>
      %select_n3A_328 = arith.select %and3A_326, %sub3A_327, %add3A_130 : vector<16xi1>, vector<16xi32>
      %swap3A_329 = arith.constant 32 : index
      %swap3A_330 = tpu.vector_load %arg6[%swap3A_329] {strides = array<i32>} : memref<128xi32, #tpu.memory_space<vmem>>, vector<16xi32>,
      tpu.vector_store %arg6[%swap3A_329], %select_n3A_328 {strides = array<i32>} : memref<128xi32, #tpu.memory_space<vmem>>, vector<16xi32>,
      %broadcast_in_dim3A_331 = arith.constant 1 : i32
      %broadcast_in_dim3A_332 = vector.broadcast %broadcast_in_dim3A_331 : i32 to vector<16xi32>
      %broadcast_in_dim3A_333 = arith.constant 0 : i32
      %broadcast_in_dim3A_334 = vector.broadcast %broadcast_in_dim3A_333 : i32 to vector<16xi32>
      %select_n3A_335 = arith.select %and3A_326, %broadcast_in_dim3A_332, %broadcast_in_dim3A_334 : vector<16xi1>, vector<16xi32>
      %add3A_336 = arith.addi %add3A_319, %select_n3A_335 : vector<16xi32>
      %add3A_337 = arith.constant 48 : i32
      %add3A_338 = arith.addi %mul3A_290, %add3A_337 : i32
      %get3A_339 = arith.index_cast %add3A_338 : i32 to index
      %get3A_340 = tpu.vector_load %arg5[%get3A_339] {strides = array<i32>} : memref<17408xi32, #tpu.memory_space<vmem>>, vector<16xi32>,
      %ge3A_341 = arith.cmpi sge, %get3A_340, %broadcast_in_dim3A_124 : vector<16xi32>
      %lt3A_342 = arith.cmpi slt, %get3A_340, %broadcast_in_dim3A_126 : vector<16xi32>
      %and3A_343 = arith.andi %ge3A_341, %lt3A_342 : vector<16xi1>
      %sub3A_344 = arith.subi %get3A_340, %broadcast_in_dim3A_124 : vector<16xi32>
      %select_n3A_345 = arith.select %and3A_343, %sub3A_344, %add3A_130 : vector<16xi1>, vector<16xi32>
      %swap3A_346 = arith.constant 48 : index
      %swap3A_347 = tpu.vector_load %arg6[%swap3A_346] {strides = array<i32>} : memref<128xi32, #tpu.memory_space<vmem>>, vector<16xi32>,
      tpu.vector_store %arg6[%swap3A_346], %select_n3A_345 {strides = array<i32>} : memref<128xi32, #tpu.memory_space<vmem>>, vector<16xi32>,
      %broadcast_in_dim3A_348 = arith.constant 1 : i32
      %broadcast_in_dim3A_349 = vector.broadcast %broadcast_in_dim3A_348 : i32 to vector<16xi32>
      %broadcast_in_dim3A_350 = arith.constant 0 : i32
      %broadcast_in_dim3A_351 = vector.broadcast %broadcast_in_dim3A_350 : i32 to vector<16xi32>
      %select_n3A_352 = arith.select %and3A_343, %broadcast_in_dim3A_349, %broadcast_in_dim3A_351 : vector<16xi1>, vector<16xi32>
      %add3A_353 = arith.addi %add3A_336, %select_n3A_352 : vector<16xi32>
      %add3A_354 = arith.constant 64 : i32
      %add3A_355 = arith.addi %mul3A_290, %add3A_354 : i32
      %get3A_356 = arith.index_cast %add3A_355 : i32 to index
      %get3A_357 = tpu.vector_load %arg5[%get3A_356] {strides = array<i32>} : memref<17408xi32, #tpu.memory_space<vmem>>, vector<16xi32>,
      %ge3A_358 = arith.cmpi sge, %get3A_357, %broadcast_in_dim3A_124 : vector<16xi32>
      %lt3A_359 = arith.cmpi slt, %get3A_357, %broadcast_in_dim3A_126 : vector<16xi32>
      %and3A_360 = arith.andi %ge3A_358, %lt3A_359 : vector<16xi1>
      %sub3A_361 = arith.subi %get3A_357, %broadcast_in_dim3A_124 : vector<16xi32>
      %select_n3A_362 = arith.select %and3A_360, %sub3A_361, %add3A_130 : vector<16xi1>, vector<16xi32>
      %swap3A_363 = arith.constant 64 : index
      %swap3A_364 = tpu.vector_load %arg6[%swap3A_363] {strides = array<i32>} : memref<128xi32, #tpu.memory_space<vmem>>, vector<16xi32>,
      tpu.vector_store %arg6[%swap3A_363], %select_n3A_362 {strides = array<i32>} : memref<128xi32, #tpu.memory_space<vmem>>, vector<16xi32>,
      %broadcast_in_dim3A_365 = arith.constant 1 : i32
      %broadcast_in_dim3A_366 = vector.broadcast %broadcast_in_dim3A_365 : i32 to vector<16xi32>
      %broadcast_in_dim3A_367 = arith.constant 0 : i32
      %broadcast_in_dim3A_368 = vector.broadcast %broadcast_in_dim3A_367 : i32 to vector<16xi32>
      %select_n3A_369 = arith.select %and3A_360, %broadcast_in_dim3A_366, %broadcast_in_dim3A_368 : vector<16xi1>, vector<16xi32>
      %add3A_370 = arith.addi %add3A_353, %select_n3A_369 : vector<16xi32>
      %add3A_371 = arith.constant 80 : i32
      %add3A_372 = arith.addi %mul3A_290, %add3A_371 : i32
      %get3A_373 = arith.index_cast %add3A_372 : i32 to index
      %get3A_374 = tpu.vector_load %arg5[%get3A_373] {strides = array<i32>} : memref<17408xi32, #tpu.memory_space<vmem>>, vector<16xi32>,
      %ge3A_375 = arith.cmpi sge, %get3A_374, %broadcast_in_dim3A_124 : vector<16xi32>
      %lt3A_376 = arith.cmpi slt, %get3A_374, %broadcast_in_dim3A_126 : vector<16xi32>
      %and3A_377 = arith.andi %ge3A_375, %lt3A_376 : vector<16xi1>
      %sub3A_378 = arith.subi %get3A_374, %broadcast_in_dim3A_124 : vector<16xi32>
      %select_n3A_379 = arith.select %and3A_377, %sub3A_378, %add3A_130 : vector<16xi1>, vector<16xi32>
      %swap3A_380 = arith.constant 80 : index
      %swap3A_381 = tpu.vector_load %arg6[%swap3A_380] {strides = array<i32>} : memref<128xi32, #tpu.memory_space<vmem>>, vector<16xi32>,
      tpu.vector_store %arg6[%swap3A_380], %select_n3A_379 {strides = array<i32>} : memref<128xi32, #tpu.memory_space<vmem>>, vector<16xi32>,
      %broadcast_in_dim3A_382 = arith.constant 1 : i32
      %broadcast_in_dim3A_383 = vector.broadcast %broadcast_in_dim3A_382 : i32 to vector<16xi32>
      %broadcast_in_dim3A_384 = arith.constant 0 : i32
      %broadcast_in_dim3A_385 = vector.broadcast %broadcast_in_dim3A_384 : i32 to vector<16xi32>
      %select_n3A_386 = arith.select %and3A_377, %broadcast_in_dim3A_383, %broadcast_in_dim3A_385 : vector<16xi1>, vector<16xi32>
      %add3A_387 = arith.addi %add3A_370, %select_n3A_386 : vector<16xi32>
      %add3A_388 = arith.constant 96 : i32
      %add3A_389 = arith.addi %mul3A_290, %add3A_388 : i32
      %get3A_390 = arith.index_cast %add3A_389 : i32 to index
      %get3A_391 = tpu.vector_load %arg5[%get3A_390] {strides = array<i32>} : memref<17408xi32, #tpu.memory_space<vmem>>, vector<16xi32>,
      %ge3A_392 = arith.cmpi sge, %get3A_391, %broadcast_in_dim3A_124 : vector<16xi32>
      %lt3A_393 = arith.cmpi slt, %get3A_391, %broadcast_in_dim3A_126 : vector<16xi32>
      %and3A_394 = arith.andi %ge3A_392, %lt3A_393 : vector<16xi1>
      %sub3A_395 = arith.subi %get3A_391, %broadcast_in_dim3A_124 : vector<16xi32>
      %select_n3A_396 = arith.select %and3A_394, %sub3A_395, %add3A_130 : vector<16xi1>, vector<16xi32>
      %swap3A_397 = arith.constant 96 : index
      %swap3A_398 = tpu.vector_load %arg6[%swap3A_397] {strides = array<i32>} : memref<128xi32, #tpu.memory_space<vmem>>, vector<16xi32>,
      tpu.vector_store %arg6[%swap3A_397], %select_n3A_396 {strides = array<i32>} : memref<128xi32, #tpu.memory_space<vmem>>, vector<16xi32>,
      %broadcast_in_dim3A_399 = arith.constant 1 : i32
      %broadcast_in_dim3A_400 = vector.broadcast %broadcast_in_dim3A_399 : i32 to vector<16xi32>
      %broadcast_in_dim3A_401 = arith.constant 0 : i32
      %broadcast_in_dim3A_402 = vector.broadcast %broadcast_in_dim3A_401 : i32 to vector<16xi32>
      %select_n3A_403 = arith.select %and3A_394, %broadcast_in_dim3A_400, %broadcast_in_dim3A_402 : vector<16xi1>, vector<16xi32>
      %add3A_404 = arith.addi %add3A_387, %select_n3A_403 : vector<16xi32>
      %add3A_405 = arith.constant 112 : i32
      %add3A_406 = arith.addi %mul3A_290, %add3A_405 : i32
      %get3A_407 = arith.index_cast %add3A_406 : i32 to index
      %get3A_408 = tpu.vector_load %arg5[%get3A_407] {strides = array<i32>} : memref<17408xi32, #tpu.memory_space<vmem>>, vector<16xi32>,
      %ge3A_409 = arith.cmpi sge, %get3A_408, %broadcast_in_dim3A_124 : vector<16xi32>
      %lt3A_410 = arith.cmpi slt, %get3A_408, %broadcast_in_dim3A_126 : vector<16xi32>
      %and3A_411 = arith.andi %ge3A_409, %lt3A_410 : vector<16xi1>
      %sub3A_412 = arith.subi %get3A_408, %broadcast_in_dim3A_124 : vector<16xi32>
      %select_n3A_413 = arith.select %and3A_411, %sub3A_412, %add3A_130 : vector<16xi1>, vector<16xi32>
      %swap3A_414 = arith.constant 112 : index
      %swap3A_415 = tpu.vector_load %arg6[%swap3A_414] {strides = array<i32>} : memref<128xi32, #tpu.memory_space<vmem>>, vector<16xi32>,
      tpu.vector_store %arg6[%swap3A_414], %select_n3A_413 {strides = array<i32>} : memref<128xi32, #tpu.memory_space<vmem>>, vector<16xi32>,
      %broadcast_in_dim3A_416 = arith.constant 1 : i32
      %broadcast_in_dim3A_417 = vector.broadcast %broadcast_in_dim3A_416 : i32 to vector<16xi32>
      %broadcast_in_dim3A_418 = arith.constant 0 : i32
      %broadcast_in_dim3A_419 = vector.broadcast %broadcast_in_dim3A_418 : i32 to vector<16xi32>
      %select_n3A_420 = arith.select %and3A_411, %broadcast_in_dim3A_417, %broadcast_in_dim3A_419 : vector<16xi1>, vector<16xi32>
      %add3A_421 = arith.addi %add3A_404, %select_n3A_420 : vector<16xi32>
      %reduce_sum3A = arith.constant true
      %reduce_sum3A_422 = vector.broadcast %reduce_sum3A : i1 to vector<16xi1>
      %reduce_sum3A_423 = tpu.scan <sum>, %add3A_421 masked %reduce_sum3A_422 : vector<16xi32>, vector<16xi1> -> vector<16xi32>
      %reduce_sum3A_424 = vector.extract %reduce_sum3A_423[15] : i32 from vector<16xi32>
      %gt3A = arith.constant 0 : i32
      %gt3A_425 = arith.cmpi sgt, %reduce_sum3A_424, %gt3A : i32
      %convert_element_type3A = arith.extui %gt3A_425 : i1 to i32
      %cond3A = arith.constant 0 : i32
      %cond3A_426 = arith.cmpi ne, %convert_element_type3A, %cond3A : i32
      scf.if %cond3A_426 {
        %add3A_427 = arith.addi %mul3A_2, %mul3A_290 : i32
        "tpu.region"() ({
          %run_scoped3A = tpu.sem_alloc : memref<!tpu.dma_semaphore, #tpu.memory_space<semaphore_mem>>
          %dma_start3A = arith.constant 0 : i32
          %dma_start3A_428 = tpu.memref_slice %arg2[%add3A_427, %dma_start3A] : memref<557056x32xf32, #tpu.memory_space<hbm>> -> memref<128x32xf32, #tpu.memory_space<hbm>>
          %dma_start3A_429 = arith.constant 0 : i32
          %dma_start3A_430 = tpu.memref_slice %arg2[%add3A_427, %dma_start3A_429] : memref<557056x32xf32, #tpu.memory_space<hbm>> -> memref<128x32xf32, #tpu.memory_space<hbm>>
          tpu.enqueue_dma source(%dma_start3A_430 : memref<128x32xf32, #tpu.memory_space<hbm>>) target(%arg7 : memref<128x32xf32, #tpu.memory_space<vmem>>) target_semaphore(%run_scoped3A : memref<!tpu.dma_semaphore, #tpu.memory_space<semaphore_mem>>)
          %dma_wait3A = arith.constant 0 : i32
          %dma_wait3A_431 = tpu.memref_slice %arg2[%add3A_427, %dma_wait3A] : memref<557056x32xf32, #tpu.memory_space<hbm>> -> memref<128x32xf32, #tpu.memory_space<hbm>>
          %dma_wait3A_432 = arith.constant 0 : i32
          %dma_wait3A_433 = tpu.memref_slice %arg2[%add3A_427, %dma_wait3A_432] : memref<557056x32xf32, #tpu.memory_space<hbm>> -> memref<128x32xf32, #tpu.memory_space<hbm>>
          tpu.wait_dma2 semaphore(%run_scoped3A : memref<!tpu.dma_semaphore, #tpu.memory_space<semaphore_mem>>) src(%dma_wait3A_433 : memref<128x32xf32, #tpu.memory_space<hbm>>) dst(%arg7 : memref<128x32xf32, #tpu.memory_space<vmem>>)
          tpu.yield
        }) : () -> ()
        "tpu.region"() ({
          %run_scoped3A = tpu.sem_alloc : memref<!tpu.dma_semaphore, #tpu.memory_space<semaphore_mem>>
          %dma_start3A = arith.constant 0 : i32
          %dma_start3A_428 = arith.constant 0 : i32
          %dma_start3A_429 = tpu.memref_slice %arg9[%dma_start3A, %dma_start3A_428] : memref<16400x32xf32, #tpu.memory_space<vmem_shared>> -> memref<16400x32xf32, #tpu.memory_space<vmem_shared>>
          tpu.enqueue_indirect_dma source(%arg7 : memref<128x32xf32, #tpu.memory_space<vmem>>) target(%dma_start3A_429 : memref<16400x32xf32, #tpu.memory_space<vmem_shared>>) offsets(%arg6 : memref<128xi32, #tpu.memory_space<vmem>>) semaphore(%run_scoped3A : memref<!tpu.dma_semaphore, #tpu.memory_space<semaphore_mem>>) {add = true}
          %dma_wait3A = arith.constant 0 : i32
          %dma_wait3A_430 = arith.constant 0 : i32
          %dma_wait3A_431 = tpu.memref_slice %arg9[%dma_wait3A, %dma_wait3A_430] : memref<16400x32xf32, #tpu.memory_space<vmem_shared>> -> memref<16400x32xf32, #tpu.memory_space<vmem_shared>>
          tpu.wait_indirect_dma semaphore(%run_scoped3A : memref<!tpu.dma_semaphore, #tpu.memory_space<semaphore_mem>>) src(%arg7 : memref<128x32xf32, #tpu.memory_space<vmem>>) dst(%dma_wait3A_431 : memref<16400x32xf32, #tpu.memory_space<vmem_shared>>)
          tpu.yield
        }) : () -> ()
      } else {
      }
    }
    %scan3A_136 = arith.constant 136 : i32
    %barrier3A_137 = arith.constant 0 : index
    tpu.barrier barrier_id(%barrier3A_137)
    %mul3A_138 = arith.constant 1024 : i32
    %mul3A_139 = arith.muli %arg1, %mul3A_138 : i32
    %mul3A_140 = arith.constant 163840 : i32
    %mul3A_141 = arith.muli %arg0, %mul3A_140 : i32
    %add3A_142 = arith.constant 65536 : i32
    %add3A_143 = arith.addi %mul3A_141, %add3A_142 : i32
    %mul3A_144 = arith.constant 1024 : i32
    %mul3A_145 = arith.muli %arg1, %mul3A_144 : i32
    %add3A_146 = arith.addi %add3A_143, %mul3A_145 : i32
    "tpu.region"() ({
      %run_scoped3A = tpu.sem_alloc : memref<!tpu.dma_semaphore, #tpu.memory_space<semaphore_mem>>
      %dma_start3A = arith.constant 0 : i32
      %dma_start3A_288 = tpu.memref_slice %arg4[%add3A_146, %dma_start3A] : memref<327680x32xf32, #tpu.memory_space<hbm>> -> memref<1024x32xf32, #tpu.memory_space<hbm>>
      %dma_start3A_289 = arith.constant 0 : i32
      %dma_start3A_290 = tpu.memref_slice %arg9[%mul3A_139, %dma_start3A_289] : memref<16400x32xf32, #tpu.memory_space<vmem_shared>> -> memref<1024x32xf32, #tpu.memory_space<vmem_shared>>
      tpu.enqueue_dma source(%dma_start3A_290 : memref<1024x32xf32, #tpu.memory_space<vmem_shared>>) target(%dma_start3A_288 : memref<1024x32xf32, #tpu.memory_space<hbm>>) target_semaphore(%run_scoped3A : memref<!tpu.dma_semaphore, #tpu.memory_space<semaphore_mem>>)
      %dma_wait3A = arith.constant 0 : i32
      %dma_wait3A_291 = tpu.memref_slice %arg4[%add3A_146, %dma_wait3A] : memref<327680x32xf32, #tpu.memory_space<hbm>> -> memref<1024x32xf32, #tpu.memory_space<hbm>>
      %dma_wait3A_292 = arith.constant 0 : i32
      %dma_wait3A_293 = tpu.memref_slice %arg9[%mul3A_139, %dma_wait3A_292] : memref<16400x32xf32, #tpu.memory_space<vmem_shared>> -> memref<1024x32xf32, #tpu.memory_space<vmem_shared>>
      tpu.wait_dma2 semaphore(%run_scoped3A : memref<!tpu.dma_semaphore, #tpu.memory_space<semaphore_mem>>) src(%dma_wait3A_293 : memref<1024x32xf32, #tpu.memory_space<vmem_shared>>) dst(%dma_wait3A_291 : memref<1024x32xf32, #tpu.memory_space<hbm>>)
      tpu.yield
    }) : () -> ()
    %barrier3A_147 = arith.constant 0 : index
    tpu.barrier barrier_id(%barrier3A_147)
    %mul3A_148 = arith.constant 1025 : i32
    %mul3A_149 = arith.muli %arg1, %mul3A_148 : i32
    "tpu.region"() ({
      %run_scoped3A = tpu.sem_alloc : memref<!tpu.dma_semaphore, #tpu.memory_space<semaphore_mem>>
      %dma_start3A = arith.constant 0 : i32
      %dma_start3A_288 = tpu.memref_slice %arg9[%mul3A_149, %dma_start3A] : memref<16400x32xf32, #tpu.memory_space<vmem_shared>> -> memref<1025x32xf32, #tpu.memory_space<vmem_shared>>
      %dma_start3A_289 = arith.constant 0 : i32
      %dma_start3A_290 = tpu.memref_slice %arg9[%mul3A_149, %dma_start3A_289] : memref<16400x32xf32, #tpu.memory_space<vmem_shared>> -> memref<1025x32xf32, #tpu.memory_space<vmem_shared>>
      tpu.enqueue_dma source(%arg8 : memref<1025x32xf32, #tpu.memory_space<vmem>>) target(%dma_start3A_290 : memref<1025x32xf32, #tpu.memory_space<vmem_shared>>) target_semaphore(%run_scoped3A : memref<!tpu.dma_semaphore, #tpu.memory_space<semaphore_mem>>)
      %dma_wait3A = arith.constant 0 : i32
      %dma_wait3A_291 = tpu.memref_slice %arg9[%mul3A_149, %dma_wait3A] : memref<16400x32xf32, #tpu.memory_space<vmem_shared>> -> memref<1025x32xf32, #tpu.memory_space<vmem_shared>>
      %dma_wait3A_292 = arith.constant 0 : i32
      %dma_wait3A_293 = tpu.memref_slice %arg9[%mul3A_149, %dma_wait3A_292] : memref<16400x32xf32, #tpu.memory_space<vmem_shared>> -> memref<1025x32xf32, #tpu.memory_space<vmem_shared>>
      tpu.wait_dma2 semaphore(%run_scoped3A : memref<!tpu.dma_semaphore, #tpu.memory_space<semaphore_mem>>) src(%arg8 : memref<1025x32xf32, #tpu.memory_space<vmem>>) dst(%dma_wait3A_293 : memref<1025x32xf32, #tpu.memory_space<vmem_shared>>)
      tpu.yield
    }) : () -> ()
    %barrier3A_150 = arith.constant 0 : index
    tpu.barrier barrier_id(%barrier3A_150)
    %broadcast_in_dim3A_151 = arith.constant 81920 : i32
    %broadcast_in_dim3A_152 = vector.broadcast %broadcast_in_dim3A_151 : i32 to vector<16xi32>
    %broadcast_in_dim3A_153 = arith.constant 98304 : i32
    %broadcast_in_dim3A_154 = vector.broadcast %broadcast_in_dim3A_153 : i32 to vector<16xi32>
    %broadcast_in_dim3A_155 = arith.constant 16384 : i32
    %broadcast_in_dim3A_156 = vector.broadcast %broadcast_in_dim3A_155 : i32 to vector<16xi32>
    %broadcast_in_dim3A_157 = vector.broadcast %arg1 : i32 to vector<16xi32>
    %add3A_158 = arith.addi %broadcast_in_dim3A_156, %broadcast_in_dim3A_157 : vector<16xi32>
    %scan3A_159 = arith.constant 0 : i32
    %scan3A_160 = arith.constant 0 : i32
    %scan3A_161 = arith.constant 136 : i32
    %scan3A_162 = arith.addi %scan3A_160, %scan3A_161 : i32
    %scan3A_163 = arith.constant 1 : i32
    scf.for %scan3A_288 = %scan3A_160 to %scan3A_162 step %scan3A_163  : i32 {
      %mul3A_289 = arith.constant 128 : i32
      %mul3A_290 = arith.muli %scan3A_288, %mul3A_289 : i32
      %broadcast_in_dim3A_291 = arith.constant 0 : i32
      %broadcast_in_dim3A_292 = vector.broadcast %broadcast_in_dim3A_291 : i32 to vector<16xi32>
      %add3A_293 = arith.constant 0 : i32
      %add3A_294 = arith.addi %mul3A_290, %add3A_293 : i32
      %get3A = arith.index_cast %add3A_294 : i32 to index
      %get3A_295 = tpu.vector_load %arg5[%get3A] {strides = array<i32>} : memref<17408xi32, #tpu.memory_space<vmem>>, vector<16xi32>,
      %ge3A = arith.cmpi sge, %get3A_295, %broadcast_in_dim3A_152 : vector<16xi32>
      %lt3A = arith.cmpi slt, %get3A_295, %broadcast_in_dim3A_154 : vector<16xi32>
      %and3A = arith.andi %ge3A, %lt3A : vector<16xi1>
      %sub3A = arith.subi %get3A_295, %broadcast_in_dim3A_152 : vector<16xi32>
      %select_n3A = arith.select %and3A, %sub3A, %add3A_158 : vector<16xi1>, vector<16xi32>
      %swap3A = arith.constant 0 : index
      %swap3A_296 = tpu.vector_load %arg6[%swap3A] {strides = array<i32>} : memref<128xi32, #tpu.memory_space<vmem>>, vector<16xi32>,
      tpu.vector_store %arg6[%swap3A], %select_n3A {strides = array<i32>} : memref<128xi32, #tpu.memory_space<vmem>>, vector<16xi32>,
      %broadcast_in_dim3A_297 = arith.constant 1 : i32
      %broadcast_in_dim3A_298 = vector.broadcast %broadcast_in_dim3A_297 : i32 to vector<16xi32>
      %broadcast_in_dim3A_299 = arith.constant 0 : i32
      %broadcast_in_dim3A_300 = vector.broadcast %broadcast_in_dim3A_299 : i32 to vector<16xi32>
      %select_n3A_301 = arith.select %and3A, %broadcast_in_dim3A_298, %broadcast_in_dim3A_300 : vector<16xi1>, vector<16xi32>
      %add3A_302 = arith.addi %broadcast_in_dim3A_292, %select_n3A_301 : vector<16xi32>
      %add3A_303 = arith.constant 16 : i32
      %add3A_304 = arith.addi %mul3A_290, %add3A_303 : i32
      %get3A_305 = arith.index_cast %add3A_304 : i32 to index
      %get3A_306 = tpu.vector_load %arg5[%get3A_305] {strides = array<i32>} : memref<17408xi32, #tpu.memory_space<vmem>>, vector<16xi32>,
      %ge3A_307 = arith.cmpi sge, %get3A_306, %broadcast_in_dim3A_152 : vector<16xi32>
      %lt3A_308 = arith.cmpi slt, %get3A_306, %broadcast_in_dim3A_154 : vector<16xi32>
      %and3A_309 = arith.andi %ge3A_307, %lt3A_308 : vector<16xi1>
      %sub3A_310 = arith.subi %get3A_306, %broadcast_in_dim3A_152 : vector<16xi32>
      %select_n3A_311 = arith.select %and3A_309, %sub3A_310, %add3A_158 : vector<16xi1>, vector<16xi32>
      %swap3A_312 = arith.constant 16 : index
      %swap3A_313 = tpu.vector_load %arg6[%swap3A_312] {strides = array<i32>} : memref<128xi32, #tpu.memory_space<vmem>>, vector<16xi32>,
      tpu.vector_store %arg6[%swap3A_312], %select_n3A_311 {strides = array<i32>} : memref<128xi32, #tpu.memory_space<vmem>>, vector<16xi32>,
      %broadcast_in_dim3A_314 = arith.constant 1 : i32
      %broadcast_in_dim3A_315 = vector.broadcast %broadcast_in_dim3A_314 : i32 to vector<16xi32>
      %broadcast_in_dim3A_316 = arith.constant 0 : i32
      %broadcast_in_dim3A_317 = vector.broadcast %broadcast_in_dim3A_316 : i32 to vector<16xi32>
      %select_n3A_318 = arith.select %and3A_309, %broadcast_in_dim3A_315, %broadcast_in_dim3A_317 : vector<16xi1>, vector<16xi32>
      %add3A_319 = arith.addi %add3A_302, %select_n3A_318 : vector<16xi32>
      %add3A_320 = arith.constant 32 : i32
      %add3A_321 = arith.addi %mul3A_290, %add3A_320 : i32
      %get3A_322 = arith.index_cast %add3A_321 : i32 to index
      %get3A_323 = tpu.vector_load %arg5[%get3A_322] {strides = array<i32>} : memref<17408xi32, #tpu.memory_space<vmem>>, vector<16xi32>,
      %ge3A_324 = arith.cmpi sge, %get3A_323, %broadcast_in_dim3A_152 : vector<16xi32>
      %lt3A_325 = arith.cmpi slt, %get3A_323, %broadcast_in_dim3A_154 : vector<16xi32>
      %and3A_326 = arith.andi %ge3A_324, %lt3A_325 : vector<16xi1>
      %sub3A_327 = arith.subi %get3A_323, %broadcast_in_dim3A_152 : vector<16xi32>
      %select_n3A_328 = arith.select %and3A_326, %sub3A_327, %add3A_158 : vector<16xi1>, vector<16xi32>
      %swap3A_329 = arith.constant 32 : index
      %swap3A_330 = tpu.vector_load %arg6[%swap3A_329] {strides = array<i32>} : memref<128xi32, #tpu.memory_space<vmem>>, vector<16xi32>,
      tpu.vector_store %arg6[%swap3A_329], %select_n3A_328 {strides = array<i32>} : memref<128xi32, #tpu.memory_space<vmem>>, vector<16xi32>,
      %broadcast_in_dim3A_331 = arith.constant 1 : i32
      %broadcast_in_dim3A_332 = vector.broadcast %broadcast_in_dim3A_331 : i32 to vector<16xi32>
      %broadcast_in_dim3A_333 = arith.constant 0 : i32
      %broadcast_in_dim3A_334 = vector.broadcast %broadcast_in_dim3A_333 : i32 to vector<16xi32>
      %select_n3A_335 = arith.select %and3A_326, %broadcast_in_dim3A_332, %broadcast_in_dim3A_334 : vector<16xi1>, vector<16xi32>
      %add3A_336 = arith.addi %add3A_319, %select_n3A_335 : vector<16xi32>
      %add3A_337 = arith.constant 48 : i32
      %add3A_338 = arith.addi %mul3A_290, %add3A_337 : i32
      %get3A_339 = arith.index_cast %add3A_338 : i32 to index
      %get3A_340 = tpu.vector_load %arg5[%get3A_339] {strides = array<i32>} : memref<17408xi32, #tpu.memory_space<vmem>>, vector<16xi32>,
      %ge3A_341 = arith.cmpi sge, %get3A_340, %broadcast_in_dim3A_152 : vector<16xi32>
      %lt3A_342 = arith.cmpi slt, %get3A_340, %broadcast_in_dim3A_154 : vector<16xi32>
      %and3A_343 = arith.andi %ge3A_341, %lt3A_342 : vector<16xi1>
      %sub3A_344 = arith.subi %get3A_340, %broadcast_in_dim3A_152 : vector<16xi32>
      %select_n3A_345 = arith.select %and3A_343, %sub3A_344, %add3A_158 : vector<16xi1>, vector<16xi32>
      %swap3A_346 = arith.constant 48 : index
      %swap3A_347 = tpu.vector_load %arg6[%swap3A_346] {strides = array<i32>} : memref<128xi32, #tpu.memory_space<vmem>>, vector<16xi32>,
      tpu.vector_store %arg6[%swap3A_346], %select_n3A_345 {strides = array<i32>} : memref<128xi32, #tpu.memory_space<vmem>>, vector<16xi32>,
      %broadcast_in_dim3A_348 = arith.constant 1 : i32
      %broadcast_in_dim3A_349 = vector.broadcast %broadcast_in_dim3A_348 : i32 to vector<16xi32>
      %broadcast_in_dim3A_350 = arith.constant 0 : i32
      %broadcast_in_dim3A_351 = vector.broadcast %broadcast_in_dim3A_350 : i32 to vector<16xi32>
      %select_n3A_352 = arith.select %and3A_343, %broadcast_in_dim3A_349, %broadcast_in_dim3A_351 : vector<16xi1>, vector<16xi32>
      %add3A_353 = arith.addi %add3A_336, %select_n3A_352 : vector<16xi32>
      %add3A_354 = arith.constant 64 : i32
      %add3A_355 = arith.addi %mul3A_290, %add3A_354 : i32
      %get3A_356 = arith.index_cast %add3A_355 : i32 to index
      %get3A_357 = tpu.vector_load %arg5[%get3A_356] {strides = array<i32>} : memref<17408xi32, #tpu.memory_space<vmem>>, vector<16xi32>,
      %ge3A_358 = arith.cmpi sge, %get3A_357, %broadcast_in_dim3A_152 : vector<16xi32>
      %lt3A_359 = arith.cmpi slt, %get3A_357, %broadcast_in_dim3A_154 : vector<16xi32>
      %and3A_360 = arith.andi %ge3A_358, %lt3A_359 : vector<16xi1>
      %sub3A_361 = arith.subi %get3A_357, %broadcast_in_dim3A_152 : vector<16xi32>
      %select_n3A_362 = arith.select %and3A_360, %sub3A_361, %add3A_158 : vector<16xi1>, vector<16xi32>
      %swap3A_363 = arith.constant 64 : index
      %swap3A_364 = tpu.vector_load %arg6[%swap3A_363] {strides = array<i32>} : memref<128xi32, #tpu.memory_space<vmem>>, vector<16xi32>,
      tpu.vector_store %arg6[%swap3A_363], %select_n3A_362 {strides = array<i32>} : memref<128xi32, #tpu.memory_space<vmem>>, vector<16xi32>,
      %broadcast_in_dim3A_365 = arith.constant 1 : i32
      %broadcast_in_dim3A_366 = vector.broadcast %broadcast_in_dim3A_365 : i32 to vector<16xi32>
      %broadcast_in_dim3A_367 = arith.constant 0 : i32
      %broadcast_in_dim3A_368 = vector.broadcast %broadcast_in_dim3A_367 : i32 to vector<16xi32>
      %select_n3A_369 = arith.select %and3A_360, %broadcast_in_dim3A_366, %broadcast_in_dim3A_368 : vector<16xi1>, vector<16xi32>
      %add3A_370 = arith.addi %add3A_353, %select_n3A_369 : vector<16xi32>
      %add3A_371 = arith.constant 80 : i32
      %add3A_372 = arith.addi %mul3A_290, %add3A_371 : i32
      %get3A_373 = arith.index_cast %add3A_372 : i32 to index
      %get3A_374 = tpu.vector_load %arg5[%get3A_373] {strides = array<i32>} : memref<17408xi32, #tpu.memory_space<vmem>>, vector<16xi32>,
      %ge3A_375 = arith.cmpi sge, %get3A_374, %broadcast_in_dim3A_152 : vector<16xi32>
      %lt3A_376 = arith.cmpi slt, %get3A_374, %broadcast_in_dim3A_154 : vector<16xi32>
      %and3A_377 = arith.andi %ge3A_375, %lt3A_376 : vector<16xi1>
      %sub3A_378 = arith.subi %get3A_374, %broadcast_in_dim3A_152 : vector<16xi32>
      %select_n3A_379 = arith.select %and3A_377, %sub3A_378, %add3A_158 : vector<16xi1>, vector<16xi32>
      %swap3A_380 = arith.constant 80 : index
      %swap3A_381 = tpu.vector_load %arg6[%swap3A_380] {strides = array<i32>} : memref<128xi32, #tpu.memory_space<vmem>>, vector<16xi32>,
      tpu.vector_store %arg6[%swap3A_380], %select_n3A_379 {strides = array<i32>} : memref<128xi32, #tpu.memory_space<vmem>>, vector<16xi32>,
      %broadcast_in_dim3A_382 = arith.constant 1 : i32
      %broadcast_in_dim3A_383 = vector.broadcast %broadcast_in_dim3A_382 : i32 to vector<16xi32>
      %broadcast_in_dim3A_384 = arith.constant 0 : i32
      %broadcast_in_dim3A_385 = vector.broadcast %broadcast_in_dim3A_384 : i32 to vector<16xi32>
      %select_n3A_386 = arith.select %and3A_377, %broadcast_in_dim3A_383, %broadcast_in_dim3A_385 : vector<16xi1>, vector<16xi32>
      %add3A_387 = arith.addi %add3A_370, %select_n3A_386 : vector<16xi32>
      %add3A_388 = arith.constant 96 : i32
      %add3A_389 = arith.addi %mul3A_290, %add3A_388 : i32
      %get3A_390 = arith.index_cast %add3A_389 : i32 to index
      %get3A_391 = tpu.vector_load %arg5[%get3A_390] {strides = array<i32>} : memref<17408xi32, #tpu.memory_space<vmem>>, vector<16xi32>,
      %ge3A_392 = arith.cmpi sge, %get3A_391, %broadcast_in_dim3A_152 : vector<16xi32>
      %lt3A_393 = arith.cmpi slt, %get3A_391, %broadcast_in_dim3A_154 : vector<16xi32>
      %and3A_394 = arith.andi %ge3A_392, %lt3A_393 : vector<16xi1>
      %sub3A_395 = arith.subi %get3A_391, %broadcast_in_dim3A_152 : vector<16xi32>
      %select_n3A_396 = arith.select %and3A_394, %sub3A_395, %add3A_158 : vector<16xi1>, vector<16xi32>
      %swap3A_397 = arith.constant 96 : index
      %swap3A_398 = tpu.vector_load %arg6[%swap3A_397] {strides = array<i32>} : memref<128xi32, #tpu.memory_space<vmem>>, vector<16xi32>,
      tpu.vector_store %arg6[%swap3A_397], %select_n3A_396 {strides = array<i32>} : memref<128xi32, #tpu.memory_space<vmem>>, vector<16xi32>,
      %broadcast_in_dim3A_399 = arith.constant 1 : i32
      %broadcast_in_dim3A_400 = vector.broadcast %broadcast_in_dim3A_399 : i32 to vector<16xi32>
      %broadcast_in_dim3A_401 = arith.constant 0 : i32
      %broadcast_in_dim3A_402 = vector.broadcast %broadcast_in_dim3A_401 : i32 to vector<16xi32>
      %select_n3A_403 = arith.select %and3A_394, %broadcast_in_dim3A_400, %broadcast_in_dim3A_402 : vector<16xi1>, vector<16xi32>
      %add3A_404 = arith.addi %add3A_387, %select_n3A_403 : vector<16xi32>
      %add3A_405 = arith.constant 112 : i32
      %add3A_406 = arith.addi %mul3A_290, %add3A_405 : i32
      %get3A_407 = arith.index_cast %add3A_406 : i32 to index
      %get3A_408 = tpu.vector_load %arg5[%get3A_407] {strides = array<i32>} : memref<17408xi32, #tpu.memory_space<vmem>>, vector<16xi32>,
      %ge3A_409 = arith.cmpi sge, %get3A_408, %broadcast_in_dim3A_152 : vector<16xi32>
      %lt3A_410 = arith.cmpi slt, %get3A_408, %broadcast_in_dim3A_154 : vector<16xi32>
      %and3A_411 = arith.andi %ge3A_409, %lt3A_410 : vector<16xi1>
      %sub3A_412 = arith.subi %get3A_408, %broadcast_in_dim3A_152 : vector<16xi32>
      %select_n3A_413 = arith.select %and3A_411, %sub3A_412, %add3A_158 : vector<16xi1>, vector<16xi32>
      %swap3A_414 = arith.constant 112 : index
      %swap3A_415 = tpu.vector_load %arg6[%swap3A_414] {strides = array<i32>} : memref<128xi32, #tpu.memory_space<vmem>>, vector<16xi32>,
      tpu.vector_store %arg6[%swap3A_414], %select_n3A_413 {strides = array<i32>} : memref<128xi32, #tpu.memory_space<vmem>>, vector<16xi32>,
      %broadcast_in_dim3A_416 = arith.constant 1 : i32
      %broadcast_in_dim3A_417 = vector.broadcast %broadcast_in_dim3A_416 : i32 to vector<16xi32>
      %broadcast_in_dim3A_418 = arith.constant 0 : i32
      %broadcast_in_dim3A_419 = vector.broadcast %broadcast_in_dim3A_418 : i32 to vector<16xi32>
      %select_n3A_420 = arith.select %and3A_411, %broadcast_in_dim3A_417, %broadcast_in_dim3A_419 : vector<16xi1>, vector<16xi32>
      %add3A_421 = arith.addi %add3A_404, %select_n3A_420 : vector<16xi32>
      %reduce_sum3A = arith.constant true
      %reduce_sum3A_422 = vector.broadcast %reduce_sum3A : i1 to vector<16xi1>
      %reduce_sum3A_423 = tpu.scan <sum>, %add3A_421 masked %reduce_sum3A_422 : vector<16xi32>, vector<16xi1> -> vector<16xi32>
      %reduce_sum3A_424 = vector.extract %reduce_sum3A_423[15] : i32 from vector<16xi32>
      %gt3A = arith.constant 0 : i32
      %gt3A_425 = arith.cmpi sgt, %reduce_sum3A_424, %gt3A : i32
      %convert_element_type3A = arith.extui %gt3A_425 : i1 to i32
      %cond3A = arith.constant 0 : i32
      %cond3A_426 = arith.cmpi ne, %convert_element_type3A, %cond3A : i32
      scf.if %cond3A_426 {
        %add3A_427 = arith.addi %mul3A_2, %mul3A_290 : i32
        "tpu.region"() ({
          %run_scoped3A = tpu.sem_alloc : memref<!tpu.dma_semaphore, #tpu.memory_space<semaphore_mem>>
          %dma_start3A = arith.constant 0 : i32
          %dma_start3A_428 = tpu.memref_slice %arg2[%add3A_427, %dma_start3A] : memref<557056x32xf32, #tpu.memory_space<hbm>> -> memref<128x32xf32, #tpu.memory_space<hbm>>
          %dma_start3A_429 = arith.constant 0 : i32
          %dma_start3A_430 = tpu.memref_slice %arg2[%add3A_427, %dma_start3A_429] : memref<557056x32xf32, #tpu.memory_space<hbm>> -> memref<128x32xf32, #tpu.memory_space<hbm>>
          tpu.enqueue_dma source(%dma_start3A_430 : memref<128x32xf32, #tpu.memory_space<hbm>>) target(%arg7 : memref<128x32xf32, #tpu.memory_space<vmem>>) target_semaphore(%run_scoped3A : memref<!tpu.dma_semaphore, #tpu.memory_space<semaphore_mem>>)
          %dma_wait3A = arith.constant 0 : i32
          %dma_wait3A_431 = tpu.memref_slice %arg2[%add3A_427, %dma_wait3A] : memref<557056x32xf32, #tpu.memory_space<hbm>> -> memref<128x32xf32, #tpu.memory_space<hbm>>
          %dma_wait3A_432 = arith.constant 0 : i32
          %dma_wait3A_433 = tpu.memref_slice %arg2[%add3A_427, %dma_wait3A_432] : memref<557056x32xf32, #tpu.memory_space<hbm>> -> memref<128x32xf32, #tpu.memory_space<hbm>>
          tpu.wait_dma2 semaphore(%run_scoped3A : memref<!tpu.dma_semaphore, #tpu.memory_space<semaphore_mem>>) src(%dma_wait3A_433 : memref<128x32xf32, #tpu.memory_space<hbm>>) dst(%arg7 : memref<128x32xf32, #tpu.memory_space<vmem>>)
          tpu.yield
        }) : () -> ()
        "tpu.region"() ({
          %run_scoped3A = tpu.sem_alloc : memref<!tpu.dma_semaphore, #tpu.memory_space<semaphore_mem>>
          %dma_start3A = arith.constant 0 : i32
          %dma_start3A_428 = arith.constant 0 : i32
          %dma_start3A_429 = tpu.memref_slice %arg9[%dma_start3A, %dma_start3A_428] : memref<16400x32xf32, #tpu.memory_space<vmem_shared>> -> memref<16400x32xf32, #tpu.memory_space<vmem_shared>>
          tpu.enqueue_indirect_dma source(%arg7 : memref<128x32xf32, #tpu.memory_space<vmem>>) target(%dma_start3A_429 : memref<16400x32xf32, #tpu.memory_space<vmem_shared>>) offsets(%arg6 : memref<128xi32, #tpu.memory_space<vmem>>) semaphore(%run_scoped3A : memref<!tpu.dma_semaphore, #tpu.memory_space<semaphore_mem>>) {add = true}
          %dma_wait3A = arith.constant 0 : i32
          %dma_wait3A_430 = arith.constant 0 : i32
          %dma_wait3A_431 = tpu.memref_slice %arg9[%dma_wait3A, %dma_wait3A_430] : memref<16400x32xf32, #tpu.memory_space<vmem_shared>> -> memref<16400x32xf32, #tpu.memory_space<vmem_shared>>
          tpu.wait_indirect_dma semaphore(%run_scoped3A : memref<!tpu.dma_semaphore, #tpu.memory_space<semaphore_mem>>) src(%arg7 : memref<128x32xf32, #tpu.memory_space<vmem>>) dst(%dma_wait3A_431 : memref<16400x32xf32, #tpu.memory_space<vmem_shared>>)
          tpu.yield
        }) : () -> ()
      } else {
      }
    }
    %scan3A_164 = arith.constant 136 : i32
    %barrier3A_165 = arith.constant 0 : index
    tpu.barrier barrier_id(%barrier3A_165)
    %mul3A_166 = arith.constant 1024 : i32
    %mul3A_167 = arith.muli %arg1, %mul3A_166 : i32
    %mul3A_168 = arith.constant 163840 : i32
    %mul3A_169 = arith.muli %arg0, %mul3A_168 : i32
    %add3A_170 = arith.constant 81920 : i32
    %add3A_171 = arith.addi %mul3A_169, %add3A_170 : i32
    %mul3A_172 = arith.constant 1024 : i32
    %mul3A_173 = arith.muli %arg1, %mul3A_172 : i32
    %add3A_174 = arith.addi %add3A_171, %mul3A_173 : i32
    "tpu.region"() ({
      %run_scoped3A = tpu.sem_alloc : memref<!tpu.dma_semaphore, #tpu.memory_space<semaphore_mem>>
      %dma_start3A = arith.constant 0 : i32
      %dma_start3A_288 = tpu.memref_slice %arg4[%add3A_174, %dma_start3A] : memref<327680x32xf32, #tpu.memory_space<hbm>> -> memref<1024x32xf32, #tpu.memory_space<hbm>>
      %dma_start3A_289 = arith.constant 0 : i32
      %dma_start3A_290 = tpu.memref_slice %arg9[%mul3A_167, %dma_start3A_289] : memref<16400x32xf32, #tpu.memory_space<vmem_shared>> -> memref<1024x32xf32, #tpu.memory_space<vmem_shared>>
      tpu.enqueue_dma source(%dma_start3A_290 : memref<1024x32xf32, #tpu.memory_space<vmem_shared>>) target(%dma_start3A_288 : memref<1024x32xf32, #tpu.memory_space<hbm>>) target_semaphore(%run_scoped3A : memref<!tpu.dma_semaphore, #tpu.memory_space<semaphore_mem>>)
      %dma_wait3A = arith.constant 0 : i32
      %dma_wait3A_291 = tpu.memref_slice %arg4[%add3A_174, %dma_wait3A] : memref<327680x32xf32, #tpu.memory_space<hbm>> -> memref<1024x32xf32, #tpu.memory_space<hbm>>
      %dma_wait3A_292 = arith.constant 0 : i32
      %dma_wait3A_293 = tpu.memref_slice %arg9[%mul3A_167, %dma_wait3A_292] : memref<16400x32xf32, #tpu.memory_space<vmem_shared>> -> memref<1024x32xf32, #tpu.memory_space<vmem_shared>>
      tpu.wait_dma2 semaphore(%run_scoped3A : memref<!tpu.dma_semaphore, #tpu.memory_space<semaphore_mem>>) src(%dma_wait3A_293 : memref<1024x32xf32, #tpu.memory_space<vmem_shared>>) dst(%dma_wait3A_291 : memref<1024x32xf32, #tpu.memory_space<hbm>>)
      tpu.yield
    }) : () -> ()
    %barrier3A_175 = arith.constant 0 : index
    tpu.barrier barrier_id(%barrier3A_175)
    %mul3A_176 = arith.constant 1025 : i32
    %mul3A_177 = arith.muli %arg1, %mul3A_176 : i32
    "tpu.region"() ({
      %run_scoped3A = tpu.sem_alloc : memref<!tpu.dma_semaphore, #tpu.memory_space<semaphore_mem>>
      %dma_start3A = arith.constant 0 : i32
      %dma_start3A_288 = tpu.memref_slice %arg9[%mul3A_177, %dma_start3A] : memref<16400x32xf32, #tpu.memory_space<vmem_shared>> -> memref<1025x32xf32, #tpu.memory_space<vmem_shared>>
      %dma_start3A_289 = arith.constant 0 : i32
      %dma_start3A_290 = tpu.memref_slice %arg9[%mul3A_177, %dma_start3A_289] : memref<16400x32xf32, #tpu.memory_space<vmem_shared>> -> memref<1025x32xf32, #tpu.memory_space<vmem_shared>>
      tpu.enqueue_dma source(%arg8 : memref<1025x32xf32, #tpu.memory_space<vmem>>) target(%dma_start3A_290 : memref<1025x32xf32, #tpu.memory_space<vmem_shared>>) target_semaphore(%run_scoped3A : memref<!tpu.dma_semaphore, #tpu.memory_space<semaphore_mem>>)
      %dma_wait3A = arith.constant 0 : i32
      %dma_wait3A_291 = tpu.memref_slice %arg9[%mul3A_177, %dma_wait3A] : memref<16400x32xf32, #tpu.memory_space<vmem_shared>> -> memref<1025x32xf32, #tpu.memory_space<vmem_shared>>
      %dma_wait3A_292 = arith.constant 0 : i32
      %dma_wait3A_293 = tpu.memref_slice %arg9[%mul3A_177, %dma_wait3A_292] : memref<16400x32xf32, #tpu.memory_space<vmem_shared>> -> memref<1025x32xf32, #tpu.memory_space<vmem_shared>>
      tpu.wait_dma2 semaphore(%run_scoped3A : memref<!tpu.dma_semaphore, #tpu.memory_space<semaphore_mem>>) src(%arg8 : memref<1025x32xf32, #tpu.memory_space<vmem>>) dst(%dma_wait3A_293 : memref<1025x32xf32, #tpu.memory_space<vmem_shared>>)
      tpu.yield
    }) : () -> ()
    %barrier3A_178 = arith.constant 0 : index
    tpu.barrier barrier_id(%barrier3A_178)
    %broadcast_in_dim3A_179 = arith.constant 98304 : i32
    %broadcast_in_dim3A_180 = vector.broadcast %broadcast_in_dim3A_179 : i32 to vector<16xi32>
    %broadcast_in_dim3A_181 = arith.constant 114688 : i32
    %broadcast_in_dim3A_182 = vector.broadcast %broadcast_in_dim3A_181 : i32 to vector<16xi32>
    %broadcast_in_dim3A_183 = arith.constant 16384 : i32
    %broadcast_in_dim3A_184 = vector.broadcast %broadcast_in_dim3A_183 : i32 to vector<16xi32>
    %broadcast_in_dim3A_185 = vector.broadcast %arg1 : i32 to vector<16xi32>
    %add3A_186 = arith.addi %broadcast_in_dim3A_184, %broadcast_in_dim3A_185 : vector<16xi32>
    %scan3A_187 = arith.constant 0 : i32
    %scan3A_188 = arith.constant 0 : i32
    %scan3A_189 = arith.constant 136 : i32
    %scan3A_190 = arith.addi %scan3A_188, %scan3A_189 : i32
    %scan3A_191 = arith.constant 1 : i32
    scf.for %scan3A_288 = %scan3A_188 to %scan3A_190 step %scan3A_191  : i32 {
      %mul3A_289 = arith.constant 128 : i32
      %mul3A_290 = arith.muli %scan3A_288, %mul3A_289 : i32
      %broadcast_in_dim3A_291 = arith.constant 0 : i32
      %broadcast_in_dim3A_292 = vector.broadcast %broadcast_in_dim3A_291 : i32 to vector<16xi32>
      %add3A_293 = arith.constant 0 : i32
      %add3A_294 = arith.addi %mul3A_290, %add3A_293 : i32
      %get3A = arith.index_cast %add3A_294 : i32 to index
      %get3A_295 = tpu.vector_load %arg5[%get3A] {strides = array<i32>} : memref<17408xi32, #tpu.memory_space<vmem>>, vector<16xi32>,
      %ge3A = arith.cmpi sge, %get3A_295, %broadcast_in_dim3A_180 : vector<16xi32>
      %lt3A = arith.cmpi slt, %get3A_295, %broadcast_in_dim3A_182 : vector<16xi32>
      %and3A = arith.andi %ge3A, %lt3A : vector<16xi1>
      %sub3A = arith.subi %get3A_295, %broadcast_in_dim3A_180 : vector<16xi32>
      %select_n3A = arith.select %and3A, %sub3A, %add3A_186 : vector<16xi1>, vector<16xi32>
      %swap3A = arith.constant 0 : index
      %swap3A_296 = tpu.vector_load %arg6[%swap3A] {strides = array<i32>} : memref<128xi32, #tpu.memory_space<vmem>>, vector<16xi32>,
      tpu.vector_store %arg6[%swap3A], %select_n3A {strides = array<i32>} : memref<128xi32, #tpu.memory_space<vmem>>, vector<16xi32>,
      %broadcast_in_dim3A_297 = arith.constant 1 : i32
      %broadcast_in_dim3A_298 = vector.broadcast %broadcast_in_dim3A_297 : i32 to vector<16xi32>
      %broadcast_in_dim3A_299 = arith.constant 0 : i32
      %broadcast_in_dim3A_300 = vector.broadcast %broadcast_in_dim3A_299 : i32 to vector<16xi32>
      %select_n3A_301 = arith.select %and3A, %broadcast_in_dim3A_298, %broadcast_in_dim3A_300 : vector<16xi1>, vector<16xi32>
      %add3A_302 = arith.addi %broadcast_in_dim3A_292, %select_n3A_301 : vector<16xi32>
      %add3A_303 = arith.constant 16 : i32
      %add3A_304 = arith.addi %mul3A_290, %add3A_303 : i32
      %get3A_305 = arith.index_cast %add3A_304 : i32 to index
      %get3A_306 = tpu.vector_load %arg5[%get3A_305] {strides = array<i32>} : memref<17408xi32, #tpu.memory_space<vmem>>, vector<16xi32>,
      %ge3A_307 = arith.cmpi sge, %get3A_306, %broadcast_in_dim3A_180 : vector<16xi32>
      %lt3A_308 = arith.cmpi slt, %get3A_306, %broadcast_in_dim3A_182 : vector<16xi32>
      %and3A_309 = arith.andi %ge3A_307, %lt3A_308 : vector<16xi1>
      %sub3A_310 = arith.subi %get3A_306, %broadcast_in_dim3A_180 : vector<16xi32>
      %select_n3A_311 = arith.select %and3A_309, %sub3A_310, %add3A_186 : vector<16xi1>, vector<16xi32>
      %swap3A_312 = arith.constant 16 : index
      %swap3A_313 = tpu.vector_load %arg6[%swap3A_312] {strides = array<i32>} : memref<128xi32, #tpu.memory_space<vmem>>, vector<16xi32>,
      tpu.vector_store %arg6[%swap3A_312], %select_n3A_311 {strides = array<i32>} : memref<128xi32, #tpu.memory_space<vmem>>, vector<16xi32>,
      %broadcast_in_dim3A_314 = arith.constant 1 : i32
      %broadcast_in_dim3A_315 = vector.broadcast %broadcast_in_dim3A_314 : i32 to vector<16xi32>
      %broadcast_in_dim3A_316 = arith.constant 0 : i32
      %broadcast_in_dim3A_317 = vector.broadcast %broadcast_in_dim3A_316 : i32 to vector<16xi32>
      %select_n3A_318 = arith.select %and3A_309, %broadcast_in_dim3A_315, %broadcast_in_dim3A_317 : vector<16xi1>, vector<16xi32>
      %add3A_319 = arith.addi %add3A_302, %select_n3A_318 : vector<16xi32>
      %add3A_320 = arith.constant 32 : i32
      %add3A_321 = arith.addi %mul3A_290, %add3A_320 : i32
      %get3A_322 = arith.index_cast %add3A_321 : i32 to index
      %get3A_323 = tpu.vector_load %arg5[%get3A_322] {strides = array<i32>} : memref<17408xi32, #tpu.memory_space<vmem>>, vector<16xi32>,
      %ge3A_324 = arith.cmpi sge, %get3A_323, %broadcast_in_dim3A_180 : vector<16xi32>
      %lt3A_325 = arith.cmpi slt, %get3A_323, %broadcast_in_dim3A_182 : vector<16xi32>
      %and3A_326 = arith.andi %ge3A_324, %lt3A_325 : vector<16xi1>
      %sub3A_327 = arith.subi %get3A_323, %broadcast_in_dim3A_180 : vector<16xi32>
      %select_n3A_328 = arith.select %and3A_326, %sub3A_327, %add3A_186 : vector<16xi1>, vector<16xi32>
      %swap3A_329 = arith.constant 32 : index
      %swap3A_330 = tpu.vector_load %arg6[%swap3A_329] {strides = array<i32>} : memref<128xi32, #tpu.memory_space<vmem>>, vector<16xi32>,
      tpu.vector_store %arg6[%swap3A_329], %select_n3A_328 {strides = array<i32>} : memref<128xi32, #tpu.memory_space<vmem>>, vector<16xi32>,
      %broadcast_in_dim3A_331 = arith.constant 1 : i32
      %broadcast_in_dim3A_332 = vector.broadcast %broadcast_in_dim3A_331 : i32 to vector<16xi32>
      %broadcast_in_dim3A_333 = arith.constant 0 : i32
      %broadcast_in_dim3A_334 = vector.broadcast %broadcast_in_dim3A_333 : i32 to vector<16xi32>
      %select_n3A_335 = arith.select %and3A_326, %broadcast_in_dim3A_332, %broadcast_in_dim3A_334 : vector<16xi1>, vector<16xi32>
      %add3A_336 = arith.addi %add3A_319, %select_n3A_335 : vector<16xi32>
      %add3A_337 = arith.constant 48 : i32
      %add3A_338 = arith.addi %mul3A_290, %add3A_337 : i32
      %get3A_339 = arith.index_cast %add3A_338 : i32 to index
      %get3A_340 = tpu.vector_load %arg5[%get3A_339] {strides = array<i32>} : memref<17408xi32, #tpu.memory_space<vmem>>, vector<16xi32>,
      %ge3A_341 = arith.cmpi sge, %get3A_340, %broadcast_in_dim3A_180 : vector<16xi32>
      %lt3A_342 = arith.cmpi slt, %get3A_340, %broadcast_in_dim3A_182 : vector<16xi32>
      %and3A_343 = arith.andi %ge3A_341, %lt3A_342 : vector<16xi1>
      %sub3A_344 = arith.subi %get3A_340, %broadcast_in_dim3A_180 : vector<16xi32>
      %select_n3A_345 = arith.select %and3A_343, %sub3A_344, %add3A_186 : vector<16xi1>, vector<16xi32>
      %swap3A_346 = arith.constant 48 : index
      %swap3A_347 = tpu.vector_load %arg6[%swap3A_346] {strides = array<i32>} : memref<128xi32, #tpu.memory_space<vmem>>, vector<16xi32>,
      tpu.vector_store %arg6[%swap3A_346], %select_n3A_345 {strides = array<i32>} : memref<128xi32, #tpu.memory_space<vmem>>, vector<16xi32>,
      %broadcast_in_dim3A_348 = arith.constant 1 : i32
      %broadcast_in_dim3A_349 = vector.broadcast %broadcast_in_dim3A_348 : i32 to vector<16xi32>
      %broadcast_in_dim3A_350 = arith.constant 0 : i32
      %broadcast_in_dim3A_351 = vector.broadcast %broadcast_in_dim3A_350 : i32 to vector<16xi32>
      %select_n3A_352 = arith.select %and3A_343, %broadcast_in_dim3A_349, %broadcast_in_dim3A_351 : vector<16xi1>, vector<16xi32>
      %add3A_353 = arith.addi %add3A_336, %select_n3A_352 : vector<16xi32>
      %add3A_354 = arith.constant 64 : i32
      %add3A_355 = arith.addi %mul3A_290, %add3A_354 : i32
      %get3A_356 = arith.index_cast %add3A_355 : i32 to index
      %get3A_357 = tpu.vector_load %arg5[%get3A_356] {strides = array<i32>} : memref<17408xi32, #tpu.memory_space<vmem>>, vector<16xi32>,
      %ge3A_358 = arith.cmpi sge, %get3A_357, %broadcast_in_dim3A_180 : vector<16xi32>
      %lt3A_359 = arith.cmpi slt, %get3A_357, %broadcast_in_dim3A_182 : vector<16xi32>
      %and3A_360 = arith.andi %ge3A_358, %lt3A_359 : vector<16xi1>
      %sub3A_361 = arith.subi %get3A_357, %broadcast_in_dim3A_180 : vector<16xi32>
      %select_n3A_362 = arith.select %and3A_360, %sub3A_361, %add3A_186 : vector<16xi1>, vector<16xi32>
      %swap3A_363 = arith.constant 64 : index
      %swap3A_364 = tpu.vector_load %arg6[%swap3A_363] {strides = array<i32>} : memref<128xi32, #tpu.memory_space<vmem>>, vector<16xi32>,
      tpu.vector_store %arg6[%swap3A_363], %select_n3A_362 {strides = array<i32>} : memref<128xi32, #tpu.memory_space<vmem>>, vector<16xi32>,
      %broadcast_in_dim3A_365 = arith.constant 1 : i32
      %broadcast_in_dim3A_366 = vector.broadcast %broadcast_in_dim3A_365 : i32 to vector<16xi32>
      %broadcast_in_dim3A_367 = arith.constant 0 : i32
      %broadcast_in_dim3A_368 = vector.broadcast %broadcast_in_dim3A_367 : i32 to vector<16xi32>
      %select_n3A_369 = arith.select %and3A_360, %broadcast_in_dim3A_366, %broadcast_in_dim3A_368 : vector<16xi1>, vector<16xi32>
      %add3A_370 = arith.addi %add3A_353, %select_n3A_369 : vector<16xi32>
      %add3A_371 = arith.constant 80 : i32
      %add3A_372 = arith.addi %mul3A_290, %add3A_371 : i32
      %get3A_373 = arith.index_cast %add3A_372 : i32 to index
      %get3A_374 = tpu.vector_load %arg5[%get3A_373] {strides = array<i32>} : memref<17408xi32, #tpu.memory_space<vmem>>, vector<16xi32>,
      %ge3A_375 = arith.cmpi sge, %get3A_374, %broadcast_in_dim3A_180 : vector<16xi32>
      %lt3A_376 = arith.cmpi slt, %get3A_374, %broadcast_in_dim3A_182 : vector<16xi32>
      %and3A_377 = arith.andi %ge3A_375, %lt3A_376 : vector<16xi1>
      %sub3A_378 = arith.subi %get3A_374, %broadcast_in_dim3A_180 : vector<16xi32>
      %select_n3A_379 = arith.select %and3A_377, %sub3A_378, %add3A_186 : vector<16xi1>, vector<16xi32>
      %swap3A_380 = arith.constant 80 : index
      %swap3A_381 = tpu.vector_load %arg6[%swap3A_380] {strides = array<i32>} : memref<128xi32, #tpu.memory_space<vmem>>, vector<16xi32>,
      tpu.vector_store %arg6[%swap3A_380], %select_n3A_379 {strides = array<i32>} : memref<128xi32, #tpu.memory_space<vmem>>, vector<16xi32>,
      %broadcast_in_dim3A_382 = arith.constant 1 : i32
      %broadcast_in_dim3A_383 = vector.broadcast %broadcast_in_dim3A_382 : i32 to vector<16xi32>
      %broadcast_in_dim3A_384 = arith.constant 0 : i32
      %broadcast_in_dim3A_385 = vector.broadcast %broadcast_in_dim3A_384 : i32 to vector<16xi32>
      %select_n3A_386 = arith.select %and3A_377, %broadcast_in_dim3A_383, %broadcast_in_dim3A_385 : vector<16xi1>, vector<16xi32>
      %add3A_387 = arith.addi %add3A_370, %select_n3A_386 : vector<16xi32>
      %add3A_388 = arith.constant 96 : i32
      %add3A_389 = arith.addi %mul3A_290, %add3A_388 : i32
      %get3A_390 = arith.index_cast %add3A_389 : i32 to index
      %get3A_391 = tpu.vector_load %arg5[%get3A_390] {strides = array<i32>} : memref<17408xi32, #tpu.memory_space<vmem>>, vector<16xi32>,
      %ge3A_392 = arith.cmpi sge, %get3A_391, %broadcast_in_dim3A_180 : vector<16xi32>
      %lt3A_393 = arith.cmpi slt, %get3A_391, %broadcast_in_dim3A_182 : vector<16xi32>
      %and3A_394 = arith.andi %ge3A_392, %lt3A_393 : vector<16xi1>
      %sub3A_395 = arith.subi %get3A_391, %broadcast_in_dim3A_180 : vector<16xi32>
      %select_n3A_396 = arith.select %and3A_394, %sub3A_395, %add3A_186 : vector<16xi1>, vector<16xi32>
      %swap3A_397 = arith.constant 96 : index
      %swap3A_398 = tpu.vector_load %arg6[%swap3A_397] {strides = array<i32>} : memref<128xi32, #tpu.memory_space<vmem>>, vector<16xi32>,
      tpu.vector_store %arg6[%swap3A_397], %select_n3A_396 {strides = array<i32>} : memref<128xi32, #tpu.memory_space<vmem>>, vector<16xi32>,
      %broadcast_in_dim3A_399 = arith.constant 1 : i32
      %broadcast_in_dim3A_400 = vector.broadcast %broadcast_in_dim3A_399 : i32 to vector<16xi32>
      %broadcast_in_dim3A_401 = arith.constant 0 : i32
      %broadcast_in_dim3A_402 = vector.broadcast %broadcast_in_dim3A_401 : i32 to vector<16xi32>
      %select_n3A_403 = arith.select %and3A_394, %broadcast_in_dim3A_400, %broadcast_in_dim3A_402 : vector<16xi1>, vector<16xi32>
      %add3A_404 = arith.addi %add3A_387, %select_n3A_403 : vector<16xi32>
      %add3A_405 = arith.constant 112 : i32
      %add3A_406 = arith.addi %mul3A_290, %add3A_405 : i32
      %get3A_407 = arith.index_cast %add3A_406 : i32 to index
      %get3A_408 = tpu.vector_load %arg5[%get3A_407] {strides = array<i32>} : memref<17408xi32, #tpu.memory_space<vmem>>, vector<16xi32>,
      %ge3A_409 = arith.cmpi sge, %get3A_408, %broadcast_in_dim3A_180 : vector<16xi32>
      %lt3A_410 = arith.cmpi slt, %get3A_408, %broadcast_in_dim3A_182 : vector<16xi32>
      %and3A_411 = arith.andi %ge3A_409, %lt3A_410 : vector<16xi1>
      %sub3A_412 = arith.subi %get3A_408, %broadcast_in_dim3A_180 : vector<16xi32>
      %select_n3A_413 = arith.select %and3A_411, %sub3A_412, %add3A_186 : vector<16xi1>, vector<16xi32>
      %swap3A_414 = arith.constant 112 : index
      %swap3A_415 = tpu.vector_load %arg6[%swap3A_414] {strides = array<i32>} : memref<128xi32, #tpu.memory_space<vmem>>, vector<16xi32>,
      tpu.vector_store %arg6[%swap3A_414], %select_n3A_413 {strides = array<i32>} : memref<128xi32, #tpu.memory_space<vmem>>, vector<16xi32>,
      %broadcast_in_dim3A_416 = arith.constant 1 : i32
      %broadcast_in_dim3A_417 = vector.broadcast %broadcast_in_dim3A_416 : i32 to vector<16xi32>
      %broadcast_in_dim3A_418 = arith.constant 0 : i32
      %broadcast_in_dim3A_419 = vector.broadcast %broadcast_in_dim3A_418 : i32 to vector<16xi32>
      %select_n3A_420 = arith.select %and3A_411, %broadcast_in_dim3A_417, %broadcast_in_dim3A_419 : vector<16xi1>, vector<16xi32>
      %add3A_421 = arith.addi %add3A_404, %select_n3A_420 : vector<16xi32>
      %reduce_sum3A = arith.constant true
      %reduce_sum3A_422 = vector.broadcast %reduce_sum3A : i1 to vector<16xi1>
      %reduce_sum3A_423 = tpu.scan <sum>, %add3A_421 masked %reduce_sum3A_422 : vector<16xi32>, vector<16xi1> -> vector<16xi32>
      %reduce_sum3A_424 = vector.extract %reduce_sum3A_423[15] : i32 from vector<16xi32>
      %gt3A = arith.constant 0 : i32
      %gt3A_425 = arith.cmpi sgt, %reduce_sum3A_424, %gt3A : i32
      %convert_element_type3A = arith.extui %gt3A_425 : i1 to i32
      %cond3A = arith.constant 0 : i32
      %cond3A_426 = arith.cmpi ne, %convert_element_type3A, %cond3A : i32
      scf.if %cond3A_426 {
        %add3A_427 = arith.addi %mul3A_2, %mul3A_290 : i32
        "tpu.region"() ({
          %run_scoped3A = tpu.sem_alloc : memref<!tpu.dma_semaphore, #tpu.memory_space<semaphore_mem>>
          %dma_start3A = arith.constant 0 : i32
          %dma_start3A_428 = tpu.memref_slice %arg2[%add3A_427, %dma_start3A] : memref<557056x32xf32, #tpu.memory_space<hbm>> -> memref<128x32xf32, #tpu.memory_space<hbm>>
          %dma_start3A_429 = arith.constant 0 : i32
          %dma_start3A_430 = tpu.memref_slice %arg2[%add3A_427, %dma_start3A_429] : memref<557056x32xf32, #tpu.memory_space<hbm>> -> memref<128x32xf32, #tpu.memory_space<hbm>>
          tpu.enqueue_dma source(%dma_start3A_430 : memref<128x32xf32, #tpu.memory_space<hbm>>) target(%arg7 : memref<128x32xf32, #tpu.memory_space<vmem>>) target_semaphore(%run_scoped3A : memref<!tpu.dma_semaphore, #tpu.memory_space<semaphore_mem>>)
          %dma_wait3A = arith.constant 0 : i32
          %dma_wait3A_431 = tpu.memref_slice %arg2[%add3A_427, %dma_wait3A] : memref<557056x32xf32, #tpu.memory_space<hbm>> -> memref<128x32xf32, #tpu.memory_space<hbm>>
          %dma_wait3A_432 = arith.constant 0 : i32
          %dma_wait3A_433 = tpu.memref_slice %arg2[%add3A_427, %dma_wait3A_432] : memref<557056x32xf32, #tpu.memory_space<hbm>> -> memref<128x32xf32, #tpu.memory_space<hbm>>
          tpu.wait_dma2 semaphore(%run_scoped3A : memref<!tpu.dma_semaphore, #tpu.memory_space<semaphore_mem>>) src(%dma_wait3A_433 : memref<128x32xf32, #tpu.memory_space<hbm>>) dst(%arg7 : memref<128x32xf32, #tpu.memory_space<vmem>>)
          tpu.yield
        }) : () -> ()
        "tpu.region"() ({
          %run_scoped3A = tpu.sem_alloc : memref<!tpu.dma_semaphore, #tpu.memory_space<semaphore_mem>>
          %dma_start3A = arith.constant 0 : i32
          %dma_start3A_428 = arith.constant 0 : i32
          %dma_start3A_429 = tpu.memref_slice %arg9[%dma_start3A, %dma_start3A_428] : memref<16400x32xf32, #tpu.memory_space<vmem_shared>> -> memref<16400x32xf32, #tpu.memory_space<vmem_shared>>
          tpu.enqueue_indirect_dma source(%arg7 : memref<128x32xf32, #tpu.memory_space<vmem>>) target(%dma_start3A_429 : memref<16400x32xf32, #tpu.memory_space<vmem_shared>>) offsets(%arg6 : memref<128xi32, #tpu.memory_space<vmem>>) semaphore(%run_scoped3A : memref<!tpu.dma_semaphore, #tpu.memory_space<semaphore_mem>>) {add = true}
          %dma_wait3A = arith.constant 0 : i32
          %dma_wait3A_430 = arith.constant 0 : i32
          %dma_wait3A_431 = tpu.memref_slice %arg9[%dma_wait3A, %dma_wait3A_430] : memref<16400x32xf32, #tpu.memory_space<vmem_shared>> -> memref<16400x32xf32, #tpu.memory_space<vmem_shared>>
          tpu.wait_indirect_dma semaphore(%run_scoped3A : memref<!tpu.dma_semaphore, #tpu.memory_space<semaphore_mem>>) src(%arg7 : memref<128x32xf32, #tpu.memory_space<vmem>>) dst(%dma_wait3A_431 : memref<16400x32xf32, #tpu.memory_space<vmem_shared>>)
          tpu.yield
        }) : () -> ()
      } else {
      }
    }
    %scan3A_192 = arith.constant 136 : i32
    %barrier3A_193 = arith.constant 0 : index
    tpu.barrier barrier_id(%barrier3A_193)
    %mul3A_194 = arith.constant 1024 : i32
    %mul3A_195 = arith.muli %arg1, %mul3A_194 : i32
    %mul3A_196 = arith.constant 163840 : i32
    %mul3A_197 = arith.muli %arg0, %mul3A_196 : i32
    %add3A_198 = arith.constant 98304 : i32
    %add3A_199 = arith.addi %mul3A_197, %add3A_198 : i32
    %mul3A_200 = arith.constant 1024 : i32
    %mul3A_201 = arith.muli %arg1, %mul3A_200 : i32
    %add3A_202 = arith.addi %add3A_199, %mul3A_201 : i32
    "tpu.region"() ({
      %run_scoped3A = tpu.sem_alloc : memref<!tpu.dma_semaphore, #tpu.memory_space<semaphore_mem>>
      %dma_start3A = arith.constant 0 : i32
      %dma_start3A_288 = tpu.memref_slice %arg4[%add3A_202, %dma_start3A] : memref<327680x32xf32, #tpu.memory_space<hbm>> -> memref<1024x32xf32, #tpu.memory_space<hbm>>
      %dma_start3A_289 = arith.constant 0 : i32
      %dma_start3A_290 = tpu.memref_slice %arg9[%mul3A_195, %dma_start3A_289] : memref<16400x32xf32, #tpu.memory_space<vmem_shared>> -> memref<1024x32xf32, #tpu.memory_space<vmem_shared>>
      tpu.enqueue_dma source(%dma_start3A_290 : memref<1024x32xf32, #tpu.memory_space<vmem_shared>>) target(%dma_start3A_288 : memref<1024x32xf32, #tpu.memory_space<hbm>>) target_semaphore(%run_scoped3A : memref<!tpu.dma_semaphore, #tpu.memory_space<semaphore_mem>>)
      %dma_wait3A = arith.constant 0 : i32
      %dma_wait3A_291 = tpu.memref_slice %arg4[%add3A_202, %dma_wait3A] : memref<327680x32xf32, #tpu.memory_space<hbm>> -> memref<1024x32xf32, #tpu.memory_space<hbm>>
      %dma_wait3A_292 = arith.constant 0 : i32
      %dma_wait3A_293 = tpu.memref_slice %arg9[%mul3A_195, %dma_wait3A_292] : memref<16400x32xf32, #tpu.memory_space<vmem_shared>> -> memref<1024x32xf32, #tpu.memory_space<vmem_shared>>
      tpu.wait_dma2 semaphore(%run_scoped3A : memref<!tpu.dma_semaphore, #tpu.memory_space<semaphore_mem>>) src(%dma_wait3A_293 : memref<1024x32xf32, #tpu.memory_space<vmem_shared>>) dst(%dma_wait3A_291 : memref<1024x32xf32, #tpu.memory_space<hbm>>)
      tpu.yield
    }) : () -> ()
    %barrier3A_203 = arith.constant 0 : index
    tpu.barrier barrier_id(%barrier3A_203)
    %mul3A_204 = arith.constant 1025 : i32
    %mul3A_205 = arith.muli %arg1, %mul3A_204 : i32
    "tpu.region"() ({
      %run_scoped3A = tpu.sem_alloc : memref<!tpu.dma_semaphore, #tpu.memory_space<semaphore_mem>>
      %dma_start3A = arith.constant 0 : i32
      %dma_start3A_288 = tpu.memref_slice %arg9[%mul3A_205, %dma_start3A] : memref<16400x32xf32, #tpu.memory_space<vmem_shared>> -> memref<1025x32xf32, #tpu.memory_space<vmem_shared>>
      %dma_start3A_289 = arith.constant 0 : i32
      %dma_start3A_290 = tpu.memref_slice %arg9[%mul3A_205, %dma_start3A_289] : memref<16400x32xf32, #tpu.memory_space<vmem_shared>> -> memref<1025x32xf32, #tpu.memory_space<vmem_shared>>
      tpu.enqueue_dma source(%arg8 : memref<1025x32xf32, #tpu.memory_space<vmem>>) target(%dma_start3A_290 : memref<1025x32xf32, #tpu.memory_space<vmem_shared>>) target_semaphore(%run_scoped3A : memref<!tpu.dma_semaphore, #tpu.memory_space<semaphore_mem>>)
      %dma_wait3A = arith.constant 0 : i32
      %dma_wait3A_291 = tpu.memref_slice %arg9[%mul3A_205, %dma_wait3A] : memref<16400x32xf32, #tpu.memory_space<vmem_shared>> -> memref<1025x32xf32, #tpu.memory_space<vmem_shared>>
      %dma_wait3A_292 = arith.constant 0 : i32
      %dma_wait3A_293 = tpu.memref_slice %arg9[%mul3A_205, %dma_wait3A_292] : memref<16400x32xf32, #tpu.memory_space<vmem_shared>> -> memref<1025x32xf32, #tpu.memory_space<vmem_shared>>
      tpu.wait_dma2 semaphore(%run_scoped3A : memref<!tpu.dma_semaphore, #tpu.memory_space<semaphore_mem>>) src(%arg8 : memref<1025x32xf32, #tpu.memory_space<vmem>>) dst(%dma_wait3A_293 : memref<1025x32xf32, #tpu.memory_space<vmem_shared>>)
      tpu.yield
    }) : () -> ()
    %barrier3A_206 = arith.constant 0 : index
    tpu.barrier barrier_id(%barrier3A_206)
    %broadcast_in_dim3A_207 = arith.constant 114688 : i32
    %broadcast_in_dim3A_208 = vector.broadcast %broadcast_in_dim3A_207 : i32 to vector<16xi32>
    %broadcast_in_dim3A_209 = arith.constant 131072 : i32
    %broadcast_in_dim3A_210 = vector.broadcast %broadcast_in_dim3A_209 : i32 to vector<16xi32>
    %broadcast_in_dim3A_211 = arith.constant 16384 : i32
    %broadcast_in_dim3A_212 = vector.broadcast %broadcast_in_dim3A_211 : i32 to vector<16xi32>
    %broadcast_in_dim3A_213 = vector.broadcast %arg1 : i32 to vector<16xi32>
    %add3A_214 = arith.addi %broadcast_in_dim3A_212, %broadcast_in_dim3A_213 : vector<16xi32>
    %scan3A_215 = arith.constant 0 : i32
    %scan3A_216 = arith.constant 0 : i32
    %scan3A_217 = arith.constant 136 : i32
    %scan3A_218 = arith.addi %scan3A_216, %scan3A_217 : i32
    %scan3A_219 = arith.constant 1 : i32
    scf.for %scan3A_288 = %scan3A_216 to %scan3A_218 step %scan3A_219  : i32 {
      %mul3A_289 = arith.constant 128 : i32
      %mul3A_290 = arith.muli %scan3A_288, %mul3A_289 : i32
      %broadcast_in_dim3A_291 = arith.constant 0 : i32
      %broadcast_in_dim3A_292 = vector.broadcast %broadcast_in_dim3A_291 : i32 to vector<16xi32>
      %add3A_293 = arith.constant 0 : i32
      %add3A_294 = arith.addi %mul3A_290, %add3A_293 : i32
      %get3A = arith.index_cast %add3A_294 : i32 to index
      %get3A_295 = tpu.vector_load %arg5[%get3A] {strides = array<i32>} : memref<17408xi32, #tpu.memory_space<vmem>>, vector<16xi32>,
      %ge3A = arith.cmpi sge, %get3A_295, %broadcast_in_dim3A_208 : vector<16xi32>
      %lt3A = arith.cmpi slt, %get3A_295, %broadcast_in_dim3A_210 : vector<16xi32>
      %and3A = arith.andi %ge3A, %lt3A : vector<16xi1>
      %sub3A = arith.subi %get3A_295, %broadcast_in_dim3A_208 : vector<16xi32>
      %select_n3A = arith.select %and3A, %sub3A, %add3A_214 : vector<16xi1>, vector<16xi32>
      %swap3A = arith.constant 0 : index
      %swap3A_296 = tpu.vector_load %arg6[%swap3A] {strides = array<i32>} : memref<128xi32, #tpu.memory_space<vmem>>, vector<16xi32>,
      tpu.vector_store %arg6[%swap3A], %select_n3A {strides = array<i32>} : memref<128xi32, #tpu.memory_space<vmem>>, vector<16xi32>,
      %broadcast_in_dim3A_297 = arith.constant 1 : i32
      %broadcast_in_dim3A_298 = vector.broadcast %broadcast_in_dim3A_297 : i32 to vector<16xi32>
      %broadcast_in_dim3A_299 = arith.constant 0 : i32
      %broadcast_in_dim3A_300 = vector.broadcast %broadcast_in_dim3A_299 : i32 to vector<16xi32>
      %select_n3A_301 = arith.select %and3A, %broadcast_in_dim3A_298, %broadcast_in_dim3A_300 : vector<16xi1>, vector<16xi32>
      %add3A_302 = arith.addi %broadcast_in_dim3A_292, %select_n3A_301 : vector<16xi32>
      %add3A_303 = arith.constant 16 : i32
      %add3A_304 = arith.addi %mul3A_290, %add3A_303 : i32
      %get3A_305 = arith.index_cast %add3A_304 : i32 to index
      %get3A_306 = tpu.vector_load %arg5[%get3A_305] {strides = array<i32>} : memref<17408xi32, #tpu.memory_space<vmem>>, vector<16xi32>,
      %ge3A_307 = arith.cmpi sge, %get3A_306, %broadcast_in_dim3A_208 : vector<16xi32>
      %lt3A_308 = arith.cmpi slt, %get3A_306, %broadcast_in_dim3A_210 : vector<16xi32>
      %and3A_309 = arith.andi %ge3A_307, %lt3A_308 : vector<16xi1>
      %sub3A_310 = arith.subi %get3A_306, %broadcast_in_dim3A_208 : vector<16xi32>
      %select_n3A_311 = arith.select %and3A_309, %sub3A_310, %add3A_214 : vector<16xi1>, vector<16xi32>
      %swap3A_312 = arith.constant 16 : index
      %swap3A_313 = tpu.vector_load %arg6[%swap3A_312] {strides = array<i32>} : memref<128xi32, #tpu.memory_space<vmem>>, vector<16xi32>,
      tpu.vector_store %arg6[%swap3A_312], %select_n3A_311 {strides = array<i32>} : memref<128xi32, #tpu.memory_space<vmem>>, vector<16xi32>,
      %broadcast_in_dim3A_314 = arith.constant 1 : i32
      %broadcast_in_dim3A_315 = vector.broadcast %broadcast_in_dim3A_314 : i32 to vector<16xi32>
      %broadcast_in_dim3A_316 = arith.constant 0 : i32
      %broadcast_in_dim3A_317 = vector.broadcast %broadcast_in_dim3A_316 : i32 to vector<16xi32>
      %select_n3A_318 = arith.select %and3A_309, %broadcast_in_dim3A_315, %broadcast_in_dim3A_317 : vector<16xi1>, vector<16xi32>
      %add3A_319 = arith.addi %add3A_302, %select_n3A_318 : vector<16xi32>
      %add3A_320 = arith.constant 32 : i32
      %add3A_321 = arith.addi %mul3A_290, %add3A_320 : i32
      %get3A_322 = arith.index_cast %add3A_321 : i32 to index
      %get3A_323 = tpu.vector_load %arg5[%get3A_322] {strides = array<i32>} : memref<17408xi32, #tpu.memory_space<vmem>>, vector<16xi32>,
      %ge3A_324 = arith.cmpi sge, %get3A_323, %broadcast_in_dim3A_208 : vector<16xi32>
      %lt3A_325 = arith.cmpi slt, %get3A_323, %broadcast_in_dim3A_210 : vector<16xi32>
      %and3A_326 = arith.andi %ge3A_324, %lt3A_325 : vector<16xi1>
      %sub3A_327 = arith.subi %get3A_323, %broadcast_in_dim3A_208 : vector<16xi32>
      %select_n3A_328 = arith.select %and3A_326, %sub3A_327, %add3A_214 : vector<16xi1>, vector<16xi32>
      %swap3A_329 = arith.constant 32 : index
      %swap3A_330 = tpu.vector_load %arg6[%swap3A_329] {strides = array<i32>} : memref<128xi32, #tpu.memory_space<vmem>>, vector<16xi32>,
      tpu.vector_store %arg6[%swap3A_329], %select_n3A_328 {strides = array<i32>} : memref<128xi32, #tpu.memory_space<vmem>>, vector<16xi32>,
      %broadcast_in_dim3A_331 = arith.constant 1 : i32
      %broadcast_in_dim3A_332 = vector.broadcast %broadcast_in_dim3A_331 : i32 to vector<16xi32>
      %broadcast_in_dim3A_333 = arith.constant 0 : i32
      %broadcast_in_dim3A_334 = vector.broadcast %broadcast_in_dim3A_333 : i32 to vector<16xi32>
      %select_n3A_335 = arith.select %and3A_326, %broadcast_in_dim3A_332, %broadcast_in_dim3A_334 : vector<16xi1>, vector<16xi32>
      %add3A_336 = arith.addi %add3A_319, %select_n3A_335 : vector<16xi32>
      %add3A_337 = arith.constant 48 : i32
      %add3A_338 = arith.addi %mul3A_290, %add3A_337 : i32
      %get3A_339 = arith.index_cast %add3A_338 : i32 to index
      %get3A_340 = tpu.vector_load %arg5[%get3A_339] {strides = array<i32>} : memref<17408xi32, #tpu.memory_space<vmem>>, vector<16xi32>,
      %ge3A_341 = arith.cmpi sge, %get3A_340, %broadcast_in_dim3A_208 : vector<16xi32>
      %lt3A_342 = arith.cmpi slt, %get3A_340, %broadcast_in_dim3A_210 : vector<16xi32>
      %and3A_343 = arith.andi %ge3A_341, %lt3A_342 : vector<16xi1>
      %sub3A_344 = arith.subi %get3A_340, %broadcast_in_dim3A_208 : vector<16xi32>
      %select_n3A_345 = arith.select %and3A_343, %sub3A_344, %add3A_214 : vector<16xi1>, vector<16xi32>
      %swap3A_346 = arith.constant 48 : index
      %swap3A_347 = tpu.vector_load %arg6[%swap3A_346] {strides = array<i32>} : memref<128xi32, #tpu.memory_space<vmem>>, vector<16xi32>,
      tpu.vector_store %arg6[%swap3A_346], %select_n3A_345 {strides = array<i32>} : memref<128xi32, #tpu.memory_space<vmem>>, vector<16xi32>,
      %broadcast_in_dim3A_348 = arith.constant 1 : i32
      %broadcast_in_dim3A_349 = vector.broadcast %broadcast_in_dim3A_348 : i32 to vector<16xi32>
      %broadcast_in_dim3A_350 = arith.constant 0 : i32
      %broadcast_in_dim3A_351 = vector.broadcast %broadcast_in_dim3A_350 : i32 to vector<16xi32>
      %select_n3A_352 = arith.select %and3A_343, %broadcast_in_dim3A_349, %broadcast_in_dim3A_351 : vector<16xi1>, vector<16xi32>
      %add3A_353 = arith.addi %add3A_336, %select_n3A_352 : vector<16xi32>
      %add3A_354 = arith.constant 64 : i32
      %add3A_355 = arith.addi %mul3A_290, %add3A_354 : i32
      %get3A_356 = arith.index_cast %add3A_355 : i32 to index
      %get3A_357 = tpu.vector_load %arg5[%get3A_356] {strides = array<i32>} : memref<17408xi32, #tpu.memory_space<vmem>>, vector<16xi32>,
      %ge3A_358 = arith.cmpi sge, %get3A_357, %broadcast_in_dim3A_208 : vector<16xi32>
      %lt3A_359 = arith.cmpi slt, %get3A_357, %broadcast_in_dim3A_210 : vector<16xi32>
      %and3A_360 = arith.andi %ge3A_358, %lt3A_359 : vector<16xi1>
      %sub3A_361 = arith.subi %get3A_357, %broadcast_in_dim3A_208 : vector<16xi32>
      %select_n3A_362 = arith.select %and3A_360, %sub3A_361, %add3A_214 : vector<16xi1>, vector<16xi32>
      %swap3A_363 = arith.constant 64 : index
      %swap3A_364 = tpu.vector_load %arg6[%swap3A_363] {strides = array<i32>} : memref<128xi32, #tpu.memory_space<vmem>>, vector<16xi32>,
      tpu.vector_store %arg6[%swap3A_363], %select_n3A_362 {strides = array<i32>} : memref<128xi32, #tpu.memory_space<vmem>>, vector<16xi32>,
      %broadcast_in_dim3A_365 = arith.constant 1 : i32
      %broadcast_in_dim3A_366 = vector.broadcast %broadcast_in_dim3A_365 : i32 to vector<16xi32>
      %broadcast_in_dim3A_367 = arith.constant 0 : i32
      %broadcast_in_dim3A_368 = vector.broadcast %broadcast_in_dim3A_367 : i32 to vector<16xi32>
      %select_n3A_369 = arith.select %and3A_360, %broadcast_in_dim3A_366, %broadcast_in_dim3A_368 : vector<16xi1>, vector<16xi32>
      %add3A_370 = arith.addi %add3A_353, %select_n3A_369 : vector<16xi32>
      %add3A_371 = arith.constant 80 : i32
      %add3A_372 = arith.addi %mul3A_290, %add3A_371 : i32
      %get3A_373 = arith.index_cast %add3A_372 : i32 to index
      %get3A_374 = tpu.vector_load %arg5[%get3A_373] {strides = array<i32>} : memref<17408xi32, #tpu.memory_space<vmem>>, vector<16xi32>,
      %ge3A_375 = arith.cmpi sge, %get3A_374, %broadcast_in_dim3A_208 : vector<16xi32>
      %lt3A_376 = arith.cmpi slt, %get3A_374, %broadcast_in_dim3A_210 : vector<16xi32>
      %and3A_377 = arith.andi %ge3A_375, %lt3A_376 : vector<16xi1>
      %sub3A_378 = arith.subi %get3A_374, %broadcast_in_dim3A_208 : vector<16xi32>
      %select_n3A_379 = arith.select %and3A_377, %sub3A_378, %add3A_214 : vector<16xi1>, vector<16xi32>
      %swap3A_380 = arith.constant 80 : index
      %swap3A_381 = tpu.vector_load %arg6[%swap3A_380] {strides = array<i32>} : memref<128xi32, #tpu.memory_space<vmem>>, vector<16xi32>,
      tpu.vector_store %arg6[%swap3A_380], %select_n3A_379 {strides = array<i32>} : memref<128xi32, #tpu.memory_space<vmem>>, vector<16xi32>,
      %broadcast_in_dim3A_382 = arith.constant 1 : i32
      %broadcast_in_dim3A_383 = vector.broadcast %broadcast_in_dim3A_382 : i32 to vector<16xi32>
      %broadcast_in_dim3A_384 = arith.constant 0 : i32
      %broadcast_in_dim3A_385 = vector.broadcast %broadcast_in_dim3A_384 : i32 to vector<16xi32>
      %select_n3A_386 = arith.select %and3A_377, %broadcast_in_dim3A_383, %broadcast_in_dim3A_385 : vector<16xi1>, vector<16xi32>
      %add3A_387 = arith.addi %add3A_370, %select_n3A_386 : vector<16xi32>
      %add3A_388 = arith.constant 96 : i32
      %add3A_389 = arith.addi %mul3A_290, %add3A_388 : i32
      %get3A_390 = arith.index_cast %add3A_389 : i32 to index
      %get3A_391 = tpu.vector_load %arg5[%get3A_390] {strides = array<i32>} : memref<17408xi32, #tpu.memory_space<vmem>>, vector<16xi32>,
      %ge3A_392 = arith.cmpi sge, %get3A_391, %broadcast_in_dim3A_208 : vector<16xi32>
      %lt3A_393 = arith.cmpi slt, %get3A_391, %broadcast_in_dim3A_210 : vector<16xi32>
      %and3A_394 = arith.andi %ge3A_392, %lt3A_393 : vector<16xi1>
      %sub3A_395 = arith.subi %get3A_391, %broadcast_in_dim3A_208 : vector<16xi32>
      %select_n3A_396 = arith.select %and3A_394, %sub3A_395, %add3A_214 : vector<16xi1>, vector<16xi32>
      %swap3A_397 = arith.constant 96 : index
      %swap3A_398 = tpu.vector_load %arg6[%swap3A_397] {strides = array<i32>} : memref<128xi32, #tpu.memory_space<vmem>>, vector<16xi32>,
      tpu.vector_store %arg6[%swap3A_397], %select_n3A_396 {strides = array<i32>} : memref<128xi32, #tpu.memory_space<vmem>>, vector<16xi32>,
      %broadcast_in_dim3A_399 = arith.constant 1 : i32
      %broadcast_in_dim3A_400 = vector.broadcast %broadcast_in_dim3A_399 : i32 to vector<16xi32>
      %broadcast_in_dim3A_401 = arith.constant 0 : i32
      %broadcast_in_dim3A_402 = vector.broadcast %broadcast_in_dim3A_401 : i32 to vector<16xi32>
      %select_n3A_403 = arith.select %and3A_394, %broadcast_in_dim3A_400, %broadcast_in_dim3A_402 : vector<16xi1>, vector<16xi32>
      %add3A_404 = arith.addi %add3A_387, %select_n3A_403 : vector<16xi32>
      %add3A_405 = arith.constant 112 : i32
      %add3A_406 = arith.addi %mul3A_290, %add3A_405 : i32
      %get3A_407 = arith.index_cast %add3A_406 : i32 to index
      %get3A_408 = tpu.vector_load %arg5[%get3A_407] {strides = array<i32>} : memref<17408xi32, #tpu.memory_space<vmem>>, vector<16xi32>,
      %ge3A_409 = arith.cmpi sge, %get3A_408, %broadcast_in_dim3A_208 : vector<16xi32>
      %lt3A_410 = arith.cmpi slt, %get3A_408, %broadcast_in_dim3A_210 : vector<16xi32>
      %and3A_411 = arith.andi %ge3A_409, %lt3A_410 : vector<16xi1>
      %sub3A_412 = arith.subi %get3A_408, %broadcast_in_dim3A_208 : vector<16xi32>
      %select_n3A_413 = arith.select %and3A_411, %sub3A_412, %add3A_214 : vector<16xi1>, vector<16xi32>
      %swap3A_414 = arith.constant 112 : index
      %swap3A_415 = tpu.vector_load %arg6[%swap3A_414] {strides = array<i32>} : memref<128xi32, #tpu.memory_space<vmem>>, vector<16xi32>,
      tpu.vector_store %arg6[%swap3A_414], %select_n3A_413 {strides = array<i32>} : memref<128xi32, #tpu.memory_space<vmem>>, vector<16xi32>,
      %broadcast_in_dim3A_416 = arith.constant 1 : i32
      %broadcast_in_dim3A_417 = vector.broadcast %broadcast_in_dim3A_416 : i32 to vector<16xi32>
      %broadcast_in_dim3A_418 = arith.constant 0 : i32
      %broadcast_in_dim3A_419 = vector.broadcast %broadcast_in_dim3A_418 : i32 to vector<16xi32>
      %select_n3A_420 = arith.select %and3A_411, %broadcast_in_dim3A_417, %broadcast_in_dim3A_419 : vector<16xi1>, vector<16xi32>
      %add3A_421 = arith.addi %add3A_404, %select_n3A_420 : vector<16xi32>
      %reduce_sum3A = arith.constant true
      %reduce_sum3A_422 = vector.broadcast %reduce_sum3A : i1 to vector<16xi1>
      %reduce_sum3A_423 = tpu.scan <sum>, %add3A_421 masked %reduce_sum3A_422 : vector<16xi32>, vector<16xi1> -> vector<16xi32>
      %reduce_sum3A_424 = vector.extract %reduce_sum3A_423[15] : i32 from vector<16xi32>
      %gt3A = arith.constant 0 : i32
      %gt3A_425 = arith.cmpi sgt, %reduce_sum3A_424, %gt3A : i32
      %convert_element_type3A = arith.extui %gt3A_425 : i1 to i32
      %cond3A = arith.constant 0 : i32
      %cond3A_426 = arith.cmpi ne, %convert_element_type3A, %cond3A : i32
      scf.if %cond3A_426 {
        %add3A_427 = arith.addi %mul3A_2, %mul3A_290 : i32
        "tpu.region"() ({
          %run_scoped3A = tpu.sem_alloc : memref<!tpu.dma_semaphore, #tpu.memory_space<semaphore_mem>>
          %dma_start3A = arith.constant 0 : i32
          %dma_start3A_428 = tpu.memref_slice %arg2[%add3A_427, %dma_start3A] : memref<557056x32xf32, #tpu.memory_space<hbm>> -> memref<128x32xf32, #tpu.memory_space<hbm>>
          %dma_start3A_429 = arith.constant 0 : i32
          %dma_start3A_430 = tpu.memref_slice %arg2[%add3A_427, %dma_start3A_429] : memref<557056x32xf32, #tpu.memory_space<hbm>> -> memref<128x32xf32, #tpu.memory_space<hbm>>
          tpu.enqueue_dma source(%dma_start3A_430 : memref<128x32xf32, #tpu.memory_space<hbm>>) target(%arg7 : memref<128x32xf32, #tpu.memory_space<vmem>>) target_semaphore(%run_scoped3A : memref<!tpu.dma_semaphore, #tpu.memory_space<semaphore_mem>>)
          %dma_wait3A = arith.constant 0 : i32
          %dma_wait3A_431 = tpu.memref_slice %arg2[%add3A_427, %dma_wait3A] : memref<557056x32xf32, #tpu.memory_space<hbm>> -> memref<128x32xf32, #tpu.memory_space<hbm>>
          %dma_wait3A_432 = arith.constant 0 : i32
          %dma_wait3A_433 = tpu.memref_slice %arg2[%add3A_427, %dma_wait3A_432] : memref<557056x32xf32, #tpu.memory_space<hbm>> -> memref<128x32xf32, #tpu.memory_space<hbm>>
          tpu.wait_dma2 semaphore(%run_scoped3A : memref<!tpu.dma_semaphore, #tpu.memory_space<semaphore_mem>>) src(%dma_wait3A_433 : memref<128x32xf32, #tpu.memory_space<hbm>>) dst(%arg7 : memref<128x32xf32, #tpu.memory_space<vmem>>)
          tpu.yield
        }) : () -> ()
        "tpu.region"() ({
          %run_scoped3A = tpu.sem_alloc : memref<!tpu.dma_semaphore, #tpu.memory_space<semaphore_mem>>
          %dma_start3A = arith.constant 0 : i32
          %dma_start3A_428 = arith.constant 0 : i32
          %dma_start3A_429 = tpu.memref_slice %arg9[%dma_start3A, %dma_start3A_428] : memref<16400x32xf32, #tpu.memory_space<vmem_shared>> -> memref<16400x32xf32, #tpu.memory_space<vmem_shared>>
          tpu.enqueue_indirect_dma source(%arg7 : memref<128x32xf32, #tpu.memory_space<vmem>>) target(%dma_start3A_429 : memref<16400x32xf32, #tpu.memory_space<vmem_shared>>) offsets(%arg6 : memref<128xi32, #tpu.memory_space<vmem>>) semaphore(%run_scoped3A : memref<!tpu.dma_semaphore, #tpu.memory_space<semaphore_mem>>) {add = true}
          %dma_wait3A = arith.constant 0 : i32
          %dma_wait3A_430 = arith.constant 0 : i32
          %dma_wait3A_431 = tpu.memref_slice %arg9[%dma_wait3A, %dma_wait3A_430] : memref<16400x32xf32, #tpu.memory_space<vmem_shared>> -> memref<16400x32xf32, #tpu.memory_space<vmem_shared>>
          tpu.wait_indirect_dma semaphore(%run_scoped3A : memref<!tpu.dma_semaphore, #tpu.memory_space<semaphore_mem>>) src(%arg7 : memref<128x32xf32, #tpu.memory_space<vmem>>) dst(%dma_wait3A_431 : memref<16400x32xf32, #tpu.memory_space<vmem_shared>>)
          tpu.yield
        }) : () -> ()
      } else {
      }
    }
    %scan3A_220 = arith.constant 136 : i32
    %barrier3A_221 = arith.constant 0 : index
    tpu.barrier barrier_id(%barrier3A_221)
    %mul3A_222 = arith.constant 1024 : i32
    %mul3A_223 = arith.muli %arg1, %mul3A_222 : i32
    %mul3A_224 = arith.constant 163840 : i32
    %mul3A_225 = arith.muli %arg0, %mul3A_224 : i32
    %add3A_226 = arith.constant 114688 : i32
    %add3A_227 = arith.addi %mul3A_225, %add3A_226 : i32
    %mul3A_228 = arith.constant 1024 : i32
    %mul3A_229 = arith.muli %arg1, %mul3A_228 : i32
    %add3A_230 = arith.addi %add3A_227, %mul3A_229 : i32
    "tpu.region"() ({
      %run_scoped3A = tpu.sem_alloc : memref<!tpu.dma_semaphore, #tpu.memory_space<semaphore_mem>>
      %dma_start3A = arith.constant 0 : i32
      %dma_start3A_288 = tpu.memref_slice %arg4[%add3A_230, %dma_start3A] : memref<327680x32xf32, #tpu.memory_space<hbm>> -> memref<1024x32xf32, #tpu.memory_space<hbm>>
      %dma_start3A_289 = arith.constant 0 : i32
      %dma_start3A_290 = tpu.memref_slice %arg9[%mul3A_223, %dma_start3A_289] : memref<16400x32xf32, #tpu.memory_space<vmem_shared>> -> memref<1024x32xf32, #tpu.memory_space<vmem_shared>>
      tpu.enqueue_dma source(%dma_start3A_290 : memref<1024x32xf32, #tpu.memory_space<vmem_shared>>) target(%dma_start3A_288 : memref<1024x32xf32, #tpu.memory_space<hbm>>) target_semaphore(%run_scoped3A : memref<!tpu.dma_semaphore, #tpu.memory_space<semaphore_mem>>)
      %dma_wait3A = arith.constant 0 : i32
      %dma_wait3A_291 = tpu.memref_slice %arg4[%add3A_230, %dma_wait3A] : memref<327680x32xf32, #tpu.memory_space<hbm>> -> memref<1024x32xf32, #tpu.memory_space<hbm>>
      %dma_wait3A_292 = arith.constant 0 : i32
      %dma_wait3A_293 = tpu.memref_slice %arg9[%mul3A_223, %dma_wait3A_292] : memref<16400x32xf32, #tpu.memory_space<vmem_shared>> -> memref<1024x32xf32, #tpu.memory_space<vmem_shared>>
      tpu.wait_dma2 semaphore(%run_scoped3A : memref<!tpu.dma_semaphore, #tpu.memory_space<semaphore_mem>>) src(%dma_wait3A_293 : memref<1024x32xf32, #tpu.memory_space<vmem_shared>>) dst(%dma_wait3A_291 : memref<1024x32xf32, #tpu.memory_space<hbm>>)
      tpu.yield
    }) : () -> ()
    %barrier3A_231 = arith.constant 0 : index
    tpu.barrier barrier_id(%barrier3A_231)
    %mul3A_232 = arith.constant 1025 : i32
    %mul3A_233 = arith.muli %arg1, %mul3A_232 : i32
    "tpu.region"() ({
      %run_scoped3A = tpu.sem_alloc : memref<!tpu.dma_semaphore, #tpu.memory_space<semaphore_mem>>
      %dma_start3A = arith.constant 0 : i32
      %dma_start3A_288 = tpu.memref_slice %arg9[%mul3A_233, %dma_start3A] : memref<16400x32xf32, #tpu.memory_space<vmem_shared>> -> memref<1025x32xf32, #tpu.memory_space<vmem_shared>>
      %dma_start3A_289 = arith.constant 0 : i32
      %dma_start3A_290 = tpu.memref_slice %arg9[%mul3A_233, %dma_start3A_289] : memref<16400x32xf32, #tpu.memory_space<vmem_shared>> -> memref<1025x32xf32, #tpu.memory_space<vmem_shared>>
      tpu.enqueue_dma source(%arg8 : memref<1025x32xf32, #tpu.memory_space<vmem>>) target(%dma_start3A_290 : memref<1025x32xf32, #tpu.memory_space<vmem_shared>>) target_semaphore(%run_scoped3A : memref<!tpu.dma_semaphore, #tpu.memory_space<semaphore_mem>>)
      %dma_wait3A = arith.constant 0 : i32
      %dma_wait3A_291 = tpu.memref_slice %arg9[%mul3A_233, %dma_wait3A] : memref<16400x32xf32, #tpu.memory_space<vmem_shared>> -> memref<1025x32xf32, #tpu.memory_space<vmem_shared>>
      %dma_wait3A_292 = arith.constant 0 : i32
      %dma_wait3A_293 = tpu.memref_slice %arg9[%mul3A_233, %dma_wait3A_292] : memref<16400x32xf32, #tpu.memory_space<vmem_shared>> -> memref<1025x32xf32, #tpu.memory_space<vmem_shared>>
      tpu.wait_dma2 semaphore(%run_scoped3A : memref<!tpu.dma_semaphore, #tpu.memory_space<semaphore_mem>>) src(%arg8 : memref<1025x32xf32, #tpu.memory_space<vmem>>) dst(%dma_wait3A_293 : memref<1025x32xf32, #tpu.memory_space<vmem_shared>>)
      tpu.yield
    }) : () -> ()
    %barrier3A_234 = arith.constant 0 : index
    tpu.barrier barrier_id(%barrier3A_234)
    %broadcast_in_dim3A_235 = arith.constant 131072 : i32
    %broadcast_in_dim3A_236 = vector.broadcast %broadcast_in_dim3A_235 : i32 to vector<16xi32>
    %broadcast_in_dim3A_237 = arith.constant 147456 : i32
    %broadcast_in_dim3A_238 = vector.broadcast %broadcast_in_dim3A_237 : i32 to vector<16xi32>
    %broadcast_in_dim3A_239 = arith.constant 16384 : i32
    %broadcast_in_dim3A_240 = vector.broadcast %broadcast_in_dim3A_239 : i32 to vector<16xi32>
    %broadcast_in_dim3A_241 = vector.broadcast %arg1 : i32 to vector<16xi32>
    %add3A_242 = arith.addi %broadcast_in_dim3A_240, %broadcast_in_dim3A_241 : vector<16xi32>
    %scan3A_243 = arith.constant 0 : i32
    %scan3A_244 = arith.constant 0 : i32
    %scan3A_245 = arith.constant 136 : i32
    %scan3A_246 = arith.addi %scan3A_244, %scan3A_245 : i32
    %scan3A_247 = arith.constant 1 : i32
    scf.for %scan3A_288 = %scan3A_244 to %scan3A_246 step %scan3A_247  : i32 {
      %mul3A_289 = arith.constant 128 : i32
      %mul3A_290 = arith.muli %scan3A_288, %mul3A_289 : i32
      %broadcast_in_dim3A_291 = arith.constant 0 : i32
      %broadcast_in_dim3A_292 = vector.broadcast %broadcast_in_dim3A_291 : i32 to vector<16xi32>
      %add3A_293 = arith.constant 0 : i32
      %add3A_294 = arith.addi %mul3A_290, %add3A_293 : i32
      %get3A = arith.index_cast %add3A_294 : i32 to index
      %get3A_295 = tpu.vector_load %arg5[%get3A] {strides = array<i32>} : memref<17408xi32, #tpu.memory_space<vmem>>, vector<16xi32>,
      %ge3A = arith.cmpi sge, %get3A_295, %broadcast_in_dim3A_236 : vector<16xi32>
      %lt3A = arith.cmpi slt, %get3A_295, %broadcast_in_dim3A_238 : vector<16xi32>
      %and3A = arith.andi %ge3A, %lt3A : vector<16xi1>
      %sub3A = arith.subi %get3A_295, %broadcast_in_dim3A_236 : vector<16xi32>
      %select_n3A = arith.select %and3A, %sub3A, %add3A_242 : vector<16xi1>, vector<16xi32>
      %swap3A = arith.constant 0 : index
      %swap3A_296 = tpu.vector_load %arg6[%swap3A] {strides = array<i32>} : memref<128xi32, #tpu.memory_space<vmem>>, vector<16xi32>,
      tpu.vector_store %arg6[%swap3A], %select_n3A {strides = array<i32>} : memref<128xi32, #tpu.memory_space<vmem>>, vector<16xi32>,
      %broadcast_in_dim3A_297 = arith.constant 1 : i32
      %broadcast_in_dim3A_298 = vector.broadcast %broadcast_in_dim3A_297 : i32 to vector<16xi32>
      %broadcast_in_dim3A_299 = arith.constant 0 : i32
      %broadcast_in_dim3A_300 = vector.broadcast %broadcast_in_dim3A_299 : i32 to vector<16xi32>
      %select_n3A_301 = arith.select %and3A, %broadcast_in_dim3A_298, %broadcast_in_dim3A_300 : vector<16xi1>, vector<16xi32>
      %add3A_302 = arith.addi %broadcast_in_dim3A_292, %select_n3A_301 : vector<16xi32>
      %add3A_303 = arith.constant 16 : i32
      %add3A_304 = arith.addi %mul3A_290, %add3A_303 : i32
      %get3A_305 = arith.index_cast %add3A_304 : i32 to index
      %get3A_306 = tpu.vector_load %arg5[%get3A_305] {strides = array<i32>} : memref<17408xi32, #tpu.memory_space<vmem>>, vector<16xi32>,
      %ge3A_307 = arith.cmpi sge, %get3A_306, %broadcast_in_dim3A_236 : vector<16xi32>
      %lt3A_308 = arith.cmpi slt, %get3A_306, %broadcast_in_dim3A_238 : vector<16xi32>
      %and3A_309 = arith.andi %ge3A_307, %lt3A_308 : vector<16xi1>
      %sub3A_310 = arith.subi %get3A_306, %broadcast_in_dim3A_236 : vector<16xi32>
      %select_n3A_311 = arith.select %and3A_309, %sub3A_310, %add3A_242 : vector<16xi1>, vector<16xi32>
      %swap3A_312 = arith.constant 16 : index
      %swap3A_313 = tpu.vector_load %arg6[%swap3A_312] {strides = array<i32>} : memref<128xi32, #tpu.memory_space<vmem>>, vector<16xi32>,
      tpu.vector_store %arg6[%swap3A_312], %select_n3A_311 {strides = array<i32>} : memref<128xi32, #tpu.memory_space<vmem>>, vector<16xi32>,
      %broadcast_in_dim3A_314 = arith.constant 1 : i32
      %broadcast_in_dim3A_315 = vector.broadcast %broadcast_in_dim3A_314 : i32 to vector<16xi32>
      %broadcast_in_dim3A_316 = arith.constant 0 : i32
      %broadcast_in_dim3A_317 = vector.broadcast %broadcast_in_dim3A_316 : i32 to vector<16xi32>
      %select_n3A_318 = arith.select %and3A_309, %broadcast_in_dim3A_315, %broadcast_in_dim3A_317 : vector<16xi1>, vector<16xi32>
      %add3A_319 = arith.addi %add3A_302, %select_n3A_318 : vector<16xi32>
      %add3A_320 = arith.constant 32 : i32
      %add3A_321 = arith.addi %mul3A_290, %add3A_320 : i32
      %get3A_322 = arith.index_cast %add3A_321 : i32 to index
      %get3A_323 = tpu.vector_load %arg5[%get3A_322] {strides = array<i32>} : memref<17408xi32, #tpu.memory_space<vmem>>, vector<16xi32>,
      %ge3A_324 = arith.cmpi sge, %get3A_323, %broadcast_in_dim3A_236 : vector<16xi32>
      %lt3A_325 = arith.cmpi slt, %get3A_323, %broadcast_in_dim3A_238 : vector<16xi32>
      %and3A_326 = arith.andi %ge3A_324, %lt3A_325 : vector<16xi1>
      %sub3A_327 = arith.subi %get3A_323, %broadcast_in_dim3A_236 : vector<16xi32>
      %select_n3A_328 = arith.select %and3A_326, %sub3A_327, %add3A_242 : vector<16xi1>, vector<16xi32>
      %swap3A_329 = arith.constant 32 : index
      %swap3A_330 = tpu.vector_load %arg6[%swap3A_329] {strides = array<i32>} : memref<128xi32, #tpu.memory_space<vmem>>, vector<16xi32>,
      tpu.vector_store %arg6[%swap3A_329], %select_n3A_328 {strides = array<i32>} : memref<128xi32, #tpu.memory_space<vmem>>, vector<16xi32>,
      %broadcast_in_dim3A_331 = arith.constant 1 : i32
      %broadcast_in_dim3A_332 = vector.broadcast %broadcast_in_dim3A_331 : i32 to vector<16xi32>
      %broadcast_in_dim3A_333 = arith.constant 0 : i32
      %broadcast_in_dim3A_334 = vector.broadcast %broadcast_in_dim3A_333 : i32 to vector<16xi32>
      %select_n3A_335 = arith.select %and3A_326, %broadcast_in_dim3A_332, %broadcast_in_dim3A_334 : vector<16xi1>, vector<16xi32>
      %add3A_336 = arith.addi %add3A_319, %select_n3A_335 : vector<16xi32>
      %add3A_337 = arith.constant 48 : i32
      %add3A_338 = arith.addi %mul3A_290, %add3A_337 : i32
      %get3A_339 = arith.index_cast %add3A_338 : i32 to index
      %get3A_340 = tpu.vector_load %arg5[%get3A_339] {strides = array<i32>} : memref<17408xi32, #tpu.memory_space<vmem>>, vector<16xi32>,
      %ge3A_341 = arith.cmpi sge, %get3A_340, %broadcast_in_dim3A_236 : vector<16xi32>
      %lt3A_342 = arith.cmpi slt, %get3A_340, %broadcast_in_dim3A_238 : vector<16xi32>
      %and3A_343 = arith.andi %ge3A_341, %lt3A_342 : vector<16xi1>
      %sub3A_344 = arith.subi %get3A_340, %broadcast_in_dim3A_236 : vector<16xi32>
      %select_n3A_345 = arith.select %and3A_343, %sub3A_344, %add3A_242 : vector<16xi1>, vector<16xi32>
      %swap3A_346 = arith.constant 48 : index
      %swap3A_347 = tpu.vector_load %arg6[%swap3A_346] {strides = array<i32>} : memref<128xi32, #tpu.memory_space<vmem>>, vector<16xi32>,
      tpu.vector_store %arg6[%swap3A_346], %select_n3A_345 {strides = array<i32>} : memref<128xi32, #tpu.memory_space<vmem>>, vector<16xi32>,
      %broadcast_in_dim3A_348 = arith.constant 1 : i32
      %broadcast_in_dim3A_349 = vector.broadcast %broadcast_in_dim3A_348 : i32 to vector<16xi32>
      %broadcast_in_dim3A_350 = arith.constant 0 : i32
      %broadcast_in_dim3A_351 = vector.broadcast %broadcast_in_dim3A_350 : i32 to vector<16xi32>
      %select_n3A_352 = arith.select %and3A_343, %broadcast_in_dim3A_349, %broadcast_in_dim3A_351 : vector<16xi1>, vector<16xi32>
      %add3A_353 = arith.addi %add3A_336, %select_n3A_352 : vector<16xi32>
      %add3A_354 = arith.constant 64 : i32
      %add3A_355 = arith.addi %mul3A_290, %add3A_354 : i32
      %get3A_356 = arith.index_cast %add3A_355 : i32 to index
      %get3A_357 = tpu.vector_load %arg5[%get3A_356] {strides = array<i32>} : memref<17408xi32, #tpu.memory_space<vmem>>, vector<16xi32>,
      %ge3A_358 = arith.cmpi sge, %get3A_357, %broadcast_in_dim3A_236 : vector<16xi32>
      %lt3A_359 = arith.cmpi slt, %get3A_357, %broadcast_in_dim3A_238 : vector<16xi32>
      %and3A_360 = arith.andi %ge3A_358, %lt3A_359 : vector<16xi1>
      %sub3A_361 = arith.subi %get3A_357, %broadcast_in_dim3A_236 : vector<16xi32>
      %select_n3A_362 = arith.select %and3A_360, %sub3A_361, %add3A_242 : vector<16xi1>, vector<16xi32>
      %swap3A_363 = arith.constant 64 : index
      %swap3A_364 = tpu.vector_load %arg6[%swap3A_363] {strides = array<i32>} : memref<128xi32, #tpu.memory_space<vmem>>, vector<16xi32>,
      tpu.vector_store %arg6[%swap3A_363], %select_n3A_362 {strides = array<i32>} : memref<128xi32, #tpu.memory_space<vmem>>, vector<16xi32>,
      %broadcast_in_dim3A_365 = arith.constant 1 : i32
      %broadcast_in_dim3A_366 = vector.broadcast %broadcast_in_dim3A_365 : i32 to vector<16xi32>
      %broadcast_in_dim3A_367 = arith.constant 0 : i32
      %broadcast_in_dim3A_368 = vector.broadcast %broadcast_in_dim3A_367 : i32 to vector<16xi32>
      %select_n3A_369 = arith.select %and3A_360, %broadcast_in_dim3A_366, %broadcast_in_dim3A_368 : vector<16xi1>, vector<16xi32>
      %add3A_370 = arith.addi %add3A_353, %select_n3A_369 : vector<16xi32>
      %add3A_371 = arith.constant 80 : i32
      %add3A_372 = arith.addi %mul3A_290, %add3A_371 : i32
      %get3A_373 = arith.index_cast %add3A_372 : i32 to index
      %get3A_374 = tpu.vector_load %arg5[%get3A_373] {strides = array<i32>} : memref<17408xi32, #tpu.memory_space<vmem>>, vector<16xi32>,
      %ge3A_375 = arith.cmpi sge, %get3A_374, %broadcast_in_dim3A_236 : vector<16xi32>
      %lt3A_376 = arith.cmpi slt, %get3A_374, %broadcast_in_dim3A_238 : vector<16xi32>
      %and3A_377 = arith.andi %ge3A_375, %lt3A_376 : vector<16xi1>
      %sub3A_378 = arith.subi %get3A_374, %broadcast_in_dim3A_236 : vector<16xi32>
      %select_n3A_379 = arith.select %and3A_377, %sub3A_378, %add3A_242 : vector<16xi1>, vector<16xi32>
      %swap3A_380 = arith.constant 80 : index
      %swap3A_381 = tpu.vector_load %arg6[%swap3A_380] {strides = array<i32>} : memref<128xi32, #tpu.memory_space<vmem>>, vector<16xi32>,
      tpu.vector_store %arg6[%swap3A_380], %select_n3A_379 {strides = array<i32>} : memref<128xi32, #tpu.memory_space<vmem>>, vector<16xi32>,
      %broadcast_in_dim3A_382 = arith.constant 1 : i32
      %broadcast_in_dim3A_383 = vector.broadcast %broadcast_in_dim3A_382 : i32 to vector<16xi32>
      %broadcast_in_dim3A_384 = arith.constant 0 : i32
      %broadcast_in_dim3A_385 = vector.broadcast %broadcast_in_dim3A_384 : i32 to vector<16xi32>
      %select_n3A_386 = arith.select %and3A_377, %broadcast_in_dim3A_383, %broadcast_in_dim3A_385 : vector<16xi1>, vector<16xi32>
      %add3A_387 = arith.addi %add3A_370, %select_n3A_386 : vector<16xi32>
      %add3A_388 = arith.constant 96 : i32
      %add3A_389 = arith.addi %mul3A_290, %add3A_388 : i32
      %get3A_390 = arith.index_cast %add3A_389 : i32 to index
      %get3A_391 = tpu.vector_load %arg5[%get3A_390] {strides = array<i32>} : memref<17408xi32, #tpu.memory_space<vmem>>, vector<16xi32>,
      %ge3A_392 = arith.cmpi sge, %get3A_391, %broadcast_in_dim3A_236 : vector<16xi32>
      %lt3A_393 = arith.cmpi slt, %get3A_391, %broadcast_in_dim3A_238 : vector<16xi32>
      %and3A_394 = arith.andi %ge3A_392, %lt3A_393 : vector<16xi1>
      %sub3A_395 = arith.subi %get3A_391, %broadcast_in_dim3A_236 : vector<16xi32>
      %select_n3A_396 = arith.select %and3A_394, %sub3A_395, %add3A_242 : vector<16xi1>, vector<16xi32>
      %swap3A_397 = arith.constant 96 : index
      %swap3A_398 = tpu.vector_load %arg6[%swap3A_397] {strides = array<i32>} : memref<128xi32, #tpu.memory_space<vmem>>, vector<16xi32>,
      tpu.vector_store %arg6[%swap3A_397], %select_n3A_396 {strides = array<i32>} : memref<128xi32, #tpu.memory_space<vmem>>, vector<16xi32>,
      %broadcast_in_dim3A_399 = arith.constant 1 : i32
      %broadcast_in_dim3A_400 = vector.broadcast %broadcast_in_dim3A_399 : i32 to vector<16xi32>
      %broadcast_in_dim3A_401 = arith.constant 0 : i32
      %broadcast_in_dim3A_402 = vector.broadcast %broadcast_in_dim3A_401 : i32 to vector<16xi32>
      %select_n3A_403 = arith.select %and3A_394, %broadcast_in_dim3A_400, %broadcast_in_dim3A_402 : vector<16xi1>, vector<16xi32>
      %add3A_404 = arith.addi %add3A_387, %select_n3A_403 : vector<16xi32>
      %add3A_405 = arith.constant 112 : i32
      %add3A_406 = arith.addi %mul3A_290, %add3A_405 : i32
      %get3A_407 = arith.index_cast %add3A_406 : i32 to index
      %get3A_408 = tpu.vector_load %arg5[%get3A_407] {strides = array<i32>} : memref<17408xi32, #tpu.memory_space<vmem>>, vector<16xi32>,
      %ge3A_409 = arith.cmpi sge, %get3A_408, %broadcast_in_dim3A_236 : vector<16xi32>
      %lt3A_410 = arith.cmpi slt, %get3A_408, %broadcast_in_dim3A_238 : vector<16xi32>
      %and3A_411 = arith.andi %ge3A_409, %lt3A_410 : vector<16xi1>
      %sub3A_412 = arith.subi %get3A_408, %broadcast_in_dim3A_236 : vector<16xi32>
      %select_n3A_413 = arith.select %and3A_411, %sub3A_412, %add3A_242 : vector<16xi1>, vector<16xi32>
      %swap3A_414 = arith.constant 112 : index
      %swap3A_415 = tpu.vector_load %arg6[%swap3A_414] {strides = array<i32>} : memref<128xi32, #tpu.memory_space<vmem>>, vector<16xi32>,
      tpu.vector_store %arg6[%swap3A_414], %select_n3A_413 {strides = array<i32>} : memref<128xi32, #tpu.memory_space<vmem>>, vector<16xi32>,
      %broadcast_in_dim3A_416 = arith.constant 1 : i32
      %broadcast_in_dim3A_417 = vector.broadcast %broadcast_in_dim3A_416 : i32 to vector<16xi32>
      %broadcast_in_dim3A_418 = arith.constant 0 : i32
      %broadcast_in_dim3A_419 = vector.broadcast %broadcast_in_dim3A_418 : i32 to vector<16xi32>
      %select_n3A_420 = arith.select %and3A_411, %broadcast_in_dim3A_417, %broadcast_in_dim3A_419 : vector<16xi1>, vector<16xi32>
      %add3A_421 = arith.addi %add3A_404, %select_n3A_420 : vector<16xi32>
      %reduce_sum3A = arith.constant true
      %reduce_sum3A_422 = vector.broadcast %reduce_sum3A : i1 to vector<16xi1>
      %reduce_sum3A_423 = tpu.scan <sum>, %add3A_421 masked %reduce_sum3A_422 : vector<16xi32>, vector<16xi1> -> vector<16xi32>
      %reduce_sum3A_424 = vector.extract %reduce_sum3A_423[15] : i32 from vector<16xi32>
      %gt3A = arith.constant 0 : i32
      %gt3A_425 = arith.cmpi sgt, %reduce_sum3A_424, %gt3A : i32
      %convert_element_type3A = arith.extui %gt3A_425 : i1 to i32
      %cond3A = arith.constant 0 : i32
      %cond3A_426 = arith.cmpi ne, %convert_element_type3A, %cond3A : i32
      scf.if %cond3A_426 {
        %add3A_427 = arith.addi %mul3A_2, %mul3A_290 : i32
        "tpu.region"() ({
          %run_scoped3A = tpu.sem_alloc : memref<!tpu.dma_semaphore, #tpu.memory_space<semaphore_mem>>
          %dma_start3A = arith.constant 0 : i32
          %dma_start3A_428 = tpu.memref_slice %arg2[%add3A_427, %dma_start3A] : memref<557056x32xf32, #tpu.memory_space<hbm>> -> memref<128x32xf32, #tpu.memory_space<hbm>>
          %dma_start3A_429 = arith.constant 0 : i32
          %dma_start3A_430 = tpu.memref_slice %arg2[%add3A_427, %dma_start3A_429] : memref<557056x32xf32, #tpu.memory_space<hbm>> -> memref<128x32xf32, #tpu.memory_space<hbm>>
          tpu.enqueue_dma source(%dma_start3A_430 : memref<128x32xf32, #tpu.memory_space<hbm>>) target(%arg7 : memref<128x32xf32, #tpu.memory_space<vmem>>) target_semaphore(%run_scoped3A : memref<!tpu.dma_semaphore, #tpu.memory_space<semaphore_mem>>)
          %dma_wait3A = arith.constant 0 : i32
          %dma_wait3A_431 = tpu.memref_slice %arg2[%add3A_427, %dma_wait3A] : memref<557056x32xf32, #tpu.memory_space<hbm>> -> memref<128x32xf32, #tpu.memory_space<hbm>>
          %dma_wait3A_432 = arith.constant 0 : i32
          %dma_wait3A_433 = tpu.memref_slice %arg2[%add3A_427, %dma_wait3A_432] : memref<557056x32xf32, #tpu.memory_space<hbm>> -> memref<128x32xf32, #tpu.memory_space<hbm>>
          tpu.wait_dma2 semaphore(%run_scoped3A : memref<!tpu.dma_semaphore, #tpu.memory_space<semaphore_mem>>) src(%dma_wait3A_433 : memref<128x32xf32, #tpu.memory_space<hbm>>) dst(%arg7 : memref<128x32xf32, #tpu.memory_space<vmem>>)
          tpu.yield
        }) : () -> ()
        "tpu.region"() ({
          %run_scoped3A = tpu.sem_alloc : memref<!tpu.dma_semaphore, #tpu.memory_space<semaphore_mem>>
          %dma_start3A = arith.constant 0 : i32
          %dma_start3A_428 = arith.constant 0 : i32
          %dma_start3A_429 = tpu.memref_slice %arg9[%dma_start3A, %dma_start3A_428] : memref<16400x32xf32, #tpu.memory_space<vmem_shared>> -> memref<16400x32xf32, #tpu.memory_space<vmem_shared>>
          tpu.enqueue_indirect_dma source(%arg7 : memref<128x32xf32, #tpu.memory_space<vmem>>) target(%dma_start3A_429 : memref<16400x32xf32, #tpu.memory_space<vmem_shared>>) offsets(%arg6 : memref<128xi32, #tpu.memory_space<vmem>>) semaphore(%run_scoped3A : memref<!tpu.dma_semaphore, #tpu.memory_space<semaphore_mem>>) {add = true}
          %dma_wait3A = arith.constant 0 : i32
          %dma_wait3A_430 = arith.constant 0 : i32
          %dma_wait3A_431 = tpu.memref_slice %arg9[%dma_wait3A, %dma_wait3A_430] : memref<16400x32xf32, #tpu.memory_space<vmem_shared>> -> memref<16400x32xf32, #tpu.memory_space<vmem_shared>>
          tpu.wait_indirect_dma semaphore(%run_scoped3A : memref<!tpu.dma_semaphore, #tpu.memory_space<semaphore_mem>>) src(%arg7 : memref<128x32xf32, #tpu.memory_space<vmem>>) dst(%dma_wait3A_431 : memref<16400x32xf32, #tpu.memory_space<vmem_shared>>)
          tpu.yield
        }) : () -> ()
      } else {
      }
    }
    %scan3A_248 = arith.constant 136 : i32
    %barrier3A_249 = arith.constant 0 : index
    tpu.barrier barrier_id(%barrier3A_249)
    %mul3A_250 = arith.constant 1024 : i32
    %mul3A_251 = arith.muli %arg1, %mul3A_250 : i32
    %mul3A_252 = arith.constant 163840 : i32
    %mul3A_253 = arith.muli %arg0, %mul3A_252 : i32
    %add3A_254 = arith.constant 131072 : i32
    %add3A_255 = arith.addi %mul3A_253, %add3A_254 : i32
    %mul3A_256 = arith.constant 1024 : i32
    %mul3A_257 = arith.muli %arg1, %mul3A_256 : i32
    %add3A_258 = arith.addi %add3A_255, %mul3A_257 : i32
    "tpu.region"() ({
      %run_scoped3A = tpu.sem_alloc : memref<!tpu.dma_semaphore, #tpu.memory_space<semaphore_mem>>
      %dma_start3A = arith.constant 0 : i32
      %dma_start3A_288 = tpu.memref_slice %arg4[%add3A_258, %dma_start3A] : memref<327680x32xf32, #tpu.memory_space<hbm>> -> memref<1024x32xf32, #tpu.memory_space<hbm>>
      %dma_start3A_289 = arith.constant 0 : i32
      %dma_start3A_290 = tpu.memref_slice %arg9[%mul3A_251, %dma_start3A_289] : memref<16400x32xf32, #tpu.memory_space<vmem_shared>> -> memref<1024x32xf32, #tpu.memory_space<vmem_shared>>
      tpu.enqueue_dma source(%dma_start3A_290 : memref<1024x32xf32, #tpu.memory_space<vmem_shared>>) target(%dma_start3A_288 : memref<1024x32xf32, #tpu.memory_space<hbm>>) target_semaphore(%run_scoped3A : memref<!tpu.dma_semaphore, #tpu.memory_space<semaphore_mem>>)
      %dma_wait3A = arith.constant 0 : i32
      %dma_wait3A_291 = tpu.memref_slice %arg4[%add3A_258, %dma_wait3A] : memref<327680x32xf32, #tpu.memory_space<hbm>> -> memref<1024x32xf32, #tpu.memory_space<hbm>>
      %dma_wait3A_292 = arith.constant 0 : i32
      %dma_wait3A_293 = tpu.memref_slice %arg9[%mul3A_251, %dma_wait3A_292] : memref<16400x32xf32, #tpu.memory_space<vmem_shared>> -> memref<1024x32xf32, #tpu.memory_space<vmem_shared>>
      tpu.wait_dma2 semaphore(%run_scoped3A : memref<!tpu.dma_semaphore, #tpu.memory_space<semaphore_mem>>) src(%dma_wait3A_293 : memref<1024x32xf32, #tpu.memory_space<vmem_shared>>) dst(%dma_wait3A_291 : memref<1024x32xf32, #tpu.memory_space<hbm>>)
      tpu.yield
    }) : () -> ()
    %barrier3A_259 = arith.constant 0 : index
    tpu.barrier barrier_id(%barrier3A_259)
    %mul3A_260 = arith.constant 1025 : i32
    %mul3A_261 = arith.muli %arg1, %mul3A_260 : i32
    "tpu.region"() ({
      %run_scoped3A = tpu.sem_alloc : memref<!tpu.dma_semaphore, #tpu.memory_space<semaphore_mem>>
      %dma_start3A = arith.constant 0 : i32
      %dma_start3A_288 = tpu.memref_slice %arg9[%mul3A_261, %dma_start3A] : memref<16400x32xf32, #tpu.memory_space<vmem_shared>> -> memref<1025x32xf32, #tpu.memory_space<vmem_shared>>
      %dma_start3A_289 = arith.constant 0 : i32
      %dma_start3A_290 = tpu.memref_slice %arg9[%mul3A_261, %dma_start3A_289] : memref<16400x32xf32, #tpu.memory_space<vmem_shared>> -> memref<1025x32xf32, #tpu.memory_space<vmem_shared>>
      tpu.enqueue_dma source(%arg8 : memref<1025x32xf32, #tpu.memory_space<vmem>>) target(%dma_start3A_290 : memref<1025x32xf32, #tpu.memory_space<vmem_shared>>) target_semaphore(%run_scoped3A : memref<!tpu.dma_semaphore, #tpu.memory_space<semaphore_mem>>)
      %dma_wait3A = arith.constant 0 : i32
      %dma_wait3A_291 = tpu.memref_slice %arg9[%mul3A_261, %dma_wait3A] : memref<16400x32xf32, #tpu.memory_space<vmem_shared>> -> memref<1025x32xf32, #tpu.memory_space<vmem_shared>>
      %dma_wait3A_292 = arith.constant 0 : i32
      %dma_wait3A_293 = tpu.memref_slice %arg9[%mul3A_261, %dma_wait3A_292] : memref<16400x32xf32, #tpu.memory_space<vmem_shared>> -> memref<1025x32xf32, #tpu.memory_space<vmem_shared>>
      tpu.wait_dma2 semaphore(%run_scoped3A : memref<!tpu.dma_semaphore, #tpu.memory_space<semaphore_mem>>) src(%arg8 : memref<1025x32xf32, #tpu.memory_space<vmem>>) dst(%dma_wait3A_293 : memref<1025x32xf32, #tpu.memory_space<vmem_shared>>)
      tpu.yield
    }) : () -> ()
    %barrier3A_262 = arith.constant 0 : index
    tpu.barrier barrier_id(%barrier3A_262)
    %broadcast_in_dim3A_263 = arith.constant 147456 : i32
    %broadcast_in_dim3A_264 = vector.broadcast %broadcast_in_dim3A_263 : i32 to vector<16xi32>
    %broadcast_in_dim3A_265 = arith.constant 163840 : i32
    %broadcast_in_dim3A_266 = vector.broadcast %broadcast_in_dim3A_265 : i32 to vector<16xi32>
    %broadcast_in_dim3A_267 = arith.constant 16384 : i32
    %broadcast_in_dim3A_268 = vector.broadcast %broadcast_in_dim3A_267 : i32 to vector<16xi32>
    %broadcast_in_dim3A_269 = vector.broadcast %arg1 : i32 to vector<16xi32>
    %add3A_270 = arith.addi %broadcast_in_dim3A_268, %broadcast_in_dim3A_269 : vector<16xi32>
    %scan3A_271 = arith.constant 0 : i32
    %scan3A_272 = arith.constant 0 : i32
    %scan3A_273 = arith.constant 136 : i32
    %scan3A_274 = arith.addi %scan3A_272, %scan3A_273 : i32
    %scan3A_275 = arith.constant 1 : i32
    scf.for %scan3A_288 = %scan3A_272 to %scan3A_274 step %scan3A_275  : i32 {
      %mul3A_289 = arith.constant 128 : i32
      %mul3A_290 = arith.muli %scan3A_288, %mul3A_289 : i32
      %broadcast_in_dim3A_291 = arith.constant 0 : i32
      %broadcast_in_dim3A_292 = vector.broadcast %broadcast_in_dim3A_291 : i32 to vector<16xi32>
      %add3A_293 = arith.constant 0 : i32
      %add3A_294 = arith.addi %mul3A_290, %add3A_293 : i32
      %get3A = arith.index_cast %add3A_294 : i32 to index
      %get3A_295 = tpu.vector_load %arg5[%get3A] {strides = array<i32>} : memref<17408xi32, #tpu.memory_space<vmem>>, vector<16xi32>,
      %ge3A = arith.cmpi sge, %get3A_295, %broadcast_in_dim3A_264 : vector<16xi32>
      %lt3A = arith.cmpi slt, %get3A_295, %broadcast_in_dim3A_266 : vector<16xi32>
      %and3A = arith.andi %ge3A, %lt3A : vector<16xi1>
      %sub3A = arith.subi %get3A_295, %broadcast_in_dim3A_264 : vector<16xi32>
      %select_n3A = arith.select %and3A, %sub3A, %add3A_270 : vector<16xi1>, vector<16xi32>
      %swap3A = arith.constant 0 : index
      %swap3A_296 = tpu.vector_load %arg6[%swap3A] {strides = array<i32>} : memref<128xi32, #tpu.memory_space<vmem>>, vector<16xi32>,
      tpu.vector_store %arg6[%swap3A], %select_n3A {strides = array<i32>} : memref<128xi32, #tpu.memory_space<vmem>>, vector<16xi32>,
      %broadcast_in_dim3A_297 = arith.constant 1 : i32
      %broadcast_in_dim3A_298 = vector.broadcast %broadcast_in_dim3A_297 : i32 to vector<16xi32>
      %broadcast_in_dim3A_299 = arith.constant 0 : i32
      %broadcast_in_dim3A_300 = vector.broadcast %broadcast_in_dim3A_299 : i32 to vector<16xi32>
      %select_n3A_301 = arith.select %and3A, %broadcast_in_dim3A_298, %broadcast_in_dim3A_300 : vector<16xi1>, vector<16xi32>
      %add3A_302 = arith.addi %broadcast_in_dim3A_292, %select_n3A_301 : vector<16xi32>
      %add3A_303 = arith.constant 16 : i32
      %add3A_304 = arith.addi %mul3A_290, %add3A_303 : i32
      %get3A_305 = arith.index_cast %add3A_304 : i32 to index
      %get3A_306 = tpu.vector_load %arg5[%get3A_305] {strides = array<i32>} : memref<17408xi32, #tpu.memory_space<vmem>>, vector<16xi32>,
      %ge3A_307 = arith.cmpi sge, %get3A_306, %broadcast_in_dim3A_264 : vector<16xi32>
      %lt3A_308 = arith.cmpi slt, %get3A_306, %broadcast_in_dim3A_266 : vector<16xi32>
      %and3A_309 = arith.andi %ge3A_307, %lt3A_308 : vector<16xi1>
      %sub3A_310 = arith.subi %get3A_306, %broadcast_in_dim3A_264 : vector<16xi32>
      %select_n3A_311 = arith.select %and3A_309, %sub3A_310, %add3A_270 : vector<16xi1>, vector<16xi32>
      %swap3A_312 = arith.constant 16 : index
      %swap3A_313 = tpu.vector_load %arg6[%swap3A_312] {strides = array<i32>} : memref<128xi32, #tpu.memory_space<vmem>>, vector<16xi32>,
      tpu.vector_store %arg6[%swap3A_312], %select_n3A_311 {strides = array<i32>} : memref<128xi32, #tpu.memory_space<vmem>>, vector<16xi32>,
      %broadcast_in_dim3A_314 = arith.constant 1 : i32
      %broadcast_in_dim3A_315 = vector.broadcast %broadcast_in_dim3A_314 : i32 to vector<16xi32>
      %broadcast_in_dim3A_316 = arith.constant 0 : i32
      %broadcast_in_dim3A_317 = vector.broadcast %broadcast_in_dim3A_316 : i32 to vector<16xi32>
      %select_n3A_318 = arith.select %and3A_309, %broadcast_in_dim3A_315, %broadcast_in_dim3A_317 : vector<16xi1>, vector<16xi32>
      %add3A_319 = arith.addi %add3A_302, %select_n3A_318 : vector<16xi32>
      %add3A_320 = arith.constant 32 : i32
      %add3A_321 = arith.addi %mul3A_290, %add3A_320 : i32
      %get3A_322 = arith.index_cast %add3A_321 : i32 to index
      %get3A_323 = tpu.vector_load %arg5[%get3A_322] {strides = array<i32>} : memref<17408xi32, #tpu.memory_space<vmem>>, vector<16xi32>,
      %ge3A_324 = arith.cmpi sge, %get3A_323, %broadcast_in_dim3A_264 : vector<16xi32>
      %lt3A_325 = arith.cmpi slt, %get3A_323, %broadcast_in_dim3A_266 : vector<16xi32>
      %and3A_326 = arith.andi %ge3A_324, %lt3A_325 : vector<16xi1>
      %sub3A_327 = arith.subi %get3A_323, %broadcast_in_dim3A_264 : vector<16xi32>
      %select_n3A_328 = arith.select %and3A_326, %sub3A_327, %add3A_270 : vector<16xi1>, vector<16xi32>
      %swap3A_329 = arith.constant 32 : index
      %swap3A_330 = tpu.vector_load %arg6[%swap3A_329] {strides = array<i32>} : memref<128xi32, #tpu.memory_space<vmem>>, vector<16xi32>,
      tpu.vector_store %arg6[%swap3A_329], %select_n3A_328 {strides = array<i32>} : memref<128xi32, #tpu.memory_space<vmem>>, vector<16xi32>,
      %broadcast_in_dim3A_331 = arith.constant 1 : i32
      %broadcast_in_dim3A_332 = vector.broadcast %broadcast_in_dim3A_331 : i32 to vector<16xi32>
      %broadcast_in_dim3A_333 = arith.constant 0 : i32
      %broadcast_in_dim3A_334 = vector.broadcast %broadcast_in_dim3A_333 : i32 to vector<16xi32>
      %select_n3A_335 = arith.select %and3A_326, %broadcast_in_dim3A_332, %broadcast_in_dim3A_334 : vector<16xi1>, vector<16xi32>
      %add3A_336 = arith.addi %add3A_319, %select_n3A_335 : vector<16xi32>
      %add3A_337 = arith.constant 48 : i32
      %add3A_338 = arith.addi %mul3A_290, %add3A_337 : i32
      %get3A_339 = arith.index_cast %add3A_338 : i32 to index
      %get3A_340 = tpu.vector_load %arg5[%get3A_339] {strides = array<i32>} : memref<17408xi32, #tpu.memory_space<vmem>>, vector<16xi32>,
      %ge3A_341 = arith.cmpi sge, %get3A_340, %broadcast_in_dim3A_264 : vector<16xi32>
      %lt3A_342 = arith.cmpi slt, %get3A_340, %broadcast_in_dim3A_266 : vector<16xi32>
      %and3A_343 = arith.andi %ge3A_341, %lt3A_342 : vector<16xi1>
      %sub3A_344 = arith.subi %get3A_340, %broadcast_in_dim3A_264 : vector<16xi32>
      %select_n3A_345 = arith.select %and3A_343, %sub3A_344, %add3A_270 : vector<16xi1>, vector<16xi32>
      %swap3A_346 = arith.constant 48 : index
      %swap3A_347 = tpu.vector_load %arg6[%swap3A_346] {strides = array<i32>} : memref<128xi32, #tpu.memory_space<vmem>>, vector<16xi32>,
      tpu.vector_store %arg6[%swap3A_346], %select_n3A_345 {strides = array<i32>} : memref<128xi32, #tpu.memory_space<vmem>>, vector<16xi32>,
      %broadcast_in_dim3A_348 = arith.constant 1 : i32
      %broadcast_in_dim3A_349 = vector.broadcast %broadcast_in_dim3A_348 : i32 to vector<16xi32>
      %broadcast_in_dim3A_350 = arith.constant 0 : i32
      %broadcast_in_dim3A_351 = vector.broadcast %broadcast_in_dim3A_350 : i32 to vector<16xi32>
      %select_n3A_352 = arith.select %and3A_343, %broadcast_in_dim3A_349, %broadcast_in_dim3A_351 : vector<16xi1>, vector<16xi32>
      %add3A_353 = arith.addi %add3A_336, %select_n3A_352 : vector<16xi32>
      %add3A_354 = arith.constant 64 : i32
      %add3A_355 = arith.addi %mul3A_290, %add3A_354 : i32
      %get3A_356 = arith.index_cast %add3A_355 : i32 to index
      %get3A_357 = tpu.vector_load %arg5[%get3A_356] {strides = array<i32>} : memref<17408xi32, #tpu.memory_space<vmem>>, vector<16xi32>,
      %ge3A_358 = arith.cmpi sge, %get3A_357, %broadcast_in_dim3A_264 : vector<16xi32>
      %lt3A_359 = arith.cmpi slt, %get3A_357, %broadcast_in_dim3A_266 : vector<16xi32>
      %and3A_360 = arith.andi %ge3A_358, %lt3A_359 : vector<16xi1>
      %sub3A_361 = arith.subi %get3A_357, %broadcast_in_dim3A_264 : vector<16xi32>
      %select_n3A_362 = arith.select %and3A_360, %sub3A_361, %add3A_270 : vector<16xi1>, vector<16xi32>
      %swap3A_363 = arith.constant 64 : index
      %swap3A_364 = tpu.vector_load %arg6[%swap3A_363] {strides = array<i32>} : memref<128xi32, #tpu.memory_space<vmem>>, vector<16xi32>,
      tpu.vector_store %arg6[%swap3A_363], %select_n3A_362 {strides = array<i32>} : memref<128xi32, #tpu.memory_space<vmem>>, vector<16xi32>,
      %broadcast_in_dim3A_365 = arith.constant 1 : i32
      %broadcast_in_dim3A_366 = vector.broadcast %broadcast_in_dim3A_365 : i32 to vector<16xi32>
      %broadcast_in_dim3A_367 = arith.constant 0 : i32
      %broadcast_in_dim3A_368 = vector.broadcast %broadcast_in_dim3A_367 : i32 to vector<16xi32>
      %select_n3A_369 = arith.select %and3A_360, %broadcast_in_dim3A_366, %broadcast_in_dim3A_368 : vector<16xi1>, vector<16xi32>
      %add3A_370 = arith.addi %add3A_353, %select_n3A_369 : vector<16xi32>
      %add3A_371 = arith.constant 80 : i32
      %add3A_372 = arith.addi %mul3A_290, %add3A_371 : i32
      %get3A_373 = arith.index_cast %add3A_372 : i32 to index
      %get3A_374 = tpu.vector_load %arg5[%get3A_373] {strides = array<i32>} : memref<17408xi32, #tpu.memory_space<vmem>>, vector<16xi32>,
      %ge3A_375 = arith.cmpi sge, %get3A_374, %broadcast_in_dim3A_264 : vector<16xi32>
      %lt3A_376 = arith.cmpi slt, %get3A_374, %broadcast_in_dim3A_266 : vector<16xi32>
      %and3A_377 = arith.andi %ge3A_375, %lt3A_376 : vector<16xi1>
      %sub3A_378 = arith.subi %get3A_374, %broadcast_in_dim3A_264 : vector<16xi32>
      %select_n3A_379 = arith.select %and3A_377, %sub3A_378, %add3A_270 : vector<16xi1>, vector<16xi32>
      %swap3A_380 = arith.constant 80 : index
      %swap3A_381 = tpu.vector_load %arg6[%swap3A_380] {strides = array<i32>} : memref<128xi32, #tpu.memory_space<vmem>>, vector<16xi32>,
      tpu.vector_store %arg6[%swap3A_380], %select_n3A_379 {strides = array<i32>} : memref<128xi32, #tpu.memory_space<vmem>>, vector<16xi32>,
      %broadcast_in_dim3A_382 = arith.constant 1 : i32
      %broadcast_in_dim3A_383 = vector.broadcast %broadcast_in_dim3A_382 : i32 to vector<16xi32>
      %broadcast_in_dim3A_384 = arith.constant 0 : i32
      %broadcast_in_dim3A_385 = vector.broadcast %broadcast_in_dim3A_384 : i32 to vector<16xi32>
      %select_n3A_386 = arith.select %and3A_377, %broadcast_in_dim3A_383, %broadcast_in_dim3A_385 : vector<16xi1>, vector<16xi32>
      %add3A_387 = arith.addi %add3A_370, %select_n3A_386 : vector<16xi32>
      %add3A_388 = arith.constant 96 : i32
      %add3A_389 = arith.addi %mul3A_290, %add3A_388 : i32
      %get3A_390 = arith.index_cast %add3A_389 : i32 to index
      %get3A_391 = tpu.vector_load %arg5[%get3A_390] {strides = array<i32>} : memref<17408xi32, #tpu.memory_space<vmem>>, vector<16xi32>,
      %ge3A_392 = arith.cmpi sge, %get3A_391, %broadcast_in_dim3A_264 : vector<16xi32>
      %lt3A_393 = arith.cmpi slt, %get3A_391, %broadcast_in_dim3A_266 : vector<16xi32>
      %and3A_394 = arith.andi %ge3A_392, %lt3A_393 : vector<16xi1>
      %sub3A_395 = arith.subi %get3A_391, %broadcast_in_dim3A_264 : vector<16xi32>
      %select_n3A_396 = arith.select %and3A_394, %sub3A_395, %add3A_270 : vector<16xi1>, vector<16xi32>
      %swap3A_397 = arith.constant 96 : index
      %swap3A_398 = tpu.vector_load %arg6[%swap3A_397] {strides = array<i32>} : memref<128xi32, #tpu.memory_space<vmem>>, vector<16xi32>,
      tpu.vector_store %arg6[%swap3A_397], %select_n3A_396 {strides = array<i32>} : memref<128xi32, #tpu.memory_space<vmem>>, vector<16xi32>,
      %broadcast_in_dim3A_399 = arith.constant 1 : i32
      %broadcast_in_dim3A_400 = vector.broadcast %broadcast_in_dim3A_399 : i32 to vector<16xi32>
      %broadcast_in_dim3A_401 = arith.constant 0 : i32
      %broadcast_in_dim3A_402 = vector.broadcast %broadcast_in_dim3A_401 : i32 to vector<16xi32>
      %select_n3A_403 = arith.select %and3A_394, %broadcast_in_dim3A_400, %broadcast_in_dim3A_402 : vector<16xi1>, vector<16xi32>
      %add3A_404 = arith.addi %add3A_387, %select_n3A_403 : vector<16xi32>
      %add3A_405 = arith.constant 112 : i32
      %add3A_406 = arith.addi %mul3A_290, %add3A_405 : i32
      %get3A_407 = arith.index_cast %add3A_406 : i32 to index
      %get3A_408 = tpu.vector_load %arg5[%get3A_407] {strides = array<i32>} : memref<17408xi32, #tpu.memory_space<vmem>>, vector<16xi32>,
      %ge3A_409 = arith.cmpi sge, %get3A_408, %broadcast_in_dim3A_264 : vector<16xi32>
      %lt3A_410 = arith.cmpi slt, %get3A_408, %broadcast_in_dim3A_266 : vector<16xi32>
      %and3A_411 = arith.andi %ge3A_409, %lt3A_410 : vector<16xi1>
      %sub3A_412 = arith.subi %get3A_408, %broadcast_in_dim3A_264 : vector<16xi32>
      %select_n3A_413 = arith.select %and3A_411, %sub3A_412, %add3A_270 : vector<16xi1>, vector<16xi32>
      %swap3A_414 = arith.constant 112 : index
      %swap3A_415 = tpu.vector_load %arg6[%swap3A_414] {strides = array<i32>} : memref<128xi32, #tpu.memory_space<vmem>>, vector<16xi32>,
      tpu.vector_store %arg6[%swap3A_414], %select_n3A_413 {strides = array<i32>} : memref<128xi32, #tpu.memory_space<vmem>>, vector<16xi32>,
      %broadcast_in_dim3A_416 = arith.constant 1 : i32
      %broadcast_in_dim3A_417 = vector.broadcast %broadcast_in_dim3A_416 : i32 to vector<16xi32>
      %broadcast_in_dim3A_418 = arith.constant 0 : i32
      %broadcast_in_dim3A_419 = vector.broadcast %broadcast_in_dim3A_418 : i32 to vector<16xi32>
      %select_n3A_420 = arith.select %and3A_411, %broadcast_in_dim3A_417, %broadcast_in_dim3A_419 : vector<16xi1>, vector<16xi32>
      %add3A_421 = arith.addi %add3A_404, %select_n3A_420 : vector<16xi32>
      %reduce_sum3A = arith.constant true
      %reduce_sum3A_422 = vector.broadcast %reduce_sum3A : i1 to vector<16xi1>
      %reduce_sum3A_423 = tpu.scan <sum>, %add3A_421 masked %reduce_sum3A_422 : vector<16xi32>, vector<16xi1> -> vector<16xi32>
      %reduce_sum3A_424 = vector.extract %reduce_sum3A_423[15] : i32 from vector<16xi32>
      %gt3A = arith.constant 0 : i32
      %gt3A_425 = arith.cmpi sgt, %reduce_sum3A_424, %gt3A : i32
      %convert_element_type3A = arith.extui %gt3A_425 : i1 to i32
      %cond3A = arith.constant 0 : i32
      %cond3A_426 = arith.cmpi ne, %convert_element_type3A, %cond3A : i32
      scf.if %cond3A_426 {
        %add3A_427 = arith.addi %mul3A_2, %mul3A_290 : i32
        "tpu.region"() ({
          %run_scoped3A = tpu.sem_alloc : memref<!tpu.dma_semaphore, #tpu.memory_space<semaphore_mem>>
          %dma_start3A = arith.constant 0 : i32
          %dma_start3A_428 = tpu.memref_slice %arg2[%add3A_427, %dma_start3A] : memref<557056x32xf32, #tpu.memory_space<hbm>> -> memref<128x32xf32, #tpu.memory_space<hbm>>
          %dma_start3A_429 = arith.constant 0 : i32
          %dma_start3A_430 = tpu.memref_slice %arg2[%add3A_427, %dma_start3A_429] : memref<557056x32xf32, #tpu.memory_space<hbm>> -> memref<128x32xf32, #tpu.memory_space<hbm>>
          tpu.enqueue_dma source(%dma_start3A_430 : memref<128x32xf32, #tpu.memory_space<hbm>>) target(%arg7 : memref<128x32xf32, #tpu.memory_space<vmem>>) target_semaphore(%run_scoped3A : memref<!tpu.dma_semaphore, #tpu.memory_space<semaphore_mem>>)
          %dma_wait3A = arith.constant 0 : i32
          %dma_wait3A_431 = tpu.memref_slice %arg2[%add3A_427, %dma_wait3A] : memref<557056x32xf32, #tpu.memory_space<hbm>> -> memref<128x32xf32, #tpu.memory_space<hbm>>
          %dma_wait3A_432 = arith.constant 0 : i32
          %dma_wait3A_433 = tpu.memref_slice %arg2[%add3A_427, %dma_wait3A_432] : memref<557056x32xf32, #tpu.memory_space<hbm>> -> memref<128x32xf32, #tpu.memory_space<hbm>>
          tpu.wait_dma2 semaphore(%run_scoped3A : memref<!tpu.dma_semaphore, #tpu.memory_space<semaphore_mem>>) src(%dma_wait3A_433 : memref<128x32xf32, #tpu.memory_space<hbm>>) dst(%arg7 : memref<128x32xf32, #tpu.memory_space<vmem>>)
          tpu.yield
        }) : () -> ()
        "tpu.region"() ({
          %run_scoped3A = tpu.sem_alloc : memref<!tpu.dma_semaphore, #tpu.memory_space<semaphore_mem>>
          %dma_start3A = arith.constant 0 : i32
          %dma_start3A_428 = arith.constant 0 : i32
          %dma_start3A_429 = tpu.memref_slice %arg9[%dma_start3A, %dma_start3A_428] : memref<16400x32xf32, #tpu.memory_space<vmem_shared>> -> memref<16400x32xf32, #tpu.memory_space<vmem_shared>>
          tpu.enqueue_indirect_dma source(%arg7 : memref<128x32xf32, #tpu.memory_space<vmem>>) target(%dma_start3A_429 : memref<16400x32xf32, #tpu.memory_space<vmem_shared>>) offsets(%arg6 : memref<128xi32, #tpu.memory_space<vmem>>) semaphore(%run_scoped3A : memref<!tpu.dma_semaphore, #tpu.memory_space<semaphore_mem>>) {add = true}
          %dma_wait3A = arith.constant 0 : i32
          %dma_wait3A_430 = arith.constant 0 : i32
          %dma_wait3A_431 = tpu.memref_slice %arg9[%dma_wait3A, %dma_wait3A_430] : memref<16400x32xf32, #tpu.memory_space<vmem_shared>> -> memref<16400x32xf32, #tpu.memory_space<vmem_shared>>
          tpu.wait_indirect_dma semaphore(%run_scoped3A : memref<!tpu.dma_semaphore, #tpu.memory_space<semaphore_mem>>) src(%arg7 : memref<128x32xf32, #tpu.memory_space<vmem>>) dst(%dma_wait3A_431 : memref<16400x32xf32, #tpu.memory_space<vmem_shared>>)
          tpu.yield
        }) : () -> ()
      } else {
      }
    }
    %scan3A_276 = arith.constant 136 : i32
    %barrier3A_277 = arith.constant 0 : index
    tpu.barrier barrier_id(%barrier3A_277)
    %mul3A_278 = arith.constant 1024 : i32
    %mul3A_279 = arith.muli %arg1, %mul3A_278 : i32
    %mul3A_280 = arith.constant 163840 : i32
    %mul3A_281 = arith.muli %arg0, %mul3A_280 : i32
    %add3A_282 = arith.constant 147456 : i32
    %add3A_283 = arith.addi %mul3A_281, %add3A_282 : i32
    %mul3A_284 = arith.constant 1024 : i32
    %mul3A_285 = arith.muli %arg1, %mul3A_284 : i32
    %add3A_286 = arith.addi %add3A_283, %mul3A_285 : i32
    "tpu.region"() ({
      %run_scoped3A = tpu.sem_alloc : memref<!tpu.dma_semaphore, #tpu.memory_space<semaphore_mem>>
      %dma_start3A = arith.constant 0 : i32
      %dma_start3A_288 = tpu.memref_slice %arg4[%add3A_286, %dma_start3A] : memref<327680x32xf32, #tpu.memory_space<hbm>> -> memref<1024x32xf32, #tpu.memory_space<hbm>>
      %dma_start3A_289 = arith.constant 0 : i32
      %dma_start3A_290 = tpu.memref_slice %arg9[%mul3A_279, %dma_start3A_289] : memref<16400x32xf32, #tpu.memory_space<vmem_shared>> -> memref<1024x32xf32, #tpu.memory_space<vmem_shared>>
      tpu.enqueue_dma source(%dma_start3A_290 : memref<1024x32xf32, #tpu.memory_space<vmem_shared>>) target(%dma_start3A_288 : memref<1024x32xf32, #tpu.memory_space<hbm>>) target_semaphore(%run_scoped3A : memref<!tpu.dma_semaphore, #tpu.memory_space<semaphore_mem>>)
      %dma_wait3A = arith.constant 0 : i32
      %dma_wait3A_291 = tpu.memref_slice %arg4[%add3A_286, %dma_wait3A] : memref<327680x32xf32, #tpu.memory_space<hbm>> -> memref<1024x32xf32, #tpu.memory_space<hbm>>
      %dma_wait3A_292 = arith.constant 0 : i32
      %dma_wait3A_293 = tpu.memref_slice %arg9[%mul3A_279, %dma_wait3A_292] : memref<16400x32xf32, #tpu.memory_space<vmem_shared>> -> memref<1024x32xf32, #tpu.memory_space<vmem_shared>>
      tpu.wait_dma2 semaphore(%run_scoped3A : memref<!tpu.dma_semaphore, #tpu.memory_space<semaphore_mem>>) src(%dma_wait3A_293 : memref<1024x32xf32, #tpu.memory_space<vmem_shared>>) dst(%dma_wait3A_291 : memref<1024x32xf32, #tpu.memory_space<hbm>>)
      tpu.yield
    }) : () -> ()
    %barrier3A_287 = arith.constant 0 : index
    tpu.barrier barrier_id(%barrier3A_287)
    return
  }
}

module attributes {stable_mosaic.version = 14 : i64} {
  func.func @gemm_body(%arg0: i32, %arg1: memref<272xi32, #tpu.memory_space<smem>>, %arg2: memref<2048x32xf32, #tpu.memory_space<vmem>>, %arg3: memref<1x32x32xf32, #tpu.memory_space<vmem>>, %arg4: memref<2048x32xf32, #tpu.memory_space<vmem>>) attributes {dimension_semantics = [#tpu.dimension_semantics<arbitrary>], iteration_bounds = array<i64: 272>, scalar_prefetch = 1 : i64, scratch_operands = 0 : i64, tpu.core_type = #tpu.core_type<tc>, window_params = [{transform_indices = @transform_0, window_bounds = array<i64: 2048, 32>}, {transform_indices = @transform_1, window_bounds = array<i64: 1, 32, 32>}, {transform_indices = @transform_2, window_bounds = array<i64: 2048, 32>}]} {
    %get3A = arith.constant 0 : index
    %get3A_0 = arith.constant 0 : index
    %get3A_1 = vector.load %arg2[%get3A, %get3A_0] : memref<2048x32xf32, #tpu.memory_space<vmem>>, vector<2048x32xf32>
    %get3A_2 = arith.constant 0 : index
    %get3A_3 = arith.constant 0 : index
    %get3A_4 = arith.constant 0 : index
    %get3A_5 = vector.load %arg3[%get3A_2, %get3A_3, %get3A_4] : memref<1x32x32xf32, #tpu.memory_space<vmem>>, vector<1x32x32xf32>
    %get3A_6 = vector.shape_cast %get3A_5 : vector<1x32x32xf32> to vector<32x32xf32>
    %dot_general3A = arith.constant dense<0.000000e+00> : vector<2048x32xf32>
    %dot_general3A_7 = tpu.matmul %get3A_1, %get3A_6, %dot_general3A {dimension_numbers = #tpu.dot_dimension_numbers<[1], [0], [0], [1], [0, 0, 1, 1], [], []>, transpose_lhs_hint = false} : vector<2048x32xf32>, vector<32x32xf32>, vector<2048x32xf32> -> vector<2048x32xf32>
    %swap3A = arith.constant 0 : index
    %swap3A_8 = arith.constant 0 : index
    %swap3A_9 = vector.load %arg4[%swap3A, %swap3A_8] : memref<2048x32xf32, #tpu.memory_space<vmem>>, vector<2048x32xf32>
    tpu.vector_store %arg4[%swap3A, %swap3A_8], %dot_general3A_7 {strides = array<i32>} : memref<2048x32xf32, #tpu.memory_space<vmem>>, vector<2048x32xf32>,
    return
  }
  func.func @transform_0(%arg0: i32, %arg1: memref<272xi32, #tpu.memory_space<smem>>) -> (i32, i32) {
    %c0_i32 = arith.constant 0 : i32
    %c0_i32_0 = arith.constant 0 : i32
    return %arg0, %c0_i32 : i32, i32
  }
  func.func @transform_1(%arg0: i32, %arg1: memref<272xi32, #tpu.memory_space<smem>>) -> (i32, i32, i32) {
    %get3A = arith.index_cast %arg0 : i32 to index
    %get3A_0 = memref.load %arg1[%get3A] : memref<272xi32, #tpu.memory_space<smem>>
    %c0_i32 = arith.constant 0 : i32
    %c0_i32_1 = arith.constant 0 : i32
    %c0_i32_2 = arith.constant 0 : i32
    return %get3A_0, %c0_i32, %c0_i32_1 : i32, i32, i32
  }
  func.func @transform_2(%arg0: i32, %arg1: memref<272xi32, #tpu.memory_space<smem>>) -> (i32, i32) {
    %c0_i32 = arith.constant 0 : i32
    %c0_i32_0 = arith.constant 0 : i32
    return %arg0, %c0_i32 : i32, i32
  }
}

module attributes {stable_mosaic.version = 14 : i64} {
  func.func @stats_body(%arg0: i32, %arg1: memref<1x2048x32xf32, #tpu.memory_space<vmem>>, %arg2: memref<1x2048x32xf32, #tpu.memory_space<vmem>>, %arg3: memref<8x32xf32, #tpu.memory_space<vmem>>) attributes {dimension_semantics = [#tpu.dimension_semantics<arbitrary>], iteration_bounds = array<i64: 80>, scalar_prefetch = 0 : i64, scratch_operands = 0 : i64, tpu.core_type = #tpu.core_type<tc>, window_params = [{transform_indices = @transform_0, window_bounds = array<i64: 1, 2048, 32>}, {transform_indices = @transform_1, window_bounds = array<i64: 1, 2048, 32>}, {pipeline_mode = #tpu.pipeline_mode<synchronous>, transform_indices = @transform_2, window_bounds = array<i64: 8, 32>}]} {
    %eq3A = arith.constant 0 : i32
    %eq3A_0 = arith.cmpi eq, %arg0, %eq3A : i32
    %convert_element_type3A = arith.extui %eq3A_0 : i1 to i32
    %cond3A = arith.constant 0 : i32
    %cond3A_1 = arith.cmpi ne, %convert_element_type3A, %cond3A : i32
    scf.if %cond3A_1 {
      %broadcast_in_dim3A = arith.constant 0.000000e+00 : f32
      %broadcast_in_dim3A_33 = vector.broadcast %broadcast_in_dim3A : f32 to vector<8x32xf32>
      %swap3A_34 = arith.constant 0 : index
      %swap3A_35 = arith.constant 0 : index
      %swap3A_36 = vector.load %arg3[%swap3A_34, %swap3A_35] : memref<8x32xf32, #tpu.memory_space<vmem>>, vector<8x32xf32>
      tpu.vector_store %arg3[%swap3A_34, %swap3A_35], %broadcast_in_dim3A_33 {strides = array<i32>} : memref<8x32xf32, #tpu.memory_space<vmem>>, vector<8x32xf32>,
    } else {
    }
    %get3A = arith.constant 0 : index
    %get3A_2 = arith.constant 0 : index
    %get3A_3 = arith.constant 0 : index
    %get3A_4 = vector.load %arg1[%get3A, %get3A_2, %get3A_3] : memref<1x2048x32xf32, #tpu.memory_space<vmem>>, vector<1x2048x32xf32>
    %get3A_5 = vector.shape_cast %get3A_4 : vector<1x2048x32xf32> to vector<2048x32xf32>
    %get3A_6 = arith.constant 0 : index
    %get3A_7 = arith.constant 0 : index
    %get3A_8 = arith.constant 0 : index
    %get3A_9 = vector.load %arg2[%get3A_6, %get3A_7, %get3A_8] : memref<1x2048x32xf32, #tpu.memory_space<vmem>>, vector<1x2048x32xf32>
    %get3A_10 = vector.shape_cast %get3A_9 : vector<1x2048x32xf32> to vector<2048x32xf32>
    %add3A = arith.addf %get3A_5, %get3A_10 : vector<2048x32xf32>
    %get3A_11 = arith.constant 0 : index
    %get3A_12 = arith.constant 0 : index
    %get3A_13 = vector.load %arg3[%get3A_11, %get3A_12] : memref<8x32xf32, #tpu.memory_space<vmem>>, vector<1x32xf32>
    %get3A_14 = vector.shape_cast %get3A_13 : vector<1x32xf32> to vector<32xf32>
    %reduce_sum3A = arith.constant dense<0.000000e+00> : vector<32xf32>
    %reduce_sum3A_15 = vector.multi_reduction <add>, %add3A, %reduce_sum3A [0] : vector<2048x32xf32> to vector<32xf32>
    %add3A_16 = arith.addf %get3A_14, %reduce_sum3A_15 : vector<32xf32>
    %swap3A = arith.constant 0 : index
    %swap3A_17 = arith.constant 0 : index
    %swap3A_18 = vector.load %arg3[%swap3A, %swap3A_17] : memref<8x32xf32, #tpu.memory_space<vmem>>, vector<1x32xf32>
    %swap3A_19 = vector.shape_cast %swap3A_18 : vector<1x32xf32> to vector<32xf32>
    %swap3A_20 = vector.shape_cast %add3A_16 : vector<32xf32> to vector<1x32xf32>
    tpu.vector_store %arg3[%swap3A, %swap3A_17], %swap3A_20 {strides = array<i32>} : memref<8x32xf32, #tpu.memory_space<vmem>>, vector<1x32xf32>,
    %get3A_21 = arith.constant 1 : index
    %get3A_22 = arith.constant 0 : index
    %get3A_23 = vector.load %arg3[%get3A_21, %get3A_22] : memref<8x32xf32, #tpu.memory_space<vmem>>, vector<1x32xf32>
    %get3A_24 = vector.shape_cast %get3A_23 : vector<1x32xf32> to vector<32xf32>
    %mul3A = arith.mulf %add3A, %add3A : vector<2048x32xf32>
    %reduce_sum3A_25 = arith.constant dense<0.000000e+00> : vector<32xf32>
    %reduce_sum3A_26 = vector.multi_reduction <add>, %mul3A, %reduce_sum3A_25 [0] : vector<2048x32xf32> to vector<32xf32>
    %add3A_27 = arith.addf %get3A_24, %reduce_sum3A_26 : vector<32xf32>
    %swap3A_28 = arith.constant 1 : index
    %swap3A_29 = arith.constant 0 : index
    %swap3A_30 = vector.load %arg3[%swap3A_28, %swap3A_29] : memref<8x32xf32, #tpu.memory_space<vmem>>, vector<1x32xf32>
    %swap3A_31 = vector.shape_cast %swap3A_30 : vector<1x32xf32> to vector<32xf32>
    %swap3A_32 = vector.shape_cast %add3A_27 : vector<32xf32> to vector<1x32xf32>
    tpu.vector_store %arg3[%swap3A_28, %swap3A_29], %swap3A_32 {strides = array<i32>} : memref<8x32xf32, #tpu.memory_space<vmem>>, vector<1x32xf32>,
    return
  }
  func.func @transform_0(%arg0: i32) -> (i32, i32, i32) {
    %c0_i32 = arith.constant 0 : i32
    %c0_i32_0 = arith.constant 0 : i32
    %c0_i32_1 = arith.constant 0 : i32
    return %c0_i32, %arg0, %c0_i32_0 : i32, i32, i32
  }
  func.func @transform_1(%arg0: i32) -> (i32, i32, i32) {
    %c1_i32 = arith.constant 1 : i32
    %c0_i32 = arith.constant 0 : i32
    %c0_i32_0 = arith.constant 0 : i32
    return %c1_i32, %arg0, %c0_i32 : i32, i32, i32
  }
  func.func @transform_2(%arg0: i32) -> (i32, i32) {
    %c0_i32 = arith.constant 0 : i32
    %c0_i32_0 = arith.constant 0 : i32
    %c0_i32_1 = arith.constant 0 : i32
    return %c0_i32, %c0_i32_0 : i32, i32
  }
}

module attributes {stable_mosaic.version = 14 : i64} {
  func.func @norm_body(%arg0: i32, %arg1: memref<1x2048x32xf32, #tpu.memory_space<vmem>>, %arg2: memref<1x2048x32xf32, #tpu.memory_space<vmem>>, %arg3: memref<1x32xf32, #tpu.memory_space<vmem>>, %arg4: memref<1x32xf32, #tpu.memory_space<vmem>>, %arg5: memref<2048x32xf32, #tpu.memory_space<vmem>>) attributes {dimension_semantics = [#tpu.dimension_semantics<arbitrary>], iteration_bounds = array<i64: 74>, scalar_prefetch = 0 : i64, scratch_operands = 0 : i64, tpu.core_type = #tpu.core_type<tc>, window_params = [{transform_indices = @transform_0, window_bounds = array<i64: 1, 2048, 32>}, {transform_indices = @transform_1, window_bounds = array<i64: 1, 2048, 32>}, {pipeline_mode = #tpu.pipeline_mode<synchronous>, transform_indices = @transform_2, window_bounds = array<i64: 1, 32>}, {pipeline_mode = #tpu.pipeline_mode<synchronous>, transform_indices = @transform_3, window_bounds = array<i64: 1, 32>}, {transform_indices = @transform_4, window_bounds = array<i64: 2048, 32>}]} {
    %get3A = arith.constant 0 : index
    %get3A_0 = arith.constant 0 : index
    %get3A_1 = arith.constant 0 : index
    %get3A_2 = vector.load %arg1[%get3A, %get3A_0, %get3A_1] : memref<1x2048x32xf32, #tpu.memory_space<vmem>>, vector<1x2048x32xf32>
    %get3A_3 = vector.shape_cast %get3A_2 : vector<1x2048x32xf32> to vector<2048x32xf32>
    %get3A_4 = arith.constant 0 : index
    %get3A_5 = arith.constant 0 : index
    %get3A_6 = arith.constant 0 : index
    %get3A_7 = vector.load %arg2[%get3A_4, %get3A_5, %get3A_6] : memref<1x2048x32xf32, #tpu.memory_space<vmem>>, vector<1x2048x32xf32>
    %get3A_8 = vector.shape_cast %get3A_7 : vector<1x2048x32xf32> to vector<2048x32xf32>
    %add3A = arith.addf %get3A_3, %get3A_8 : vector<2048x32xf32>
    %get3A_9 = arith.constant 0 : index
    %get3A_10 = arith.constant 0 : index
    %get3A_11 = vector.load %arg3[%get3A_9, %get3A_10] : memref<1x32xf32, #tpu.memory_space<vmem>>, vector<1x32xf32>
    %mul3A = vector.broadcast %get3A_11 : vector<1x32xf32> to vector<2048x32xf32>
    %mul3A_12 = arith.mulf %add3A, %mul3A : vector<2048x32xf32>
    %get3A_13 = arith.constant 0 : index
    %get3A_14 = arith.constant 0 : index
    %get3A_15 = vector.load %arg4[%get3A_13, %get3A_14] : memref<1x32xf32, #tpu.memory_space<vmem>>, vector<1x32xf32>
    %add3A_16 = vector.broadcast %get3A_15 : vector<1x32xf32> to vector<2048x32xf32>
    %add3A_17 = arith.addf %mul3A_12, %add3A_16 : vector<2048x32xf32>
    %max3A = arith.constant 0.000000e+00 : f32
    %max3A_18 = vector.broadcast %max3A : f32 to vector<2048x32xf32>
    %max3A_19 = arith.maximumf %add3A_17, %max3A_18 : vector<2048x32xf32>
    %swap3A = arith.constant 0 : index
    %swap3A_20 = arith.constant 0 : index
    %swap3A_21 = vector.load %arg5[%swap3A, %swap3A_20] : memref<2048x32xf32, #tpu.memory_space<vmem>>, vector<2048x32xf32>
    tpu.vector_store %arg5[%swap3A, %swap3A_20], %max3A_19 {strides = array<i32>} : memref<2048x32xf32, #tpu.memory_space<vmem>>, vector<2048x32xf32>,
    return
  }
  func.func @transform_0(%arg0: i32) -> (i32, i32, i32) {
    %c0_i32 = arith.constant 0 : i32
    %c0_i32_0 = arith.constant 0 : i32
    %c0_i32_1 = arith.constant 0 : i32
    return %c0_i32, %arg0, %c0_i32_0 : i32, i32, i32
  }
  func.func @transform_1(%arg0: i32) -> (i32, i32, i32) {
    %c1_i32 = arith.constant 1 : i32
    %c0_i32 = arith.constant 0 : i32
    %c0_i32_0 = arith.constant 0 : i32
    return %c1_i32, %arg0, %c0_i32 : i32, i32, i32
  }
  func.func @transform_2(%arg0: i32) -> (i32, i32) {
    %c0_i32 = arith.constant 0 : i32
    %c0_i32_0 = arith.constant 0 : i32
    %c0_i32_1 = arith.constant 0 : i32
    return %c0_i32, %c0_i32_0 : i32, i32
  }
  func.func @transform_3(%arg0: i32) -> (i32, i32) {
    %c0_i32 = arith.constant 0 : i32
    %c0_i32_0 = arith.constant 0 : i32
    %c0_i32_1 = arith.constant 0 : i32
    return %c0_i32, %c0_i32_0 : i32, i32
  }
  func.func @transform_4(%arg0: i32) -> (i32, i32) {
    %c0_i32 = arith.constant 0 : i32
    %c0_i32_0 = arith.constant 0 : i32
    return %arg0, %c0_i32 : i32, i32
  }
}

</mosaic_0001>

<sc_bundles>
// kernel: kernel.10.cloned.1.call-start
scs
__scs_entry_jumppad:
0x0: {  	(pc) =	sbr.rel $0x88, $3  }
0x1: {  	(tag) =	ssettag $0x0;
	lr =	simm.s32 $0x1  }
0x2: {  	[smem:$0x3F9A] =	sst lr;
	_ =	strace $0xD0000000  }
0x3: {  	_ = 	snop  }
0x4: {  	_ = 	snop  }
0x5: {  	_ = 	snop  }
0x6: {  	_ = 	snop  }
0x7: {  	_ = 	snop  }
__scs_overlays_trampoline_lowered:
0x8: {  	[smem:$0x3FA9] =	sst s0  }
0x9: {  	[smem:$0x3FAA] =	sst s1  }
0xa: {  	[smem:$0x3FAB] =	sst s2  }
0xb: {  	[smem:$0x3FAC] =	sst s3  }
0xc: {  	[smem:$0x3FAD] =	sst s4  }
0xd: {  	[smem:$0x3FAE] =	sst s5  }
0xe: {  	[smem:$0x3FAF] =	sst s6  }
0xf: {  	[smem:$0x3FB0] =	sst s7  }
0x10: {  	[smem:$0x3FB1] =	sst s8  }
0x11: {  	[smem:$0x3FB2] =	sst s9;
	s0 =	simm.s32 @!p0 $0x0  }
0x12: {  	s1 =	sld [smem:$0x3F98];
	s0 =	simm.s32 @p0 $0x1  }
0x13: {  	[smem:$0x3FB3] =	sst s0;
	s0 =	simm.s32 @!p1 $0x0  }
0x14: {  	s2 =	sld [smem:$0x3F97];
	s0 =	simm.s32 @p1 $0x1  }
0x15: {  	[smem:$0x3FB4] =	sst s0;
	s0 =	simm.s32 @!p2 $0x0  }
0x16: {  	s3 =	sld [smem:$0x3FDB];
	s0 =	simm.s32 @p2 $0x1  }
0x17: {  	s4 =	simm.s32 $0x1BF5;
	[smem:$0x3FB6] =	sst s0  }
0x18: {  	s0 =	sld [smem:$0x3F99];
	_ =	swait.ge [sflag:s4], $0x0  }
0x19: {  	s7 =	sld [smem:$0x3F9A]  }
0x1a: {  	s8 =	sadd.s32 $0xFFFFE003, lr  }
0x1b: {  	s9 =	sadd.s32 $0xFFFFFEF7, lr;
	s5 =	simm.s32 $0xFFFFFFFF;
	p2 =	slt.u32 s8, $0xFFFFF086  }
0x1c: {  	p1 =	slt.u32 s9, $0xF7A;
	s5 =	simm.s32 @!p2 $0x0  }
0x1d: {  	s5 =	simm.s32 @p1 $0x1;
	p0 =	seq.s32 s7, s2  }
0x1e: {  	s7 =	smul.u32 @!p0 $0xF7A, s2;
	p2 =	seq.s32 @!p0 s5, $0x0  }
0x1f: {  	s9 =	smul.u32 $0xF7A, s1;
	s8 =	simm.s32 @!p0 $0x1BF5;
	p2 =	por !p2, p0  }
0x20: {  	[sflag:s8] =	ssyncset.s32 @!p0 $0xFFFFF086;
	s6 =	sadd.s32 @!p0 s3, s7;
	s7 =	simm.s32 @!p0 $0x108  }
0x21: {  	s3 =	sadd.s32 s3, s9;
	s6 =	sadd.s32 @!p0 $0x88, s6;
	s7 =	simm.s32 @p2 $0x1082  }
0x22: {  	[simem:s7], [sflag:s8] =	dma.local @!p0 [hbm:s6], $0xF7A  }
0x23: {  	s9 =	sor.u32 $0xD0000000, s2;
	s6 =	simm.s32 $0x108;
	_ =	swait.ge @!p0 [sflag:s8], $0x0  }
0x24: {  	s3 =	sadd.s32 $0x88, s3;
	s6 =	simm.s32 @!p1 $0x1082;
	[sflag:s4] =	ssyncset.s32 $0xFFFFF086  }
0x25: {  	[simem:s6], [sflag:s4] =	dma.local [hbm:s3], $0xF7A  }
0x26: {  	[smem:$0x3F9A] =	sst s1;
	(tag) =	ssettag s2;
	_ =	strace s9  }
0x27: {  	s1 =	sld [smem:$0x3FAA]  }
0x28: {  	s2 =	sld [smem:$0x3FAB]  }
0x29: {  	s4 =	sld [smem:$0x3FAD]  }
0x2a: {  	p0 =	seq.s32 s5, $0x0;
	s5 =	sld [smem:$0x3FAE]  }
0x2b: {  	s6 =	sld [smem:$0x3FAF]  }
0x2c: {  	s7 =	sld [smem:$0x3FB0]  }
0x2d: {  	s3 =	simm.s32 $0x108;
	s8 =	sld [smem:$0x3FB1]  }
0x2e: {  	s3 =	simm.s32 @!p0 $0x1082;
	s9 =	sld [smem:$0x3FB2]  }
0x2f: {  	lr =	sadd.s32 s0, s3;
	s0 =	sld [smem:$0x3FA9]  }
0x30: {  	s3 =	sld [smem:$0x3FAC]  }
0x31: {  	[smem:$0x3FB5] =	sst s10  }
0x32: {  	s10 =	sld [smem:$0x3FB3];
	_ =	sdelay $0x3  }
0x33: {  	p0 =	seq.s32 s10, $0x1;
	s10 =	sld [smem:$0x3FB5];
	_ =	sdelay $0x3  }
0x34: {  	[smem:$0x3FB5] =	sst s10  }
0x35: {  	s10 =	sld [smem:$0x3FB4];
	_ =	sdelay $0x3  }
0x36: {  	p1 =	seq.s32 s10, $0x1;
	s10 =	sld [smem:$0x3FB5];
	_ =	sdelay $0x3  }
0x37: {  	[smem:$0x3FB5] =	sst s10  }
0x38: {  	s10 =	sld [smem:$0x3FB6]  }
0x39: {  	_ = 	snop;
	(pc) =	sbr.ind lr, $3  }
0x3a: {  	_ = 	snop  }
0x3b: {  	_ = 	snop  }
0x3c: {  	p2 =	seq.s32 s10, $0x1;
	s10 =	sld [smem:$0x3FB5]  }
0x3d: {  	_ =	shalt  }
0x3e: {  	_ =	shalt  }
0x3f: {  	_ =	shalt  }
0x40: {  	_ =	shalt  }
0x41: {  	_ =	shalt  }
0x42: {  	_ =	shalt  }
0x43: {  	_ =	shalt  }
0x44: {  	_ =	shalt  }
0x45: {  	_ =	shalt  }
0x46: {  	_ =	shalt  }
0x47: {  	_ =	shalt  }
0x48: {  	_ =	shalt  }
0x49: {  	_ =	shalt  }
0x4a: {  	_ =	shalt  }
0x4b: {  	_ =	shalt  }
0x4c: {  	_ =	shalt  }
0x4d: {  	_ =	shalt  }
0x4e: {  	_ =	shalt  }
0x4f: {  	_ =	shalt  }
0x50: {  	_ =	shalt  }
0x51: {  	_ =	shalt  }
0x52: {  	_ =	shalt  }
0x53: {  	_ =	shalt  }
0x54: {  	_ =	shalt  }
0x55: {  	_ =	shalt  }
0x56: {  	_ =	shalt  }
0x57: {  	_ =	shalt  }
0x58: {  	_ =	shalt  }
0x59: {  	_ =	shalt  }
0x5a: {  	_ =	shalt  }
0x5b: {  	_ =	shalt  }
0x5c: {  	_ =	shalt  }
0x5d: {  	_ =	shalt  }
0x5e: {  	_ =	shalt  }
0x5f: {  	_ =	shalt  }
0x60: {  	_ =	shalt  }
0x61: {  	_ =	shalt  }
0x62: {  	_ =	shalt  }
0x63: {  	_ =	shalt  }
0x64: {  	_ =	shalt  }
0x65: {  	_ =	shalt  }
0x66: {  	_ =	shalt  }
0x67: {  	_ =	shalt  }
0x68: {  	_ =	shalt  }
0x69: {  	_ =	shalt  }
0x6a: {  	_ =	shalt  }
0x6b: {  	_ =	shalt  }
0x6c: {  	_ =	shalt  }
0x6d: {  	_ =	shalt  }
0x6e: {  	_ =	shalt  }
0x6f: {  	_ =	shalt  }
0x70: {  	_ =	shalt  }
0x71: {  	_ =	shalt  }
0x72: {  	_ =	shalt  }
0x73: {  	_ =	shalt  }
0x74: {  	_ =	shalt  }
0x75: {  	_ =	shalt  }
0x76: {  	_ =	shalt  }
0x77: {  	_ =	shalt  }
0x78: {  	_ =	shalt  }
0x79: {  	_ =	shalt  }
0x7a: {  	_ =	shalt  }
0x7b: {  	_ =	shalt  }
0x7c: {  	_ =	shalt  }
0x7d: {  	_ =	shalt  }
0x7e: {  	_ =	shalt  }
0x7f: {  	_ =	shalt  }
0x80: {  	_ =	shalt  }
0x81: {  	_ =	shalt  }
0x82: {  	_ =	shalt  }
0x83: {  	_ =	shalt  }
0x84: {  	_ =	shalt  }
0x85: {  	_ =	shalt  }
0x86: {  	_ =	shalt  }
0x87: {  	_ =	shalt  }
.Lfunc_end0:
.L_simem_size_0:
called_computation.1_lowered:
.L_overlay_start_0:
0x88: {  	s2 =	sld [smem:$0x3FD9]  }
0x89: {  	s3 =	sld [smem:$0x3FFE];
	_ =	sdelay $0x1  }
0x8a: {  	s1 =	srdreg.scid  }
0x8b: {  	s0 =	sand.u32 $0x1, s1  }
0x8c: {  	s16 =	sshll.u32 s0, $0xA;
	s2 =	sadd.s32 s3, s2  }
0x8d: {  	s2 =	sadd.s32 s2, s16  }
0x8e: {  	[smem:$0x3FC1] =	sst s2  }
0x8f: {  	_ = 	snop  }
0x90: {  	(tm) =	ssettm $0x1  }
0x91: {  	s17 =	sld [smem:$0x3FFB];
	_ =	sdelay $0x3  }
0x92: {  	_ =	strace s17  }
0x93: {  	s2 =	sld [smem:$0x3FFC];
	_ =	sdelay $0x3  }
0x94: {  	_ =	strace s2  }
0x95: {  	s2 =	sld [smem:$0x3FFD];
	_ =	sdelay $0x3  }
0x96: {  	_ =	strace s2  }
0x97: {  	_ =	strace $0x8FFFFFFF  }
0x98: {  	s18 =	sld [smem:$0x3FDB];
	_ =	sdelay $0x1  }
0x99: {  	s19 =	simm.s32 $_scs_section_size  }
0x9a: {  	s4 =	simm.s32 $_size__tile_overlayer_lowered;
	s5 =	simm.s32 $_tile_overlayer_lowered  }
0x9b: {  	s22 =	simm.s32 $0x1BFF;
	s21 =	sshll.u32 s5, $0x1;
	s2 =	sadd.s32 s19, s18  }
0x9c: {  	s6 =	simm.s32 $0x0;
	s20 =	sshll.u32 s4, $0x1;
	s4 =	sadd.s32 s21, s2  }
0x9d: {  	[timem:s6], [sflag:s22] =	dma.local [hbm:s4], s20  }
0x9e: {  	_ =	swait.ge [sflag:s22], s20  }
0x9f: {  	s3 =	ssub.s32 $0x0, s20;
	[sflag:s22] =	ssyncset.done $0x0  }
0xa0: {  	[sflag:s22] =	ssyncadd.s32 s3;
	_ =	sdelay $0x1  }
0xa1: {  	s23 =	simm.s32 $0x1B8B  }
0xa2: {  	_ =	swait.ge [sflag:s23], $0x1  }
0xa3: {  	[sflag:s23] =	ssyncset.done $0x0  }
0xa4: {  	s25 =	simm.s32 $0x1B8E;
	s24 =	sld [smem:$0x3FFE];
	[sflag:s23] =	ssyncadd.s32 $0xFFFFFFFF  }
0xa5: {  	s26 =	simm.s32 $execute0_lowered;
	[smem:$0x3FD2] =	sst s25  }
0xa6: {  	s4 =	sshll.u32 s26, $0x1;
	_ =	strace $0x80000049;
	[dreg:$0x1] =	wrdreg $0xFFFFFFFF  }
0xa7: {  	s28 =	simm.s32 $_size_execute0_lowered;
	s2 =	sadd.s32 s2, s4;
	[dreg:$0x0] =	wrdreg $0x0  }
0xa8: {  	s4 =	sshll.u32 s28, $0x1;
	[dreg:$0x2] =	wrdreg s2  }
0xa9: {  	[dreg:$0x3] =	wrdreg s4  }
0xaa: {  	[dreg:$0x4] =	wrdreg $0xC0  }
0xab: {  	_ =	task [dreg:s6], $0x5FFFF  }
0xac: {  	[dreg:$0x1] =	wrdreg $0xFFFFFFFF  }
0xad: {  	[dreg:$0x0] =	wrdreg $0x60  }
0xae: {  	[dreg:$0x2] =	wrdreg s24  }
0xaf: {  	[dreg:$0x3] =	wrdreg $0xD4A00  }
0xb0: {  	[dreg:$0x4] =	wrdreg $0x9  }
0xb1: {  	_ =	task.clear_ibuf [dreg:s6], $0x5FFFF;
	_ =	strace $0x90000049  }
0xb2: {  	s29 =	simm.s32 $0x9;
	_ =	strace $0x8000004B  }
0xb3: {  	_ =	swait.ge [sflag:s29], $0x1  }
0xb4: {  	[sflag:s29] =	ssyncadd.s32 $0xFFFFFFFF  }
0xb5: {  	_ =	strace $0x9000004B  }
0xb6: {  	_ =	sfence  }
0xb7: {  	s30 =	sld [smem:$0x0];
	_ =	sdelay $0x2  }
0xb8: {  	s31 =	sshll.u32 s1, $0xD;
	s1 =	sshrl.u32 s1, $0x2  }
0xb9: {  	s3 =	sand.u32 $0x4000, s31;
	s1 =	sadd.s32 s1, s30  }
0xba: {  	s0 =	sor.u32 s3, s0;
	s1 =	sshll.u32 s1, $0x11  }
0xbb: {  	s0 =	sor.u32 s1, s0  }
0xbc: {  	s0 =	sadd.s32 $0x8F2B, s0  }
0xbd: {  	[sflag:s0] =	ssyncadd.remote.s32 $0x1  }
0xbe: {  	_ =	sfence.sel $0xFFFF  }
0xbf: {  	[dreg:$0x0] =	wrdreg $0xFFFFFFFF;
	(pc) =	sbr.abs _section_cstart, $3  }
0xc0: {  	[dreg:$0x1] =	wrdreg $0xFFFFFFFF  }
0xc1: {  	_ =	task.clear_ibuf [dreg:s6], $0x2FFFF;
	_ =	strace $0x9FFFFFFF  }
0xc2: {  	(tm) =	ssettm $0x7FFFFFFF  }
0xc3: {  	_ =	shalt  }
tec
execute0_lowered:
.L_overlay_start_1:
0x0: {  	(tag) =	ssettag $0x1  }
0x1: {  	s4 =	rddreg [dreg:$0x0]  }
0x2: {  	s2 =	rddreg [dreg:$0x1]  }
0x3: {  	s1 =	stileid.u32;
	s3 =	srdreg.scid  }
0x4: {  	s0 =	rddreg [dreg:$0x2];
	s20 =	simm.s32 $0x5480;
	s21 =	simm.s32 $0x0  }
0x5: {  	s11 =	sand.u32 $0x1, s3;
	s5 =	sshll.u32 s1, $0x1;
	s6 =	smul.u32 $0x22000, s1  }
0x6: {  	s3 =	simm.s32 $0x0;
	s7 =	sshll.u32 s1, $0xC;
	s9 =	smul.u32 $0x20080, s1  }
0x7: {  	s12 =	sshll.u32 s1, $0xF;
	s5 =	sor.u32 s11, s5;
	s29 =	smul.u32 $0xA0000, s11  }
0x8: {  	[smem:$0x7FF] =	sst s3;
	s8 =	ssub.s32 $0x2, s11;
	s19 =	smul.u32 $0x11000, s11  }
0x9: {  	s11 =	sadd.s32 s12, s2;
	s16 =	sadd.s32 s6, s4;
	s6 =	sor.u32 s29, s7  }
0xa: {  	s5 =	smul.u32 $0x4400, s5;
	_ =	strace $0x8000004A;
	s17 =	sadd.s32 s6, s4  }
0xb: {  	s30 =	sshrl.u32 s8, $0x1;
	s31 =	sshrl.u32 s9, $0x2;
	s6 =	sadd.s32 $0x253A00, s17  }
0xc: {  	s18 =	ssub.s32 s8, s30;
	s8 =	sadd.s32 $0x263A00, s17;
	s9 =	sadd.s32 $0x273A00, s17  }
0xd: {  	s19 =	sadd.s32 s19, s16;
	s10 =	sadd.s32 $0x283A00, s17;
	s12 =	sadd.s32 $0x293A00, s17  }
0xe: {  	s5 =	sshrl.u32 s5, $0x3;
	s13 =	sadd.s32 $0x2A3A00, s17;
	s14 =	sadd.s32 $0x2B3A00, s17  }
0xf: {  	v0 =	vmov s1;
	s5 =	sadd.s32 s5, s4;
	s15 =	sadd.s32 $0x2C3A00, s17;
	s16 =	sadd.s32 $0x2D3A00, s17  }
0x10: {  	v0 =	vor.u32 $0x4000, v0;
	s7 =	sadd.s32 s31, s2;
	s4 =	sadd.s32 $0x232A00, s5;
	s5 =	sadd.s32 $0x243A00, s17  }
0x11: {  	v1 =	vimm.f32 $0.0e+00;
	v2 =	vimm.s32 $0x0;
	v0 =	vbroadcast v0, $0x0;
	s17 =	smax.u32 s18, $0x1;
	s18 =	sadd.s32 $0x1600, s19;
	s19 =	simm.s32 $0x1  }
.LBB2_1:
0x12: {  	[tilespmem:s3], [sflag:$0x1] =	stream.linear.gather [hbm4b:s4+s3], $0x4400, $0x38;
	[tilespmem:$0x154C0] =	vst v63  }
0x13: {  	_ =	swait.ge [sflag:s19], $0x4400  }
0x14: {  	[sflag:s19] =	ssyncset.done $0x0  }
0x15: {  	s22 =	simm.s32 $0x80;
	s23 =	simm.s32 $0x0;
	[sflag:s19] =	ssyncadd.s32 $0xFFFFBC00  }
.LBB2_2:
0x16: {  	p0 =	sne.s32 s22, $0x20000;
	[tilespmem:s23+$0x5480] =	vst v1;
	s24 =	smov.u32 s22;
	s22 =	sadd.s32 $0x80, s22  }
.Ltmp0:
0x17: {  	[tilespmem:s23+$0x5490] =	vst v1;
	(pc) =	sbr.rel @p0 .LBB2_2-.Ltmp0, $2  }
0x18: {  	_ =	sdelay $0x2  }
0x19: {  	s23 =	sshra.s32 s24, $0x2  }
0x1a: {  	[tilespmem:s23+$0x5480] =	vst v1  }
0x1b: {  	[tilespmem:s23+$0x5490] =	vst v1  }
0x1c: {  	[spmem:s7] =	stream.linear.scatter [tilespmem:s20], [sflag:$0x1], $0x8020, $0x38;
	[tilespmem:$0x154C0] =	vst v63  }
0x1d: {  	_ =	swait.ge [sflag:s19], $0x8020  }
0x1e: {  	[sflag:s19] =	ssyncset.done $0x0  }
0x1f: {  	[sflag:s19] =	ssyncadd.s32 $0xFFFF7FE0  }
0x20: {  	s22 =	simm.s32 $0x0;
	[bflag:$0x0] =	sbarrier.arrive $0xFFFF  }
0x21: {  	v3 =	vld [tilespmem:s22+$0x0];
	_ =	sdelay $0x4  }
0x22: {  	vm0 =	vlt.u32 v3, $0x4000  }
0x23: {  	v3 =	vsel vm0, v3, v0  }
0x24: {  	[tilespmem:$0x4400] =	vst v3  }
0x25: {  	v3 =	vld [tilespmem:s22+$0x10];
	_ =	sdelay $0x4  }
0x26: {  	vm1 =	vlt.u32 v3, $0x4000  }
0x27: {  	v3 =	vsel vm1, v3, v0  }
0x28: {  	[tilespmem:$0x4410] =	vst v3  }
0x29: {  	v3 =	vld [tilespmem:s22+$0x20];
	_ =	sdelay $0x4  }
0x2a: {  	vm2 =	vlt.u32 v3, $0x4000  }
0x2b: {  	v3 =	vsel vm2, v3, v0  }
0x2c: {  	[tilespmem:$0x4420] =	vst v3  }
0x2d: {  	v3 =	vld [tilespmem:s22+$0x30];
	_ =	sdelay $0x4  }
0x2e: {  	vm3 =	vlt.u32 v3, $0x4000  }
0x2f: {  	v3 =	vsel vm3, v3, v0  }
0x30: {  	[tilespmem:$0x4430] =	vst v3  }
0x31: {  	v3 =	vld [tilespmem:s22+$0x40];
	_ =	sdelay $0x4  }
0x32: {  	vm4 =	vlt.u32 v3, $0x4000  }
0x33: {  	v3 =	vsel vm4, v3, v0  }
0x34: {  	[tilespmem:$0x4440] =	vst v3  }
0x35: {  	v3 =	vld [tilespmem:s22+$0x50];
	_ =	sdelay $0x4  }
0x36: {  	vm5 =	vlt.u32 v3, $0x4000  }
0x37: {  	v3 =	vsel vm5, v3, v0  }
0x38: {  	[tilespmem:$0x4450] =	vst v3  }
0x39: {  	v3 =	vld [tilespmem:s22+$0x60];
	_ =	sdelay $0x4  }
0x3a: {  	vm6 =	vlt.u32 v3, $0x4000  }
0x3b: {  	v3 =	vsel vm6, v3, v0  }
0x3c: {  	[tilespmem:$0x4460] =	vst v3  }
0x3d: {  	v4 =	vsel vm0, $0x1, v2;
	v3 =	vsel vm1, $0x1, v2;
	v5 =	vld [tilespmem:s22+$0x70]  }
0x3e: {  	v6 =	vsel vm2, $0x1, v2;
	v3 =	vadd.s32 v4, v3  }
0x3f: {  	v59 =	vsel vm3, $0x1, v2;
	v3 =	vadd.s32 v6, v3  }
0x40: {  	v60 =	vsel vm4, $0x1, v2;
	v3 =	vadd.s32 v59, v3  }
0x41: {  	v61 =	vsel vm5, $0x1, v2;
	v3 =	vadd.s32 v60, v3  }
0x42: {  	v62 =	vsel vm6, $0x1, v2;
	v3 =	vadd.s32 v61, v3;
	vm15 =	vlt.u32 v5, $0x4000  }
0x43: {  	v3 =	vadd.s32 v62, v3;
	v63 =	vsel vm15, $0x1, v2  }
0x44: {  	v3 =	vadd.s32 v63, v3  }
0x45: {  	(xrf0) =	vadd.scan.msk.s32 $0xffff, v3;
	_ =	sdelay $0x5  }
0x46: {  	v3, _, _ =	vpop (xrf0)  }
0x47: {  	(v2sf) =	vpush v3, $0xF;
	_ =	sdelay $0xe  }
0x48: {  	s31 =	spop (v2sf)  }
0x49: {  	v3 =	vsel vm15, v5, v0;
	p1 =	slt.s32 s31, $0x1  }
0x4a: {  	[tilespmem:$0x4470] =	vst v3;
	s22 =	sadd.s32 @!p1 $0x0, s18;
	s23 =	simm.s32 @!p1 $0x0;
	s24 =	simm.s32 @!p1 $0x4480  }
0x4b: {  	[tilespmem:s24], [sflag:$0x2] =	stream.linear.gather @!p1 [hbm4b:s22+s23], $0x1000, $0x38;
	[tilespmem:$0x154C0] =	vst v63  }
0x4c: {  	s22 =	simm.s32 @!p1 $0x2  }
0x4d: {  	_ =	swait.ge @!p1 [sflag:s22], $0x1000  }
0x4e: {  	[sflag:s22] =	ssyncset.done @!p1 $0x0  }
0x4f: {  	s25 =	simm.s32 @!p1 $0x4400;
	s23 =	simm.s32 @!p1 $0x80;
	[sflag:s22] =	ssyncadd.s32 @!p1 $0xFFFFF000  }
0x50: {  	[spmem:s2] =	stream.indirect.scatter.add.f32 @!p1 [tilespmem:s24], [sflag:$0x1], $0x20, s25, s23, $0xb8;
	[tilespmem:$0x154C0] =	vst v63  }
0x51: {  	s25 =	simm.s32 @!p1 $0x1  }
0x52: {  	s22 =	simm.s32 $0x200;
	_ =	swait.ge @!p1 [sflag:s25], $0x1000  }
.LBB2_4:
0x53: {  	[sflag:s25] =	ssyncset.done @!p1 $0x0;
	s23 =	smov.u32 s22;
	s22 =	sadd.s32 $0x200, s22  }
0x54: {  	s24 =	sshra.s32 s23, $0x2;
	p0 =	sne.s32 s22, $0x11000;
	[sflag:s25] =	ssyncadd.s32 @!p1 $0xFFFFF000  }
0x55: {  	v3 =	vld [tilespmem:s24+$0x0];
	_ =	sdelay $0x4  }
0x56: {  	vm0 =	vlt.u32 v3, $0x4000  }
0x57: {  	v3 =	vsel vm0, v3, v0  }
0x58: {  	[tilespmem:$0x4400] =	vst v3  }
0x59: {  	v3 =	vld [tilespmem:s24+$0x10];
	_ =	sdelay $0x4  }
0x5a: {  	vm1 =	vlt.u32 v3, $0x4000  }
0x5b: {  	v3 =	vsel vm1, v3, v0;
	v4 =	vsel vm1, $0x1, v2  }
0x5c: {  	[tilespmem:$0x4410] =	vst v3  }
0x5d: {  	v3 =	vld [tilespmem:s24+$0x20];
	_ =	sdelay $0x4  }
0x5e: {  	vm1 =	vlt.u32 v3, $0x4000  }
0x5f: {  	v3 =	vsel vm1, v3, v0;
	v5 =	vsel vm1, $0x1, v2  }
0x60: {  	[tilespmem:$0x4420] =	vst v3  }
0x61: {  	v3 =	vld [tilespmem:s24+$0x30];
	_ =	sdelay $0x4  }
0x62: {  	vm1 =	vlt.u32 v3, $0x4000  }
0x63: {  	v3 =	vsel vm1, v3, v0;
	v6 =	vsel vm1, $0x1, v2  }
0x64: {  	[tilespmem:$0x4430] =	vst v3  }
0x65: {  	v3 =	vld [tilespmem:s24+$0x40];
	_ =	sdelay $0x4  }
0x66: {  	vm1 =	vlt.u32 v3, $0x4000  }
0x67: {  	v3 =	vsel vm1, v3, v0;
	v7 =	vsel vm1, $0x1, v2  }
0x68: {  	[tilespmem:$0x4440] =	vst v3  }
0x69: {  	v3 =	vld [tilespmem:s24+$0x50];
	_ =	sdelay $0x4  }
0x6a: {  	vm1 =	vlt.u32 v3, $0x4000  }
0x6b: {  	v3 =	vsel vm1, v3, v0;
	v8 =	vsel vm1, $0x1, v2  }
0x6c: {  	[tilespmem:$0x4450] =	vst v3  }
0x6d: {  	v3 =	vld [tilespmem:s24+$0x60];
	_ =	sdelay $0x4  }
0x6e: {  	vm1 =	vlt.u32 v3, $0x4000  }
0x6f: {  	v3 =	vsel vm1, v3, v0;
	v9 =	vsel vm1, $0x1, v2  }
0x70: {  	[tilespmem:$0x4460] =	vst v3  }
0x71: {  	v3 =	vsel vm0, $0x1, v2;
	v10 =	vld [tilespmem:s24+$0x70]  }
0x72: {  	v3 =	vadd.s32 v3, v4  }
0x73: {  	v3 =	vadd.s32 v5, v3  }
0x74: {  	v3 =	vadd.s32 v6, v3  }
0x75: {  	v3 =	vadd.s32 v7, v3  }
0x76: {  	v3 =	vadd.s32 v8, v3;
	vm0 =	vlt.u32 v10, $0x4000  }
0x77: {  	v3 =	vadd.s32 v9, v3;
	v4 =	vsel vm0, v10, v0;
	v5 =	vsel vm0, $0x1, v2  }
0x78: {  	[tilespmem:$0x4470] =	vst v4;
	v3 =	vadd.s32 v5, v3  }
0x79: {  	(xrf0) =	vadd.scan.msk.s32 $0xffff, v3;
	_ =	sdelay $0x5  }
0x7a: {  	v3, _, _ =	vpop (xrf0)  }
0x7b: {  	(v2sf) =	vpush v3, $0xF;
	_ =	sdelay $0xe  }
0x7c: {  	s24 =	spop (v2sf)  }
0x7d: {  	p1 =	slt.s32 s24, $0x1  }
0x7e: {  	s23 =	sadd.s32 @!p1 s23, s18;
	s24 =	simm.s32 @!p1 $0x0;
	s26 =	simm.s32 @!p1 $0x4480  }
0x7f: {  	[tilespmem:s26], [sflag:$0x2] =	stream.linear.gather @!p1 [hbm4b:s23+s24], $0x1000, $0x38;
	[tilespmem:$0x154C0] =	vst v63  }
0x80: {  	s23 =	simm.s32 @!p1 $0x2  }
.Ltmp1:
0x81: {  	_ =	swait.ge @!p1 [sflag:s23], $0x1000;
	(pc) =	sbr.rel @p0 .LBB2_4-.Ltmp1, $4  }
0x82: {  	s28 =	simm.s32 @!p1 $0x4400;
	s24 =	simm.s32 @!p1 $0x80;
	[sflag:s23] =	ssyncset.done @!p1 $0x0  }
0x83: {  	s25 =	simm.s32 @!p1 $0x1;
	[sflag:s23] =	ssyncadd.s32 @!p1 $0xFFFFF000  }
0x84: {  	[spmem:s2] =	stream.indirect.scatter.add.f32 @!p1 [tilespmem:s26], [sflag:$0x1], $0x20, s28, s24, $0xb8;
	[tilespmem:$0x154C0] =	vst v63  }
0x85: {  	_ =	swait.ge @!p1 [sflag:s25], $0x1000  }
0x86: {  	[sflag:s25] =	ssyncset.done @!p1 $0x0  }
0x87: {  	s22 =	sshll.u32 s1, $0x6;
	[sflag:s25] =	ssyncadd.s32 @!p1 $0xFFFFF000  }
0x88: {  	s23 =	sshrl.u32 s11, $0x3;
	s22 =	sor.u32 $0x1C01, s22;
	[bflag:$0x0] =	sbarrier.arrive $0xFFFF  }
0x89: {  	[hbm:s5], [sflag:s22] =	dma.local [spmem:s23], $0x1000  }
0x8a: {  	_ =	swait.ge [sflag:s19], $0x1000  }
0x8b: {  	[sflag:s19] =	ssyncset.done $0x0  }
0x8c: {  	[sflag:s19] =	ssyncadd.s32 $0xFFFFF000  }
0x8d: {  	[bflag:$0x0] =	sbarrier.arrive $0xFFFF  }
0x8e: {  	[spmem:s7] =	stream.linear.scatter [tilespmem:s20], [sflag:$0x1], $0x8020, $0x38;
	[tilespmem:$0x154C0] =	vst v63  }
0x8f: {  	_ =	swait.ge [sflag:s19], $0x8020  }
0x90: {  	[sflag:s19] =	ssyncset.done $0x0  }
0x91: {  	[sflag:s19] =	ssyncadd.s32 $0xFFFF7FE0  }
0x92: {  	s24 =	simm.s32 $0x0;
	[bflag:$0x0] =	sbarrier.arrive $0xFFFF  }
0x93: {  	v3 =	vld [tilespmem:s24+$0x0];
	_ =	sdelay $0x4  }
0x94: {  	v4 =	vand.u32 $0xFFFFC000, v3  }
0x95: {  	v3 =	vadd.s32 $0xFFFFC000, v3;
	vm0 =	veq.s32 v4, $0x4000  }
0x96: {  	v3 =	vsel vm0, v3, v0  }
0x97: {  	[tilespmem:$0x4400] =	vst v3  }
0x98: {  	v3 =	vld [tilespmem:s24+$0x10];
	_ =	sdelay $0x4  }
0x99: {  	v52 =	vand.u32 $0xFFFFC000, v3  }
0x9a: {  	v3 =	vadd.s32 $0xFFFFC000, v3;
	vm1 =	veq.s32 v52, $0x4000  }
0x9b: {  	v3 =	vsel vm1, v3, v0  }
0x9c: {  	[tilespmem:$0x4410] =	vst v3  }
0x9d: {  	v3 =	vld [tilespmem:s24+$0x20];
	_ =	sdelay $0x4  }
0x9e: {  	v53 =	vand.u32 $0xFFFFC000, v3  }
0x9f: {  	v3 =	vadd.s32 $0xFFFFC000, v3;
	vm2 =	veq.s32 v53, $0x4000  }
0xa0: {  	v3 =	vsel vm2, v3, v0  }
0xa1: {  	[tilespmem:$0x4420] =	vst v3  }
0xa2: {  	v3 =	vld [tilespmem:s24+$0x30];
	_ =	sdelay $0x4  }
0xa3: {  	v54 =	vand.u32 $0xFFFFC000, v3  }
0xa4: {  	v3 =	vadd.s32 $0xFFFFC000, v3;
	vm3 =	veq.s32 v54, $0x4000  }
0xa5: {  	v3 =	vsel vm3, v3, v0  }
0xa6: {  	[tilespmem:$0x4430] =	vst v3  }
0xa7: {  	v3 =	vld [tilespmem:s24+$0x40];
	_ =	sdelay $0x4  }
0xa8: {  	v55 =	vand.u32 $0xFFFFC000, v3  }
0xa9: {  	v3 =	vadd.s32 $0xFFFFC000, v3;
	vm4 =	veq.s32 v55, $0x4000  }
0xaa: {  	v3 =	vsel vm4, v3, v0  }
0xab: {  	[tilespmem:$0x4440] =	vst v3  }
0xac: {  	v3 =	vld [tilespmem:s24+$0x50];
	_ =	sdelay $0x4  }
0xad: {  	v56 =	vand.u32 $0xFFFFC000, v3  }
0xae: {  	v3 =	vadd.s32 $0xFFFFC000, v3;
	vm5 =	veq.s32 v56, $0x4000  }
0xaf: {  	v3 =	vsel vm5, v3, v0  }
0xb0: {  	[tilespmem:$0x4450] =	vst v3  }
0xb1: {  	v3 =	vld [tilespmem:s24+$0x60];
	_ =	sdelay $0x4  }
0xb2: {  	v57 =	vand.u32 $0xFFFFC000, v3  }
0xb3: {  	v3 =	vadd.s32 $0xFFFFC000, v3;
	vm6 =	veq.s32 v57, $0x4000  }
0xb4: {  	v3 =	vsel vm6, v3, v0  }
0xb5: {  	[tilespmem:$0x4460] =	vst v3  }
0xb6: {  	v3 =	vld [tilespmem:s24+$0x70]  }
0xb7: {  	v5 =	vsel vm0, $0x1, v2;
	v58 =	vsel vm1, $0x1, v2  }
0xb8: {  	v4 =	vadd.s32 v5, v58;
	v6 =	vsel vm2, $0x1, v2  }
0xb9: {  	v4 =	vadd.s32 v6, v4;
	v59 =	vsel vm3, $0x1, v2  }
0xba: {  	v4 =	vadd.s32 v59, v4;
	v60 =	vsel vm4, $0x1, v2  }
0xbb: {  	v4 =	vadd.s32 v60, v4;
	v61 =	vsel vm5, $0x1, v2;
	v62 =	vand.u32 $0xFFFFC000, v3  }
0xbc: {  	v4 =	vadd.s32 v61, v4;
	v7 =	vsel vm6, $0x1, v2;
	vm15 =	veq.s32 v62, $0x4000  }
0xbd: {  	v4 =	vadd.s32 v7, v4;
	v63 =	vsel vm15, $0x1, v2  }
0xbe: {  	v4 =	vadd.s32 v63, v4  }
0xbf: {  	(xrf0) =	vadd.scan.msk.s32 $0xffff, v4;
	_ =	sdelay $0x5  }
0xc0: {  	v4, _, _ =	vpop (xrf0)  }
0xc1: {  	(v2sf) =	vpush v4, $0xF;
	_ =	sdelay $0xe  }
0xc2: {  	v3 =	vadd.s32 $0xFFFFC000, v3;
	s31 =	spop (v2sf)  }
0xc3: {  	v3 =	vsel vm15, v3, v0;
	p1 =	slt.s32 s31, $0x1  }
0xc4: {  	[tilespmem:$0x4470] =	vst v3;
	s24 =	sadd.s32 @!p1 $0x0, s18;
	s25 =	simm.s32 @!p1 $0x0;
	s26 =	simm.s32 @!p1 $0x4480  }
0xc5: {  	[tilespmem:s26], [sflag:$0x2] =	stream.linear.gather @!p1 [hbm4b:s24+s25], $0x1000, $0x38;
	[tilespmem:$0x154C0] =	vst v63  }
0xc6: {  	s24 =	simm.s32 @!p1 $0x2  }
0xc7: {  	_ =	swait.ge @!p1 [sflag:s24], $0x1000  }
0xc8: {  	[sflag:s24] =	ssyncset.done @!p1 $0x0  }
0xc9: {  	s28 =	simm.s32 @!p1 $0x4400;
	s25 =	simm.s32 @!p1 $0x80;
	[sflag:s24] =	ssyncadd.s32 @!p1 $0xFFFFF000  }
0xca: {  	[spmem:s2] =	stream.indirect.scatter.add.f32 @!p1 [tilespmem:s26], [sflag:$0x1], $0x20, s28, s25, $0xb8;
	[tilespmem:$0x154C0] =	vst v63  }
0xcb: {  	s28 =	simm.s32 @!p1 $0x1  }
0xcc: {  	s24 =	simm.s32 $0x200;
	_ =	swait.ge @!p1 [sflag:s28], $0x1000  }
.LBB2_6:
0xcd: {  	[sflag:s28] =	ssyncset.done @!p1 $0x0;
	s25 =	smov.u32 s24;
	s24 =	sadd.s32 $0x200, s24  }
0xce: {  	s26 =	sshra.s32 s25, $0x2;
	p0 =	sne.s32 s24, $0x11000;
	[sflag:s28] =	ssyncadd.s32 @!p1 $0xFFFFF000  }
0xcf: {  	v3 =	vld [tilespmem:s26+$0x0];
	_ =	sdelay $0x4  }
0xd0: {  	v4 =	vand.u32 $0xFFFFC000, v3  }
0xd1: {  	v3 =	vadd.s32 $0xFFFFC000, v3;
	vm0 =	veq.s32 v4, $0x4000  }
0xd2: {  	v3 =	vsel vm0, v3, v0  }
0xd3: {  	[tilespmem:$0x4400] =	vst v3  }
0xd4: {  	v3 =	vld [tilespmem:s26+$0x10];
	_ =	sdelay $0x4  }
0xd5: {  	v4 =	vand.u32 $0xFFFFC000, v3  }
0xd6: {  	v3 =	vadd.s32 $0xFFFFC000, v3;
	vm1 =	veq.s32 v4, $0x4000  }
0xd7: {  	v3 =	vsel vm1, v3, v0;
	v4 =	vsel vm1, $0x1, v2  }
0xd8: {  	[tilespmem:$0x4410] =	vst v3  }
0xd9: {  	v3 =	vld [tilespmem:s26+$0x20];
	_ =	sdelay $0x4  }
0xda: {  	v5 =	vand.u32 $0xFFFFC000, v3  }
0xdb: {  	v3 =	vadd.s32 $0xFFFFC000, v3;
	vm1 =	veq.s32 v5, $0x4000  }
0xdc: {  	v3 =	vsel vm1, v3, v0;
	v5 =	vsel vm1, $0x1, v2  }
0xdd: {  	[tilespmem:$0x4420] =	vst v3  }
0xde: {  	v3 =	vld [tilespmem:s26+$0x30];
	_ =	sdelay $0x4  }
0xdf: {  	v6 =	vand.u32 $0xFFFFC000, v3  }
0xe0: {  	v3 =	vadd.s32 $0xFFFFC000, v3;
	vm1 =	veq.s32 v6, $0x4000  }
0xe1: {  	v3 =	vsel vm1, v3, v0;
	v6 =	vsel vm1, $0x1, v2  }
0xe2: {  	[tilespmem:$0x4430] =	vst v3  }
0xe3: {  	v3 =	vld [tilespmem:s26+$0x40];
	_ =	sdelay $0x4  }
0xe4: {  	v7 =	vand.u32 $0xFFFFC000, v3  }
0xe5: {  	v3 =	vadd.s32 $0xFFFFC000, v3;
	vm1 =	veq.s32 v7, $0x4000  }
0xe6: {  	v3 =	vsel vm1, v3, v0;
	v7 =	vsel vm1, $0x1, v2  }
0xe7: {  	[tilespmem:$0x4440] =	vst v3  }
0xe8: {  	v3 =	vld [tilespmem:s26+$0x50];
	_ =	sdelay $0x4  }
0xe9: {  	v8 =	vand.u32 $0xFFFFC000, v3  }
0xea: {  	v3 =	vadd.s32 $0xFFFFC000, v3;
	vm1 =	veq.s32 v8, $0x4000  }
0xeb: {  	v3 =	vsel vm1, v3, v0;
	v8 =	vsel vm1, $0x1, v2  }
0xec: {  	[tilespmem:$0x4450] =	vst v3  }
0xed: {  	v3 =	vld [tilespmem:s26+$0x60];
	_ =	sdelay $0x4  }
0xee: {  	v9 =	vand.u32 $0xFFFFC000, v3  }
0xef: {  	v3 =	vadd.s32 $0xFFFFC000, v3;
	vm1 =	veq.s32 v9, $0x4000  }
0xf0: {  	v3 =	vsel vm1, v3, v0;
	v9 =	vsel vm1, $0x1, v2  }
0xf1: {  	[tilespmem:$0x4460] =	vst v3  }
0xf2: {  	v3 =	vld [tilespmem:s26+$0x70]  }
0xf3: {  	v10 =	vsel vm0, $0x1, v2  }
0xf4: {  	v4 =	vadd.s32 v10, v4  }
0xf5: {  	v4 =	vadd.s32 v5, v4  }
0xf6: {  	v4 =	vadd.s32 v6, v4  }
0xf7: {  	v4 =	vadd.s32 v7, v4;
	v5 =	vand.u32 $0xFFFFC000, v3  }
0xf8: {  	v4 =	vadd.s32 v8, v4;
	v3 =	vadd.s32 $0xFFFFC000, v3;
	vm0 =	veq.s32 v5, $0x4000  }
0xf9: {  	v4 =	vadd.s32 v9, v4;
	v3 =	vsel vm0, v3, v0;
	v5 =	vsel vm0, $0x1, v2  }
0xfa: {  	[tilespmem:$0x4470] =	vst v3;
	v3 =	vadd.s32 v5, v4  }
0xfb: {  	(xrf0) =	vadd.scan.msk.s32 $0xffff, v3;
	_ =	sdelay $0x5  }
0xfc: {  	v3, _, _ =	vpop (xrf0)  }
0xfd: {  	(v2sf) =	vpush v3, $0xF;
	_ =	sdelay $0xe  }
0xfe: {  	s26 =	spop (v2sf)  }
0xff: {  	p1 =	slt.s32 s26, $0x1  }
0x100: {  	s25 =	sadd.s32 @!p1 s25, s18;
	s26 =	simm.s32 @!p1 $0x0;
	s29 =	simm.s32 @!p1 $0x4480  }
0x101: {  	[tilespmem:s29], [sflag:$0x2] =	stream.linear.gather @!p1 [hbm4b:s25+s26], $0x1000, $0x38;
	[tilespmem:$0x154C0] =	vst v63  }
0x102: {  	s25 =	simm.s32 @!p1 $0x2  }
.Ltmp2:
0x103: {  	_ =	swait.ge @!p1 [sflag:s25], $0x1000;
	(pc) =	sbr.rel @p0 .LBB2_6-.Ltmp2, $4  }
0x104: {  	s30 =	simm.s32 @!p1 $0x4400;
	s26 =	simm.s32 @!p1 $0x80;
	[sflag:s25] =	ssyncset.done @!p1 $0x0  }
0x105: {  	s28 =	simm.s32 @!p1 $0x1;
	[sflag:s25] =	ssyncadd.s32 @!p1 $0xFFFFF000  }
0x106: {  	[spmem:s2] =	stream.indirect.scatter.add.f32 @!p1 [tilespmem:s29], [sflag:$0x1], $0x20, s30, s26, $0xb8;
	[tilespmem:$0x154C0] =	vst v63  }
0x107: {  	_ =	swait.ge @!p1 [sflag:s28], $0x1000  }
0x108: {  	[sflag:s28] =	ssyncset.done @!p1 $0x0  }
0x109: {  	[sflag:s28] =	ssyncadd.s32 @!p1 $0xFFFFF000  }
0x10a: {  	[bflag:$0x0] =	sbarrier.arrive $0xFFFF  }
0x10b: {  	[hbm:s6], [sflag:s22] =	dma.local [spmem:s23], $0x1000  }
0x10c: {  	_ =	swait.ge [sflag:s19], $0x1000  }
0x10d: {  	[sflag:s19] =	ssyncset.done $0x0  }
0x10e: {  	[sflag:s19] =	ssyncadd.s32 $0xFFFFF000  }
0x10f: {  	[bflag:$0x0] =	sbarrier.arrive $0xFFFF  }
0x110: {  	[spmem:s7] =	stream.linear.scatter [tilespmem:s20], [sflag:$0x1], $0x8020, $0x38;
	[tilespmem:$0x154C0] =	vst v63  }
0x111: {  	_ =	swait.ge [sflag:s19], $0x8020  }
0x112: {  	[sflag:s19] =	ssyncset.done $0x0  }
0x113: {  	[sflag:s19] =	ssyncadd.s32 $0xFFFF7FE0  }
0x114: {  	s24 =	simm.s32 $0x0;
	[bflag:$0x0] =	sbarrier.arrive $0xFFFF  }
0x115: {  	v3 =	vld [tilespmem:s24+$0x0];
	_ =	sdelay $0x4  }
0x116: {  	v4 =	vand.u32 $0xFFFFC000, v3  }
0x117: {  	v3 =	vadd.s32 $0xFFFF8000, v3;
	vm0 =	veq.s32 v4, $0x8000  }
0x118: {  	v3 =	vsel vm0, v3, v0  }
0x119: {  	[tilespmem:$0x4400] =	vst v3  }
0x11a: {  	v3 =	vld [tilespmem:s24+$0x10];
	_ =	sdelay $0x4  }
0x11b: {  	v52 =	vand.u32 $0xFFFFC000, v3  }
0x11c: {  	v3 =	vadd.s32 $0xFFFF8000, v3;
	vm1 =	veq.s32 v52, $0x8000  }
0x11d: {  	v3 =	vsel vm1, v3, v0  }
0x11e: {  	[tilespmem:$0x4410] =	vst v3  }
0x11f: {  	v3 =	vld [tilespmem:s24+$0x20];
	_ =	sdelay $0x4  }
0x120: {  	v53 =	vand.u32 $0xFFFFC000, v3  }
0x121: {  	v3 =	vadd.s32 $0xFFFF8000, v3;
	vm2 =	veq.s32 v53, $0x8000  }
0x122: {  	v3 =	vsel vm2, v3, v0  }
0x123: {  	[tilespmem:$0x4420] =	vst v3  }
0x124: {  	v3 =	vld [tilespmem:s24+$0x30];
	_ =	sdelay $0x4  }
0x125: {  	v54 =	vand.u32 $0xFFFFC000, v3  }
0x126: {  	v3 =	vadd.s32 $0xFFFF8000, v3;
	vm3 =	veq.s32 v54, $0x8000  }
0x127: {  	v3 =	vsel vm3, v3, v0  }
0x128: {  	[tilespmem:$0x4430] =	vst v3  }
0x129: {  	v3 =	vld [tilespmem:s24+$0x40];
	_ =	sdelay $0x4  }
0x12a: {  	v55 =	vand.u32 $0xFFFFC000, v3  }
0x12b: {  	v3 =	vadd.s32 $0xFFFF8000, v3;
	vm4 =	veq.s32 v55, $0x8000  }
0x12c: {  	v3 =	vsel vm4, v3, v0  }
0x12d: {  	[tilespmem:$0x4440] =	vst v3  }
0x12e: {  	v3 =	vld [tilespmem:s24+$0x50];
	_ =	sdelay $0x4  }
0x12f: {  	v56 =	vand.u32 $0xFFFFC000, v3  }
0x130: {  	v3 =	vadd.s32 $0xFFFF8000, v3;
	vm5 =	veq.s32 v56, $0x8000  }
0x131: {  	v3 =	vsel vm5, v3, v0  }
0x132: {  	[tilespmem:$0x4450] =	vst v3  }
0x133: {  	v3 =	vld [tilespmem:s24+$0x60];
	_ =	sdelay $0x4  }
0x134: {  	v57 =	vand.u32 $0xFFFFC000, v3  }
0x135: {  	v3 =	vadd.s32 $0xFFFF8000, v3;
	vm6 =	veq.s32 v57, $0x8000  }
0x136: {  	v3 =	vsel vm6, v3, v0  }
0x137: {  	[tilespmem:$0x4460] =	vst v3  }
0x138: {  	v3 =	vld [tilespmem:s24+$0x70]  }
0x139: {  	v5 =	vsel vm0, $0x1, v2;
	v58 =	vsel vm1, $0x1, v2  }
0x13a: {  	v4 =	vadd.s32 v5, v58;
	v6 =	vsel vm2, $0x1, v2  }
0x13b: {  	v4 =	vadd.s32 v6, v4;
	v59 =	vsel vm3, $0x1, v2  }
0x13c: {  	v4 =	vadd.s32 v59, v4;
	v60 =	vsel vm4, $0x1, v2  }
0x13d: {  	v4 =	vadd.s32 v60, v4;
	v61 =	vsel vm5, $0x1, v2;
	v62 =	vand.u32 $0xFFFFC000, v3  }
0x13e: {  	v4 =	vadd.s32 v61, v4;
	v7 =	vsel vm6, $0x1, v2;
	vm15 =	veq.s32 v62, $0x8000  }
0x13f: {  	v4 =	vadd.s32 v7, v4;
	v63 =	vsel vm15, $0x1, v2  }
0x140: {  	v4 =	vadd.s32 v63, v4  }
0x141: {  	(xrf0) =	vadd.scan.msk.s32 $0xffff, v4;
	_ =	sdelay $0x5  }
0x142: {  	v4, _, _ =	vpop (xrf0)  }
0x143: {  	(v2sf) =	vpush v4, $0xF;
	_ =	sdelay $0xe  }
0x144: {  	v3 =	vadd.s32 $0xFFFF8000, v3;
	s31 =	spop (v2sf)  }
0x145: {  	v3 =	vsel vm15, v3, v0;
	p1 =	slt.s32 s31, $0x1  }
0x146: {  	[tilespmem:$0x4470] =	vst v3;
	s24 =	sadd.s32 @!p1 $0x0, s18;
	s25 =	simm.s32 @!p1 $0x0;
	s26 =	simm.s32 @!p1 $0x4480  }
0x147: {  	[tilespmem:s26], [sflag:$0x2] =	stream.linear.gather @!p1 [hbm4b:s24+s25], $0x1000, $0x38;
	[tilespmem:$0x154C0] =	vst v63  }
0x148: {  	s24 =	simm.s32 @!p1 $0x2  }
0x149: {  	_ =	swait.ge @!p1 [sflag:s24], $0x1000  }
0x14a: {  	[sflag:s24] =	ssyncset.done @!p1 $0x0  }
0x14b: {  	s28 =	simm.s32 @!p1 $0x4400;
	s25 =	simm.s32 @!p1 $0x80;
	[sflag:s24] =	ssyncadd.s32 @!p1 $0xFFFFF000  }
0x14c: {  	[spmem:s2] =	stream.indirect.scatter.add.f32 @!p1 [tilespmem:s26], [sflag:$0x1], $0x20, s28, s25, $0xb8;
	[tilespmem:$0x154C0] =	vst v63  }
0x14d: {  	s28 =	simm.s32 @!p1 $0x1  }
0x14e: {  	s24 =	simm.s32 $0x200;
	_ =	swait.ge @!p1 [sflag:s28], $0x1000  }
.LBB2_8:
0x14f: {  	[sflag:s28] =	ssyncset.done @!p1 $0x0;
	s25 =	smov.u32 s24;
	s24 =	sadd.s32 $0x200, s24  }
0x150: {  	s26 =	sshra.s32 s25, $0x2;
	p0 =	sne.s32 s24, $0x11000;
	[sflag:s28] =	ssyncadd.s32 @!p1 $0xFFFFF000  }
0x151: {  	v3 =	vld [tilespmem:s26+$0x0];
	_ =	sdelay $0x4  }
0x152: {  	v4 =	vand.u32 $0xFFFFC000, v3  }
0x153: {  	v3 =	vadd.s32 $0xFFFF8000, v3;
	vm0 =	veq.s32 v4, $0x8000  }
0x154: {  	v3 =	vsel vm0, v3, v0  }
0x155: {  	[tilespmem:$0x4400] =	vst v3  }
0x156: {  	v3 =	vld [tilespmem:s26+$0x10];
	_ =	sdelay $0x4  }
0x157: {  	v4 =	vand.u32 $0xFFFFC000, v3  }
0x158: {  	v3 =	vadd.s32 $0xFFFF8000, v3;
	vm1 =	veq.s32 v4, $0x8000  }
0x159: {  	v3 =	vsel vm1, v3, v0;
	v4 =	vsel vm1, $0x1, v2  }
0x15a: {  	[tilespmem:$0x4410] =	vst v3  }
0x15b: {  	v3 =	vld [tilespmem:s26+$0x20];
	_ =	sdelay $0x4  }
0x15c: {  	v5 =	vand.u32 $0xFFFFC000, v3  }
0x15d: {  	v3 =	vadd.s32 $0xFFFF8000, v3;
	vm1 =	veq.s32 v5, $0x8000  }
0x15e: {  	v3 =	vsel vm1, v3, v0;
	v5 =	vsel vm1, $0x1, v2  }
0x15f: {  	[tilespmem:$0x4420] =	vst v3  }
0x160: {  	v3 =	vld [tilespmem:s26+$0x30];
	_ =	sdelay $0x4  }
0x161: {  	v6 =	vand.u32 $0xFFFFC000, v3  }
0x162: {  	v3 =	vadd.s32 $0xFFFF8000, v3;
	vm1 =	veq.s32 v6, $0x8000  }
0x163: {  	v3 =	vsel vm1, v3, v0;
	v6 =	vsel vm1, $0x1, v2  }
0x164: {  	[tilespmem:$0x4430] =	vst v3  }
0x165: {  	v3 =	vld [tilespmem:s26+$0x40];
	_ =	sdelay $0x4  }
0x166: {  	v7 =	vand.u32 $0xFFFFC000, v3  }
0x167: {  	v3 =	vadd.s32 $0xFFFF8000, v3;
	vm1 =	veq.s32 v7, $0x8000  }
0x168: {  	v3 =	vsel vm1, v3, v0;
	v7 =	vsel vm1, $0x1, v2  }
0x169: {  	[tilespmem:$0x4440] =	vst v3  }
0x16a: {  	v3 =	vld [tilespmem:s26+$0x50];
	_ =	sdelay $0x4  }
0x16b: {  	v8 =	vand.u32 $0xFFFFC000, v3  }
0x16c: {  	v3 =	vadd.s32 $0xFFFF8000, v3;
	vm1 =	veq.s32 v8, $0x8000  }
0x16d: {  	v3 =	vsel vm1, v3, v0;
	v8 =	vsel vm1, $0x1, v2  }
0x16e: {  	[tilespmem:$0x4450] =	vst v3  }
0x16f: {  	v3 =	vld [tilespmem:s26+$0x60];
	_ =	sdelay $0x4  }
0x170: {  	v9 =	vand.u32 $0xFFFFC000, v3  }
0x171: {  	v3 =	vadd.s32 $0xFFFF8000, v3;
	vm1 =	veq.s32 v9, $0x8000  }
0x172: {  	v3 =	vsel vm1, v3, v0;
	v9 =	vsel vm1, $0x1, v2  }
0x173: {  	[tilespmem:$0x4460] =	vst v3  }
0x174: {  	v3 =	vld [tilespmem:s26+$0x70]  }
0x175: {  	v10 =	vsel vm0, $0x1, v2  }
0x176: {  	v4 =	vadd.s32 v10, v4  }
0x177: {  	v4 =	vadd.s32 v5, v4  }
0x178: {  	v4 =	vadd.s32 v6, v4  }
0x179: {  	v4 =	vadd.s32 v7, v4;
	v5 =	vand.u32 $0xFFFFC000, v3  }
0x17a: {  	v4 =	vadd.s32 v8, v4;
	v3 =	vadd.s32 $0xFFFF8000, v3;
	vm0 =	veq.s32 v5, $0x8000  }
0x17b: {  	v4 =	vadd.s32 v9, v4;
	v3 =	vsel vm0, v3, v0;
	v5 =	vsel vm0, $0x1, v2  }
0x17c: {  	[tilespmem:$0x4470] =	vst v3;
	v3 =	vadd.s32 v5, v4  }
0x17d: {  	(xrf0) =	vadd.scan.msk.s32 $0xffff, v3;
	_ =	sdelay $0x5  }
0x17e: {  	v3, _, _ =	vpop (xrf0)  }
0x17f: {  	(v2sf) =	vpush v3, $0xF;
	_ =	sdelay $0xe  }
0x180: {  	s26 =	spop (v2sf)  }
0x181: {  	p1 =	slt.s32 s26, $0x1  }
0x182: {  	s25 =	sadd.s32 @!p1 s25, s18;
	s26 =	simm.s32 @!p1 $0x0;
	s29 =	simm.s32 @!p1 $0x4480  }
0x183: {  	[tilespmem:s29], [sflag:$0x2] =	stream.linear.gather @!p1 [hbm4b:s25+s26], $0x1000, $0x38;
	[tilespmem:$0x154C0] =	vst v63  }
0x184: {  	s25 =	simm.s32 @!p1 $0x2  }
.Ltmp3:
0x185: {  	_ =	swait.ge @!p1 [sflag:s25], $0x1000;
	(pc) =	sbr.rel @p0 .LBB2_8-.Ltmp3, $4  }
0x186: {  	s30 =	simm.s32 @!p1 $0x4400;
	s26 =	simm.s32 @!p1 $0x80;
	[sflag:s25] =	ssyncset.done @!p1 $0x0  }
0x187: {  	s28 =	simm.s32 @!p1 $0x1;
	[sflag:s25] =	ssyncadd.s32 @!p1 $0xFFFFF000  }
0x188: {  	[spmem:s2] =	stream.indirect.scatter.add.f32 @!p1 [tilespmem:s29], [sflag:$0x1], $0x20, s30, s26, $0xb8;
	[tilespmem:$0x154C0] =	vst v63  }
0x189: {  	_ =	swait.ge @!p1 [sflag:s28], $0x1000  }
0x18a: {  	[sflag:s28] =	ssyncset.done @!p1 $0x0  }
0x18b: {  	[sflag:s28] =	ssyncadd.s32 @!p1 $0xFFFFF000  }
0x18c: {  	[bflag:$0x0] =	sbarrier.arrive $0xFFFF  }
0x18d: {  	[hbm:s8], [sflag:s22] =	dma.local [spmem:s23], $0x1000  }
0x18e: {  	_ =	swait.ge [sflag:s19], $0x1000  }
0x18f: {  	[sflag:s19] =	ssyncset.done $0x0  }
0x190: {  	[sflag:s19] =	ssyncadd.s32 $0xFFFFF000  }
0x191: {  	[bflag:$0x0] =	sbarrier.arrive $0xFFFF  }
0x192: {  	[spmem:s7] =	stream.linear.scatter [tilespmem:s20], [sflag:$0x1], $0x8020, $0x38;
	[tilespmem:$0x154C0] =	vst v63  }
0x193: {  	_ =	swait.ge [sflag:s19], $0x8020  }
0x194: {  	[sflag:s19] =	ssyncset.done $0x0  }
0x195: {  	[sflag:s19] =	ssyncadd.s32 $0xFFFF7FE0  }
0x196: {  	s24 =	simm.s32 $0x0;
	[bflag:$0x0] =	sbarrier.arrive $0xFFFF  }
0x197: {  	v3 =	vld [tilespmem:s24+$0x0];
	_ =	sdelay $0x4  }
0x198: {  	v4 =	vand.u32 $0xFFFFC000, v3  }
0x199: {  	v3 =	vadd.s32 $0xFFFF4000, v3;
	vm0 =	veq.s32 v4, $0xC000  }
0x19a: {  	v3 =	vsel vm0, v3, v0  }
0x19b: {  	[tilespmem:$0x4400] =	vst v3  }
0x19c: {  	v3 =	vld [tilespmem:s24+$0x10];
	_ =	sdelay $0x4  }
0x19d: {  	v52 =	vand.u32 $0xFFFFC000, v3  }
0x19e: {  	v3 =	vadd.s32 $0xFFFF4000, v3;
	vm1 =	veq.s32 v52, $0xC000  }
0x19f: {  	v3 =	vsel vm1, v3, v0  }
0x1a0: {  	[tilespmem:$0x4410] =	vst v3  }
0x1a1: {  	v3 =	vld [tilespmem:s24+$0x20];
	_ =	sdelay $0x4  }
0x1a2: {  	v53 =	vand.u32 $0xFFFFC000, v3  }
0x1a3: {  	v3 =	vadd.s32 $0xFFFF4000, v3;
	vm2 =	veq.s32 v53, $0xC000  }
0x1a4: {  	v3 =	vsel vm2, v3, v0  }
0x1a5: {  	[tilespmem:$0x4420] =	vst v3  }
0x1a6: {  	v3 =	vld [tilespmem:s24+$0x30];
	_ =	sdelay $0x4  }
0x1a7: {  	v54 =	vand.u32 $0xFFFFC000, v3  }
0x1a8: {  	v3 =	vadd.s32 $0xFFFF4000, v3;
	vm3 =	veq.s32 v54, $0xC000  }
0x1a9: {  	v3 =	vsel vm3, v3, v0  }
0x1aa: {  	[tilespmem:$0x4430] =	vst v3  }
0x1ab: {  	v3 =	vld [tilespmem:s24+$0x40];
	_ =	sdelay $0x4  }
0x1ac: {  	v55 =	vand.u32 $0xFFFFC000, v3  }
0x1ad: {  	v3 =	vadd.s32 $0xFFFF4000, v3;
	vm4 =	veq.s32 v55, $0xC000  }
0x1ae: {  	v3 =	vsel vm4, v3, v0  }
0x1af: {  	[tilespmem:$0x4440] =	vst v3  }
0x1b0: {  	v3 =	vld [tilespmem:s24+$0x50];
	_ =	sdelay $0x4  }
0x1b1: {  	v56 =	vand.u32 $0xFFFFC000, v3  }
0x1b2: {  	v3 =	vadd.s32 $0xFFFF4000, v3;
	vm5 =	veq.s32 v56, $0xC000  }
0x1b3: {  	v3 =	vsel vm5, v3, v0  }
0x1b4: {  	[tilespmem:$0x4450] =	vst v3  }
0x1b5: {  	v3 =	vld [tilespmem:s24+$0x60];
	_ =	sdelay $0x4  }
0x1b6: {  	v57 =	vand.u32 $0xFFFFC000, v3  }
0x1b7: {  	v3 =	vadd.s32 $0xFFFF4000, v3;
	vm6 =	veq.s32 v57, $0xC000  }
0x1b8: {  	v3 =	vsel vm6, v3, v0  }
0x1b9: {  	[tilespmem:$0x4460] =	vst v3  }
0x1ba: {  	v3 =	vld [tilespmem:s24+$0x70]  }
0x1bb: {  	v5 =	vsel vm0, $0x1, v2;
	v58 =	vsel vm1, $0x1, v2  }
0x1bc: {  	v4 =	vadd.s32 v5, v58;
	v6 =	vsel vm2, $0x1, v2  }
0x1bd: {  	v4 =	vadd.s32 v6, v4;
	v59 =	vsel vm3, $0x1, v2  }
0x1be: {  	v4 =	vadd.s32 v59, v4;
	v60 =	vsel vm4, $0x1, v2  }
0x1bf: {  	v4 =	vadd.s32 v60, v4;
	v61 =	vsel vm5, $0x1, v2;
	v62 =	vand.u32 $0xFFFFC000, v3  }
0x1c0: {  	v4 =	vadd.s32 v61, v4;
	v7 =	vsel vm6, $0x1, v2;
	vm15 =	veq.s32 v62, $0xC000  }
0x1c1: {  	v4 =	vadd.s32 v7, v4;
	v63 =	vsel vm15, $0x1, v2  }
0x1c2: {  	v4 =	vadd.s32 v63, v4  }
0x1c3: {  	(xrf0) =	vadd.scan.msk.s32 $0xffff, v4;
	_ =	sdelay $0x5  }
0x1c4: {  	v4, _, _ =	vpop (xrf0)  }
0x1c5: {  	(v2sf) =	vpush v4, $0xF;
	_ =	sdelay $0xe  }
0x1c6: {  	v3 =	vadd.s32 $0xFFFF4000, v3;
	s31 =	spop (v2sf)  }
0x1c7: {  	v3 =	vsel vm15, v3, v0;
	p1 =	slt.s32 s31, $0x1  }
0x1c8: {  	[tilespmem:$0x4470] =	vst v3;
	s24 =	sadd.s32 @!p1 $0x0, s18;
	s25 =	simm.s32 @!p1 $0x0;
	s26 =	simm.s32 @!p1 $0x4480  }
0x1c9: {  	[tilespmem:s26], [sflag:$0x2] =	stream.linear.gather @!p1 [hbm4b:s24+s25], $0x1000, $0x38;
	[tilespmem:$0x154C0] =	vst v63  }
0x1ca: {  	s24 =	simm.s32 @!p1 $0x2  }
0x1cb: {  	_ =	swait.ge @!p1 [sflag:s24], $0x1000  }
0x1cc: {  	[sflag:s24] =	ssyncset.done @!p1 $0x0  }
0x1cd: {  	s28 =	simm.s32 @!p1 $0x4400;
	s25 =	simm.s32 @!p1 $0x80;
	[sflag:s24] =	ssyncadd.s32 @!p1 $0xFFFFF000  }
0x1ce: {  	[spmem:s2] =	stream.indirect.scatter.add.f32 @!p1 [tilespmem:s26], [sflag:$0x1], $0x20, s28, s25, $0xb8;
	[tilespmem:$0x154C0] =	vst v63  }
0x1cf: {  	s28 =	simm.s32 @!p1 $0x1  }
0x1d0: {  	s24 =	simm.s32 $0x200;
	_ =	swait.ge @!p1 [sflag:s28], $0x1000  }
.LBB2_10:
0x1d1: {  	[sflag:s28] =	ssyncset.done @!p1 $0x0;
	s25 =	smov.u32 s24;
	s24 =	sadd.s32 $0x200, s24  }
0x1d2: {  	s26 =	sshra.s32 s25, $0x2;
	p0 =	sne.s32 s24, $0x11000;
	[sflag:s28] =	ssyncadd.s32 @!p1 $0xFFFFF000  }
0x1d3: {  	v3 =	vld [tilespmem:s26+$0x0];
	_ =	sdelay $0x4  }
0x1d4: {  	v4 =	vand.u32 $0xFFFFC000, v3  }
0x1d5: {  	v3 =	vadd.s32 $0xFFFF4000, v3;
	vm0 =	veq.s32 v4, $0xC000  }
0x1d6: {  	v3 =	vsel vm0, v3, v0  }
0x1d7: {  	[tilespmem:$0x4400] =	vst v3  }
0x1d8: {  	v3 =	vld [tilespmem:s26+$0x10];
	_ =	sdelay $0x4  }
0x1d9: {  	v4 =	vand.u32 $0xFFFFC000, v3  }
0x1da: {  	v3 =	vadd.s32 $0xFFFF4000, v3;
	vm1 =	veq.s32 v4, $0xC000  }
0x1db: {  	v3 =	vsel vm1, v3, v0;
	v4 =	vsel vm1, $0x1, v2  }
0x1dc: {  	[tilespmem:$0x4410] =	vst v3  }
0x1dd: {  	v3 =	vld [tilespmem:s26+$0x20];
	_ =	sdelay $0x4  }
0x1de: {  	v5 =	vand.u32 $0xFFFFC000, v3  }
0x1df: {  	v3 =	vadd.s32 $0xFFFF4000, v3;
	vm1 =	veq.s32 v5, $0xC000  }
0x1e0: {  	v3 =	vsel vm1, v3, v0;
	v5 =	vsel vm1, $0x1, v2  }
0x1e1: {  	[tilespmem:$0x4420] =	vst v3  }
0x1e2: {  	v3 =	vld [tilespmem:s26+$0x30];
	_ =	sdelay $0x4  }
0x1e3: {  	v6 =	vand.u32 $0xFFFFC000, v3  }
0x1e4: {  	v3 =	vadd.s32 $0xFFFF4000, v3;
	vm1 =	veq.s32 v6, $0xC000  }
0x1e5: {  	v3 =	vsel vm1, v3, v0;
	v6 =	vsel vm1, $0x1, v2  }
0x1e6: {  	[tilespmem:$0x4430] =	vst v3  }
0x1e7: {  	v3 =	vld [tilespmem:s26+$0x40];
	_ =	sdelay $0x4  }
0x1e8: {  	v7 =	vand.u32 $0xFFFFC000, v3  }
0x1e9: {  	v3 =	vadd.s32 $0xFFFF4000, v3;
	vm1 =	veq.s32 v7, $0xC000  }
0x1ea: {  	v3 =	vsel vm1, v3, v0;
	v7 =	vsel vm1, $0x1, v2  }
0x1eb: {  	[tilespmem:$0x4440] =	vst v3  }
0x1ec: {  	v3 =	vld [tilespmem:s26+$0x50];
	_ =	sdelay $0x4  }
0x1ed: {  	v8 =	vand.u32 $0xFFFFC000, v3  }
0x1ee: {  	v3 =	vadd.s32 $0xFFFF4000, v3;
	vm1 =	veq.s32 v8, $0xC000  }
0x1ef: {  	v3 =	vsel vm1, v3, v0;
	v8 =	vsel vm1, $0x1, v2  }
0x1f0: {  	[tilespmem:$0x4450] =	vst v3  }
0x1f1: {  	v3 =	vld [tilespmem:s26+$0x60];
	_ =	sdelay $0x4  }
0x1f2: {  	v9 =	vand.u32 $0xFFFFC000, v3  }
0x1f3: {  	v3 =	vadd.s32 $0xFFFF4000, v3;
	vm1 =	veq.s32 v9, $0xC000  }
0x1f4: {  	v3 =	vsel vm1, v3, v0;
	v9 =	vsel vm1, $0x1, v2  }
0x1f5: {  	[tilespmem:$0x4460] =	vst v3  }
0x1f6: {  	v3 =	vld [tilespmem:s26+$0x70]  }
0x1f7: {  	v10 =	vsel vm0, $0x1, v2  }
0x1f8: {  	v4 =	vadd.s32 v10, v4  }
0x1f9: {  	v4 =	vadd.s32 v5, v4  }
0x1fa: {  	v4 =	vadd.s32 v6, v4  }
0x1fb: {  	v4 =	vadd.s32 v7, v4;
	v5 =	vand.u32 $0xFFFFC000, v3  }
0x1fc: {  	v4 =	vadd.s32 v8, v4;
	v3 =	vadd.s32 $0xFFFF4000, v3;
	vm0 =	veq.s32 v5, $0xC000  }
0x1fd: {  	v4 =	vadd.s32 v9, v4;
	v3 =	vsel vm0, v3, v0;
	v5 =	vsel vm0, $0x1, v2  }
0x1fe: {  	[tilespmem:$0x4470] =	vst v3;
	v3 =	vadd.s32 v5, v4  }
0x1ff: {  	(xrf0) =	vadd.scan.msk.s32 $0xffff, v3;
	_ =	sdelay $0x5  }
0x200: {  	v3, _, _ =	vpop (xrf0)  }
0x201: {  	(v2sf) =	vpush v3, $0xF;
	_ =	sdelay $0xe  }
0x202: {  	s26 =	spop (v2sf)  }
0x203: {  	p1 =	slt.s32 s26, $0x1  }
0x204: {  	s25 =	sadd.s32 @!p1 s25, s18;
	s26 =	simm.s32 @!p1 $0x0;
	s29 =	simm.s32 @!p1 $0x4480  }
0x205: {  	[tilespmem:s29], [sflag:$0x2] =	stream.linear.gather @!p1 [hbm4b:s25+s26], $0x1000, $0x38;
	[tilespmem:$0x154C0] =	vst v63  }
0x206: {  	s25 =	simm.s32 @!p1 $0x2  }
.Ltmp4:
0x207: {  	_ =	swait.ge @!p1 [sflag:s25], $0x1000;
	(pc) =	sbr.rel @p0 .LBB2_10-.Ltmp4, $4  }
0x208: {  	s30 =	simm.s32 @!p1 $0x4400;
	s26 =	simm.s32 @!p1 $0x80;
	[sflag:s25] =	ssyncset.done @!p1 $0x0  }
0x209: {  	s28 =	simm.s32 @!p1 $0x1;
	[sflag:s25] =	ssyncadd.s32 @!p1 $0xFFFFF000  }
0x20a: {  	[spmem:s2] =	stream.indirect.scatter.add.f32 @!p1 [tilespmem:s29], [sflag:$0x1], $0x20, s30, s26, $0xb8;
	[tilespmem:$0x154C0] =	vst v63  }
0x20b: {  	_ =	swait.ge @!p1 [sflag:s28], $0x1000  }
0x20c: {  	[sflag:s28] =	ssyncset.done @!p1 $0x0  }
0x20d: {  	[sflag:s28] =	ssyncadd.s32 @!p1 $0xFFFFF000  }
0x20e: {  	[bflag:$0x0] =	sbarrier.arrive $0xFFFF  }
0x20f: {  	[hbm:s9], [sflag:s22] =	dma.local [spmem:s23], $0x1000  }
0x210: {  	_ =	swait.ge [sflag:s19], $0x1000  }
0x211: {  	[sflag:s19] =	ssyncset.done $0x0  }
0x212: {  	[sflag:s19] =	ssyncadd.s32 $0xFFFFF000  }
0x213: {  	[bflag:$0x0] =	sbarrier.arrive $0xFFFF  }
0x214: {  	[spmem:s7] =	stream.linear.scatter [tilespmem:s20], [sflag:$0x1], $0x8020, $0x38;
	[tilespmem:$0x154C0] =	vst v63  }
0x215: {  	_ =	swait.ge [sflag:s19], $0x8020  }
0x216: {  	[sflag:s19] =	ssyncset.done $0x0  }
0x217: {  	[sflag:s19] =	ssyncadd.s32 $0xFFFF7FE0  }
0x218: {  	s24 =	simm.s32 $0x0;
	[bflag:$0x0] =	sbarrier.arrive $0xFFFF  }
0x219: {  	v3 =	vld [tilespmem:s24+$0x0];
	_ =	sdelay $0x4  }
0x21a: {  	v4 =	vand.u32 $0xFFFFC000, v3  }
0x21b: {  	v3 =	vadd.s32 $0xFFFF0000, v3;
	vm0 =	veq.s32 v4, $0x10000  }
0x21c: {  	v3 =	vsel vm0, v3, v0  }
0x21d: {  	[tilespmem:$0x4400] =	vst v3  }
0x21e: {  	v3 =	vld [tilespmem:s24+$0x10];
	_ =	sdelay $0x4  }
0x21f: {  	v52 =	vand.u32 $0xFFFFC000, v3  }
0x220: {  	v3 =	vadd.s32 $0xFFFF0000, v3;
	vm1 =	veq.s32 v52, $0x10000  }
0x221: {  	v3 =	vsel vm1, v3, v0  }
0x222: {  	[tilespmem:$0x4410] =	vst v3  }
0x223: {  	v3 =	vld [tilespmem:s24+$0x20];
	_ =	sdelay $0x4  }
0x224: {  	v53 =	vand.u32 $0xFFFFC000, v3  }
0x225: {  	v3 =	vadd.s32 $0xFFFF0000, v3;
	vm2 =	veq.s32 v53, $0x10000  }
0x226: {  	v3 =	vsel vm2, v3, v0  }
0x227: {  	[tilespmem:$0x4420] =	vst v3  }
0x228: {  	v3 =	vld [tilespmem:s24+$0x30];
	_ =	sdelay $0x4  }
0x229: {  	v54 =	vand.u32 $0xFFFFC000, v3  }
0x22a: {  	v3 =	vadd.s32 $0xFFFF0000, v3;
	vm3 =	veq.s32 v54, $0x10000  }
0x22b: {  	v3 =	vsel vm3, v3, v0  }
0x22c: {  	[tilespmem:$0x4430] =	vst v3  }
0x22d: {  	v3 =	vld [tilespmem:s24+$0x40];
	_ =	sdelay $0x4  }
0x22e: {  	v55 =	vand.u32 $0xFFFFC000, v3  }
0x22f: {  	v3 =	vadd.s32 $0xFFFF0000, v3;
	vm4 =	veq.s32 v55, $0x10000  }
0x230: {  	v3 =	vsel vm4, v3, v0  }
0x231: {  	[tilespmem:$0x4440] =	vst v3  }
0x232: {  	v3 =	vld [tilespmem:s24+$0x50];
	_ =	sdelay $0x4  }
0x233: {  	v56 =	vand.u32 $0xFFFFC000, v3  }
0x234: {  	v3 =	vadd.s32 $0xFFFF0000, v3;
	vm5 =	veq.s32 v56, $0x10000  }
0x235: {  	v3 =	vsel vm5, v3, v0  }
0x236: {  	[tilespmem:$0x4450] =	vst v3  }
0x237: {  	v3 =	vld [tilespmem:s24+$0x60];
	_ =	sdelay $0x4  }
0x238: {  	v57 =	vand.u32 $0xFFFFC000, v3  }
0x239: {  	v3 =	vadd.s32 $0xFFFF0000, v3;
	vm6 =	veq.s32 v57, $0x10000  }
0x23a: {  	v3 =	vsel vm6, v3, v0  }
0x23b: {  	[tilespmem:$0x4460] =	vst v3  }
0x23c: {  	v3 =	vld [tilespmem:s24+$0x70]  }
0x23d: {  	v5 =	vsel vm0, $0x1, v2;
	v58 =	vsel vm1, $0x1, v2  }
0x23e: {  	v4 =	vadd.s32 v5, v58;
	v6 =	vsel vm2, $0x1, v2  }
0x23f: {  	v4 =	vadd.s32 v6, v4;
	v59 =	vsel vm3, $0x1, v2  }
0x240: {  	v4 =	vadd.s32 v59, v4;
	v60 =	vsel vm4, $0x1, v2  }
0x241: {  	v4 =	vadd.s32 v60, v4;
	v61 =	vsel vm5, $0x1, v2;
	v62 =	vand.u32 $0xFFFFC000, v3  }
0x242: {  	v4 =	vadd.s32 v61, v4;
	v7 =	vsel vm6, $0x1, v2;
	vm15 =	veq.s32 v62, $0x10000  }
0x243: {  	v4 =	vadd.s32 v7, v4;
	v63 =	vsel vm15, $0x1, v2  }
0x244: {  	v4 =	vadd.s32 v63, v4  }
0x245: {  	(xrf0) =	vadd.scan.msk.s32 $0xffff, v4;
	_ =	sdelay $0x5  }
0x246: {  	v4, _, _ =	vpop (xrf0)  }
0x247: {  	(v2sf) =	vpush v4, $0xF;
	_ =	sdelay $0xe  }
0x248: {  	v3 =	vadd.s32 $0xFFFF0000, v3;
	s31 =	spop (v2sf)  }
0x249: {  	v3 =	vsel vm15, v3, v0;
	p1 =	slt.s32 s31, $0x1  }
0x24a: {  	[tilespmem:$0x4470] =	vst v3;
	s24 =	sadd.s32 @!p1 $0x0, s18;
	s25 =	simm.s32 @!p1 $0x0;
	s26 =	simm.s32 @!p1 $0x4480  }
0x24b: {  	[tilespmem:s26], [sflag:$0x2] =	stream.linear.gather @!p1 [hbm4b:s24+s25], $0x1000, $0x38;
	[tilespmem:$0x154C0] =	vst v63  }
0x24c: {  	s24 =	simm.s32 @!p1 $0x2  }
0x24d: {  	_ =	swait.ge @!p1 [sflag:s24], $0x1000  }
0x24e: {  	[sflag:s24] =	ssyncset.done @!p1 $0x0  }
0x24f: {  	s28 =	simm.s32 @!p1 $0x4400;
	s25 =	simm.s32 @!p1 $0x80;
	[sflag:s24] =	ssyncadd.s32 @!p1 $0xFFFFF000  }
0x250: {  	[spmem:s2] =	stream.indirect.scatter.add.f32 @!p1 [tilespmem:s26], [sflag:$0x1], $0x20, s28, s25, $0xb8;
	[tilespmem:$0x154C0] =	vst v63  }
0x251: {  	s28 =	simm.s32 @!p1 $0x1  }
0x252: {  	s24 =	simm.s32 $0x200;
	_ =	swait.ge @!p1 [sflag:s28], $0x1000  }
.LBB2_12:
0x253: {  	[sflag:s28] =	ssyncset.done @!p1 $0x0;
	s25 =	smov.u32 s24;
	s24 =	sadd.s32 $0x200, s24  }
0x254: {  	s26 =	sshra.s32 s25, $0x2;
	p0 =	sne.s32 s24, $0x11000;
	[sflag:s28] =	ssyncadd.s32 @!p1 $0xFFFFF000  }
0x255: {  	v3 =	vld [tilespmem:s26+$0x0];
	_ =	sdelay $0x4  }
0x256: {  	v4 =	vand.u32 $0xFFFFC000, v3  }
0x257: {  	v3 =	vadd.s32 $0xFFFF0000, v3;
	vm0 =	veq.s32 v4, $0x10000  }
0x258: {  	v3 =	vsel vm0, v3, v0  }
0x259: {  	[tilespmem:$0x4400] =	vst v3  }
0x25a: {  	v3 =	vld [tilespmem:s26+$0x10];
	_ =	sdelay $0x4  }
0x25b: {  	v4 =	vand.u32 $0xFFFFC000, v3  }
0x25c: {  	v3 =	vadd.s32 $0xFFFF0000, v3;
	vm1 =	veq.s32 v4, $0x10000  }
0x25d: {  	v3 =	vsel vm1, v3, v0;
	v4 =	vsel vm1, $0x1, v2  }
0x25e: {  	[tilespmem:$0x4410] =	vst v3  }
0x25f: {  	v3 =	vld [tilespmem:s26+$0x20];
	_ =	sdelay $0x4  }
0x260: {  	v5 =	vand.u32 $0xFFFFC000, v3  }
0x261: {  	v3 =	vadd.s32 $0xFFFF0000, v3;
	vm1 =	veq.s32 v5, $0x10000  }
0x262: {  	v3 =	vsel vm1, v3, v0;
	v5 =	vsel vm1, $0x1, v2  }
0x263: {  	[tilespmem:$0x4420] =	vst v3  }
0x264: {  	v3 =	vld [tilespmem:s26+$0x30];
	_ =	sdelay $0x4  }
0x265: {  	v6 =	vand.u32 $0xFFFFC000, v3  }
0x266: {  	v3 =	vadd.s32 $0xFFFF0000, v3;
	vm1 =	veq.s32 v6, $0x10000  }
0x267: {  	v3 =	vsel vm1, v3, v0;
	v6 =	vsel vm1, $0x1, v2  }
0x268: {  	[tilespmem:$0x4430] =	vst v3  }
0x269: {  	v3 =	vld [tilespmem:s26+$0x40];
	_ =	sdelay $0x4  }
0x26a: {  	v7 =	vand.u32 $0xFFFFC000, v3  }
0x26b: {  	v3 =	vadd.s32 $0xFFFF0000, v3;
	vm1 =	veq.s32 v7, $0x10000  }
0x26c: {  	v3 =	vsel vm1, v3, v0;
	v7 =	vsel vm1, $0x1, v2  }
0x26d: {  	[tilespmem:$0x4440] =	vst v3  }
0x26e: {  	v3 =	vld [tilespmem:s26+$0x50];
	_ =	sdelay $0x4  }
0x26f: {  	v8 =	vand.u32 $0xFFFFC000, v3  }
0x270: {  	v3 =	vadd.s32 $0xFFFF0000, v3;
	vm1 =	veq.s32 v8, $0x10000  }
0x271: {  	v3 =	vsel vm1, v3, v0;
	v8 =	vsel vm1, $0x1, v2  }
0x272: {  	[tilespmem:$0x4450] =	vst v3  }
0x273: {  	v3 =	vld [tilespmem:s26+$0x60];
	_ =	sdelay $0x4  }
0x274: {  	v9 =	vand.u32 $0xFFFFC000, v3  }
0x275: {  	v3 =	vadd.s32 $0xFFFF0000, v3;
	vm1 =	veq.s32 v9, $0x10000  }
0x276: {  	v3 =	vsel vm1, v3, v0;
	v9 =	vsel vm1, $0x1, v2  }
0x277: {  	[tilespmem:$0x4460] =	vst v3  }
0x278: {  	v3 =	vld [tilespmem:s26+$0x70]  }
0x279: {  	v10 =	vsel vm0, $0x1, v2  }
0x27a: {  	v4 =	vadd.s32 v10, v4  }
0x27b: {  	v4 =	vadd.s32 v5, v4  }
0x27c: {  	v4 =	vadd.s32 v6, v4  }
0x27d: {  	v4 =	vadd.s32 v7, v4;
	v5 =	vand.u32 $0xFFFFC000, v3  }
0x27e: {  	v4 =	vadd.s32 v8, v4;
	v3 =	vadd.s32 $0xFFFF0000, v3;
	vm0 =	veq.s32 v5, $0x10000  }
0x27f: {  	v4 =	vadd.s32 v9, v4;
	v3 =	vsel vm0, v3, v0;
	v5 =	vsel vm0, $0x1, v2  }
0x280: {  	[tilespmem:$0x4470] =	vst v3;
	v3 =	vadd.s32 v5, v4  }
0x281: {  	(xrf0) =	vadd.scan.msk.s32 $0xffff, v3;
	_ =	sdelay $0x5  }
0x282: {  	v3, _, _ =	vpop (xrf0)  }
0x283: {  	(v2sf) =	vpush v3, $0xF;
	_ =	sdelay $0xe  }
0x284: {  	s26 =	spop (v2sf)  }
0x285: {  	p1 =	slt.s32 s26, $0x1  }
0x286: {  	s25 =	sadd.s32 @!p1 s25, s18;
	s26 =	simm.s32 @!p1 $0x0;
	s29 =	simm.s32 @!p1 $0x4480  }
0x287: {  	[tilespmem:s29], [sflag:$0x2] =	stream.linear.gather @!p1 [hbm4b:s25+s26], $0x1000, $0x38;
	[tilespmem:$0x154C0] =	vst v63  }
0x288: {  	s25 =	simm.s32 @!p1 $0x2  }
.Ltmp5:
0x289: {  	_ =	swait.ge @!p1 [sflag:s25], $0x1000;
	(pc) =	sbr.rel @p0 .LBB2_12-.Ltmp5, $4  }
0x28a: {  	s30 =	simm.s32 @!p1 $0x4400;
	s26 =	simm.s32 @!p1 $0x80;
	[sflag:s25] =	ssyncset.done @!p1 $0x0  }
0x28b: {  	s28 =	simm.s32 @!p1 $0x1;
	[sflag:s25] =	ssyncadd.s32 @!p1 $0xFFFFF000  }
0x28c: {  	[spmem:s2] =	stream.indirect.scatter.add.f32 @!p1 [tilespmem:s29], [sflag:$0x1], $0x20, s30, s26, $0xb8;
	[tilespmem:$0x154C0] =	vst v63  }
0x28d: {  	_ =	swait.ge @!p1 [sflag:s28], $0x1000  }
0x28e: {  	[sflag:s28] =	ssyncset.done @!p1 $0x0  }
0x28f: {  	[sflag:s28] =	ssyncadd.s32 @!p1 $0xFFFFF000  }
0x290: {  	[bflag:$0x0] =	sbarrier.arrive $0xFFFF  }
0x291: {  	[hbm:s10], [sflag:s22] =	dma.local [spmem:s23], $0x1000  }
0x292: {  	_ =	swait.ge [sflag:s19], $0x1000  }
0x293: {  	[sflag:s19] =	ssyncset.done $0x0  }
0x294: {  	[sflag:s19] =	ssyncadd.s32 $0xFFFFF000  }
0x295: {  	[bflag:$0x0] =	sbarrier.arrive $0xFFFF  }
0x296: {  	[spmem:s7] =	stream.linear.scatter [tilespmem:s20], [sflag:$0x1], $0x8020, $0x38;
	[tilespmem:$0x154C0] =	vst v63  }
0x297: {  	_ =	swait.ge [sflag:s19], $0x8020  }
0x298: {  	[sflag:s19] =	ssyncset.done $0x0  }
0x299: {  	[sflag:s19] =	ssyncadd.s32 $0xFFFF7FE0  }
0x29a: {  	s24 =	simm.s32 $0x0;
	[bflag:$0x0] =	sbarrier.arrive $0xFFFF  }
0x29b: {  	v3 =	vld [tilespmem:s24+$0x0];
	_ =	sdelay $0x4  }
0x29c: {  	v4 =	vand.u32 $0xFFFFC000, v3  }
0x29d: {  	v3 =	vadd.s32 $0xFFFEC000, v3;
	vm0 =	veq.s32 v4, $0x14000  }
0x29e: {  	v3 =	vsel vm0, v3, v0  }
0x29f: {  	[tilespmem:$0x4400] =	vst v3  }
0x2a0: {  	v3 =	vld [tilespmem:s24+$0x10];
	_ =	sdelay $0x4  }
0x2a1: {  	v52 =	vand.u32 $0xFFFFC000, v3  }
0x2a2: {  	v3 =	vadd.s32 $0xFFFEC000, v3;
	vm1 =	veq.s32 v52, $0x14000  }
0x2a3: {  	v3 =	vsel vm1, v3, v0  }
0x2a4: {  	[tilespmem:$0x4410] =	vst v3  }
0x2a5: {  	v3 =	vld [tilespmem:s24+$0x20];
	_ =	sdelay $0x4  }
0x2a6: {  	v53 =	vand.u32 $0xFFFFC000, v3  }
0x2a7: {  	v3 =	vadd.s32 $0xFFFEC000, v3;
	vm2 =	veq.s32 v53, $0x14000  }
0x2a8: {  	v3 =	vsel vm2, v3, v0  }
0x2a9: {  	[tilespmem:$0x4420] =	vst v3  }
0x2aa: {  	v3 =	vld [tilespmem:s24+$0x30];
	_ =	sdelay $0x4  }
0x2ab: {  	v54 =	vand.u32 $0xFFFFC000, v3  }
0x2ac: {  	v3 =	vadd.s32 $0xFFFEC000, v3;
	vm3 =	veq.s32 v54, $0x14000  }
0x2ad: {  	v3 =	vsel vm3, v3, v0  }
0x2ae: {  	[tilespmem:$0x4430] =	vst v3  }
0x2af: {  	v3 =	vld [tilespmem:s24+$0x40];
	_ =	sdelay $0x4  }
0x2b0: {  	v55 =	vand.u32 $0xFFFFC000, v3  }
0x2b1: {  	v3 =	vadd.s32 $0xFFFEC000, v3;
	vm4 =	veq.s32 v55, $0x14000  }
0x2b2: {  	v3 =	vsel vm4, v3, v0  }
0x2b3: {  	[tilespmem:$0x4440] =	vst v3  }
0x2b4: {  	v3 =	vld [tilespmem:s24+$0x50];
	_ =	sdelay $0x4  }
0x2b5: {  	v56 =	vand.u32 $0xFFFFC000, v3  }
0x2b6: {  	v3 =	vadd.s32 $0xFFFEC000, v3;
	vm5 =	veq.s32 v56, $0x14000  }
0x2b7: {  	v3 =	vsel vm5, v3, v0  }
0x2b8: {  	[tilespmem:$0x4450] =	vst v3  }
0x2b9: {  	v3 =	vld [tilespmem:s24+$0x60];
	_ =	sdelay $0x4  }
0x2ba: {  	v57 =	vand.u32 $0xFFFFC000, v3  }
0x2bb: {  	v3 =	vadd.s32 $0xFFFEC000, v3;
	vm6 =	veq.s32 v57, $0x14000  }
0x2bc: {  	v3 =	vsel vm6, v3, v0  }
0x2bd: {  	[tilespmem:$0x4460] =	vst v3  }
0x2be: {  	v3 =	vld [tilespmem:s24+$0x70]  }
0x2bf: {  	v5 =	vsel vm0, $0x1, v2;
	v58 =	vsel vm1, $0x1, v2  }
0x2c0: {  	v4 =	vadd.s32 v5, v58;
	v6 =	vsel vm2, $0x1, v2  }
0x2c1: {  	v4 =	vadd.s32 v6, v4;
	v59 =	vsel vm3, $0x1, v2  }
0x2c2: {  	v4 =	vadd.s32 v59, v4;
	v60 =	vsel vm4, $0x1, v2  }
0x2c3: {  	v4 =	vadd.s32 v60, v4;
	v61 =	vsel vm5, $0x1, v2;
	v62 =	vand.u32 $0xFFFFC000, v3  }
0x2c4: {  	v4 =	vadd.s32 v61, v4;
	v7 =	vsel vm6, $0x1, v2;
	vm15 =	veq.s32 v62, $0x14000  }
0x2c5: {  	v4 =	vadd.s32 v7, v4;
	v63 =	vsel vm15, $0x1, v2  }
0x2c6: {  	v4 =	vadd.s32 v63, v4  }
0x2c7: {  	(xrf0) =	vadd.scan.msk.s32 $0xffff, v4;
	_ =	sdelay $0x5  }
0x2c8: {  	v4, _, _ =	vpop (xrf0)  }
0x2c9: {  	(v2sf) =	vpush v4, $0xF;
	_ =	sdelay $0xe  }
0x2ca: {  	v3 =	vadd.s32 $0xFFFEC000, v3;
	s31 =	spop (v2sf)  }
0x2cb: {  	v3 =	vsel vm15, v3, v0;
	p1 =	slt.s32 s31, $0x1  }
0x2cc: {  	[tilespmem:$0x4470] =	vst v3;
	s24 =	sadd.s32 @!p1 $0x0, s18;
	s25 =	simm.s32 @!p1 $0x0;
	s26 =	simm.s32 @!p1 $0x4480  }
0x2cd: {  	[tilespmem:s26], [sflag:$0x2] =	stream.linear.gather @!p1 [hbm4b:s24+s25], $0x1000, $0x38;
	[tilespmem:$0x154C0] =	vst v63  }
0x2ce: {  	s24 =	simm.s32 @!p1 $0x2  }
0x2cf: {  	_ =	swait.ge @!p1 [sflag:s24], $0x1000  }
0x2d0: {  	[sflag:s24] =	ssyncset.done @!p1 $0x0  }
0x2d1: {  	s28 =	simm.s32 @!p1 $0x4400;
	s25 =	simm.s32 @!p1 $0x80;
	[sflag:s24] =	ssyncadd.s32 @!p1 $0xFFFFF000  }
0x2d2: {  	[spmem:s2] =	stream.indirect.scatter.add.f32 @!p1 [tilespmem:s26], [sflag:$0x1], $0x20, s28, s25, $0xb8;
	[tilespmem:$0x154C0] =	vst v63  }
0x2d3: {  	s28 =	simm.s32 @!p1 $0x1  }
0x2d4: {  	s24 =	simm.s32 $0x200;
	_ =	swait.ge @!p1 [sflag:s28], $0x1000  }
.LBB2_14:
0x2d5: {  	[sflag:s28] =	ssyncset.done @!p1 $0x0;
	s25 =	smov.u32 s24;
	s24 =	sadd.s32 $0x200, s24  }
0x2d6: {  	s26 =	sshra.s32 s25, $0x2;
	p0 =	sne.s32 s24, $0x11000;
	[sflag:s28] =	ssyncadd.s32 @!p1 $0xFFFFF000  }
0x2d7: {  	v3 =	vld [tilespmem:s26+$0x0];
	_ =	sdelay $0x4  }
0x2d8: {  	v4 =	vand.u32 $0xFFFFC000, v3  }
0x2d9: {  	v3 =	vadd.s32 $0xFFFEC000, v3;
	vm0 =	veq.s32 v4, $0x14000  }
0x2da: {  	v3 =	vsel vm0, v3, v0  }
0x2db: {  	[tilespmem:$0x4400] =	vst v3  }
0x2dc: {  	v3 =	vld [tilespmem:s26+$0x10];
	_ =	sdelay $0x4  }
0x2dd: {  	v4 =	vand.u32 $0xFFFFC000, v3  }
0x2de: {  	v3 =	vadd.s32 $0xFFFEC000, v3;
	vm1 =	veq.s32 v4, $0x14000  }
0x2df: {  	v3 =	vsel vm1, v3, v0;
	v4 =	vsel vm1, $0x1, v2  }
0x2e0: {  	[tilespmem:$0x4410] =	vst v3  }
0x2e1: {  	v3 =	vld [tilespmem:s26+$0x20];
	_ =	sdelay $0x4  }
0x2e2: {  	v5 =	vand.u32 $0xFFFFC000, v3  }
0x2e3: {  	v3 =	vadd.s32 $0xFFFEC000, v3;
	vm1 =	veq.s32 v5, $0x14000  }
0x2e4: {  	v3 =	vsel vm1, v3, v0;
	v5 =	vsel vm1, $0x1, v2  }
0x2e5: {  	[tilespmem:$0x4420] =	vst v3  }
0x2e6: {  	v3 =	vld [tilespmem:s26+$0x30];
	_ =	sdelay $0x4  }
0x2e7: {  	v6 =	vand.u32 $0xFFFFC000, v3  }
0x2e8: {  	v3 =	vadd.s32 $0xFFFEC000, v3;
	vm1 =	veq.s32 v6, $0x14000  }
0x2e9: {  	v3 =	vsel vm1, v3, v0;
	v6 =	vsel vm1, $0x1, v2  }
0x2ea: {  	[tilespmem:$0x4430] =	vst v3  }
0x2eb: {  	v3 =	vld [tilespmem:s26+$0x40];
	_ =	sdelay $0x4  }
0x2ec: {  	v7 =	vand.u32 $0xFFFFC000, v3  }
0x2ed: {  	v3 =	vadd.s32 $0xFFFEC000, v3;
	vm1 =	veq.s32 v7, $0x14000  }
0x2ee: {  	v3 =	vsel vm1, v3, v0;
	v7 =	vsel vm1, $0x1, v2  }
0x2ef: {  	[tilespmem:$0x4440] =	vst v3  }
0x2f0: {  	v3 =	vld [tilespmem:s26+$0x50];
	_ =	sdelay $0x4  }
0x2f1: {  	v8 =	vand.u32 $0xFFFFC000, v3  }
0x2f2: {  	v3 =	vadd.s32 $0xFFFEC000, v3;
	vm1 =	veq.s32 v8, $0x14000  }
0x2f3: {  	v3 =	vsel vm1, v3, v0;
	v8 =	vsel vm1, $0x1, v2  }
0x2f4: {  	[tilespmem:$0x4450] =	vst v3  }
0x2f5: {  	v3 =	vld [tilespmem:s26+$0x60];
	_ =	sdelay $0x4  }
0x2f6: {  	v9 =	vand.u32 $0xFFFFC000, v3  }
0x2f7: {  	v3 =	vadd.s32 $0xFFFEC000, v3;
	vm1 =	veq.s32 v9, $0x14000  }
0x2f8: {  	v3 =	vsel vm1, v3, v0;
	v9 =	vsel vm1, $0x1, v2  }
0x2f9: {  	[tilespmem:$0x4460] =	vst v3  }
0x2fa: {  	v3 =	vld [tilespmem:s26+$0x70]  }
0x2fb: {  	v10 =	vsel vm0, $0x1, v2  }
0x2fc: {  	v4 =	vadd.s32 v10, v4  }
0x2fd: {  	v4 =	vadd.s32 v5, v4  }
0x2fe: {  	v4 =	vadd.s32 v6, v4  }
0x2ff: {  	v4 =	vadd.s32 v7, v4;
	v5 =	vand.u32 $0xFFFFC000, v3  }
0x300: {  	v4 =	vadd.s32 v8, v4;
	v3 =	vadd.s32 $0xFFFEC000, v3;
	vm0 =	veq.s32 v5, $0x14000  }
0x301: {  	v4 =	vadd.s32 v9, v4;
	v3 =	vsel vm0, v3, v0;
	v5 =	vsel vm0, $0x1, v2  }
0x302: {  	[tilespmem:$0x4470] =	vst v3;
	v3 =	vadd.s32 v5, v4  }
0x303: {  	(xrf0) =	vadd.scan.msk.s32 $0xffff, v3;
	_ =	sdelay $0x5  }
0x304: {  	v3, _, _ =	vpop (xrf0)  }
0x305: {  	(v2sf) =	vpush v3, $0xF;
	_ =	sdelay $0xe  }
0x306: {  	s26 =	spop (v2sf)  }
0x307: {  	p1 =	slt.s32 s26, $0x1  }
0x308: {  	s25 =	sadd.s32 @!p1 s25, s18;
	s26 =	simm.s32 @!p1 $0x0;
	s29 =	simm.s32 @!p1 $0x4480  }
0x309: {  	[tilespmem:s29], [sflag:$0x2] =	stream.linear.gather @!p1 [hbm4b:s25+s26], $0x1000, $0x38;
	[tilespmem:$0x154C0] =	vst v63  }
0x30a: {  	s25 =	simm.s32 @!p1 $0x2  }
.Ltmp6:
0x30b: {  	_ =	swait.ge @!p1 [sflag:s25], $0x1000;
	(pc) =	sbr.rel @p0 .LBB2_14-.Ltmp6, $4  }
0x30c: {  	s30 =	simm.s32 @!p1 $0x4400;
	s26 =	simm.s32 @!p1 $0x80;
	[sflag:s25] =	ssyncset.done @!p1 $0x0  }
0x30d: {  	s28 =	simm.s32 @!p1 $0x1;
	[sflag:s25] =	ssyncadd.s32 @!p1 $0xFFFFF000  }
0x30e: {  	[spmem:s2] =	stream.indirect.scatter.add.f32 @!p1 [tilespmem:s29], [sflag:$0x1], $0x20, s30, s26, $0xb8;
	[tilespmem:$0x154C0] =	vst v63  }
0x30f: {  	_ =	swait.ge @!p1 [sflag:s28], $0x1000  }
0x310: {  	[sflag:s28] =	ssyncset.done @!p1 $0x0  }
0x311: {  	[sflag:s28] =	ssyncadd.s32 @!p1 $0xFFFFF000  }
0x312: {  	[bflag:$0x0] =	sbarrier.arrive $0xFFFF  }
0x313: {  	[hbm:s12], [sflag:s22] =	dma.local [spmem:s23], $0x1000  }
0x314: {  	_ =	swait.ge [sflag:s19], $0x1000  }
0x315: {  	[sflag:s19] =	ssyncset.done $0x0  }
0x316: {  	[sflag:s19] =	ssyncadd.s32 $0xFFFFF000  }
0x317: {  	[bflag:$0x0] =	sbarrier.arrive $0xFFFF  }
0x318: {  	[spmem:s7] =	stream.linear.scatter [tilespmem:s20], [sflag:$0x1], $0x8020, $0x38;
	[tilespmem:$0x154C0] =	vst v63  }
0x319: {  	_ =	swait.ge [sflag:s19], $0x8020  }
0x31a: {  	[sflag:s19] =	ssyncset.done $0x0  }
0x31b: {  	[sflag:s19] =	ssyncadd.s32 $0xFFFF7FE0  }
0x31c: {  	s24 =	simm.s32 $0x0;
	[bflag:$0x0] =	sbarrier.arrive $0xFFFF  }
0x31d: {  	v3 =	vld [tilespmem:s24+$0x0];
	_ =	sdelay $0x4  }
0x31e: {  	v4 =	vand.u32 $0xFFFFC000, v3  }
0x31f: {  	v3 =	vadd.s32 $0xFFFE8000, v3;
	vm0 =	veq.s32 v4, $0x18000  }
0x320: {  	v3 =	vsel vm0, v3, v0  }
0x321: {  	[tilespmem:$0x4400] =	vst v3  }
0x322: {  	v3 =	vld [tilespmem:s24+$0x10];
	_ =	sdelay $0x4  }
0x323: {  	v52 =	vand.u32 $0xFFFFC000, v3  }
0x324: {  	v3 =	vadd.s32 $0xFFFE8000, v3;
	vm1 =	veq.s32 v52, $0x18000  }
0x325: {  	v3 =	vsel vm1, v3, v0  }
0x326: {  	[tilespmem:$0x4410] =	vst v3  }
0x327: {  	v3 =	vld [tilespmem:s24+$0x20];
	_ =	sdelay $0x4  }
0x328: {  	v53 =	vand.u32 $0xFFFFC000, v3  }
0x329: {  	v3 =	vadd.s32 $0xFFFE8000, v3;
	vm2 =	veq.s32 v53, $0x18000  }
0x32a: {  	v3 =	vsel vm2, v3, v0  }
0x32b: {  	[tilespmem:$0x4420] =	vst v3  }
0x32c: {  	v3 =	vld [tilespmem:s24+$0x30];
	_ =	sdelay $0x4  }
0x32d: {  	v54 =	vand.u32 $0xFFFFC000, v3  }
0x32e: {  	v3 =	vadd.s32 $0xFFFE8000, v3;
	vm3 =	veq.s32 v54, $0x18000  }
0x32f: {  	v3 =	vsel vm3, v3, v0  }
0x330: {  	[tilespmem:$0x4430] =	vst v3  }
0x331: {  	v3 =	vld [tilespmem:s24+$0x40];
	_ =	sdelay $0x4  }
0x332: {  	v55 =	vand.u32 $0xFFFFC000, v3  }
0x333: {  	v3 =	vadd.s32 $0xFFFE8000, v3;
	vm4 =	veq.s32 v55, $0x18000  }
0x334: {  	v3 =	vsel vm4, v3, v0  }
0x335: {  	[tilespmem:$0x4440] =	vst v3  }
0x336: {  	v3 =	vld [tilespmem:s24+$0x50];
	_ =	sdelay $0x4  }
0x337: {  	v56 =	vand.u32 $0xFFFFC000, v3  }
0x338: {  	v3 =	vadd.s32 $0xFFFE8000, v3;
	vm5 =	veq.s32 v56, $0x18000  }
0x339: {  	v3 =	vsel vm5, v3, v0  }
0x33a: {  	[tilespmem:$0x4450] =	vst v3  }
0x33b: {  	v3 =	vld [tilespmem:s24+$0x60];
	_ =	sdelay $0x4  }
0x33c: {  	v57 =	vand.u32 $0xFFFFC000, v3  }
0x33d: {  	v3 =	vadd.s32 $0xFFFE8000, v3;
	vm6 =	veq.s32 v57, $0x18000  }
0x33e: {  	v3 =	vsel vm6, v3, v0  }
0x33f: {  	[tilespmem:$0x4460] =	vst v3  }
0x340: {  	v3 =	vld [tilespmem:s24+$0x70]  }
0x341: {  	v5 =	vsel vm0, $0x1, v2;
	v58 =	vsel vm1, $0x1, v2  }
0x342: {  	v4 =	vadd.s32 v5, v58;
	v6 =	vsel vm2, $0x1, v2  }
0x343: {  	v4 =	vadd.s32 v6, v4;
	v59 =	vsel vm3, $0x1, v2  }
0x344: {  	v4 =	vadd.s32 v59, v4;
	v60 =	vsel vm4, $0x1, v2  }
0x345: {  	v4 =	vadd.s32 v60, v4;
	v61 =	vsel vm5, $0x1, v2;
	v62 =	vand.u32 $0xFFFFC000, v3  }
0x346: {  	v4 =	vadd.s32 v61, v4;
	v7 =	vsel vm6, $0x1, v2;
	vm15 =	veq.s32 v62, $0x18000  }
0x347: {  	v4 =	vadd.s32 v7, v4;
	v63 =	vsel vm15, $0x1, v2  }
0x348: {  	v4 =	vadd.s32 v63, v4  }
0x349: {  	(xrf0) =	vadd.scan.msk.s32 $0xffff, v4;
	_ =	sdelay $0x5  }
0x34a: {  	v4, _, _ =	vpop (xrf0)  }
0x34b: {  	(v2sf) =	vpush v4, $0xF;
	_ =	sdelay $0xe  }
0x34c: {  	v3 =	vadd.s32 $0xFFFE8000, v3;
	s31 =	spop (v2sf)  }
0x34d: {  	v3 =	vsel vm15, v3, v0;
	p1 =	slt.s32 s31, $0x1  }
0x34e: {  	[tilespmem:$0x4470] =	vst v3;
	s24 =	sadd.s32 @!p1 $0x0, s18;
	s25 =	simm.s32 @!p1 $0x0;
	s26 =	simm.s32 @!p1 $0x4480  }
0x34f: {  	[tilespmem:s26], [sflag:$0x2] =	stream.linear.gather @!p1 [hbm4b:s24+s25], $0x1000, $0x38;
	[tilespmem:$0x154C0] =	vst v63  }
0x350: {  	s24 =	simm.s32 @!p1 $0x2  }
0x351: {  	_ =	swait.ge @!p1 [sflag:s24], $0x1000  }
0x352: {  	[sflag:s24] =	ssyncset.done @!p1 $0x0  }
0x353: {  	s28 =	simm.s32 @!p1 $0x4400;
	s25 =	simm.s32 @!p1 $0x80;
	[sflag:s24] =	ssyncadd.s32 @!p1 $0xFFFFF000  }
0x354: {  	[spmem:s2] =	stream.indirect.scatter.add.f32 @!p1 [tilespmem:s26], [sflag:$0x1], $0x20, s28, s25, $0xb8;
	[tilespmem:$0x154C0] =	vst v63  }
0x355: {  	s28 =	simm.s32 @!p1 $0x1  }
0x356: {  	s24 =	simm.s32 $0x200;
	_ =	swait.ge @!p1 [sflag:s28], $0x1000  }
.LBB2_16:
0x357: {  	[sflag:s28] =	ssyncset.done @!p1 $0x0;
	s25 =	smov.u32 s24;
	s24 =	sadd.s32 $0x200, s24  }
0x358: {  	s26 =	sshra.s32 s25, $0x2;
	p0 =	sne.s32 s24, $0x11000;
	[sflag:s28] =	ssyncadd.s32 @!p1 $0xFFFFF000  }
0x359: {  	v3 =	vld [tilespmem:s26+$0x0];
	_ =	sdelay $0x4  }
0x35a: {  	v4 =	vand.u32 $0xFFFFC000, v3  }
0x35b: {  	v3 =	vadd.s32 $0xFFFE8000, v3;
	vm0 =	veq.s32 v4, $0x18000  }
0x35c: {  	v3 =	vsel vm0, v3, v0  }
0x35d: {  	[tilespmem:$0x4400] =	vst v3  }
0x35e: {  	v3 =	vld [tilespmem:s26+$0x10];
	_ =	sdelay $0x4  }
0x35f: {  	v4 =	vand.u32 $0xFFFFC000, v3  }
0x360: {  	v3 =	vadd.s32 $0xFFFE8000, v3;
	vm1 =	veq.s32 v4, $0x18000  }
0x361: {  	v3 =	vsel vm1, v3, v0;
	v4 =	vsel vm1, $0x1, v2  }
0x362: {  	[tilespmem:$0x4410] =	vst v3  }
0x363: {  	v3 =	vld [tilespmem:s26+$0x20];
	_ =	sdelay $0x4  }
0x364: {  	v5 =	vand.u32 $0xFFFFC000, v3  }
0x365: {  	v3 =	vadd.s32 $0xFFFE8000, v3;
	vm1 =	veq.s32 v5, $0x18000  }
0x366: {  	v3 =	vsel vm1, v3, v0;
	v5 =	vsel vm1, $0x1, v2  }
0x367: {  	[tilespmem:$0x4420] =	vst v3  }
0x368: {  	v3 =	vld [tilespmem:s26+$0x30];
	_ =	sdelay $0x4  }
0x369: {  	v6 =	vand.u32 $0xFFFFC000, v3  }
0x36a: {  	v3 =	vadd.s32 $0xFFFE8000, v3;
	vm1 =	veq.s32 v6, $0x18000  }
0x36b: {  	v3 =	vsel vm1, v3, v0;
	v6 =	vsel vm1, $0x1, v2  }
0x36c: {  	[tilespmem:$0x4430] =	vst v3  }
0x36d: {  	v3 =	vld [tilespmem:s26+$0x40];
	_ =	sdelay $0x4  }
0x36e: {  	v7 =	vand.u32 $0xFFFFC000, v3  }
0x36f: {  	v3 =	vadd.s32 $0xFFFE8000, v3;
	vm1 =	veq.s32 v7, $0x18000  }
0x370: {  	v3 =	vsel vm1, v3, v0;
	v7 =	vsel vm1, $0x1, v2  }
0x371: {  	[tilespmem:$0x4440] =	vst v3  }
0x372: {  	v3 =	vld [tilespmem:s26+$0x50];
	_ =	sdelay $0x4  }
0x373: {  	v8 =	vand.u32 $0xFFFFC000, v3  }
0x374: {  	v3 =	vadd.s32 $0xFFFE8000, v3;
	vm1 =	veq.s32 v8, $0x18000  }
0x375: {  	v3 =	vsel vm1, v3, v0;
	v8 =	vsel vm1, $0x1, v2  }
0x376: {  	[tilespmem:$0x4450] =	vst v3  }
0x377: {  	v3 =	vld [tilespmem:s26+$0x60];
	_ =	sdelay $0x4  }
0x378: {  	v9 =	vand.u32 $0xFFFFC000, v3  }
0x379: {  	v3 =	vadd.s32 $0xFFFE8000, v3;
	vm1 =	veq.s32 v9, $0x18000  }
0x37a: {  	v3 =	vsel vm1, v3, v0;
	v9 =	vsel vm1, $0x1, v2  }
0x37b: {  	[tilespmem:$0x4460] =	vst v3  }
0x37c: {  	v3 =	vld [tilespmem:s26+$0x70]  }
0x37d: {  	v10 =	vsel vm0, $0x1, v2  }
0x37e: {  	v4 =	vadd.s32 v10, v4  }
0x37f: {  	v4 =	vadd.s32 v5, v4  }
0x380: {  	v4 =	vadd.s32 v6, v4  }
0x381: {  	v4 =	vadd.s32 v7, v4;
	v5 =	vand.u32 $0xFFFFC000, v3  }
0x382: {  	v4 =	vadd.s32 v8, v4;
	v3 =	vadd.s32 $0xFFFE8000, v3;
	vm0 =	veq.s32 v5, $0x18000  }
0x383: {  	v4 =	vadd.s32 v9, v4;
	v3 =	vsel vm0, v3, v0;
	v5 =	vsel vm0, $0x1, v2  }
0x384: {  	[tilespmem:$0x4470] =	vst v3;
	v3 =	vadd.s32 v5, v4  }
0x385: {  	(xrf0) =	vadd.scan.msk.s32 $0xffff, v3;
	_ =	sdelay $0x5  }
0x386: {  	v3, _, _ =	vpop (xrf0)  }
0x387: {  	(v2sf) =	vpush v3, $0xF;
	_ =	sdelay $0xe  }
0x388: {  	s26 =	spop (v2sf)  }
0x389: {  	p1 =	slt.s32 s26, $0x1  }
0x38a: {  	s25 =	sadd.s32 @!p1 s25, s18;
	s26 =	simm.s32 @!p1 $0x0;
	s29 =	simm.s32 @!p1 $0x4480  }
0x38b: {  	[tilespmem:s29], [sflag:$0x2] =	stream.linear.gather @!p1 [hbm4b:s25+s26], $0x1000, $0x38;
	[tilespmem:$0x154C0] =	vst v63  }
0x38c: {  	s25 =	simm.s32 @!p1 $0x2  }
.Ltmp7:
0x38d: {  	_ =	swait.ge @!p1 [sflag:s25], $0x1000;
	(pc) =	sbr.rel @p0 .LBB2_16-.Ltmp7, $4  }
0x38e: {  	s30 =	simm.s32 @!p1 $0x4400;
	s26 =	simm.s32 @!p1 $0x80;
	[sflag:s25] =	ssyncset.done @!p1 $0x0  }
0x38f: {  	s28 =	simm.s32 @!p1 $0x1;
	[sflag:s25] =	ssyncadd.s32 @!p1 $0xFFFFF000  }
0x390: {  	[spmem:s2] =	stream.indirect.scatter.add.f32 @!p1 [tilespmem:s29], [sflag:$0x1], $0x20, s30, s26, $0xb8;
	[tilespmem:$0x154C0] =	vst v63  }
0x391: {  	_ =	swait.ge @!p1 [sflag:s28], $0x1000  }
0x392: {  	[sflag:s28] =	ssyncset.done @!p1 $0x0  }
0x393: {  	[sflag:s28] =	ssyncadd.s32 @!p1 $0xFFFFF000  }
0x394: {  	[bflag:$0x0] =	sbarrier.arrive $0xFFFF  }
0x395: {  	[hbm:s13], [sflag:s22] =	dma.local [spmem:s23], $0x1000  }
0x396: {  	_ =	swait.ge [sflag:s19], $0x1000  }
0x397: {  	[sflag:s19] =	ssyncset.done $0x0  }
0x398: {  	[sflag:s19] =	ssyncadd.s32 $0xFFFFF000  }
0x399: {  	[bflag:$0x0] =	sbarrier.arrive $0xFFFF  }
0x39a: {  	[spmem:s7] =	stream.linear.scatter [tilespmem:s20], [sflag:$0x1], $0x8020, $0x38;
	[tilespmem:$0x154C0] =	vst v63  }
0x39b: {  	_ =	swait.ge [sflag:s19], $0x8020  }
0x39c: {  	[sflag:s19] =	ssyncset.done $0x0  }
0x39d: {  	[sflag:s19] =	ssyncadd.s32 $0xFFFF7FE0  }
0x39e: {  	s24 =	simm.s32 $0x0;
	[bflag:$0x0] =	sbarrier.arrive $0xFFFF  }
0x39f: {  	v3 =	vld [tilespmem:s24+$0x0];
	_ =	sdelay $0x4  }
0x3a0: {  	v4 =	vand.u32 $0xFFFFC000, v3  }
0x3a1: {  	v3 =	vadd.s32 $0xFFFE4000, v3;
	vm0 =	veq.s32 v4, $0x1C000  }
0x3a2: {  	v3 =	vsel vm0, v3, v0  }
0x3a3: {  	[tilespmem:$0x4400] =	vst v3  }
0x3a4: {  	v3 =	vld [tilespmem:s24+$0x10];
	_ =	sdelay $0x4  }
0x3a5: {  	v52 =	vand.u32 $0xFFFFC000, v3  }
0x3a6: {  	v3 =	vadd.s32 $0xFFFE4000, v3;
	vm1 =	veq.s32 v52, $0x1C000  }
0x3a7: {  	v3 =	vsel vm1, v3, v0  }
0x3a8: {  	[tilespmem:$0x4410] =	vst v3  }
0x3a9: {  	v3 =	vld [tilespmem:s24+$0x20];
	_ =	sdelay $0x4  }
0x3aa: {  	v53 =	vand.u32 $0xFFFFC000, v3  }
0x3ab: {  	v3 =	vadd.s32 $0xFFFE4000, v3;
	vm2 =	veq.s32 v53, $0x1C000  }
0x3ac: {  	v3 =	vsel vm2, v3, v0  }
0x3ad: {  	[tilespmem:$0x4420] =	vst v3  }
0x3ae: {  	v3 =	vld [tilespmem:s24+$0x30];
	_ =	sdelay $0x4  }
0x3af: {  	v54 =	vand.u32 $0xFFFFC000, v3  }
0x3b0: {  	v3 =	vadd.s32 $0xFFFE4000, v3;
	vm3 =	veq.s32 v54, $0x1C000  }
0x3b1: {  	v3 =	vsel vm3, v3, v0  }
0x3b2: {  	[tilespmem:$0x4430] =	vst v3  }
0x3b3: {  	v3 =	vld [tilespmem:s24+$0x40];
	_ =	sdelay $0x4  }
0x3b4: {  	v55 =	vand.u32 $0xFFFFC000, v3  }
0x3b5: {  	v3 =	vadd.s32 $0xFFFE4000, v3;
	vm4 =	veq.s32 v55, $0x1C000  }
0x3b6: {  	v3 =	vsel vm4, v3, v0  }
0x3b7: {  	[tilespmem:$0x4440] =	vst v3  }
0x3b8: {  	v3 =	vld [tilespmem:s24+$0x50];
	_ =	sdelay $0x4  }
0x3b9: {  	v56 =	vand.u32 $0xFFFFC000, v3  }
0x3ba: {  	v3 =	vadd.s32 $0xFFFE4000, v3;
	vm5 =	veq.s32 v56, $0x1C000  }
0x3bb: {  	v3 =	vsel vm5, v3, v0  }
0x3bc: {  	[tilespmem:$0x4450] =	vst v3  }
0x3bd: {  	v3 =	vld [tilespmem:s24+$0x60];
	_ =	sdelay $0x4  }
0x3be: {  	v57 =	vand.u32 $0xFFFFC000, v3  }
0x3bf: {  	v3 =	vadd.s32 $0xFFFE4000, v3;
	vm6 =	veq.s32 v57, $0x1C000  }
0x3c0: {  	v3 =	vsel vm6, v3, v0  }
0x3c1: {  	[tilespmem:$0x4460] =	vst v3  }
0x3c2: {  	v3 =	vld [tilespmem:s24+$0x70]  }
0x3c3: {  	v5 =	vsel vm0, $0x1, v2;
	v58 =	vsel vm1, $0x1, v2  }
0x3c4: {  	v4 =	vadd.s32 v5, v58;
	v6 =	vsel vm2, $0x1, v2  }
0x3c5: {  	v4 =	vadd.s32 v6, v4;
	v59 =	vsel vm3, $0x1, v2  }
0x3c6: {  	v4 =	vadd.s32 v59, v4;
	v60 =	vsel vm4, $0x1, v2  }
0x3c7: {  	v4 =	vadd.s32 v60, v4;
	v61 =	vsel vm5, $0x1, v2;
	v62 =	vand.u32 $0xFFFFC000, v3  }
0x3c8: {  	v4 =	vadd.s32 v61, v4;
	v7 =	vsel vm6, $0x1, v2;
	vm15 =	veq.s32 v62, $0x1C000  }
0x3c9: {  	v4 =	vadd.s32 v7, v4;
	v63 =	vsel vm15, $0x1, v2  }
0x3ca: {  	v4 =	vadd.s32 v63, v4  }
0x3cb: {  	(xrf0) =	vadd.scan.msk.s32 $0xffff, v4;
	_ =	sdelay $0x5  }
0x3cc: {  	v4, _, _ =	vpop (xrf0)  }
0x3cd: {  	(v2sf) =	vpush v4, $0xF;
	_ =	sdelay $0xe  }
0x3ce: {  	v3 =	vadd.s32 $0xFFFE4000, v3;
	s31 =	spop (v2sf)  }
0x3cf: {  	v3 =	vsel vm15, v3, v0;
	p1 =	slt.s32 s31, $0x1  }
0x3d0: {  	[tilespmem:$0x4470] =	vst v3;
	s24 =	sadd.s32 @!p1 $0x0, s18;
	s25 =	simm.s32 @!p1 $0x0;
	s26 =	simm.s32 @!p1 $0x4480  }
0x3d1: {  	[tilespmem:s26], [sflag:$0x2] =	stream.linear.gather @!p1 [hbm4b:s24+s25], $0x1000, $0x38;
	[tilespmem:$0x154C0] =	vst v63  }
0x3d2: {  	s24 =	simm.s32 @!p1 $0x2  }
0x3d3: {  	_ =	swait.ge @!p1 [sflag:s24], $0x1000  }
0x3d4: {  	[sflag:s24] =	ssyncset.done @!p1 $0x0  }
0x3d5: {  	s28 =	simm.s32 @!p1 $0x4400;
	s25 =	simm.s32 @!p1 $0x80;
	[sflag:s24] =	ssyncadd.s32 @!p1 $0xFFFFF000  }
0x3d6: {  	[spmem:s2] =	stream.indirect.scatter.add.f32 @!p1 [tilespmem:s26], [sflag:$0x1], $0x20, s28, s25, $0xb8;
	[tilespmem:$0x154C0] =	vst v63  }
0x3d7: {  	s28 =	simm.s32 @!p1 $0x1  }
0x3d8: {  	s24 =	simm.s32 $0x200;
	_ =	swait.ge @!p1 [sflag:s28], $0x1000  }
.LBB2_18:
0x3d9: {  	[sflag:s28] =	ssyncset.done @!p1 $0x0;
	s25 =	smov.u32 s24;
	s24 =	sadd.s32 $0x200, s24  }
0x3da: {  	s26 =	sshra.s32 s25, $0x2;
	p0 =	sne.s32 s24, $0x11000;
	[sflag:s28] =	ssyncadd.s32 @!p1 $0xFFFFF000  }
0x3db: {  	v3 =	vld [tilespmem:s26+$0x0];
	_ =	sdelay $0x4  }
0x3dc: {  	v4 =	vand.u32 $0xFFFFC000, v3  }
0x3dd: {  	v3 =	vadd.s32 $0xFFFE4000, v3;
	vm0 =	veq.s32 v4, $0x1C000  }
0x3de: {  	v3 =	vsel vm0, v3, v0  }
0x3df: {  	[tilespmem:$0x4400] =	vst v3  }
0x3e0: {  	v3 =	vld [tilespmem:s26+$0x10];
	_ =	sdelay $0x4  }
0x3e1: {  	v4 =	vand.u32 $0xFFFFC000, v3  }
0x3e2: {  	v3 =	vadd.s32 $0xFFFE4000, v3;
	vm1 =	veq.s32 v4, $0x1C000  }
0x3e3: {  	v3 =	vsel vm1, v3, v0;
	v4 =	vsel vm1, $0x1, v2  }
0x3e4: {  	[tilespmem:$0x4410] =	vst v3  }
0x3e5: {  	v3 =	vld [tilespmem:s26+$0x20];
	_ =	sdelay $0x4  }
0x3e6: {  	v5 =	vand.u32 $0xFFFFC000, v3  }
0x3e7: {  	v3 =	vadd.s32 $0xFFFE4000, v3;
	vm1 =	veq.s32 v5, $0x1C000  }
0x3e8: {  	v3 =	vsel vm1, v3, v0;
	v5 =	vsel vm1, $0x1, v2  }
0x3e9: {  	[tilespmem:$0x4420] =	vst v3  }
0x3ea: {  	v3 =	vld [tilespmem:s26+$0x30];
	_ =	sdelay $0x4  }
0x3eb: {  	v6 =	vand.u32 $0xFFFFC000, v3  }
0x3ec: {  	v3 =	vadd.s32 $0xFFFE4000, v3;
	vm1 =	veq.s32 v6, $0x1C000  }
0x3ed: {  	v3 =	vsel vm1, v3, v0;
	v6 =	vsel vm1, $0x1, v2  }
0x3ee: {  	[tilespmem:$0x4430] =	vst v3  }
0x3ef: {  	v3 =	vld [tilespmem:s26+$0x40];
	_ =	sdelay $0x4  }
0x3f0: {  	v7 =	vand.u32 $0xFFFFC000, v3  }
0x3f1: {  	v3 =	vadd.s32 $0xFFFE4000, v3;
	vm1 =	veq.s32 v7, $0x1C000  }
0x3f2: {  	v3 =	vsel vm1, v3, v0;
	v7 =	vsel vm1, $0x1, v2  }
0x3f3: {  	[tilespmem:$0x4440] =	vst v3  }
0x3f4: {  	v3 =	vld [tilespmem:s26+$0x50];
	_ =	sdelay $0x4  }
0x3f5: {  	v8 =	vand.u32 $0xFFFFC000, v3  }
0x3f6: {  	v3 =	vadd.s32 $0xFFFE4000, v3;
	vm1 =	veq.s32 v8, $0x1C000  }
0x3f7: {  	v3 =	vsel vm1, v3, v0;
	v8 =	vsel vm1, $0x1, v2  }
0x3f8: {  	[tilespmem:$0x4450] =	vst v3  }
0x3f9: {  	v3 =	vld [tilespmem:s26+$0x60];
	_ =	sdelay $0x4  }
0x3fa: {  	v9 =	vand.u32 $0xFFFFC000, v3  }
0x3fb: {  	v3 =	vadd.s32 $0xFFFE4000, v3;
	vm1 =	veq.s32 v9, $0x1C000  }
0x3fc: {  	v3 =	vsel vm1, v3, v0;
	v9 =	vsel vm1, $0x1, v2  }
0x3fd: {  	[tilespmem:$0x4460] =	vst v3  }
0x3fe: {  	v3 =	vld [tilespmem:s26+$0x70]  }
0x3ff: {  	v10 =	vsel vm0, $0x1, v2  }
0x400: {  	v4 =	vadd.s32 v10, v4  }
0x401: {  	v4 =	vadd.s32 v5, v4  }
0x402: {  	v4 =	vadd.s32 v6, v4  }
0x403: {  	v4 =	vadd.s32 v7, v4;
	v5 =	vand.u32 $0xFFFFC000, v3  }
0x404: {  	v4 =	vadd.s32 v8, v4;
	v3 =	vadd.s32 $0xFFFE4000, v3;
	vm0 =	veq.s32 v5, $0x1C000  }
0x405: {  	v4 =	vadd.s32 v9, v4;
	v3 =	vsel vm0, v3, v0;
	v5 =	vsel vm0, $0x1, v2  }
0x406: {  	[tilespmem:$0x4470] =	vst v3;
	v3 =	vadd.s32 v5, v4  }
0x407: {  	(xrf0) =	vadd.scan.msk.s32 $0xffff, v3;
	_ =	sdelay $0x5  }
0x408: {  	v3, _, _ =	vpop (xrf0)  }
0x409: {  	(v2sf) =	vpush v3, $0xF;
	_ =	sdelay $0xe  }
0x40a: {  	s26 =	spop (v2sf)  }
0x40b: {  	p1 =	slt.s32 s26, $0x1  }
0x40c: {  	s25 =	sadd.s32 @!p1 s25, s18;
	s26 =	simm.s32 @!p1 $0x0;
	s29 =	simm.s32 @!p1 $0x4480  }
0x40d: {  	[tilespmem:s29], [sflag:$0x2] =	stream.linear.gather @!p1 [hbm4b:s25+s26], $0x1000, $0x38;
	[tilespmem:$0x154C0] =	vst v63  }
0x40e: {  	s25 =	simm.s32 @!p1 $0x2  }
.Ltmp8:
0x40f: {  	_ =	swait.ge @!p1 [sflag:s25], $0x1000;
	(pc) =	sbr.rel @p0 .LBB2_18-.Ltmp8, $4  }
0x410: {  	s30 =	simm.s32 @!p1 $0x4400;
	s26 =	simm.s32 @!p1 $0x80;
	[sflag:s25] =	ssyncset.done @!p1 $0x0  }
0x411: {  	s28 =	simm.s32 @!p1 $0x1;
	[sflag:s25] =	ssyncadd.s32 @!p1 $0xFFFFF000  }
0x412: {  	[spmem:s2] =	stream.indirect.scatter.add.f32 @!p1 [tilespmem:s29], [sflag:$0x1], $0x20, s30, s26, $0xb8;
	[tilespmem:$0x154C0] =	vst v63  }
0x413: {  	_ =	swait.ge @!p1 [sflag:s28], $0x1000  }
0x414: {  	[sflag:s28] =	ssyncset.done @!p1 $0x0  }
0x415: {  	[sflag:s28] =	ssyncadd.s32 @!p1 $0xFFFFF000  }
0x416: {  	[bflag:$0x0] =	sbarrier.arrive $0xFFFF  }
0x417: {  	[hbm:s14], [sflag:s22] =	dma.local [spmem:s23], $0x1000  }
0x418: {  	_ =	swait.ge [sflag:s19], $0x1000  }
0x419: {  	[sflag:s19] =	ssyncset.done $0x0  }
0x41a: {  	[sflag:s19] =	ssyncadd.s32 $0xFFFFF000  }
0x41b: {  	[bflag:$0x0] =	sbarrier.arrive $0xFFFF  }
0x41c: {  	[spmem:s7] =	stream.linear.scatter [tilespmem:s20], [sflag:$0x1], $0x8020, $0x38;
	[tilespmem:$0x154C0] =	vst v63  }
0x41d: {  	_ =	swait.ge [sflag:s19], $0x8020  }
0x41e: {  	[sflag:s19] =	ssyncset.done $0x0  }
0x41f: {  	[sflag:s19] =	ssyncadd.s32 $0xFFFF7FE0  }
0x420: {  	s24 =	simm.s32 $0x0;
	[bflag:$0x0] =	sbarrier.arrive $0xFFFF  }
0x421: {  	v3 =	vld [tilespmem:s24+$0x0];
	_ =	sdelay $0x4  }
0x422: {  	v4 =	vand.u32 $0xFFFFC000, v3  }
0x423: {  	v3 =	vadd.s32 $0xFFFE0000, v3;
	vm0 =	veq.s32 v4, $0x20000  }
0x424: {  	v3 =	vsel vm0, v3, v0  }
0x425: {  	[tilespmem:$0x4400] =	vst v3  }
0x426: {  	v3 =	vld [tilespmem:s24+$0x10];
	_ =	sdelay $0x4  }
0x427: {  	v52 =	vand.u32 $0xFFFFC000, v3  }
0x428: {  	v3 =	vadd.s32 $0xFFFE0000, v3;
	vm1 =	veq.s32 v52, $0x20000  }
0x429: {  	v3 =	vsel vm1, v3, v0  }
0x42a: {  	[tilespmem:$0x4410] =	vst v3  }
0x42b: {  	v3 =	vld [tilespmem:s24+$0x20];
	_ =	sdelay $0x4  }
0x42c: {  	v53 =	vand.u32 $0xFFFFC000, v3  }
0x42d: {  	v3 =	vadd.s32 $0xFFFE0000, v3;
	vm2 =	veq.s32 v53, $0x20000  }
0x42e: {  	v3 =	vsel vm2, v3, v0  }
0x42f: {  	[tilespmem:$0x4420] =	vst v3  }
0x430: {  	v3 =	vld [tilespmem:s24+$0x30];
	_ =	sdelay $0x4  }
0x431: {  	v54 =	vand.u32 $0xFFFFC000, v3  }
0x432: {  	v3 =	vadd.s32 $0xFFFE0000, v3;
	vm3 =	veq.s32 v54, $0x20000  }
0x433: {  	v3 =	vsel vm3, v3, v0  }
0x434: {  	[tilespmem:$0x4430] =	vst v3  }
0x435: {  	v3 =	vld [tilespmem:s24+$0x40];
	_ =	sdelay $0x4  }
0x436: {  	v55 =	vand.u32 $0xFFFFC000, v3  }
0x437: {  	v3 =	vadd.s32 $0xFFFE0000, v3;
	vm4 =	veq.s32 v55, $0x20000  }
0x438: {  	v3 =	vsel vm4, v3, v0  }
0x439: {  	[tilespmem:$0x4440] =	vst v3  }
0x43a: {  	v3 =	vld [tilespmem:s24+$0x50];
	_ =	sdelay $0x4  }
0x43b: {  	v56 =	vand.u32 $0xFFFFC000, v3  }
0x43c: {  	v3 =	vadd.s32 $0xFFFE0000, v3;
	vm5 =	veq.s32 v56, $0x20000  }
0x43d: {  	v3 =	vsel vm5, v3, v0  }
0x43e: {  	[tilespmem:$0x4450] =	vst v3  }
0x43f: {  	v3 =	vld [tilespmem:s24+$0x60];
	_ =	sdelay $0x4  }
0x440: {  	v57 =	vand.u32 $0xFFFFC000, v3  }
0x441: {  	v3 =	vadd.s32 $0xFFFE0000, v3;
	vm6 =	veq.s32 v57, $0x20000  }
0x442: {  	v3 =	vsel vm6, v3, v0  }
0x443: {  	[tilespmem:$0x4460] =	vst v3  }
0x444: {  	v3 =	vld [tilespmem:s24+$0x70]  }
0x445: {  	v5 =	vsel vm0, $0x1, v2;
	v58 =	vsel vm1, $0x1, v2  }
0x446: {  	v4 =	vadd.s32 v5, v58;
	v6 =	vsel vm2, $0x1, v2  }
0x447: {  	v4 =	vadd.s32 v6, v4;
	v59 =	vsel vm3, $0x1, v2  }
0x448: {  	v4 =	vadd.s32 v59, v4;
	v60 =	vsel vm4, $0x1, v2  }
0x449: {  	v4 =	vadd.s32 v60, v4;
	v61 =	vsel vm5, $0x1, v2;
	v62 =	vand.u32 $0xFFFFC000, v3  }
0x44a: {  	v4 =	vadd.s32 v61, v4;
	v7 =	vsel vm6, $0x1, v2;
	vm15 =	veq.s32 v62, $0x20000  }
0x44b: {  	v4 =	vadd.s32 v7, v4;
	v63 =	vsel vm15, $0x1, v2  }
0x44c: {  	v4 =	vadd.s32 v63, v4  }
0x44d: {  	(xrf0) =	vadd.scan.msk.s32 $0xffff, v4;
	_ =	sdelay $0x5  }
0x44e: {  	v4, _, _ =	vpop (xrf0)  }
0x44f: {  	(v2sf) =	vpush v4, $0xF;
	_ =	sdelay $0xe  }
0x450: {  	v3 =	vadd.s32 $0xFFFE0000, v3;
	s31 =	spop (v2sf)  }
0x451: {  	v3 =	vsel vm15, v3, v0;
	p1 =	slt.s32 s31, $0x1  }
0x452: {  	[tilespmem:$0x4470] =	vst v3;
	s24 =	sadd.s32 @!p1 $0x0, s18;
	s25 =	simm.s32 @!p1 $0x0;
	s26 =	simm.s32 @!p1 $0x4480  }
0x453: {  	[tilespmem:s26], [sflag:$0x2] =	stream.linear.gather @!p1 [hbm4b:s24+s25], $0x1000, $0x38;
	[tilespmem:$0x154C0] =	vst v63  }
0x454: {  	s24 =	simm.s32 @!p1 $0x2  }
0x455: {  	_ =	swait.ge @!p1 [sflag:s24], $0x1000  }
0x456: {  	[sflag:s24] =	ssyncset.done @!p1 $0x0  }
0x457: {  	s28 =	simm.s32 @!p1 $0x4400;
	s25 =	simm.s32 @!p1 $0x80;
	[sflag:s24] =	ssyncadd.s32 @!p1 $0xFFFFF000  }
0x458: {  	[spmem:s2] =	stream.indirect.scatter.add.f32 @!p1 [tilespmem:s26], [sflag:$0x1], $0x20, s28, s25, $0xb8;
	[tilespmem:$0x154C0] =	vst v63  }
0x459: {  	s28 =	simm.s32 @!p1 $0x1  }
0x45a: {  	s24 =	simm.s32 $0x200;
	_ =	swait.ge @!p1 [sflag:s28], $0x1000  }
.LBB2_20:
0x45b: {  	[sflag:s28] =	ssyncset.done @!p1 $0x0;
	s25 =	smov.u32 s24;
	s24 =	sadd.s32 $0x200, s24  }
0x45c: {  	s26 =	sshra.s32 s25, $0x2;
	p0 =	sne.s32 s24, $0x11000;
	[sflag:s28] =	ssyncadd.s32 @!p1 $0xFFFFF000  }
0x45d: {  	v3 =	vld [tilespmem:s26+$0x0];
	_ =	sdelay $0x4  }
0x45e: {  	v4 =	vand.u32 $0xFFFFC000, v3  }
0x45f: {  	v3 =	vadd.s32 $0xFFFE0000, v3;
	vm0 =	veq.s32 v4, $0x20000  }
0x460: {  	v3 =	vsel vm0, v3, v0  }
0x461: {  	[tilespmem:$0x4400] =	vst v3  }
0x462: {  	v3 =	vld [tilespmem:s26+$0x10];
	_ =	sdelay $0x4  }
0x463: {  	v4 =	vand.u32 $0xFFFFC000, v3  }
0x464: {  	v3 =	vadd.s32 $0xFFFE0000, v3;
	vm1 =	veq.s32 v4, $0x20000  }
0x465: {  	v3 =	vsel vm1, v3, v0;
	v4 =	vsel vm1, $0x1, v2  }
0x466: {  	[tilespmem:$0x4410] =	vst v3  }
0x467: {  	v3 =	vld [tilespmem:s26+$0x20];
	_ =	sdelay $0x4  }
0x468: {  	v5 =	vand.u32 $0xFFFFC000, v3  }
0x469: {  	v3 =	vadd.s32 $0xFFFE0000, v3;
	vm1 =	veq.s32 v5, $0x20000  }
0x46a: {  	v3 =	vsel vm1, v3, v0;
	v5 =	vsel vm1, $0x1, v2  }
0x46b: {  	[tilespmem:$0x4420] =	vst v3  }
0x46c: {  	v3 =	vld [tilespmem:s26+$0x30];
	_ =	sdelay $0x4  }
0x46d: {  	v6 =	vand.u32 $0xFFFFC000, v3  }
0x46e: {  	v3 =	vadd.s32 $0xFFFE0000, v3;
	vm1 =	veq.s32 v6, $0x20000  }
0x46f: {  	v3 =	vsel vm1, v3, v0;
	v6 =	vsel vm1, $0x1, v2  }
0x470: {  	[tilespmem:$0x4430] =	vst v3  }
0x471: {  	v3 =	vld [tilespmem:s26+$0x40];
	_ =	sdelay $0x4  }
0x472: {  	v7 =	vand.u32 $0xFFFFC000, v3  }
0x473: {  	v3 =	vadd.s32 $0xFFFE0000, v3;
	vm1 =	veq.s32 v7, $0x20000  }
0x474: {  	v3 =	vsel vm1, v3, v0;
	v7 =	vsel vm1, $0x1, v2  }
0x475: {  	[tilespmem:$0x4440] =	vst v3  }
0x476: {  	v3 =	vld [tilespmem:s26+$0x50];
	_ =	sdelay $0x4  }
0x477: {  	v8 =	vand.u32 $0xFFFFC000, v3  }
0x478: {  	v3 =	vadd.s32 $0xFFFE0000, v3;
	vm1 =	veq.s32 v8, $0x20000  }
0x479: {  	v3 =	vsel vm1, v3, v0;
	v8 =	vsel vm1, $0x1, v2  }
0x47a: {  	[tilespmem:$0x4450] =	vst v3  }
0x47b: {  	v3 =	vld [tilespmem:s26+$0x60];
	_ =	sdelay $0x4  }
0x47c: {  	v9 =	vand.u32 $0xFFFFC000, v3  }
0x47d: {  	v3 =	vadd.s32 $0xFFFE0000, v3;
	vm1 =	veq.s32 v9, $0x20000  }
0x47e: {  	v3 =	vsel vm1, v3, v0;
	v9 =	vsel vm1, $0x1, v2  }
0x47f: {  	[tilespmem:$0x4460] =	vst v3  }
0x480: {  	v3 =	vld [tilespmem:s26+$0x70]  }
0x481: {  	v10 =	vsel vm0, $0x1, v2  }
0x482: {  	v4 =	vadd.s32 v10, v4  }
0x483: {  	v4 =	vadd.s32 v5, v4  }
0x484: {  	v4 =	vadd.s32 v6, v4  }
0x485: {  	v4 =	vadd.s32 v7, v4;
	v5 =	vand.u32 $0xFFFFC000, v3  }
0x486: {  	v4 =	vadd.s32 v8, v4;
	v3 =	vadd.s32 $0xFFFE0000, v3;
	vm0 =	veq.s32 v5, $0x20000  }
0x487: {  	v4 =	vadd.s32 v9, v4;
	v3 =	vsel vm0, v3, v0;
	v5 =	vsel vm0, $0x1, v2  }
0x488: {  	[tilespmem:$0x4470] =	vst v3;
	v3 =	vadd.s32 v5, v4  }
0x489: {  	(xrf0) =	vadd.scan.msk.s32 $0xffff, v3;
	_ =	sdelay $0x5  }
0x48a: {  	v3, _, _ =	vpop (xrf0)  }
0x48b: {  	(v2sf) =	vpush v3, $0xF;
	_ =	sdelay $0xe  }
0x48c: {  	s26 =	spop (v2sf)  }
0x48d: {  	p1 =	slt.s32 s26, $0x1  }
0x48e: {  	s25 =	sadd.s32 @!p1 s25, s18;
	s26 =	simm.s32 @!p1 $0x0;
	s29 =	simm.s32 @!p1 $0x4480  }
0x48f: {  	[tilespmem:s29], [sflag:$0x2] =	stream.linear.gather @!p1 [hbm4b:s25+s26], $0x1000, $0x38;
	[tilespmem:$0x154C0] =	vst v63  }
0x490: {  	s25 =	simm.s32 @!p1 $0x2  }
.Ltmp9:
0x491: {  	_ =	swait.ge @!p1 [sflag:s25], $0x1000;
	(pc) =	sbr.rel @p0 .LBB2_20-.Ltmp9, $4  }
0x492: {  	s30 =	simm.s32 @!p1 $0x4400;
	s26 =	simm.s32 @!p1 $0x80;
	[sflag:s25] =	ssyncset.done @!p1 $0x0  }
0x493: {  	s28 =	simm.s32 @!p1 $0x1;
	[sflag:s25] =	ssyncadd.s32 @!p1 $0xFFFFF000  }
0x494: {  	[spmem:s2] =	stream.indirect.scatter.add.f32 @!p1 [tilespmem:s29], [sflag:$0x1], $0x20, s30, s26, $0xb8;
	[tilespmem:$0x154C0] =	vst v63  }
0x495: {  	_ =	swait.ge @!p1 [sflag:s28], $0x1000  }
0x496: {  	[sflag:s28] =	ssyncset.done @!p1 $0x0  }
0x497: {  	[sflag:s28] =	ssyncadd.s32 @!p1 $0xFFFFF000  }
0x498: {  	[bflag:$0x0] =	sbarrier.arrive $0xFFFF  }
0x499: {  	[hbm:s15], [sflag:s22] =	dma.local [spmem:s23], $0x1000  }
0x49a: {  	_ =	swait.ge [sflag:s19], $0x1000  }
0x49b: {  	[sflag:s19] =	ssyncset.done $0x0  }
0x49c: {  	[sflag:s19] =	ssyncadd.s32 $0xFFFFF000  }
0x49d: {  	[bflag:$0x0] =	sbarrier.arrive $0xFFFF  }
0x49e: {  	[spmem:s7] =	stream.linear.scatter [tilespmem:s20], [sflag:$0x1], $0x8020, $0x38;
	[tilespmem:$0x154C0] =	vst v63  }
0x49f: {  	_ =	swait.ge [sflag:s19], $0x8020  }
0x4a0: {  	[sflag:s19] =	ssyncset.done $0x0  }
0x4a1: {  	[sflag:s19] =	ssyncadd.s32 $0xFFFF7FE0  }
0x4a2: {  	s24 =	simm.s32 $0x0;
	[bflag:$0x0] =	sbarrier.arrive $0xFFFF  }
0x4a3: {  	v3 =	vld [tilespmem:s24+$0x0];
	_ =	sdelay $0x4  }
0x4a4: {  	v4 =	vand.u32 $0xFFFFC000, v3  }
0x4a5: {  	v3 =	vadd.s32 $0xFFFDC000, v3;
	vm0 =	veq.s32 v4, $0x24000  }
0x4a6: {  	v3 =	vsel vm0, v3, v0  }
0x4a7: {  	[tilespmem:$0x4400] =	vst v3  }
0x4a8: {  	v3 =	vld [tilespmem:s24+$0x10];
	_ =	sdelay $0x4  }
0x4a9: {  	v52 =	vand.u32 $0xFFFFC000, v3  }
0x4aa: {  	v3 =	vadd.s32 $0xFFFDC000, v3;
	vm1 =	veq.s32 v52, $0x24000  }
0x4ab: {  	v3 =	vsel vm1, v3, v0  }
0x4ac: {  	[tilespmem:$0x4410] =	vst v3  }
0x4ad: {  	v3 =	vld [tilespmem:s24+$0x20];
	_ =	sdelay $0x4  }
0x4ae: {  	v53 =	vand.u32 $0xFFFFC000, v3  }
0x4af: {  	v3 =	vadd.s32 $0xFFFDC000, v3;
	vm2 =	veq.s32 v53, $0x24000  }
0x4b0: {  	v3 =	vsel vm2, v3, v0  }
0x4b1: {  	[tilespmem:$0x4420] =	vst v3  }
0x4b2: {  	v3 =	vld [tilespmem:s24+$0x30];
	_ =	sdelay $0x4  }
0x4b3: {  	v54 =	vand.u32 $0xFFFFC000, v3  }
0x4b4: {  	v3 =	vadd.s32 $0xFFFDC000, v3;
	vm3 =	veq.s32 v54, $0x24000  }
0x4b5: {  	v3 =	vsel vm3, v3, v0  }
0x4b6: {  	[tilespmem:$0x4430] =	vst v3  }
0x4b7: {  	v3 =	vld [tilespmem:s24+$0x40];
	_ =	sdelay $0x4  }
0x4b8: {  	v55 =	vand.u32 $0xFFFFC000, v3  }
0x4b9: {  	v3 =	vadd.s32 $0xFFFDC000, v3;
	vm4 =	veq.s32 v55, $0x24000  }
0x4ba: {  	v3 =	vsel vm4, v3, v0  }
0x4bb: {  	[tilespmem:$0x4440] =	vst v3  }
0x4bc: {  	v3 =	vld [tilespmem:s24+$0x50];
	_ =	sdelay $0x4  }
0x4bd: {  	v56 =	vand.u32 $0xFFFFC000, v3  }
0x4be: {  	v3 =	vadd.s32 $0xFFFDC000, v3;
	vm5 =	veq.s32 v56, $0x24000  }
0x4bf: {  	v3 =	vsel vm5, v3, v0  }
0x4c0: {  	[tilespmem:$0x4450] =	vst v3  }
0x4c1: {  	v3 =	vld [tilespmem:s24+$0x60];
	_ =	sdelay $0x4  }
0x4c2: {  	v57 =	vand.u32 $0xFFFFC000, v3  }
0x4c3: {  	v3 =	vadd.s32 $0xFFFDC000, v3;
	vm6 =	veq.s32 v57, $0x24000  }
0x4c4: {  	v3 =	vsel vm6, v3, v0  }
0x4c5: {  	[tilespmem:$0x4460] =	vst v3  }
0x4c6: {  	v3 =	vld [tilespmem:s24+$0x70]  }
0x4c7: {  	v5 =	vsel vm0, $0x1, v2;
	v58 =	vsel vm1, $0x1, v2  }
0x4c8: {  	v4 =	vadd.s32 v5, v58;
	v6 =	vsel vm2, $0x1, v2  }
0x4c9: {  	v4 =	vadd.s32 v6, v4;
	v59 =	vsel vm3, $0x1, v2  }
0x4ca: {  	v4 =	vadd.s32 v59, v4;
	v60 =	vsel vm4, $0x1, v2  }
0x4cb: {  	v4 =	vadd.s32 v60, v4;
	v61 =	vsel vm5, $0x1, v2;
	v62 =	vand.u32 $0xFFFFC000, v3  }
0x4cc: {  	v4 =	vadd.s32 v61, v4;
	v7 =	vsel vm6, $0x1, v2;
	vm15 =	veq.s32 v62, $0x24000  }
0x4cd: {  	v4 =	vadd.s32 v7, v4;
	v63 =	vsel vm15, $0x1, v2  }
0x4ce: {  	v4 =	vadd.s32 v63, v4  }
0x4cf: {  	(xrf0) =	vadd.scan.msk.s32 $0xffff, v4;
	_ =	sdelay $0x5  }
0x4d0: {  	v4, _, _ =	vpop (xrf0)  }
0x4d1: {  	(v2sf) =	vpush v4, $0xF;
	_ =	sdelay $0xe  }
0x4d2: {  	v3 =	vadd.s32 $0xFFFDC000, v3;
	s31 =	spop (v2sf)  }
0x4d3: {  	v3 =	vsel vm15, v3, v0;
	p1 =	slt.s32 s31, $0x1  }
0x4d4: {  	[tilespmem:$0x4470] =	vst v3;
	s24 =	sadd.s32 @!p1 $0x0, s18;
	s25 =	simm.s32 @!p1 $0x0;
	s26 =	simm.s32 @!p1 $0x4480  }
0x4d5: {  	[tilespmem:s26], [sflag:$0x2] =	stream.linear.gather @!p1 [hbm4b:s24+s25], $0x1000, $0x38;
	[tilespmem:$0x154C0] =	vst v63  }
0x4d6: {  	s24 =	simm.s32 @!p1 $0x2  }
0x4d7: {  	_ =	swait.ge @!p1 [sflag:s24], $0x1000  }
0x4d8: {  	[sflag:s24] =	ssyncset.done @!p1 $0x0  }
0x4d9: {  	s28 =	simm.s32 @!p1 $0x4400;
	s25 =	simm.s32 @!p1 $0x80;
	[sflag:s24] =	ssyncadd.s32 @!p1 $0xFFFFF000  }
0x4da: {  	[spmem:s2] =	stream.indirect.scatter.add.f32 @!p1 [tilespmem:s26], [sflag:$0x1], $0x20, s28, s25, $0xb8;
	[tilespmem:$0x154C0] =	vst v63  }
0x4db: {  	s28 =	simm.s32 @!p1 $0x1  }
0x4dc: {  	s24 =	simm.s32 $0x200;
	_ =	swait.ge @!p1 [sflag:s28], $0x1000  }
.LBB2_22:
0x4dd: {  	[sflag:s28] =	ssyncset.done @!p1 $0x0;
	s25 =	smov.u32 s24;
	s24 =	sadd.s32 $0x200, s24  }
0x4de: {  	s26 =	sshra.s32 s25, $0x2;
	p0 =	sne.s32 s24, $0x11000;
	[sflag:s28] =	ssyncadd.s32 @!p1 $0xFFFFF000  }
0x4df: {  	v3 =	vld [tilespmem:s26+$0x0];
	_ =	sdelay $0x4  }
0x4e0: {  	v4 =	vand.u32 $0xFFFFC000, v3  }
0x4e1: {  	v3 =	vadd.s32 $0xFFFDC000, v3;
	vm0 =	veq.s32 v4, $0x24000  }
0x4e2: {  	v3 =	vsel vm0, v3, v0  }
0x4e3: {  	[tilespmem:$0x4400] =	vst v3  }
0x4e4: {  	v3 =	vld [tilespmem:s26+$0x10];
	_ =	sdelay $0x4  }
0x4e5: {  	v4 =	vand.u32 $0xFFFFC000, v3  }
0x4e6: {  	v3 =	vadd.s32 $0xFFFDC000, v3;
	vm1 =	veq.s32 v4, $0x24000  }
0x4e7: {  	v3 =	vsel vm1, v3, v0;
	v4 =	vsel vm1, $0x1, v2  }
0x4e8: {  	[tilespmem:$0x4410] =	vst v3  }
0x4e9: {  	v3 =	vld [tilespmem:s26+$0x20];
	_ =	sdelay $0x4  }
0x4ea: {  	v5 =	vand.u32 $0xFFFFC000, v3  }
0x4eb: {  	v3 =	vadd.s32 $0xFFFDC000, v3;
	vm1 =	veq.s32 v5, $0x24000  }
0x4ec: {  	v3 =	vsel vm1, v3, v0;
	v5 =	vsel vm1, $0x1, v2  }
0x4ed: {  	[tilespmem:$0x4420] =	vst v3  }
0x4ee: {  	v3 =	vld [tilespmem:s26+$0x30];
	_ =	sdelay $0x4  }
0x4ef: {  	v6 =	vand.u32 $0xFFFFC000, v3  }
0x4f0: {  	v3 =	vadd.s32 $0xFFFDC000, v3;
	vm1 =	veq.s32 v6, $0x24000  }
0x4f1: {  	v3 =	vsel vm1, v3, v0;
	v6 =	vsel vm1, $0x1, v2  }
0x4f2: {  	[tilespmem:$0x4430] =	vst v3  }
0x4f3: {  	v3 =	vld [tilespmem:s26+$0x40];
	_ =	sdelay $0x4  }
0x4f4: {  	v7 =	vand.u32 $0xFFFFC000, v3  }
0x4f5: {  	v3 =	vadd.s32 $0xFFFDC000, v3;
	vm1 =	veq.s32 v7, $0x24000  }
0x4f6: {  	v3 =	vsel vm1, v3, v0;
	v7 =	vsel vm1, $0x1, v2  }
0x4f7: {  	[tilespmem:$0x4440] =	vst v3  }
0x4f8: {  	v3 =	vld [tilespmem:s26+$0x50];
	_ =	sdelay $0x4  }
0x4f9: {  	v8 =	vand.u32 $0xFFFFC000, v3  }
0x4fa: {  	v3 =	vadd.s32 $0xFFFDC000, v3;
	vm1 =	veq.s32 v8, $0x24000  }
0x4fb: {  	v3 =	vsel vm1, v3, v0;
	v8 =	vsel vm1, $0x1, v2  }
0x4fc: {  	[tilespmem:$0x4450] =	vst v3  }
0x4fd: {  	v3 =	vld [tilespmem:s26+$0x60];
	_ =	sdelay $0x4  }
0x4fe: {  	v9 =	vand.u32 $0xFFFFC000, v3  }
0x4ff: {  	v3 =	vadd.s32 $0xFFFDC000, v3;
	vm1 =	veq.s32 v9, $0x24000  }
0x500: {  	v3 =	vsel vm1, v3, v0;
	v9 =	vsel vm1, $0x1, v2  }
0x501: {  	[tilespmem:$0x4460] =	vst v3  }
0x502: {  	v3 =	vld [tilespmem:s26+$0x70]  }
0x503: {  	v10 =	vsel vm0, $0x1, v2  }
0x504: {  	v4 =	vadd.s32 v10, v4  }
0x505: {  	v4 =	vadd.s32 v5, v4  }
0x506: {  	v4 =	vadd.s32 v6, v4  }
0x507: {  	v4 =	vadd.s32 v7, v4;
	v5 =	vand.u32 $0xFFFFC000, v3  }
0x508: {  	v4 =	vadd.s32 v8, v4;
	v3 =	vadd.s32 $0xFFFDC000, v3;
	vm0 =	veq.s32 v5, $0x24000  }
0x509: {  	v4 =	vadd.s32 v9, v4;
	v3 =	vsel vm0, v3, v0;
	v5 =	vsel vm0, $0x1, v2  }
0x50a: {  	[tilespmem:$0x4470] =	vst v3;
	v3 =	vadd.s32 v5, v4  }
0x50b: {  	(xrf0) =	vadd.scan.msk.s32 $0xffff, v3;
	_ =	sdelay $0x5  }
0x50c: {  	v3, _, _ =	vpop (xrf0)  }
0x50d: {  	(v2sf) =	vpush v3, $0xF;
	_ =	sdelay $0xe  }
0x50e: {  	s26 =	spop (v2sf)  }
0x50f: {  	p1 =	slt.s32 s26, $0x1  }
0x510: {  	s25 =	sadd.s32 @!p1 s25, s18;
	s26 =	simm.s32 @!p1 $0x0;
	s29 =	simm.s32 @!p1 $0x4480  }
0x511: {  	[tilespmem:s29], [sflag:$0x2] =	stream.linear.gather @!p1 [hbm4b:s25+s26], $0x1000, $0x38;
	[tilespmem:$0x154C0] =	vst v63  }
0x512: {  	s25 =	simm.s32 @!p1 $0x2  }
.Ltmp10:
0x513: {  	_ =	swait.ge @!p1 [sflag:s25], $0x1000;
	(pc) =	sbr.rel @p0 .LBB2_22-.Ltmp10, $4  }
0x514: {  	s30 =	simm.s32 @!p1 $0x4400;
	s26 =	simm.s32 @!p1 $0x80;
	[sflag:s25] =	ssyncset.done @!p1 $0x0  }
0x515: {  	s28 =	simm.s32 @!p1 $0x1;
	[sflag:s25] =	ssyncadd.s32 @!p1 $0xFFFFF000  }
0x516: {  	[spmem:s2] =	stream.indirect.scatter.add.f32 @!p1 [tilespmem:s29], [sflag:$0x1], $0x20, s30, s26, $0xb8;
	[tilespmem:$0x154C0] =	vst v63  }
0x517: {  	_ =	swait.ge @!p1 [sflag:s28], $0x1000  }
0x518: {  	[sflag:s28] =	ssyncset.done @!p1 $0x0  }
0x519: {  	s21 =	sadd.s32 $0x1, s21;
	[sflag:s28] =	ssyncadd.s32 @!p1 $0xFFFFF000  }
0x51a: {  	p0 =	sne.s32 s21, s17;
	[bflag:$0x0] =	sbarrier.arrive $0xFFFF  }
0x51b: {  	[hbm:s16], [sflag:s22] =	dma.local [spmem:s23], $0x1000  }
.Ltmp11:
0x51c: {  	_ =	swait.ge [sflag:s19], $0x1000;
	(pc) =	sbr.rel @p0 .LBB2_1-.Ltmp11, $3  }
0x51d: {  	[sflag:s19] =	ssyncset.done $0x0  }
0x51e: {  	[sflag:s19] =	ssyncadd.s32 $0xFFFFF000  }
0x51f: {  	[bflag:$0x0] =	sbarrier.arrive $0xFFFF;
	_ =	sdelay $0x1  }
0x520: {  	_ =	sfence.sel $0x180000  }
0x521: {  	[bflag:$0x0] =	sbarrier.arrive $0xFFFF  }
0x522: {  	p0 =	sne.s32 s1, $0x0;
	_ =	strace $0x9000004A  }
0x523: {  	s0 =	sadd.s32 @!p0 $0x100000, s0;
	[bflag:$0x2] =	sbarrier.arrive $0xFFFF  }
0x524: {  	[sflag:s0] =	ssyncadd.tile.s32 @!p0 $0x1;
	_ =	shalt  }
.Lfunc_end2:
_tile_overlayer_lowered:
.L_overlay_start_2:
0x525: {  	(tag) =	ssettag $0x2  }
0x526: {  	s0 =	rddreg [dreg:$0x0];
	s2 =	stileid.u32  }
0x527: {  	s1 =	rddreg [dreg:$0x1];
	p0 =	sne.s32 s2, $0x0  }
0x528: {  	s3 =	rddreg [dreg:$0x2];
	[bflag:$0x3] =	sbarrier.arrive $0xFFFF;
	s2 =	simm.s32 @!p0 $0x1C01  }
0x529: {  	[timem:s3], [sflag:s2] =	dma.local @!p0 [hbm:s0], s1  }
0x52a: {  	s0 =	simm.s32 @!p0 $0x1  }
0x52b: {  	_ =	swait.ge @!p0 [sflag:s0], s1  }
0x52c: {  	s1 =	ssub.s32 @!p0 $0x0, s1;
	[sflag:s0] =	ssyncset.done @!p0 $0x0  }
0x52d: {  	[sflag:s0] =	ssyncadd.s32 @!p0 s1  }
0x52e: {  	[bflag:$0x3] =	sbarrier.arrive $0xFFFF  }
0x52f: {  	_ =	shalt  }

// kernel: kernel.7.cloned.1.call-start
scs
__scs_entry_jumppad:
0x0: {  	(pc) =	sbr.rel $0x88, $3  }
0x1: {  	(tag) =	ssettag $0x0;
	lr =	simm.s32 $0x1  }
0x2: {  	[smem:$0x3F9A] =	sst lr;
	_ =	strace $0xD0000000  }
0x3: {  	_ = 	snop  }
0x4: {  	_ = 	snop  }
0x5: {  	_ = 	snop  }
0x6: {  	_ = 	snop  }
0x7: {  	_ = 	snop  }
__scs_overlays_trampoline_lowered:
0x8: {  	[smem:$0x3FA9] =	sst s0  }
0x9: {  	[smem:$0x3FAA] =	sst s1  }
0xa: {  	[smem:$0x3FAB] =	sst s2  }
0xb: {  	[smem:$0x3FAC] =	sst s3  }
0xc: {  	[smem:$0x3FAD] =	sst s4  }
0xd: {  	[smem:$0x3FAE] =	sst s5  }
0xe: {  	[smem:$0x3FAF] =	sst s6  }
0xf: {  	[smem:$0x3FB0] =	sst s7  }
0x10: {  	[smem:$0x3FB1] =	sst s8  }
0x11: {  	[smem:$0x3FB2] =	sst s9;
	s0 =	simm.s32 @!p0 $0x0  }
0x12: {  	s1 =	sld [smem:$0x3F98];
	s0 =	simm.s32 @p0 $0x1  }
0x13: {  	[smem:$0x3FB3] =	sst s0;
	s0 =	simm.s32 @!p1 $0x0  }
0x14: {  	s2 =	sld [smem:$0x3F97];
	s0 =	simm.s32 @p1 $0x1  }
0x15: {  	[smem:$0x3FB4] =	sst s0;
	s0 =	simm.s32 @!p2 $0x0  }
0x16: {  	s3 =	sld [smem:$0x3FDB];
	s0 =	simm.s32 @p2 $0x1  }
0x17: {  	s4 =	simm.s32 $0x1BF5;
	[smem:$0x3FB6] =	sst s0  }
0x18: {  	s0 =	sld [smem:$0x3F99];
	_ =	swait.ge [sflag:s4], $0x0  }
0x19: {  	s7 =	sld [smem:$0x3F9A]  }
0x1a: {  	s8 =	sadd.s32 $0xFFFFE003, lr  }
0x1b: {  	s9 =	sadd.s32 $0xFFFFFEF7, lr;
	s5 =	simm.s32 $0xFFFFFFFF;
	p2 =	slt.u32 s8, $0xFFFFF086  }
0x1c: {  	p1 =	slt.u32 s9, $0xF7A;
	s5 =	simm.s32 @!p2 $0x0  }
0x1d: {  	s5 =	simm.s32 @p1 $0x1;
	p0 =	seq.s32 s7, s2  }
0x1e: {  	s7 =	smul.u32 @!p0 $0xF7A, s2;
	p2 =	seq.s32 @!p0 s5, $0x0  }
0x1f: {  	s9 =	smul.u32 $0xF7A, s1;
	s8 =	simm.s32 @!p0 $0x1BF5;
	p2 =	por !p2, p0  }
0x20: {  	[sflag:s8] =	ssyncset.s32 @!p0 $0xFFFFF086;
	s6 =	sadd.s32 @!p0 s3, s7;
	s7 =	simm.s32 @!p0 $0x108  }
0x21: {  	s3 =	sadd.s32 s3, s9;
	s6 =	sadd.s32 @!p0 $0x88, s6;
	s7 =	simm.s32 @p2 $0x1082  }
0x22: {  	[simem:s7], [sflag:s8] =	dma.local @!p0 [hbm:s6], $0xF7A  }
0x23: {  	s9 =	sor.u32 $0xD0000000, s2;
	s6 =	simm.s32 $0x108;
	_ =	swait.ge @!p0 [sflag:s8], $0x0  }
0x24: {  	s3 =	sadd.s32 $0x88, s3;
	s6 =	simm.s32 @!p1 $0x1082;
	[sflag:s4] =	ssyncset.s32 $0xFFFFF086  }
0x25: {  	[simem:s6], [sflag:s4] =	dma.local [hbm:s3], $0xF7A  }
0x26: {  	[smem:$0x3F9A] =	sst s1;
	(tag) =	ssettag s2;
	_ =	strace s9  }
0x27: {  	s1 =	sld [smem:$0x3FAA]  }
0x28: {  	s2 =	sld [smem:$0x3FAB]  }
0x29: {  	s4 =	sld [smem:$0x3FAD]  }
0x2a: {  	p0 =	seq.s32 s5, $0x0;
	s5 =	sld [smem:$0x3FAE]  }
0x2b: {  	s6 =	sld [smem:$0x3FAF]  }
0x2c: {  	s7 =	sld [smem:$0x3FB0]  }
0x2d: {  	s3 =	simm.s32 $0x108;
	s8 =	sld [smem:$0x3FB1]  }
0x2e: {  	s3 =	simm.s32 @!p0 $0x1082;
	s9 =	sld [smem:$0x3FB2]  }
0x2f: {  	lr =	sadd.s32 s0, s3;
	s0 =	sld [smem:$0x3FA9]  }
0x30: {  	s3 =	sld [smem:$0x3FAC]  }
0x31: {  	[smem:$0x3FB5] =	sst s10  }
0x32: {  	s10 =	sld [smem:$0x3FB3];
	_ =	sdelay $0x3  }
0x33: {  	p0 =	seq.s32 s10, $0x1;
	s10 =	sld [smem:$0x3FB5];
	_ =	sdelay $0x3  }
0x34: {  	[smem:$0x3FB5] =	sst s10  }
0x35: {  	s10 =	sld [smem:$0x3FB4];
	_ =	sdelay $0x3  }
0x36: {  	p1 =	seq.s32 s10, $0x1;
	s10 =	sld [smem:$0x3FB5];
	_ =	sdelay $0x3  }
0x37: {  	[smem:$0x3FB5] =	sst s10  }
0x38: {  	s10 =	sld [smem:$0x3FB6]  }
0x39: {  	_ = 	snop;
	(pc) =	sbr.ind lr, $3  }
0x3a: {  	_ = 	snop  }
0x3b: {  	_ = 	snop  }
0x3c: {  	p2 =	seq.s32 s10, $0x1;
	s10 =	sld [smem:$0x3FB5]  }
0x3d: {  	_ =	shalt  }
0x3e: {  	_ =	shalt  }
0x3f: {  	_ =	shalt  }
0x40: {  	_ =	shalt  }
0x41: {  	_ =	shalt  }
0x42: {  	_ =	shalt  }
0x43: {  	_ =	shalt  }
0x44: {  	_ =	shalt  }
0x45: {  	_ =	shalt  }
0x46: {  	_ =	shalt  }
0x47: {  	_ =	shalt  }
0x48: {  	_ =	shalt  }
0x49: {  	_ =	shalt  }
0x4a: {  	_ =	shalt  }
0x4b: {  	_ =	shalt  }
0x4c: {  	_ =	shalt  }
0x4d: {  	_ =	shalt  }
0x4e: {  	_ =	shalt  }
0x4f: {  	_ =	shalt  }
0x50: {  	_ =	shalt  }
0x51: {  	_ =	shalt  }
0x52: {  	_ =	shalt  }
0x53: {  	_ =	shalt  }
0x54: {  	_ =	shalt  }
0x55: {  	_ =	shalt  }
0x56: {  	_ =	shalt  }
0x57: {  	_ =	shalt  }
0x58: {  	_ =	shalt  }
0x59: {  	_ =	shalt  }
0x5a: {  	_ =	shalt  }
0x5b: {  	_ =	shalt  }
0x5c: {  	_ =	shalt  }
0x5d: {  	_ =	shalt  }
0x5e: {  	_ =	shalt  }
0x5f: {  	_ =	shalt  }
0x60: {  	_ =	shalt  }
0x61: {  	_ =	shalt  }
0x62: {  	_ =	shalt  }
0x63: {  	_ =	shalt  }
0x64: {  	_ =	shalt  }
0x65: {  	_ =	shalt  }
0x66: {  	_ =	shalt  }
0x67: {  	_ =	shalt  }
0x68: {  	_ =	shalt  }
0x69: {  	_ =	shalt  }
0x6a: {  	_ =	shalt  }
0x6b: {  	_ =	shalt  }
0x6c: {  	_ =	shalt  }
0x6d: {  	_ =	shalt  }
0x6e: {  	_ =	shalt  }
0x6f: {  	_ =	shalt  }
0x70: {  	_ =	shalt  }
0x71: {  	_ =	shalt  }
0x72: {  	_ =	shalt  }
0x73: {  	_ =	shalt  }
0x74: {  	_ =	shalt  }
0x75: {  	_ =	shalt  }
0x76: {  	_ =	shalt  }
0x77: {  	_ =	shalt  }
0x78: {  	_ =	shalt  }
0x79: {  	_ =	shalt  }
0x7a: {  	_ =	shalt  }
0x7b: {  	_ =	shalt  }
0x7c: {  	_ =	shalt  }
0x7d: {  	_ =	shalt  }
0x7e: {  	_ =	shalt  }
0x7f: {  	_ =	shalt  }
0x80: {  	_ =	shalt  }
0x81: {  	_ =	shalt  }
0x82: {  	_ =	shalt  }
0x83: {  	_ =	shalt  }
0x84: {  	_ =	shalt  }
0x85: {  	_ =	shalt  }
0x86: {  	_ =	shalt  }
0x87: {  	_ =	shalt  }
.Lfunc_end0:
.L_simem_size_0:
called_computation_lowered:
.L_overlay_start_0:
0x88: {  	s2 =	sld [smem:$0x3FD9]  }
0x89: {  	s3 =	sld [smem:$0x3FFE];
	_ =	sdelay $0x1  }
0x8a: {  	s1 =	srdreg.scid  }
0x8b: {  	s0 =	sand.u32 $0x1, s1  }
0x8c: {  	s17 =	sshll.u32 s0, $0xA;
	s2 =	sadd.s32 s3, s2  }
0x8d: {  	s2 =	sadd.s32 s2, s17  }
0x8e: {  	[smem:$0x3FC1] =	sst s2  }
0x8f: {  	_ = 	snop  }
0x90: {  	s2 =	sld [smem:$0x3FD0];
	(tm) =	ssettm $0x1  }
0x91: {  	s18 =	sld [smem:$0x3FFB];
	_ =	sdelay $0x3  }
0x92: {  	_ =	strace s18  }
0x93: {  	s3 =	sld [smem:$0x3FFC];
	_ =	sdelay $0x3  }
0x94: {  	_ =	strace s3  }
0x95: {  	s3 =	sld [smem:$0x3FFD];
	_ =	sdelay $0x3  }
0x96: {  	_ =	strace s3  }
0x97: {  	_ =	strace $0x8FFFFFFF  }
0x98: {  	s19 =	sld [smem:$0x3FDB];
	_ =	sdelay $0x1  }
0x99: {  	s4 =	simm.s32 $_scs_section_size  }
0x9a: {  	s5 =	simm.s32 $_size__tile_overlayer_lowered;
	s6 =	simm.s32 $_tile_overlayer_lowered  }
0x9b: {  	s22 =	simm.s32 $0x1BFF;
	s21 =	sshll.u32 s6, $0x1;
	s3 =	sadd.s32 s4, s19  }
0x9c: {  	s7 =	simm.s32 $0x0;
	s20 =	sshll.u32 s5, $0x1;
	s5 =	sadd.s32 s21, s3  }
0x9d: {  	[timem:s7], [sflag:s22] =	dma.local [hbm:s5], s20  }
0x9e: {  	_ =	swait.ge [sflag:s22], s20  }
0x9f: {  	s4 =	ssub.s32 $0x0, s20;
	[sflag:s22] =	ssyncset.done $0x0  }
0xa0: {  	[sflag:s22] =	ssyncadd.s32 s4;
	_ =	sdelay $0x1  }
0xa1: {  	s23 =	simm.s32 $0x1B8B  }
0xa2: {  	_ =	swait.ge [sflag:s23], $0x1  }
0xa3: {  	[sflag:s23] =	ssyncset.done $0x0  }
0xa4: {  	s25 =	simm.s32 $0x1B8E;
	s24 =	sld [smem:$0x3FFE];
	[sflag:s23] =	ssyncadd.s32 $0xFFFFFFFF  }
0xa5: {  	s26 =	simm.s32 $execute0_lowered;
	[smem:$0x3FD2] =	sst s25  }
0xa6: {  	s5 =	sshll.u32 s26, $0x1;
	_ =	strace $0x80000046;
	[dreg:$0x1] =	wrdreg $0xFFFFFFFF  }
0xa7: {  	s28 =	simm.s32 $_size_execute0_lowered;
	s3 =	sadd.s32 s3, s5;
	[dreg:$0x0] =	wrdreg $0x0  }
0xa8: {  	s5 =	sshll.u32 s28, $0x1;
	[dreg:$0x2] =	wrdreg s3  }
0xa9: {  	[dreg:$0x3] =	wrdreg s5  }
0xaa: {  	[dreg:$0x4] =	wrdreg $0xC0  }
0xab: {  	_ =	task [dreg:s7], $0x5FFFF  }
0xac: {  	[dreg:$0x1] =	wrdreg $0xFFFFFFFF  }
0xad: {  	[dreg:$0x0] =	wrdreg $0x60  }
0xae: {  	[dreg:$0x2] =	wrdreg s2  }
0xaf: {  	[dreg:$0x3] =	wrdreg s24  }
0xb0: {  	[dreg:$0x4] =	wrdreg $0x9  }
0xb1: {  	_ =	task.clear_ibuf [dreg:s7], $0x5FFFF;
	_ =	strace $0x90000046  }
0xb2: {  	s29 =	simm.s32 $0x9;
	_ =	strace $0x80000048  }
0xb3: {  	_ =	swait.ge [sflag:s29], $0x1  }
0xb4: {  	[sflag:s29] =	ssyncadd.s32 $0xFFFFFFFF  }
0xb5: {  	_ =	strace $0x90000048  }
0xb6: {  	_ =	sfence  }
0xb7: {  	s30 =	sld [smem:$0x0];
	_ =	sdelay $0x2  }
0xb8: {  	s31 =	sshll.u32 s1, $0xD;
	s1 =	sshrl.u32 s1, $0x2  }
0xb9: {  	s3 =	sand.u32 $0x4000, s31;
	s1 =	sadd.s32 s1, s30  }
0xba: {  	s0 =	sor.u32 s3, s0;
	s1 =	sshll.u32 s1, $0x11  }
0xbb: {  	s0 =	sor.u32 s1, s0  }
0xbc: {  	s0 =	sadd.s32 $0x8F2B, s0  }
0xbd: {  	[sflag:s0] =	ssyncadd.remote.s32 $0x1  }
0xbe: {  	_ =	sfence.sel $0xFFFF  }
0xbf: {  	[dreg:$0x0] =	wrdreg $0xFFFFFFFF;
	(pc) =	sbr.abs _section_cstart, $3  }
0xc0: {  	[dreg:$0x1] =	wrdreg $0xFFFFFFFF  }
0xc1: {  	_ =	task.clear_ibuf [dreg:s7], $0x2FFFF;
	_ =	strace $0x9FFFFFFF  }
0xc2: {  	(tm) =	ssettm $0x7FFFFFFF  }
0xc3: {  	_ =	shalt  }
tec
execute0_lowered:
.L_overlay_start_1:
0x0: {  	(tag) =	ssettag $0x1  }
0x1: {  	s2 =	rddreg [dreg:$0x0]  }
0x2: {  	s4 =	rddreg [dreg:$0x1]  }
0x3: {  	s0 =	rddreg [dreg:$0x2];
	s1 =	stileid.u32  }
0x4: {  	s5 =	srdreg.scid;
	s3 =	simm.s32 $0x0;
	s6 =	smul.u32 $0x8800, s1  }
0x5: {  	s10 =	simm.s32 $0x0;
	s5 =	sand.u32 $0x1, s5;
	s8 =	smul.u32 $0x22000, s1  }
0x6: {  	[smem:$0x7FF] =	sst s3;
	s7 =	smul.u32 $0x4400, s5;
	s9 =	ssub.s32 $0x2, s5  }
0x7: {  	_ =	strace $0x80000047;
	s5 =	smul.u32 $0x11000, s5;
	s31 =	sshrl.u32 s9, $0x1  }
0x8: {  	s8 =	sadd.s32 s8, s4;
	s6 =	sadd.s32 s7, s6;
	s7 =	ssub.s32 s9, s31  }
0x9: {  	s5 =	sadd.s32 s5, s8;
	s8 =	simm.s32 $0x80;
	s6 =	sshrl.u32 s6, $0x3  }
0xa: {  	s9 =	simm.s32 $0x1;
	s5 =	sadd.s32 $0x12800, s5;
	s6 =	sadd.s32 s6, s4  }
0xb: {  	s4 =	smax.u32 s7, $0x1;
	s7 =	simm.s32 $0x2;
	s6 =	sadd.s32 $0x1800, s6  }
.LBB2_1:
0xc: {  	s11 =	sadd.s32 $0x0, s6  }
0xd: {  	[tilespmem:s3], [sflag:$0x2] =	stream.linear.gather [hbm4b:s11+s3], $0x80, $0x38;
	[tilespmem:$0x1080] =	vst v63  }
0xe: {  	_ =	swait.ge [sflag:s7], $0x80  }
0xf: {  	[sflag:s7] =	ssyncset.done $0x0  }
0x10: {  	[sflag:s7] =	ssyncadd.s32 $0xFFFFFF80  }
0x11: {  	[tilespmem:s8], [sflag:$0x1] =	stream.indirect.gather [hbm4b:s2+s8], $0x20, s3, s8, $0xb8;
	[tilespmem:$0x1080] =	vst v63  }
0x12: {  	_ =	swait.ge [sflag:s9], $0x1000  }
0x13: {  	[sflag:s9] =	ssyncset.done $0x0  }
0x14: {  	[sflag:s9] =	ssyncadd.s32 $0xFFFFF000  }
0x15: {  	[hbm4b:s5+s3] =	stream.linear.scatter [tilespmem:s8], [sflag:$0x2], $0x1000, $0x38;
	[tilespmem:$0x1080] =	vst v63  }
0x16: {  	s12 =	simm.s32 $0x10;
	_ =	swait.ge [sflag:s7], $0x1000  }
0x17: {  	s13 =	simm.s32 $0x20;
	s11 =	sadd.s32 $0x200, s5;
	[sflag:s7] =	ssyncset.done $0x0  }
.LBB2_2:
0x18: {  	s14 =	sadd.s32 s12, s6  }
0x19: {  	[sflag:s7] =	ssyncadd.s32 $0xFFFFF000;
	s12 =	smov.u32 s13;
	s15 =	sadd.s32 $0x10, s13  }
0x1a: {  	[tilespmem:s3], [sflag:$0x2] =	stream.linear.gather [hbm4b:s14+s3], $0x80, $0x38;
	[tilespmem:$0x1080] =	vst v63  }
0x1b: {  	p0 =	sne.s32 s13, $0x870;
	_ =	swait.ge [sflag:s7], $0x80  }
0x1c: {  	[sflag:s7] =	ssyncset.done $0x0  }
0x1d: {  	[sflag:s7] =	ssyncadd.s32 $0xFFFFFF80  }
0x1e: {  	[tilespmem:s8], [sflag:$0x1] =	stream.indirect.gather [hbm4b:s2+s8], $0x20, s3, s8, $0xb8;
	[tilespmem:$0x1080] =	vst v63  }
0x1f: {  	_ =	swait.ge [sflag:s9], $0x1000  }
.Ltmp0:
0x20: {  	[sflag:s9] =	ssyncset.done $0x0;
	(pc) =	sbr.rel @p0 .LBB2_2-.Ltmp0, $4  }
0x21: {  	[sflag:s9] =	ssyncadd.s32 $0xFFFFF000  }
0x22: {  	[hbm4b:s11+s3] =	stream.linear.scatter [tilespmem:s8], [sflag:$0x2], $0x1000, $0x38;
	[tilespmem:$0x1080] =	vst v63  }
0x23: {  	_ =	swait.ge [sflag:s7], $0x1000  }
0x24: {  	s13 =	smov.u32 s15;
	s11 =	sadd.s32 $0x200, s11;
	[sflag:s7] =	ssyncset.done $0x0  }
0x25: {  	s12 =	sadd.s32 s12, s6;
	[sflag:s7] =	ssyncadd.s32 $0xFFFFF000  }
0x26: {  	[tilespmem:s3], [sflag:$0x2] =	stream.linear.gather [hbm4b:s12+s3], $0x80, $0x38;
	[tilespmem:$0x1080] =	vst v63  }
0x27: {  	_ =	swait.ge [sflag:s7], $0x80  }
0x28: {  	[sflag:s7] =	ssyncset.done $0x0  }
0x29: {  	[sflag:s7] =	ssyncadd.s32 $0xFFFFFF80  }
0x2a: {  	[tilespmem:s8], [sflag:$0x1] =	stream.indirect.gather [hbm4b:s2+s8], $0x20, s3, s8, $0xb8;
	[tilespmem:$0x1080] =	vst v63  }
0x2b: {  	s10 =	sadd.s32 $0x1, s10;
	_ =	swait.ge [sflag:s9], $0x1000  }
0x2c: {  	p0 =	sne.s32 s10, s4;
	[sflag:s9] =	ssyncset.done $0x0  }
.Ltmp1:
0x2d: {  	[sflag:s9] =	ssyncadd.s32 $0xFFFFF000;
	(pc) =	sbr.rel @p0 .LBB2_1-.Ltmp1, $4  }
0x2e: {  	[hbm4b:s11+s3] =	stream.linear.scatter [tilespmem:s8], [sflag:$0x2], $0x1000, $0x38;
	[tilespmem:$0x1080] =	vst v63  }
0x2f: {  	_ =	swait.ge [sflag:s7], $0x1000  }
0x30: {  	[sflag:s7] =	ssyncset.done $0x0  }
0x31: {  	[sflag:s7] =	ssyncadd.s32 $0xFFFFF000  }
0x32: {  	_ =	sfence.sel $0x180000  }
0x33: {  	[bflag:$0x0] =	sbarrier.arrive $0xFFFF  }
0x34: {  	p0 =	sne.s32 s1, $0x0;
	_ =	strace $0x90000047  }
0x35: {  	s0 =	sadd.s32 @!p0 $0x100000, s0;
	[bflag:$0x2] =	sbarrier.arrive $0xFFFF  }
0x36: {  	[sflag:s0] =	ssyncadd.tile.s32 @!p0 $0x1;
	_ =	shalt  }
.Lfunc_end2:
_tile_overlayer_lowered:
.L_overlay_start_2:
0x37: {  	(tag) =	ssettag $0x2  }
0x38: {  	s0 =	rddreg [dreg:$0x0];
	s2 =	stileid.u32  }
0x39: {  	s1 =	rddreg [dreg:$0x1];
	p0 =	sne.s32 s2, $0x0  }
0x3a: {  	s3 =	rddreg [dreg:$0x2];
	[bflag:$0x3] =	sbarrier.arrive $0xFFFF;
	s2 =	simm.s32 @!p0 $0x1C02  }
0x3b: {  	[timem:s3], [sflag:s2] =	dma.local @!p0 [hbm:s0], s1  }
0x3c: {  	s0 =	simm.s32 @!p0 $0x2  }
0x3d: {  	_ =	swait.ge @!p0 [sflag:s0], s1  }
0x3e: {  	s1 =	ssub.s32 @!p0 $0x0, s1;
	[sflag:s0] =	ssyncset.done @!p0 $0x0  }
0x3f: {  	[sflag:s0] =	ssyncadd.s32 @!p0 s1  }
0x40: {  	[bflag:$0x3] =	sbarrier.arrive $0xFFFF  }
0x41: {  	_ =	shalt  }

</sc_bundles>
